<compile_context>
chip_gen: v7x
topology: tpu7x:2x2x1
jax: 0.10.2.dev20260603
libtpu: 0.0.44.dev20260713+nightly
codegen_flags: <defaults>
</compile_context>

<pallas_src>
import functools

import jax
import jax.numpy as jnp
import numpy as np
from jax import lax
from jax.experimental import pallas as pl
from jax.experimental.pallas import tpu as pltpu
from jax.experimental.pallas import tpu_sc as plsc

N = 10000
E = 320000
H = 128
L = 8
G = 64
ALPHA = 0.1
THETA = 0.5
EPS = 1e-5

NC = 2
NS = 16
NW = NC * NS
EPT = E // NW
K = 80
CPT = 125
EPT_P = CPT * K
PAD = EPT_P - EPT
NP_ACC = N + 128
RPB = 632
RPL = N - (NS - 1) * RPB

_MESH = plsc.VectorSubcoreMesh(core_axis_name="c", subcore_axis_name="s")


@functools.partial(
    pl.kernel,
    out_type=jax.ShapeDtypeStruct((NC, N, H), jnp.float32),
    mesh=_MESH,
    scratch_types=[
        pltpu.VMEM((EPT_P,), jnp.int32),
        pltpu.VMEM((CPT, K), jnp.int32),
        pltpu.VMEM((K, H), jnp.float32),
        pltpu.VMEM((K, H), jnp.float32),
        pltpu.VMEM_SHARED((NP_ACC, H), jnp.float32),
        pltpu.SemaphoreType.DMA,
        pltpu.SemaphoreType.DMA,
        pltpu.SemaphoreType.DMA,
        pltpu.SemaphoreType.DMA,
    ],
)
def _scatter_kernel(g_hbm, src_hbm, dst_hbm, zeros_hbm, out_hbm,
                    src_v, dst_v, rows_a, rows_b, acc_sh,
                    sem_ga, sem_gb, sem_sa, sem_sb):
    c = lax.axis_index("c")
    s = lax.axis_index("s")
    wid = s * NC + c
    off = s * RPB

    @pl.when(s < NS - 1)
    def _():
        pltpu.sync_copy(zeros_hbm.at[pl.ds(off, RPB)],
                        acc_sh.at[pl.ds(off, RPB)])

    @pl.when(s == NS - 1)
    def _():
        pltpu.sync_copy(zeros_hbm.at[pl.ds((NS - 1) * RPB, RPL)],
                        acc_sh.at[pl.ds((NS - 1) * RPB, RPL)])

    pltpu.sync_copy(src_hbm.at[wid], src_v)
    pltpu.sync_copy(dst_hbm.at[wid], dst_v)
    plsc.subcore_barrier()

    def start_g(j, rows, sem):
        pltpu.async_copy(g_hbm.at[src_v.at[pl.ds(j * K, K)]], rows, sem)

    def wait_g(j, rows, sem):
        pltpu.make_async_copy(g_hbm.at[src_v.at[pl.ds(j * K, K)]], rows,
                              sem).wait()

    def start_s(j, rows, sem):
        pltpu.async_copy(rows, acc_sh.at[dst_v.at[j]], sem, add=True)

    def wait_s(j, rows, sem):
        pltpu.make_async_copy(rows, acc_sh.at[dst_v.at[j]], sem).wait()

    start_g(0, rows_a, sem_ga)

    def body(p, _):
        j0 = 2 * p
        j1 = j0 + 1
        wait_g(j0, rows_a, sem_ga)
        start_s(j0, rows_a, sem_sa)
        start_g(j1, rows_b, sem_gb)
        wait_s(j0, rows_a, sem_sa)
        wait_g(j1, rows_b, sem_gb)
        start_s(j1, rows_b, sem_sb)
        start_g(j0 + 2, rows_a, sem_ga)
        wait_s(j1, rows_b, sem_sb)
        return 0

    lax.fori_loop(0, (CPT - 1) // 2, body, 0)
    wait_g(CPT - 1, rows_a, sem_ga)
    start_s(CPT - 1, rows_a, sem_sa)
    wait_s(CPT - 1, rows_a, sem_sa)
    plsc.subcore_barrier()

    @pl.when(s < NS - 1)
    def _():
        pltpu.sync_copy(acc_sh.at[pl.ds(off, RPB)],
                        out_hbm.at[c].at[pl.ds(off, RPB)])

    @pl.when(s == NS - 1)
    def _():
        pltpu.sync_copy(acc_sh.at[pl.ds((NS - 1) * RPB, RPL)],
                        out_hbm.at[c].at[pl.ds((NS - 1) * RPB, RPL)])


EB = 2000
NHI = 80


def _deg_body(dst_ref, out_ref):
    i = pl.program_id(0)
    d = dst_ref[0, 0, :]
    hi = d // H
    lo = d % H
    oh_hi = (hi[None, :] == lax.broadcasted_iota(jnp.int32, (NHI, EB), 0)
             ).astype(jnp.float32)
    oh_lo = (lo[:, None] == lax.broadcasted_iota(jnp.int32, (EB, H), 1)
             ).astype(jnp.float32)
    blk = jnp.dot(oh_hi, oh_lo, preferred_element_type=jnp.float32)

    @pl.when(i == 0)
    def _():
        out_ref[...] = jnp.zeros_like(out_ref)

    out_ref[...] += blk


def _deg_tc(dst3):
    grid = (E // EB,)
    return pl.pallas_call(
        _deg_body,
        grid=grid,
        in_specs=[pl.BlockSpec((1, 1, EB), lambda i: (i, 0, 0))],
        out_specs=pl.BlockSpec((NHI, H), lambda i: (0, 0)),
        out_shape=jax.ShapeDtypeStruct((NHI, H), jnp.float32),
    )(dst3)


def _proj_body(degp_ref, x_ref, Win_ref, bin_ref, dis_ref, h0_ref, g0_ref):
    deg = degp_ref[...] + 1.0
    dis = 1.0 / jnp.sqrt(deg)
    h = jnp.dot(x_ref[...], Win_ref[...],
                preferred_element_type=jnp.float32) + bin_ref[...]
    h = jnp.maximum(h, 0.0)
    dis_ref[...] = dis
    h0_ref[...] = h
    g0_ref[...] = h * dis


def _proj(degp, x, W_in, b_in):
    B = 2000
    grid = (N // B,)
    return pl.pallas_call(
        _proj_body,
        grid=grid,
        in_specs=[
            pl.BlockSpec((B, 1), lambda i: (i, 0)),
            pl.BlockSpec((B, H), lambda i: (i, 0)),
            pl.BlockSpec((H, H), lambda i: (0, 0)),
            pl.BlockSpec((1, H), lambda i: (0, 0)),
        ],
        out_specs=[
            pl.BlockSpec((B, 1), lambda i: (i, 0)),
            pl.BlockSpec((B, H), lambda i: (i, 0)),
            pl.BlockSpec((B, H), lambda i: (i, 0)),
        ],
        out_shape=[
            jax.ShapeDtypeStruct((N, 1), jnp.float32),
            jax.ShapeDtypeStruct((N, H), jnp.float32),
            jax.ShapeDtypeStruct((N, H), jnp.float32),
        ],
    )(degp, x, W_in, b_in)


def _make_layer_body(emit):
    def body(p_ref, g_ref, h0_ref, dis_ref, W1_ref, W2_ref, gam_ref,
             bet_ref, beta_ref, o_ref):
        dis = dis_ref[...]
        beta = beta_ref[0, 0]
        agg = dis * (p_ref[0] + p_ref[1] + g_ref[...])
        hp = agg * (1.0 - ALPHA)
        x0a = ALPHA * h0_ref[...]
        out = (1.0 - beta) * hp + beta * jnp.dot(
            hp, W1_ref[...], preferred_element_type=jnp.float32)
        out = out + (1.0 - beta) * x0a + beta * jnp.dot(
            x0a, W2_ref[...], preferred_element_type=jnp.float32)
        mu = jnp.mean(out, axis=1, keepdims=True)
        d = out - mu
        var = jnp.mean(d * d, axis=1, keepdims=True)
        y = d / jnp.sqrt(var + EPS) * gam_ref[...] + bet_ref[...]
        h = jnp.maximum(y, 0.0)
        o_ref[...] = h if emit == "h" else h * dis
    return body


def _layer(part, g, h0, dis, W1, W2, gam, bet, beta_arr, emit):
    B = 2000
    grid = (N // B,)
    return pl.pallas_call(
        _make_layer_body(emit),
        grid=grid,
        in_specs=[
            pl.BlockSpec((NC, B, H), lambda i: (0, i, 0)),
            pl.BlockSpec((B, H), lambda i: (i, 0)),
            pl.BlockSpec((B, H), lambda i: (i, 0)),
            pl.BlockSpec((B, 1), lambda i: (i, 0)),
            pl.BlockSpec((H, H), lambda i: (0, 0)),
            pl.BlockSpec((H, H), lambda i: (0, 0)),
            pl.BlockSpec((1, H), lambda i: (0, 0)),
            pl.BlockSpec((1, H), lambda i: (0, 0)),
            pl.BlockSpec((1, 1), lambda i: (0, 0)),
        ],
        out_specs=pl.BlockSpec((B, H), lambda i: (i, 0)),
        out_shape=jax.ShapeDtypeStruct((N, H), jnp.float32),
    )(part, g, h0, dis, W1, W2, gam, bet, beta_arr)


def _pool_body(h_ref, dis_ref, batch_ref, Wc1_ref, bc1_ref, Wc2_ref, bc2_ref,
               Wc3_ref, bc3_ref, out_ref, acc, cnt):
    i = pl.program_id(0)
    B = h_ref.shape[0]

    @pl.when(i == 0)
    def _():
        acc[...] = jnp.zeros_like(acc)
        cnt[...] = jnp.zeros_like(cnt)

    h = h_ref[...]
    b = batch_ref[0]
    gid = lax.broadcasted_iota(jnp.int32, (G, B), 0)
    oh = (b == gid).astype(jnp.float32)
    acc[...] += jnp.dot(oh, h, preferred_element_type=jnp.float32,
                        precision=lax.Precision.HIGHEST)
    cnt[...] += jnp.sum(oh, axis=1, keepdims=True)

    @pl.when(i == pl.num_programs(0) - 1)
    def _():
        pooled = acc[...] / jnp.maximum(cnt[...], 1.0)
        z = jnp.maximum(jnp.dot(pooled, Wc1_ref[...],
                                preferred_element_type=jnp.float32)
                        + bc1_ref[...], 0.0)
        z = jnp.maximum(jnp.dot(z, Wc2_ref[...],
                                preferred_element_type=jnp.float32)
                        + bc2_ref[...], 0.0)
        out_ref[...] = jnp.dot(z, Wc3_ref[...],
                               preferred_element_type=jnp.float32) + bc3_ref[...]


def _pool(g, dis, batch3, Wc1, bc1, Wc2, bc2, Wc3, bc3):
    B = 2000
    grid = (N // B,)
    return pl.pallas_call(
        _pool_body,
        grid=grid,
        in_specs=[
            pl.BlockSpec((B, H), lambda i: (i, 0)),
            pl.BlockSpec((B, 1), lambda i: (i, 0)),
            pl.BlockSpec((1, 1, B), lambda i: (i, 0, 0)),
            pl.BlockSpec((H, H), lambda i: (0, 0)),
            pl.BlockSpec((1, H), lambda i: (0, 0)),
            pl.BlockSpec((H, H // 2), lambda i: (0, 0)),
            pl.BlockSpec((1, H // 2), lambda i: (0, 0)),
            pl.BlockSpec((H // 2, 1), lambda i: (0, 0)),
            pl.BlockSpec((1, 1), lambda i: (0, 0)),
        ],
        out_specs=pl.BlockSpec((G, 1), lambda i: (0, 0)),
        out_shape=jax.ShapeDtypeStruct((G, 1), jnp.float32),
        scratch_shapes=[
            pltpu.VMEM((G, H), jnp.float32),
            pltpu.VMEM((G, 1), jnp.float32),
        ],
    )(g, dis, batch3, Wc1, bc1, Wc2, bc2, Wc3, bc3)


def kernel(x, edge_index, batch, W_in, b_in, W1s, W2s, gammas, betas,
           Wc1, bc1, Wc2, bc2, Wc3, bc3):
    src_f = jnp.concatenate(
        [edge_index[0].reshape(NW, EPT),
         jnp.zeros((NW, PAD), jnp.int32)], axis=1)
    pad_dst = N + (jnp.arange(PAD, dtype=jnp.int32) % 128)
    dst_3 = jnp.concatenate(
        [edge_index[1].reshape(NW, EPT),
         jnp.broadcast_to(pad_dst, (NW, PAD))], axis=1).reshape(NW, CPT, K)
    zeros = jnp.zeros((N, H), jnp.float32)

    deg_grid = _deg_tc(edge_index[1].reshape(E // EB, 1, EB))
    deg = deg_grid.reshape(NHI * H)[:N].reshape(N, 1)
    dis, h0, g0 = _proj(deg, x, W_in, b_in.reshape(1, H))

    g = g0
    for i in range(L):
        beta_l = float(np.log(THETA / (i + 1) + 1.0))
        part = _scatter_kernel(g, src_f, dst_3, zeros)
        g = _layer(part, g, h0, dis, W1s[i], W2s[i],
                   gammas[i].reshape(1, H), betas[i].reshape(1, H),
                   jnp.full((1, 1), beta_l, jnp.float32),
                   "h" if i == L - 1 else "g")

    z = _pool(g, dis, batch.reshape(N // 2000, 1, 2000),
              Wc1, bc1.reshape(1, H), Wc2, bc2.reshape(1, H // 2),
              Wc3, bc3.reshape(1, 1))
    return z[:, 0]

# --- scband reference (transcript-rebuilt; emitter-appended) ---
"""Pipeline reference for scband-gcn2-84413287235625 (READ-ONLY COPY).

The authoritative reference and input builder live on the scoring server;
editing this copy changes nothing except your own understanding.
"""

import jax, jax.numpy as jnp
import numpy as np

N = 10000
E = 320000
D = 128
H = 128
L = 8
G = 64
ALPHA = 0.1
THETA = 0.5
EPS = 1e-5


def setup_inputs(seed: int = 0):
    key = jax.random.key(seed)
    ks = jax.random.split(key, 16)
    s = 1.0 / np.sqrt(H)
    inp = {}
    inp["x"] = jax.random.normal(ks[0], (N, D), dtype=jnp.float32)
    inp["edge_index"] = jax.random.randint(ks[1], (2, E), 0, N, dtype=jnp.int32)
    inp["batch"] = jnp.sort(jax.random.randint(ks[2], (N,), 0, G, dtype=jnp.int32))
    inp["W_in"] = jax.random.normal(ks[3], (D, H), dtype=jnp.float32) * s
    inp["b_in"] = jnp.zeros((H,), dtype=jnp.float32)
    inp["W1s"] = jax.random.normal(ks[4], (L, H, H), dtype=jnp.float32) * s
    inp["W2s"] = jax.random.normal(ks[5], (L, H, H), dtype=jnp.float32) * s
    inp["gammas"] = jnp.ones((L, H), dtype=jnp.float32)
    inp["betas"] = jnp.zeros((L, H), dtype=jnp.float32)
    inp["Wc1"] = jax.random.normal(ks[6], (H, H), dtype=jnp.float32) * s
    inp["bc1"] = jnp.zeros((H,), dtype=jnp.float32)
    inp["Wc2"] = jax.random.normal(ks[7], (H, H // 2), dtype=jnp.float32) * s
    inp["bc2"] = jnp.zeros((H // 2,), dtype=jnp.float32)
    inp["Wc3"] = jax.random.normal(ks[8], (H // 2, 1), dtype=jnp.float32) * s
    inp["bc3"] = jnp.zeros((1,), dtype=jnp.float32)
    return inp


def _gcn_norm(edge_index):
    # gcn_norm with self-loops (symmetric normalization), as in PyG GCN2Conv
    loop = jnp.arange(N, dtype=edge_index.dtype)
    src = jnp.concatenate([edge_index[0], loop])
    dst = jnp.concatenate([edge_index[1], loop])
    ones = jnp.ones(src.shape[0], dtype=jnp.float32)
    deg = jax.ops.segment_sum(ones, dst, num_segments=N)
    dis = jnp.where(deg > 0, 1.0 / jnp.sqrt(deg), 0.0)
    norm = dis[src] * dis[dst]
    return src, dst, norm


def _forward(x, edge_index, batch, W_in, b_in, W1s, W2s, gammas, betas, Wc1, bc1, Wc2, bc2, Wc3, bc3):
    src, dst, norm = _gcn_norm(edge_index)
    # input projection (eval mode: dropout is identity)
    h = jax.nn.relu(x @ W_in + b_in)
    x0 = h
    for i in range(L):
        beta_l = float(np.log(THETA / (i + 1) + 1.0))
        # propagate: A_hat @ h  (gather from src, scatter-add to dst)
        msg = norm[:, None] * h[src]
        agg = jax.ops.segment_sum(msg, dst, num_segments=N)
        hp = agg * (1.0 - ALPHA)
        x0a = ALPHA * x0
        # GCN2Conv, shared_weights=False branch:
        # out = (1-beta)*hp + beta*(hp @ W1) + (1-beta)*x0a + beta*(x0a @ W2)
        out = (1.0 - beta_l) * hp + beta_l * (hp @ W1s[i])
        out = out + (1.0 - beta_l) * x0a + beta_l * (x0a @ W2s[i])
        # LayerNorm
        mu = jnp.mean(out, axis=-1, keepdims=True)
        var = jnp.var(out, axis=-1, keepdims=True)
        out = (out - mu) / jnp.sqrt(var + EPS) * gammas[i] + betas[i]
        h = jax.nn.relu(out)
    # global mean pool over batch segments
    sums = jax.ops.segment_sum(h, batch, num_segments=G)
    cnts = jax.ops.segment_sum(jnp.ones((N,), dtype=jnp.float32), batch, num_segments=G)
    pooled = sums / jnp.maximum(cnts, 1.0)[:, None]
    # classifier MLP (dropout identity in eval)
    z = jax.nn.relu(pooled @ Wc1 + bc1)
    z = jax.nn.relu(z @ Wc2 + bc2)
    z = z @ Wc3 + bc3
    return z.squeeze(-1)


def reference(x, edge_index, batch, W_in, b_in, W1s, W2s, gammas, betas, Wc1, bc1, Wc2, bc2, Wc3, bc3):
    return _forward(x, edge_index, batch, W_in, b_in, W1s, W2s, gammas, betas, Wc1, bc1, Wc2, bc2, Wc3, bc3)

if __name__ == "__main__":
    import jax
    _d = setup_inputs()
    print(jax.jit(kernel)(*tuple(_d.values())))

</pallas_src>

<mosaic_0001>
#map = affine_map<(d0, d1) -> (0, 0)>
#map1 = affine_map<(d0, d1) -> (0, 0, 0)>
module attributes {stable_mosaic.version = 14 : i64} {
  func.func @_scatter_kernel(%arg0: i32, %arg1: i32, %arg2: memref<10000x128xf32, #tpu.memory_space<hbm>>, %arg3: memref<32x10000xi32, #tpu.memory_space<hbm>>, %arg4: memref<32x125x80xi32, #tpu.memory_space<hbm>>, %arg5: memref<10000x128xf32, #tpu.memory_space<hbm>>, %arg6: memref<2x10000x128xf32, #tpu.memory_space<hbm>>, %arg7: memref<10000xi32, #tpu.memory_space<vmem>>, %arg8: memref<125x80xi32, #tpu.memory_space<vmem>>, %arg9: memref<80x128xf32, #tpu.memory_space<vmem>>, %arg10: memref<80x128xf32, #tpu.memory_space<vmem>>, %arg11: memref<10128x128xf32, #tpu.memory_space<vmem_shared>>, %arg12: memref<!tpu.dma_semaphore, #tpu.memory_space<semaphore_mem>>, %arg13: memref<!tpu.dma_semaphore, #tpu.memory_space<semaphore_mem>>, %arg14: memref<!tpu.dma_semaphore, #tpu.memory_space<semaphore_mem>>, %arg15: memref<!tpu.dma_semaphore, #tpu.memory_space<semaphore_mem>>) attributes {dimension_semantics = [#tpu.dimension_semantics<core_parallel>, #tpu.dimension_semantics<subcore_parallel>], iteration_bounds = array<i64: 2, 16>, scalar_prefetch = 0 : i64, scratch_operands = 9 : i64, tpu.core_type = #tpu.core_type<sc_vector_subcore>, window_params = [{transform_indices = #map}, {transform_indices = #map}, {transform_indices = #map1}, {transform_indices = #map}, {transform_indices = #map1}]} {
    %mul3A = arith.constant 2 : i32
    %mul3A_0 = arith.muli %arg1, %mul3A : i32
    %add3A = arith.addi %mul3A_0, %arg0 : i32
    %mul3A_1 = arith.constant 632 : i32
    %mul3A_2 = arith.muli %arg1, %mul3A_1 : i32
    %lt3A = arith.constant 15 : i32
    %lt3A_3 = arith.cmpi slt, %arg1, %lt3A : i32
    %convert_element_type3A = arith.extui %lt3A_3 : i1 to i32
    %cond3A = arith.constant 0 : i32
    %cond3A_4 = arith.cmpi ne, %convert_element_type3A, %cond3A : i32
    scf.if %cond3A_4 {
      "tpu.region"() ({
        %run_scoped3A = tpu.sem_alloc : memref<!tpu.dma_semaphore, #tpu.memory_space<semaphore_mem>>
        %dma_start3A_48 = arith.constant 0 : i32
        %dma_start3A_49 = tpu.memref_slice %arg11[%mul3A_2, %dma_start3A_48] : memref<10128x128xf32, #tpu.memory_space<vmem_shared>> -> memref<632x128xf32, #tpu.memory_space<vmem_shared>>
        %dma_start3A_50 = arith.constant 0 : i32
        %dma_start3A_51 = tpu.memref_slice %arg5[%mul3A_2, %dma_start3A_50] : memref<10000x128xf32, #tpu.memory_space<hbm>> -> memref<632x128xf32, #tpu.memory_space<hbm>>
        tpu.enqueue_dma source(%dma_start3A_51 : memref<632x128xf32, #tpu.memory_space<hbm>>) target(%dma_start3A_49 : memref<632x128xf32, #tpu.memory_space<vmem_shared>>) target_semaphore(%run_scoped3A : memref<!tpu.dma_semaphore, #tpu.memory_space<semaphore_mem>>)
        %dma_wait3A_52 = arith.constant 0 : i32
        %dma_wait3A_53 = tpu.memref_slice %arg11[%mul3A_2, %dma_wait3A_52] : memref<10128x128xf32, #tpu.memory_space<vmem_shared>> -> memref<632x128xf32, #tpu.memory_space<vmem_shared>>
        %dma_wait3A_54 = arith.constant 0 : i32
        %dma_wait3A_55 = tpu.memref_slice %arg5[%mul3A_2, %dma_wait3A_54] : memref<10000x128xf32, #tpu.memory_space<hbm>> -> memref<632x128xf32, #tpu.memory_space<hbm>>
        tpu.wait_dma2 semaphore(%run_scoped3A : memref<!tpu.dma_semaphore, #tpu.memory_space<semaphore_mem>>) src(%dma_wait3A_55 : memref<632x128xf32, #tpu.memory_space<hbm>>) dst(%dma_wait3A_53 : memref<632x128xf32, #tpu.memory_space<vmem_shared>>)
        tpu.yield
      }) : () -> ()
    } else {
    }
    %eq3A = arith.constant 15 : i32
    %eq3A_5 = arith.cmpi eq, %arg1, %eq3A : i32
    %convert_element_type3A_6 = arith.extui %eq3A_5 : i1 to i32
    %cond3A_7 = arith.constant 0 : i32
    %cond3A_8 = arith.cmpi ne, %convert_element_type3A_6, %cond3A_7 : i32
    scf.if %cond3A_8 {
      "tpu.region"() ({
        %run_scoped3A = tpu.sem_alloc : memref<!tpu.dma_semaphore, #tpu.memory_space<semaphore_mem>>
        %dma_start3A_48 = arith.constant 9480 : i32
        %dma_start3A_49 = arith.constant 0 : i32
        %dma_start3A_50 = tpu.memref_slice %arg11[%dma_start3A_48, %dma_start3A_49] : memref<10128x128xf32, #tpu.memory_space<vmem_shared>> -> memref<520x128xf32, #tpu.memory_space<vmem_shared>>
        %dma_start3A_51 = arith.constant 9480 : i32
        %dma_start3A_52 = arith.constant 0 : i32
        %dma_start3A_53 = tpu.memref_slice %arg5[%dma_start3A_51, %dma_start3A_52] : memref<10000x128xf32, #tpu.memory_space<hbm>> -> memref<520x128xf32, #tpu.memory_space<hbm>>
        tpu.enqueue_dma source(%dma_start3A_53 : memref<520x128xf32, #tpu.memory_space<hbm>>) target(%dma_start3A_50 : memref<520x128xf32, #tpu.memory_space<vmem_shared>>) target_semaphore(%run_scoped3A : memref<!tpu.dma_semaphore, #tpu.memory_space<semaphore_mem>>)
        %dma_wait3A_54 = arith.constant 9480 : i32
        %dma_wait3A_55 = arith.constant 0 : i32
        %dma_wait3A_56 = tpu.memref_slice %arg11[%dma_wait3A_54, %dma_wait3A_55] : memref<10128x128xf32, #tpu.memory_space<vmem_shared>> -> memref<520x128xf32, #tpu.memory_space<vmem_shared>>
        %dma_wait3A_57 = arith.constant 9480 : i32
        %dma_wait3A_58 = arith.constant 0 : i32
        %dma_wait3A_59 = tpu.memref_slice %arg5[%dma_wait3A_57, %dma_wait3A_58] : memref<10000x128xf32, #tpu.memory_space<hbm>> -> memref<520x128xf32, #tpu.memory_space<hbm>>
        tpu.wait_dma2 semaphore(%run_scoped3A : memref<!tpu.dma_semaphore, #tpu.memory_space<semaphore_mem>>) src(%dma_wait3A_59 : memref<520x128xf32, #tpu.memory_space<hbm>>) dst(%dma_wait3A_56 : memref<520x128xf32, #tpu.memory_space<vmem_shared>>)
        tpu.yield
      }) : () -> ()
    } else {
    }
    "tpu.region"() ({
      %run_scoped3A = tpu.sem_alloc : memref<!tpu.dma_semaphore, #tpu.memory_space<semaphore_mem>>
      %dma_start3A_48 = arith.constant 0 : i32
      %dma_start3A_49 = tpu.memref_slice %arg3[%add3A, %dma_start3A_48] : memref<32x10000xi32, #tpu.memory_space<hbm>> -> memref<1x10000xi32, #tpu.memory_space<hbm>>
      %dma_start3A_50 = tpu.memref_squeeze %dma_start3A_49 : memref<1x10000xi32, #tpu.memory_space<hbm>> -> memref<10000xi32, #tpu.memory_space<hbm>>
      %dma_start3A_51 = arith.constant 0 : i32
      %dma_start3A_52 = tpu.memref_slice %arg3[%add3A, %dma_start3A_51] : memref<32x10000xi32, #tpu.memory_space<hbm>> -> memref<1x10000xi32, #tpu.memory_space<hbm>>
      %dma_start3A_53 = tpu.memref_squeeze %dma_start3A_52 : memref<1x10000xi32, #tpu.memory_space<hbm>> -> memref<10000xi32, #tpu.memory_space<hbm>>
      tpu.enqueue_dma source(%dma_start3A_53 : memref<10000xi32, #tpu.memory_space<hbm>>) target(%arg7 : memref<10000xi32, #tpu.memory_space<vmem>>) target_semaphore(%run_scoped3A : memref<!tpu.dma_semaphore, #tpu.memory_space<semaphore_mem>>)
      %dma_wait3A_54 = arith.constant 0 : i32
      %dma_wait3A_55 = tpu.memref_slice %arg3[%add3A, %dma_wait3A_54] : memref<32x10000xi32, #tpu.memory_space<hbm>> -> memref<1x10000xi32, #tpu.memory_space<hbm>>
      %dma_wait3A_56 = tpu.memref_squeeze %dma_wait3A_55 : memref<1x10000xi32, #tpu.memory_space<hbm>> -> memref<10000xi32, #tpu.memory_space<hbm>>
      %dma_wait3A_57 = arith.constant 0 : i32
      %dma_wait3A_58 = tpu.memref_slice %arg3[%add3A, %dma_wait3A_57] : memref<32x10000xi32, #tpu.memory_space<hbm>> -> memref<1x10000xi32, #tpu.memory_space<hbm>>
      %dma_wait3A_59 = tpu.memref_squeeze %dma_wait3A_58 : memref<1x10000xi32, #tpu.memory_space<hbm>> -> memref<10000xi32, #tpu.memory_space<hbm>>
      tpu.wait_dma2 semaphore(%run_scoped3A : memref<!tpu.dma_semaphore, #tpu.memory_space<semaphore_mem>>) src(%dma_wait3A_59 : memref<10000xi32, #tpu.memory_space<hbm>>) dst(%arg7 : memref<10000xi32, #tpu.memory_space<vmem>>)
      tpu.yield
    }) : () -> ()
    "tpu.region"() ({
      %run_scoped3A = tpu.sem_alloc : memref<!tpu.dma_semaphore, #tpu.memory_space<semaphore_mem>>
      %dma_start3A_48 = arith.constant 0 : i32
      %dma_start3A_49 = arith.constant 0 : i32
      %dma_start3A_50 = tpu.memref_slice %arg4[%add3A, %dma_start3A_48, %dma_start3A_49] : memref<32x125x80xi32, #tpu.memory_space<hbm>> -> memref<1x125x80xi32, #tpu.memory_space<hbm>>
      %dma_start3A_51 = tpu.memref_squeeze %dma_start3A_50 : memref<1x125x80xi32, #tpu.memory_space<hbm>> -> memref<125x80xi32, #tpu.memory_space<hbm>>
      %dma_start3A_52 = arith.constant 0 : i32
      %dma_start3A_53 = arith.constant 0 : i32
      %dma_start3A_54 = tpu.memref_slice %arg4[%add3A, %dma_start3A_52, %dma_start3A_53] : memref<32x125x80xi32, #tpu.memory_space<hbm>> -> memref<1x125x80xi32, #tpu.memory_space<hbm>>
      %dma_start3A_55 = tpu.memref_squeeze %dma_start3A_54 : memref<1x125x80xi32, #tpu.memory_space<hbm>> -> memref<125x80xi32, #tpu.memory_space<hbm>>
      tpu.enqueue_dma source(%dma_start3A_55 : memref<125x80xi32, #tpu.memory_space<hbm>>) target(%arg8 : memref<125x80xi32, #tpu.memory_space<vmem>>) target_semaphore(%run_scoped3A : memref<!tpu.dma_semaphore, #tpu.memory_space<semaphore_mem>>)
      %dma_wait3A_56 = arith.constant 0 : i32
      %dma_wait3A_57 = arith.constant 0 : i32
      %dma_wait3A_58 = tpu.memref_slice %arg4[%add3A, %dma_wait3A_56, %dma_wait3A_57] : memref<32x125x80xi32, #tpu.memory_space<hbm>> -> memref<1x125x80xi32, #tpu.memory_space<hbm>>
      %dma_wait3A_59 = tpu.memref_squeeze %dma_wait3A_58 : memref<1x125x80xi32, #tpu.memory_space<hbm>> -> memref<125x80xi32, #tpu.memory_space<hbm>>
      %dma_wait3A_60 = arith.constant 0 : i32
      %dma_wait3A_61 = arith.constant 0 : i32
      %dma_wait3A_62 = tpu.memref_slice %arg4[%add3A, %dma_wait3A_60, %dma_wait3A_61] : memref<32x125x80xi32, #tpu.memory_space<hbm>> -> memref<1x125x80xi32, #tpu.memory_space<hbm>>
      %dma_wait3A_63 = tpu.memref_squeeze %dma_wait3A_62 : memref<1x125x80xi32, #tpu.memory_space<hbm>> -> memref<125x80xi32, #tpu.memory_space<hbm>>
      tpu.wait_dma2 semaphore(%run_scoped3A : memref<!tpu.dma_semaphore, #tpu.memory_space<semaphore_mem>>) src(%dma_wait3A_63 : memref<125x80xi32, #tpu.memory_space<hbm>>) dst(%arg8 : memref<125x80xi32, #tpu.memory_space<vmem>>)
      tpu.yield
    }) : () -> ()
    %barrier3A = arith.constant 0 : index
    tpu.barrier barrier_id(%barrier3A)
    %dma_start3A = arith.constant 0 : i32
    %dma_start3A_9 = tpu.memref_slice %arg7[%dma_start3A] : memref<10000xi32, #tpu.memory_space<vmem>> -> memref<80xi32, #tpu.memory_space<vmem>>
    %dma_start3A_10 = arith.constant 0 : i32
    %dma_start3A_11 = arith.constant 0 : i32
    %dma_start3A_12 = tpu.memref_slice %arg2[%dma_start3A_10, %dma_start3A_11] : memref<10000x128xf32, #tpu.memory_space<hbm>> -> memref<10000x128xf32, #tpu.memory_space<hbm>>
    tpu.enqueue_indirect_dma source(%dma_start3A_12 : memref<10000x128xf32, #tpu.memory_space<hbm>>) target(%arg9 : memref<80x128xf32, #tpu.memory_space<vmem>>) offsets(%dma_start3A_9 : memref<80xi32, #tpu.memory_space<vmem>>) semaphore(%arg12 : memref<!tpu.dma_semaphore, #tpu.memory_space<semaphore_mem>>)
    %scan3A = arith.constant 0 : i32
    %scan3A_13 = arith.constant 0 : i32
    %scan3A_14 = arith.constant 62 : i32
    %scan3A_15 = arith.addi %scan3A_13, %scan3A_14 : i32
    %scan3A_16 = arith.constant 1 : i32
    %scan3A_17 = scf.for %scan3A_48 = %scan3A_13 to %scan3A_15 step %scan3A_16 iter_args(%scan3A_49 = %scan3A) -> (i32)  : i32 {
      %mul3A_50 = arith.constant 2 : i32
      %mul3A_51 = arith.muli %mul3A_50, %scan3A_48 : i32
      %add3A_52 = arith.constant 1 : i32
      %add3A_53 = arith.addi %mul3A_51, %add3A_52 : i32
      %mul3A_54 = arith.constant 80 : i32
      %mul3A_55 = arith.muli %mul3A_51, %mul3A_54 : i32
      %dma_wait3A_56 = tpu.memref_slice %arg7[%mul3A_55] : memref<10000xi32, #tpu.memory_space<vmem>> -> memref<80xi32, #tpu.memory_space<vmem>>
      %dma_wait3A_57 = arith.constant 0 : i32
      %dma_wait3A_58 = arith.constant 0 : i32
      %dma_wait3A_59 = tpu.memref_slice %arg2[%dma_wait3A_57, %dma_wait3A_58] : memref<10000x128xf32, #tpu.memory_space<hbm>> -> memref<10000x128xf32, #tpu.memory_space<hbm>>
      tpu.wait_indirect_dma semaphore(%arg12 : memref<!tpu.dma_semaphore, #tpu.memory_space<semaphore_mem>>) src(%dma_wait3A_59 : memref<10000x128xf32, #tpu.memory_space<hbm>>) dst(%arg9 : memref<80x128xf32, #tpu.memory_space<vmem>>)
      %dma_start3A_60 = arith.constant 0 : i32
      %dma_start3A_61 = tpu.memref_slice %arg8[%mul3A_51, %dma_start3A_60] : memref<125x80xi32, #tpu.memory_space<vmem>> -> memref<1x80xi32, #tpu.memory_space<vmem>>
      %dma_start3A_62 = tpu.memref_squeeze %dma_start3A_61 : memref<1x80xi32, #tpu.memory_space<vmem>> -> memref<80xi32, #tpu.memory_space<vmem>>
      %dma_start3A_63 = arith.constant 0 : i32
      %dma_start3A_64 = arith.constant 0 : i32
      %dma_start3A_65 = tpu.memref_slice %arg11[%dma_start3A_63, %dma_start3A_64] : memref<10128x128xf32, #tpu.memory_space<vmem_shared>> -> memref<10128x128xf32, #tpu.memory_space<vmem_shared>>
      tpu.enqueue_indirect_dma source(%arg9 : memref<80x128xf32, #tpu.memory_space<vmem>>) target(%dma_start3A_65 : memref<10128x128xf32, #tpu.memory_space<vmem_shared>>) offsets(%dma_start3A_62 : memref<80xi32, #tpu.memory_space<vmem>>) semaphore(%arg14 : memref<!tpu.dma_semaphore, #tpu.memory_space<semaphore_mem>>) {add = true}
      %mul3A_66 = arith.constant 80 : i32
      %mul3A_67 = arith.muli %add3A_53, %mul3A_66 : i32
      %dma_start3A_68 = tpu.memref_slice %arg7[%mul3A_67] : memref<10000xi32, #tpu.memory_space<vmem>> -> memref<80xi32, #tpu.memory_space<vmem>>
      %dma_start3A_69 = arith.constant 0 : i32
      %dma_start3A_70 = arith.constant 0 : i32
      %dma_start3A_71 = tpu.memref_slice %arg2[%dma_start3A_69, %dma_start3A_70] : memref<10000x128xf32, #tpu.memory_space<hbm>> -> memref<10000x128xf32, #tpu.memory_space<hbm>>
      tpu.enqueue_indirect_dma source(%dma_start3A_71 : memref<10000x128xf32, #tpu.memory_space<hbm>>) target(%arg10 : memref<80x128xf32, #tpu.memory_space<vmem>>) offsets(%dma_start3A_68 : memref<80xi32, #tpu.memory_space<vmem>>) semaphore(%arg13 : memref<!tpu.dma_semaphore, #tpu.memory_space<semaphore_mem>>)
      %dma_wait3A_72 = arith.constant 0 : i32
      %dma_wait3A_73 = tpu.memref_slice %arg8[%mul3A_51, %dma_wait3A_72] : memref<125x80xi32, #tpu.memory_space<vmem>> -> memref<1x80xi32, #tpu.memory_space<vmem>>
      %dma_wait3A_74 = tpu.memref_squeeze %dma_wait3A_73 : memref<1x80xi32, #tpu.memory_space<vmem>> -> memref<80xi32, #tpu.memory_space<vmem>>
      %dma_wait3A_75 = arith.constant 0 : i32
      %dma_wait3A_76 = arith.constant 0 : i32
      %dma_wait3A_77 = tpu.memref_slice %arg11[%dma_wait3A_75, %dma_wait3A_76] : memref<10128x128xf32, #tpu.memory_space<vmem_shared>> -> memref<10128x128xf32, #tpu.memory_space<vmem_shared>>
      tpu.wait_indirect_dma semaphore(%arg14 : memref<!tpu.dma_semaphore, #tpu.memory_space<semaphore_mem>>) src(%arg9 : memref<80x128xf32, #tpu.memory_space<vmem>>) dst(%dma_wait3A_77 : memref<10128x128xf32, #tpu.memory_space<vmem_shared>>)
      %mul3A_78 = arith.constant 80 : i32
      %mul3A_79 = arith.muli %add3A_53, %mul3A_78 : i32
      %dma_wait3A_80 = tpu.memref_slice %arg7[%mul3A_79] : memref<10000xi32, #tpu.memory_space<vmem>> -> memref<80xi32, #tpu.memory_space<vmem>>
      %dma_wait3A_81 = arith.constant 0 : i32
      %dma_wait3A_82 = arith.constant 0 : i32
      %dma_wait3A_83 = tpu.memref_slice %arg2[%dma_wait3A_81, %dma_wait3A_82] : memref<10000x128xf32, #tpu.memory_space<hbm>> -> memref<10000x128xf32, #tpu.memory_space<hbm>>
      tpu.wait_indirect_dma semaphore(%arg13 : memref<!tpu.dma_semaphore, #tpu.memory_space<semaphore_mem>>) src(%dma_wait3A_83 : memref<10000x128xf32, #tpu.memory_space<hbm>>) dst(%arg10 : memref<80x128xf32, #tpu.memory_space<vmem>>)
      %dma_start3A_84 = arith.constant 0 : i32
      %dma_start3A_85 = tpu.memref_slice %arg8[%add3A_53, %dma_start3A_84] : memref<125x80xi32, #tpu.memory_space<vmem>> -> memref<1x80xi32, #tpu.memory_space<vmem>>
      %dma_start3A_86 = tpu.memref_squeeze %dma_start3A_85 : memref<1x80xi32, #tpu.memory_space<vmem>> -> memref<80xi32, #tpu.memory_space<vmem>>
      %dma_start3A_87 = arith.constant 0 : i32
      %dma_start3A_88 = arith.constant 0 : i32
      %dma_start3A_89 = tpu.memref_slice %arg11[%dma_start3A_87, %dma_start3A_88] : memref<10128x128xf32, #tpu.memory_space<vmem_shared>> -> memref<10128x128xf32, #tpu.memory_space<vmem_shared>>
      tpu.enqueue_indirect_dma source(%arg10 : memref<80x128xf32, #tpu.memory_space<vmem>>) target(%dma_start3A_89 : memref<10128x128xf32, #tpu.memory_space<vmem_shared>>) offsets(%dma_start3A_86 : memref<80xi32, #tpu.memory_space<vmem>>) semaphore(%arg15 : memref<!tpu.dma_semaphore, #tpu.memory_space<semaphore_mem>>) {add = true}
      %add3A_90 = arith.constant 2 : i32
      %add3A_91 = arith.addi %mul3A_51, %add3A_90 : i32
      %mul3A_92 = arith.constant 80 : i32
      %mul3A_93 = arith.muli %add3A_91, %mul3A_92 : i32
      %dma_start3A_94 = tpu.memref_slice %arg7[%mul3A_93] : memref<10000xi32, #tpu.memory_space<vmem>> -> memref<80xi32, #tpu.memory_space<vmem>>
      %dma_start3A_95 = arith.constant 0 : i32
      %dma_start3A_96 = arith.constant 0 : i32
      %dma_start3A_97 = tpu.memref_slice %arg2[%dma_start3A_95, %dma_start3A_96] : memref<10000x128xf32, #tpu.memory_space<hbm>> -> memref<10000x128xf32, #tpu.memory_space<hbm>>
      tpu.enqueue_indirect_dma source(%dma_start3A_97 : memref<10000x128xf32, #tpu.memory_space<hbm>>) target(%arg9 : memref<80x128xf32, #tpu.memory_space<vmem>>) offsets(%dma_start3A_94 : memref<80xi32, #tpu.memory_space<vmem>>) semaphore(%arg12 : memref<!tpu.dma_semaphore, #tpu.memory_space<semaphore_mem>>)
      %dma_wait3A_98 = arith.constant 0 : i32
      %dma_wait3A_99 = tpu.memref_slice %arg8[%add3A_53, %dma_wait3A_98] : memref<125x80xi32, #tpu.memory_space<vmem>> -> memref<1x80xi32, #tpu.memory_space<vmem>>
      %dma_wait3A_100 = tpu.memref_squeeze %dma_wait3A_99 : memref<1x80xi32, #tpu.memory_space<vmem>> -> memref<80xi32, #tpu.memory_space<vmem>>
      %dma_wait3A_101 = arith.constant 0 : i32
      %dma_wait3A_102 = arith.constant 0 : i32
      %dma_wait3A_103 = tpu.memref_slice %arg11[%dma_wait3A_101, %dma_wait3A_102] : memref<10128x128xf32, #tpu.memory_space<vmem_shared>> -> memref<10128x128xf32, #tpu.memory_space<vmem_shared>>
      tpu.wait_indirect_dma semaphore(%arg15 : memref<!tpu.dma_semaphore, #tpu.memory_space<semaphore_mem>>) src(%arg10 : memref<80x128xf32, #tpu.memory_space<vmem>>) dst(%dma_wait3A_103 : memref<10128x128xf32, #tpu.memory_space<vmem_shared>>)
      %scan3A_104 = arith.constant 0 : i32
      scf.yield %scan3A_104 : i32
    }
    %scan3A_18 = arith.constant 62 : i32
    %dma_wait3A = arith.constant 9920 : i32
    %dma_wait3A_19 = tpu.memref_slice %arg7[%dma_wait3A] : memref<10000xi32, #tpu.memory_space<vmem>> -> memref<80xi32, #tpu.memory_space<vmem>>
    %dma_wait3A_20 = arith.constant 0 : i32
    %dma_wait3A_21 = arith.constant 0 : i32
    %dma_wait3A_22 = tpu.memref_slice %arg2[%dma_wait3A_20, %dma_wait3A_21] : memref<10000x128xf32, #tpu.memory_space<hbm>> -> memref<10000x128xf32, #tpu.memory_space<hbm>>
    tpu.wait_indirect_dma semaphore(%arg12 : memref<!tpu.dma_semaphore, #tpu.memory_space<semaphore_mem>>) src(%dma_wait3A_22 : memref<10000x128xf32, #tpu.memory_space<hbm>>) dst(%arg9 : memref<80x128xf32, #tpu.memory_space<vmem>>)
    %dma_start3A_23 = arith.constant 124 : i32
    %dma_start3A_24 = arith.constant 0 : i32
    %dma_start3A_25 = tpu.memref_slice %arg8[%dma_start3A_23, %dma_start3A_24] : memref<125x80xi32, #tpu.memory_space<vmem>> -> memref<1x80xi32, #tpu.memory_space<vmem>>
    %dma_start3A_26 = tpu.memref_squeeze %dma_start3A_25 : memref<1x80xi32, #tpu.memory_space<vmem>> -> memref<80xi32, #tpu.memory_space<vmem>>
    %dma_start3A_27 = arith.constant 0 : i32
    %dma_start3A_28 = arith.constant 0 : i32
    %dma_start3A_29 = tpu.memref_slice %arg11[%dma_start3A_27, %dma_start3A_28] : memref<10128x128xf32, #tpu.memory_space<vmem_shared>> -> memref<10128x128xf32, #tpu.memory_space<vmem_shared>>
    tpu.enqueue_indirect_dma source(%arg9 : memref<80x128xf32, #tpu.memory_space<vmem>>) target(%dma_start3A_29 : memref<10128x128xf32, #tpu.memory_space<vmem_shared>>) offsets(%dma_start3A_26 : memref<80xi32, #tpu.memory_space<vmem>>) semaphore(%arg14 : memref<!tpu.dma_semaphore, #tpu.memory_space<semaphore_mem>>) {add = true}
    %dma_wait3A_30 = arith.constant 124 : i32
    %dma_wait3A_31 = arith.constant 0 : i32
    %dma_wait3A_32 = tpu.memref_slice %arg8[%dma_wait3A_30, %dma_wait3A_31] : memref<125x80xi32, #tpu.memory_space<vmem>> -> memref<1x80xi32, #tpu.memory_space<vmem>>
    %dma_wait3A_33 = tpu.memref_squeeze %dma_wait3A_32 : memref<1x80xi32, #tpu.memory_space<vmem>> -> memref<80xi32, #tpu.memory_space<vmem>>
    %dma_wait3A_34 = arith.constant 0 : i32
    %dma_wait3A_35 = arith.constant 0 : i32
    %dma_wait3A_36 = tpu.memref_slice %arg11[%dma_wait3A_34, %dma_wait3A_35] : memref<10128x128xf32, #tpu.memory_space<vmem_shared>> -> memref<10128x128xf32, #tpu.memory_space<vmem_shared>>
    tpu.wait_indirect_dma semaphore(%arg14 : memref<!tpu.dma_semaphore, #tpu.memory_space<semaphore_mem>>) src(%arg9 : memref<80x128xf32, #tpu.memory_space<vmem>>) dst(%dma_wait3A_36 : memref<10128x128xf32, #tpu.memory_space<vmem_shared>>)
    %barrier3A_37 = arith.constant 0 : index
    tpu.barrier barrier_id(%barrier3A_37)
    %lt3A_38 = arith.constant 15 : i32
    %lt3A_39 = arith.cmpi slt, %arg1, %lt3A_38 : i32
    %convert_element_type3A_40 = arith.extui %lt3A_39 : i1 to i32
    %cond3A_41 = arith.constant 0 : i32
    %cond3A_42 = arith.cmpi ne, %convert_element_type3A_40, %cond3A_41 : i32
    scf.if %cond3A_42 {
      "tpu.region"() ({
        %run_scoped3A = tpu.sem_alloc : memref<!tpu.dma_semaphore, #tpu.memory_space<semaphore_mem>>
        %dma_start3A_48 = arith.constant 0 : i32
        %dma_start3A_49 = arith.constant 0 : i32
        %dma_start3A_50 = tpu.memref_slice %arg6[%arg0, %dma_start3A_48, %dma_start3A_49] : memref<2x10000x128xf32, #tpu.memory_space<hbm>> -> memref<1x10000x128xf32, #tpu.memory_space<hbm>>
        %dma_start3A_51 = tpu.memref_squeeze %dma_start3A_50 : memref<1x10000x128xf32, #tpu.memory_space<hbm>> -> memref<10000x128xf32, #tpu.memory_space<hbm>>
        %dma_start3A_52 = arith.constant 0 : i32
        %dma_start3A_53 = tpu.memref_slice %dma_start3A_51[%mul3A_2, %dma_start3A_52] : memref<10000x128xf32, #tpu.memory_space<hbm>> -> memref<632x128xf32, #tpu.memory_space<hbm>>
        %dma_start3A_54 = arith.constant 0 : i32
        %dma_start3A_55 = tpu.memref_slice %arg11[%mul3A_2, %dma_start3A_54] : memref<10128x128xf32, #tpu.memory_space<vmem_shared>> -> memref<632x128xf32, #tpu.memory_space<vmem_shared>>
        tpu.enqueue_dma source(%dma_start3A_55 : memref<632x128xf32, #tpu.memory_space<vmem_shared>>) target(%dma_start3A_53 : memref<632x128xf32, #tpu.memory_space<hbm>>) target_semaphore(%run_scoped3A : memref<!tpu.dma_semaphore, #tpu.memory_space<semaphore_mem>>)
        %dma_wait3A_56 = arith.constant 0 : i32
        %dma_wait3A_57 = arith.constant 0 : i32
        %dma_wait3A_58 = tpu.memref_slice %arg6[%arg0, %dma_wait3A_56, %dma_wait3A_57] : memref<2x10000x128xf32, #tpu.memory_space<hbm>> -> memref<1x10000x128xf32, #tpu.memory_space<hbm>>
        %dma_wait3A_59 = tpu.memref_squeeze %dma_wait3A_58 : memref<1x10000x128xf32, #tpu.memory_space<hbm>> -> memref<10000x128xf32, #tpu.memory_space<hbm>>
        %dma_wait3A_60 = arith.constant 0 : i32
        %dma_wait3A_61 = tpu.memref_slice %dma_wait3A_59[%mul3A_2, %dma_wait3A_60] : memref<10000x128xf32, #tpu.memory_space<hbm>> -> memref<632x128xf32, #tpu.memory_space<hbm>>
        %dma_wait3A_62 = arith.constant 0 : i32
        %dma_wait3A_63 = tpu.memref_slice %arg11[%mul3A_2, %dma_wait3A_62] : memref<10128x128xf32, #tpu.memory_space<vmem_shared>> -> memref<632x128xf32, #tpu.memory_space<vmem_shared>>
        tpu.wait_dma2 semaphore(%run_scoped3A : memref<!tpu.dma_semaphore, #tpu.memory_space<semaphore_mem>>) src(%dma_wait3A_63 : memref<632x128xf32, #tpu.memory_space<vmem_shared>>) dst(%dma_wait3A_61 : memref<632x128xf32, #tpu.memory_space<hbm>>)
        tpu.yield
      }) : () -> ()
    } else {
    }
    %eq3A_43 = arith.constant 15 : i32
    %eq3A_44 = arith.cmpi eq, %arg1, %eq3A_43 : i32
    %convert_element_type3A_45 = arith.extui %eq3A_44 : i1 to i32
    %cond3A_46 = arith.constant 0 : i32
    %cond3A_47 = arith.cmpi ne, %convert_element_type3A_45, %cond3A_46 : i32
    scf.if %cond3A_47 {
      "tpu.region"() ({
        %run_scoped3A = tpu.sem_alloc : memref<!tpu.dma_semaphore, #tpu.memory_space<semaphore_mem>>
        %dma_start3A_48 = arith.constant 0 : i32
        %dma_start3A_49 = arith.constant 0 : i32
        %dma_start3A_50 = tpu.memref_slice %arg6[%arg0, %dma_start3A_48, %dma_start3A_49] : memref<2x10000x128xf32, #tpu.memory_space<hbm>> -> memref<1x10000x128xf32, #tpu.memory_space<hbm>>
        %dma_start3A_51 = tpu.memref_squeeze %dma_start3A_50 : memref<1x10000x128xf32, #tpu.memory_space<hbm>> -> memref<10000x128xf32, #tpu.memory_space<hbm>>
        %dma_start3A_52 = arith.constant 9480 : i32
        %dma_start3A_53 = arith.constant 0 : i32
        %dma_start3A_54 = tpu.memref_slice %dma_start3A_51[%dma_start3A_52, %dma_start3A_53] : memref<10000x128xf32, #tpu.memory_space<hbm>> -> memref<520x128xf32, #tpu.memory_space<hbm>>
        %dma_start3A_55 = arith.constant 9480 : i32
        %dma_start3A_56 = arith.constant 0 : i32
        %dma_start3A_57 = tpu.memref_slice %arg11[%dma_start3A_55, %dma_start3A_56] : memref<10128x128xf32, #tpu.memory_space<vmem_shared>> -> memref<520x128xf32, #tpu.memory_space<vmem_shared>>
        tpu.enqueue_dma source(%dma_start3A_57 : memref<520x128xf32, #tpu.memory_space<vmem_shared>>) target(%dma_start3A_54 : memref<520x128xf32, #tpu.memory_space<hbm>>) target_semaphore(%run_scoped3A : memref<!tpu.dma_semaphore, #tpu.memory_space<semaphore_mem>>)
        %dma_wait3A_58 = arith.constant 0 : i32
        %dma_wait3A_59 = arith.constant 0 : i32
        %dma_wait3A_60 = tpu.memref_slice %arg6[%arg0, %dma_wait3A_58, %dma_wait3A_59] : memref<2x10000x128xf32, #tpu.memory_space<hbm>> -> memref<1x10000x128xf32, #tpu.memory_space<hbm>>
        %dma_wait3A_61 = tpu.memref_squeeze %dma_wait3A_60 : memref<1x10000x128xf32, #tpu.memory_space<hbm>> -> memref<10000x128xf32, #tpu.memory_space<hbm>>
        %dma_wait3A_62 = arith.constant 9480 : i32
        %dma_wait3A_63 = arith.constant 0 : i32
        %dma_wait3A_64 = tpu.memref_slice %dma_wait3A_61[%dma_wait3A_62, %dma_wait3A_63] : memref<10000x128xf32, #tpu.memory_space<hbm>> -> memref<520x128xf32, #tpu.memory_space<hbm>>
        %dma_wait3A_65 = arith.constant 9480 : i32
        %dma_wait3A_66 = arith.constant 0 : i32
        %dma_wait3A_67 = tpu.memref_slice %arg11[%dma_wait3A_65, %dma_wait3A_66] : memref<10128x128xf32, #tpu.memory_space<vmem_shared>> -> memref<520x128xf32, #tpu.memory_space<vmem_shared>>
        tpu.wait_dma2 semaphore(%run_scoped3A : memref<!tpu.dma_semaphore, #tpu.memory_space<semaphore_mem>>) src(%dma_wait3A_67 : memref<520x128xf32, #tpu.memory_space<vmem_shared>>) dst(%dma_wait3A_64 : memref<520x128xf32, #tpu.memory_space<hbm>>)
        tpu.yield
      }) : () -> ()
    } else {
    }
    return
  }
}

#map = affine_map<(d0, d1) -> (0, 0)>
#map1 = affine_map<(d0, d1) -> (0, 0, 0)>
module attributes {stable_mosaic.version = 14 : i64} {
  func.func @_scatter_kernel(%arg0: i32, %arg1: i32, %arg2: memref<10000x128xf32, #tpu.memory_space<hbm>>, %arg3: memref<32x10000xi32, #tpu.memory_space<hbm>>, %arg4: memref<32x125x80xi32, #tpu.memory_space<hbm>>, %arg5: memref<10000x128xf32, #tpu.memory_space<hbm>>, %arg6: memref<2x10000x128xf32, #tpu.memory_space<hbm>>, %arg7: memref<10000xi32, #tpu.memory_space<vmem>>, %arg8: memref<125x80xi32, #tpu.memory_space<vmem>>, %arg9: memref<80x128xf32, #tpu.memory_space<vmem>>, %arg10: memref<80x128xf32, #tpu.memory_space<vmem>>, %arg11: memref<10128x128xf32, #tpu.memory_space<vmem_shared>>, %arg12: memref<!tpu.dma_semaphore, #tpu.memory_space<semaphore_mem>>, %arg13: memref<!tpu.dma_semaphore, #tpu.memory_space<semaphore_mem>>, %arg14: memref<!tpu.dma_semaphore, #tpu.memory_space<semaphore_mem>>, %arg15: memref<!tpu.dma_semaphore, #tpu.memory_space<semaphore_mem>>) attributes {dimension_semantics = [#tpu.dimension_semantics<core_parallel>, #tpu.dimension_semantics<subcore_parallel>], iteration_bounds = array<i64: 2, 16>, scalar_prefetch = 0 : i64, scratch_operands = 9 : i64, tpu.core_type = #tpu.core_type<sc_vector_subcore>, window_params = [{transform_indices = #map}, {transform_indices = #map}, {transform_indices = #map1}, {transform_indices = #map}, {transform_indices = #map1}]} {
    %mul3A = arith.constant 2 : i32
    %mul3A_0 = arith.muli %arg1, %mul3A : i32
    %add3A = arith.addi %mul3A_0, %arg0 : i32
    %mul3A_1 = arith.constant 632 : i32
    %mul3A_2 = arith.muli %arg1, %mul3A_1 : i32
    %lt3A = arith.constant 15 : i32
    %lt3A_3 = arith.cmpi slt, %arg1, %lt3A : i32
    %convert_element_type3A = arith.extui %lt3A_3 : i1 to i32
    %cond3A = arith.constant 0 : i32
    %cond3A_4 = arith.cmpi ne, %convert_element_type3A, %cond3A : i32
    scf.if %cond3A_4 {
      "tpu.region"() ({
        %run_scoped3A = tpu.sem_alloc : memref<!tpu.dma_semaphore, #tpu.memory_space<semaphore_mem>>
        %dma_start3A_48 = arith.constant 0 : i32
        %dma_start3A_49 = tpu.memref_slice %arg11[%mul3A_2, %dma_start3A_48] : memref<10128x128xf32, #tpu.memory_space<vmem_shared>> -> memref<632x128xf32, #tpu.memory_space<vmem_shared>>
        %dma_start3A_50 = arith.constant 0 : i32
        %dma_start3A_51 = tpu.memref_slice %arg5[%mul3A_2, %dma_start3A_50] : memref<10000x128xf32, #tpu.memory_space<hbm>> -> memref<632x128xf32, #tpu.memory_space<hbm>>
        tpu.enqueue_dma source(%dma_start3A_51 : memref<632x128xf32, #tpu.memory_space<hbm>>) target(%dma_start3A_49 : memref<632x128xf32, #tpu.memory_space<vmem_shared>>) target_semaphore(%run_scoped3A : memref<!tpu.dma_semaphore, #tpu.memory_space<semaphore_mem>>)
        %dma_wait3A_52 = arith.constant 0 : i32
        %dma_wait3A_53 = tpu.memref_slice %arg11[%mul3A_2, %dma_wait3A_52] : memref<10128x128xf32, #tpu.memory_space<vmem_shared>> -> memref<632x128xf32, #tpu.memory_space<vmem_shared>>
        %dma_wait3A_54 = arith.constant 0 : i32
        %dma_wait3A_55 = tpu.memref_slice %arg5[%mul3A_2, %dma_wait3A_54] : memref<10000x128xf32, #tpu.memory_space<hbm>> -> memref<632x128xf32, #tpu.memory_space<hbm>>
        tpu.wait_dma2 semaphore(%run_scoped3A : memref<!tpu.dma_semaphore, #tpu.memory_space<semaphore_mem>>) src(%dma_wait3A_55 : memref<632x128xf32, #tpu.memory_space<hbm>>) dst(%dma_wait3A_53 : memref<632x128xf32, #tpu.memory_space<vmem_shared>>)
        tpu.yield
      }) : () -> ()
    } else {
    }
    %eq3A = arith.constant 15 : i32
    %eq3A_5 = arith.cmpi eq, %arg1, %eq3A : i32
    %convert_element_type3A_6 = arith.extui %eq3A_5 : i1 to i32
    %cond3A_7 = arith.constant 0 : i32
    %cond3A_8 = arith.cmpi ne, %convert_element_type3A_6, %cond3A_7 : i32
    scf.if %cond3A_8 {
      "tpu.region"() ({
        %run_scoped3A = tpu.sem_alloc : memref<!tpu.dma_semaphore, #tpu.memory_space<semaphore_mem>>
        %dma_start3A_48 = arith.constant 9480 : i32
        %dma_start3A_49 = arith.constant 0 : i32
        %dma_start3A_50 = tpu.memref_slice %arg11[%dma_start3A_48, %dma_start3A_49] : memref<10128x128xf32, #tpu.memory_space<vmem_shared>> -> memref<520x128xf32, #tpu.memory_space<vmem_shared>>
        %dma_start3A_51 = arith.constant 9480 : i32
        %dma_start3A_52 = arith.constant 0 : i32
        %dma_start3A_53 = tpu.memref_slice %arg5[%dma_start3A_51, %dma_start3A_52] : memref<10000x128xf32, #tpu.memory_space<hbm>> -> memref<520x128xf32, #tpu.memory_space<hbm>>
        tpu.enqueue_dma source(%dma_start3A_53 : memref<520x128xf32, #tpu.memory_space<hbm>>) target(%dma_start3A_50 : memref<520x128xf32, #tpu.memory_space<vmem_shared>>) target_semaphore(%run_scoped3A : memref<!tpu.dma_semaphore, #tpu.memory_space<semaphore_mem>>)
        %dma_wait3A_54 = arith.constant 9480 : i32
        %dma_wait3A_55 = arith.constant 0 : i32
        %dma_wait3A_56 = tpu.memref_slice %arg11[%dma_wait3A_54, %dma_wait3A_55] : memref<10128x128xf32, #tpu.memory_space<vmem_shared>> -> memref<520x128xf32, #tpu.memory_space<vmem_shared>>
        %dma_wait3A_57 = arith.constant 9480 : i32
        %dma_wait3A_58 = arith.constant 0 : i32
        %dma_wait3A_59 = tpu.memref_slice %arg5[%dma_wait3A_57, %dma_wait3A_58] : memref<10000x128xf32, #tpu.memory_space<hbm>> -> memref<520x128xf32, #tpu.memory_space<hbm>>
        tpu.wait_dma2 semaphore(%run_scoped3A : memref<!tpu.dma_semaphore, #tpu.memory_space<semaphore_mem>>) src(%dma_wait3A_59 : memref<520x128xf32, #tpu.memory_space<hbm>>) dst(%dma_wait3A_56 : memref<520x128xf32, #tpu.memory_space<vmem_shared>>)
        tpu.yield
      }) : () -> ()
    } else {
    }
    "tpu.region"() ({
      %run_scoped3A = tpu.sem_alloc : memref<!tpu.dma_semaphore, #tpu.memory_space<semaphore_mem>>
      %dma_start3A_48 = arith.constant 0 : i32
      %dma_start3A_49 = tpu.memref_slice %arg3[%add3A, %dma_start3A_48] : memref<32x10000xi32, #tpu.memory_space<hbm>> -> memref<1x10000xi32, #tpu.memory_space<hbm>>
      %dma_start3A_50 = tpu.memref_squeeze %dma_start3A_49 : memref<1x10000xi32, #tpu.memory_space<hbm>> -> memref<10000xi32, #tpu.memory_space<hbm>>
      %dma_start3A_51 = arith.constant 0 : i32
      %dma_start3A_52 = tpu.memref_slice %arg3[%add3A, %dma_start3A_51] : memref<32x10000xi32, #tpu.memory_space<hbm>> -> memref<1x10000xi32, #tpu.memory_space<hbm>>
      %dma_start3A_53 = tpu.memref_squeeze %dma_start3A_52 : memref<1x10000xi32, #tpu.memory_space<hbm>> -> memref<10000xi32, #tpu.memory_space<hbm>>
      tpu.enqueue_dma source(%dma_start3A_53 : memref<10000xi32, #tpu.memory_space<hbm>>) target(%arg7 : memref<10000xi32, #tpu.memory_space<vmem>>) target_semaphore(%run_scoped3A : memref<!tpu.dma_semaphore, #tpu.memory_space<semaphore_mem>>)
      %dma_wait3A_54 = arith.constant 0 : i32
      %dma_wait3A_55 = tpu.memref_slice %arg3[%add3A, %dma_wait3A_54] : memref<32x10000xi32, #tpu.memory_space<hbm>> -> memref<1x10000xi32, #tpu.memory_space<hbm>>
      %dma_wait3A_56 = tpu.memref_squeeze %dma_wait3A_55 : memref<1x10000xi32, #tpu.memory_space<hbm>> -> memref<10000xi32, #tpu.memory_space<hbm>>
      %dma_wait3A_57 = arith.constant 0 : i32
      %dma_wait3A_58 = tpu.memref_slice %arg3[%add3A, %dma_wait3A_57] : memref<32x10000xi32, #tpu.memory_space<hbm>> -> memref<1x10000xi32, #tpu.memory_space<hbm>>
      %dma_wait3A_59 = tpu.memref_squeeze %dma_wait3A_58 : memref<1x10000xi32, #tpu.memory_space<hbm>> -> memref<10000xi32, #tpu.memory_space<hbm>>
      tpu.wait_dma2 semaphore(%run_scoped3A : memref<!tpu.dma_semaphore, #tpu.memory_space<semaphore_mem>>) src(%dma_wait3A_59 : memref<10000xi32, #tpu.memory_space<hbm>>) dst(%arg7 : memref<10000xi32, #tpu.memory_space<vmem>>)
      tpu.yield
    }) : () -> ()
    "tpu.region"() ({
      %run_scoped3A = tpu.sem_alloc : memref<!tpu.dma_semaphore, #tpu.memory_space<semaphore_mem>>
      %dma_start3A_48 = arith.constant 0 : i32
      %dma_start3A_49 = arith.constant 0 : i32
      %dma_start3A_50 = tpu.memref_slice %arg4[%add3A, %dma_start3A_48, %dma_start3A_49] : memref<32x125x80xi32, #tpu.memory_space<hbm>> -> memref<1x125x80xi32, #tpu.memory_space<hbm>>
      %dma_start3A_51 = tpu.memref_squeeze %dma_start3A_50 : memref<1x125x80xi32, #tpu.memory_space<hbm>> -> memref<125x80xi32, #tpu.memory_space<hbm>>
      %dma_start3A_52 = arith.constant 0 : i32
      %dma_start3A_53 = arith.constant 0 : i32
      %dma_start3A_54 = tpu.memref_slice %arg4[%add3A, %dma_start3A_52, %dma_start3A_53] : memref<32x125x80xi32, #tpu.memory_space<hbm>> -> memref<1x125x80xi32, #tpu.memory_space<hbm>>
      %dma_start3A_55 = tpu.memref_squeeze %dma_start3A_54 : memref<1x125x80xi32, #tpu.memory_space<hbm>> -> memref<125x80xi32, #tpu.memory_space<hbm>>
      tpu.enqueue_dma source(%dma_start3A_55 : memref<125x80xi32, #tpu.memory_space<hbm>>) target(%arg8 : memref<125x80xi32, #tpu.memory_space<vmem>>) target_semaphore(%run_scoped3A : memref<!tpu.dma_semaphore, #tpu.memory_space<semaphore_mem>>)
      %dma_wait3A_56 = arith.constant 0 : i32
      %dma_wait3A_57 = arith.constant 0 : i32
      %dma_wait3A_58 = tpu.memref_slice %arg4[%add3A, %dma_wait3A_56, %dma_wait3A_57] : memref<32x125x80xi32, #tpu.memory_space<hbm>> -> memref<1x125x80xi32, #tpu.memory_space<hbm>>
      %dma_wait3A_59 = tpu.memref_squeeze %dma_wait3A_58 : memref<1x125x80xi32, #tpu.memory_space<hbm>> -> memref<125x80xi32, #tpu.memory_space<hbm>>
      %dma_wait3A_60 = arith.constant 0 : i32
      %dma_wait3A_61 = arith.constant 0 : i32
      %dma_wait3A_62 = tpu.memref_slice %arg4[%add3A, %dma_wait3A_60, %dma_wait3A_61] : memref<32x125x80xi32, #tpu.memory_space<hbm>> -> memref<1x125x80xi32, #tpu.memory_space<hbm>>
      %dma_wait3A_63 = tpu.memref_squeeze %dma_wait3A_62 : memref<1x125x80xi32, #tpu.memory_space<hbm>> -> memref<125x80xi32, #tpu.memory_space<hbm>>
      tpu.wait_dma2 semaphore(%run_scoped3A : memref<!tpu.dma_semaphore, #tpu.memory_space<semaphore_mem>>) src(%dma_wait3A_63 : memref<125x80xi32, #tpu.memory_space<hbm>>) dst(%arg8 : memref<125x80xi32, #tpu.memory_space<vmem>>)
      tpu.yield
    }) : () -> ()
    %barrier3A = arith.constant 0 : index
    tpu.barrier barrier_id(%barrier3A)
    %dma_start3A = arith.constant 0 : i32
    %dma_start3A_9 = tpu.memref_slice %arg7[%dma_start3A] : memref<10000xi32, #tpu.memory_space<vmem>> -> memref<80xi32, #tpu.memory_space<vmem>>
    %dma_start3A_10 = arith.constant 0 : i32
    %dma_start3A_11 = arith.constant 0 : i32
    %dma_start3A_12 = tpu.memref_slice %arg2[%dma_start3A_10, %dma_start3A_11] : memref<10000x128xf32, #tpu.memory_space<hbm>> -> memref<10000x128xf32, #tpu.memory_space<hbm>>
    tpu.enqueue_indirect_dma source(%dma_start3A_12 : memref<10000x128xf32, #tpu.memory_space<hbm>>) target(%arg9 : memref<80x128xf32, #tpu.memory_space<vmem>>) offsets(%dma_start3A_9 : memref<80xi32, #tpu.memory_space<vmem>>) semaphore(%arg12 : memref<!tpu.dma_semaphore, #tpu.memory_space<semaphore_mem>>)
    %scan3A = arith.constant 0 : i32
    %scan3A_13 = arith.constant 0 : i32
    %scan3A_14 = arith.constant 62 : i32
    %scan3A_15 = arith.addi %scan3A_13, %scan3A_14 : i32
    %scan3A_16 = arith.constant 1 : i32
    %scan3A_17 = scf.for %scan3A_48 = %scan3A_13 to %scan3A_15 step %scan3A_16 iter_args(%scan3A_49 = %scan3A) -> (i32)  : i32 {
      %mul3A_50 = arith.constant 2 : i32
      %mul3A_51 = arith.muli %mul3A_50, %scan3A_48 : i32
      %add3A_52 = arith.constant 1 : i32
      %add3A_53 = arith.addi %mul3A_51, %add3A_52 : i32
      %mul3A_54 = arith.constant 80 : i32
      %mul3A_55 = arith.muli %mul3A_51, %mul3A_54 : i32
      %dma_wait3A_56 = tpu.memref_slice %arg7[%mul3A_55] : memref<10000xi32, #tpu.memory_space<vmem>> -> memref<80xi32, #tpu.memory_space<vmem>>
      %dma_wait3A_57 = arith.constant 0 : i32
      %dma_wait3A_58 = arith.constant 0 : i32
      %dma_wait3A_59 = tpu.memref_slice %arg2[%dma_wait3A_57, %dma_wait3A_58] : memref<10000x128xf32, #tpu.memory_space<hbm>> -> memref<10000x128xf32, #tpu.memory_space<hbm>>
      tpu.wait_indirect_dma semaphore(%arg12 : memref<!tpu.dma_semaphore, #tpu.memory_space<semaphore_mem>>) src(%dma_wait3A_59 : memref<10000x128xf32, #tpu.memory_space<hbm>>) dst(%arg9 : memref<80x128xf32, #tpu.memory_space<vmem>>)
      %dma_start3A_60 = arith.constant 0 : i32
      %dma_start3A_61 = tpu.memref_slice %arg8[%mul3A_51, %dma_start3A_60] : memref<125x80xi32, #tpu.memory_space<vmem>> -> memref<1x80xi32, #tpu.memory_space<vmem>>
      %dma_start3A_62 = tpu.memref_squeeze %dma_start3A_61 : memref<1x80xi32, #tpu.memory_space<vmem>> -> memref<80xi32, #tpu.memory_space<vmem>>
      %dma_start3A_63 = arith.constant 0 : i32
      %dma_start3A_64 = arith.constant 0 : i32
      %dma_start3A_65 = tpu.memref_slice %arg11[%dma_start3A_63, %dma_start3A_64] : memref<10128x128xf32, #tpu.memory_space<vmem_shared>> -> memref<10128x128xf32, #tpu.memory_space<vmem_shared>>
      tpu.enqueue_indirect_dma source(%arg9 : memref<80x128xf32, #tpu.memory_space<vmem>>) target(%dma_start3A_65 : memref<10128x128xf32, #tpu.memory_space<vmem_shared>>) offsets(%dma_start3A_62 : memref<80xi32, #tpu.memory_space<vmem>>) semaphore(%arg14 : memref<!tpu.dma_semaphore, #tpu.memory_space<semaphore_mem>>) {add = true}
      %mul3A_66 = arith.constant 80 : i32
      %mul3A_67 = arith.muli %add3A_53, %mul3A_66 : i32
      %dma_start3A_68 = tpu.memref_slice %arg7[%mul3A_67] : memref<10000xi32, #tpu.memory_space<vmem>> -> memref<80xi32, #tpu.memory_space<vmem>>
      %dma_start3A_69 = arith.constant 0 : i32
      %dma_start3A_70 = arith.constant 0 : i32
      %dma_start3A_71 = tpu.memref_slice %arg2[%dma_start3A_69, %dma_start3A_70] : memref<10000x128xf32, #tpu.memory_space<hbm>> -> memref<10000x128xf32, #tpu.memory_space<hbm>>
      tpu.enqueue_indirect_dma source(%dma_start3A_71 : memref<10000x128xf32, #tpu.memory_space<hbm>>) target(%arg10 : memref<80x128xf32, #tpu.memory_space<vmem>>) offsets(%dma_start3A_68 : memref<80xi32, #tpu.memory_space<vmem>>) semaphore(%arg13 : memref<!tpu.dma_semaphore, #tpu.memory_space<semaphore_mem>>)
      %dma_wait3A_72 = arith.constant 0 : i32
      %dma_wait3A_73 = tpu.memref_slice %arg8[%mul3A_51, %dma_wait3A_72] : memref<125x80xi32, #tpu.memory_space<vmem>> -> memref<1x80xi32, #tpu.memory_space<vmem>>
      %dma_wait3A_74 = tpu.memref_squeeze %dma_wait3A_73 : memref<1x80xi32, #tpu.memory_space<vmem>> -> memref<80xi32, #tpu.memory_space<vmem>>
      %dma_wait3A_75 = arith.constant 0 : i32
      %dma_wait3A_76 = arith.constant 0 : i32
      %dma_wait3A_77 = tpu.memref_slice %arg11[%dma_wait3A_75, %dma_wait3A_76] : memref<10128x128xf32, #tpu.memory_space<vmem_shared>> -> memref<10128x128xf32, #tpu.memory_space<vmem_shared>>
      tpu.wait_indirect_dma semaphore(%arg14 : memref<!tpu.dma_semaphore, #tpu.memory_space<semaphore_mem>>) src(%arg9 : memref<80x128xf32, #tpu.memory_space<vmem>>) dst(%dma_wait3A_77 : memref<10128x128xf32, #tpu.memory_space<vmem_shared>>)
      %mul3A_78 = arith.constant 80 : i32
      %mul3A_79 = arith.muli %add3A_53, %mul3A_78 : i32
      %dma_wait3A_80 = tpu.memref_slice %arg7[%mul3A_79] : memref<10000xi32, #tpu.memory_space<vmem>> -> memref<80xi32, #tpu.memory_space<vmem>>
      %dma_wait3A_81 = arith.constant 0 : i32
      %dma_wait3A_82 = arith.constant 0 : i32
      %dma_wait3A_83 = tpu.memref_slice %arg2[%dma_wait3A_81, %dma_wait3A_82] : memref<10000x128xf32, #tpu.memory_space<hbm>> -> memref<10000x128xf32, #tpu.memory_space<hbm>>
      tpu.wait_indirect_dma semaphore(%arg13 : memref<!tpu.dma_semaphore, #tpu.memory_space<semaphore_mem>>) src(%dma_wait3A_83 : memref<10000x128xf32, #tpu.memory_space<hbm>>) dst(%arg10 : memref<80x128xf32, #tpu.memory_space<vmem>>)
      %dma_start3A_84 = arith.constant 0 : i32
      %dma_start3A_85 = tpu.memref_slice %arg8[%add3A_53, %dma_start3A_84] : memref<125x80xi32, #tpu.memory_space<vmem>> -> memref<1x80xi32, #tpu.memory_space<vmem>>
      %dma_start3A_86 = tpu.memref_squeeze %dma_start3A_85 : memref<1x80xi32, #tpu.memory_space<vmem>> -> memref<80xi32, #tpu.memory_space<vmem>>
      %dma_start3A_87 = arith.constant 0 : i32
      %dma_start3A_88 = arith.constant 0 : i32
      %dma_start3A_89 = tpu.memref_slice %arg11[%dma_start3A_87, %dma_start3A_88] : memref<10128x128xf32, #tpu.memory_space<vmem_shared>> -> memref<10128x128xf32, #tpu.memory_space<vmem_shared>>
      tpu.enqueue_indirect_dma source(%arg10 : memref<80x128xf32, #tpu.memory_space<vmem>>) target(%dma_start3A_89 : memref<10128x128xf32, #tpu.memory_space<vmem_shared>>) offsets(%dma_start3A_86 : memref<80xi32, #tpu.memory_space<vmem>>) semaphore(%arg15 : memref<!tpu.dma_semaphore, #tpu.memory_space<semaphore_mem>>) {add = true}
      %add3A_90 = arith.constant 2 : i32
      %add3A_91 = arith.addi %mul3A_51, %add3A_90 : i32
      %mul3A_92 = arith.constant 80 : i32
      %mul3A_93 = arith.muli %add3A_91, %mul3A_92 : i32
      %dma_start3A_94 = tpu.memref_slice %arg7[%mul3A_93] : memref<10000xi32, #tpu.memory_space<vmem>> -> memref<80xi32, #tpu.memory_space<vmem>>
      %dma_start3A_95 = arith.constant 0 : i32
      %dma_start3A_96 = arith.constant 0 : i32
      %dma_start3A_97 = tpu.memref_slice %arg2[%dma_start3A_95, %dma_start3A_96] : memref<10000x128xf32, #tpu.memory_space<hbm>> -> memref<10000x128xf32, #tpu.memory_space<hbm>>
      tpu.enqueue_indirect_dma source(%dma_start3A_97 : memref<10000x128xf32, #tpu.memory_space<hbm>>) target(%arg9 : memref<80x128xf32, #tpu.memory_space<vmem>>) offsets(%dma_start3A_94 : memref<80xi32, #tpu.memory_space<vmem>>) semaphore(%arg12 : memref<!tpu.dma_semaphore, #tpu.memory_space<semaphore_mem>>)
      %dma_wait3A_98 = arith.constant 0 : i32
      %dma_wait3A_99 = tpu.memref_slice %arg8[%add3A_53, %dma_wait3A_98] : memref<125x80xi32, #tpu.memory_space<vmem>> -> memref<1x80xi32, #tpu.memory_space<vmem>>
      %dma_wait3A_100 = tpu.memref_squeeze %dma_wait3A_99 : memref<1x80xi32, #tpu.memory_space<vmem>> -> memref<80xi32, #tpu.memory_space<vmem>>
      %dma_wait3A_101 = arith.constant 0 : i32
      %dma_wait3A_102 = arith.constant 0 : i32
      %dma_wait3A_103 = tpu.memref_slice %arg11[%dma_wait3A_101, %dma_wait3A_102] : memref<10128x128xf32, #tpu.memory_space<vmem_shared>> -> memref<10128x128xf32, #tpu.memory_space<vmem_shared>>
      tpu.wait_indirect_dma semaphore(%arg15 : memref<!tpu.dma_semaphore, #tpu.memory_space<semaphore_mem>>) src(%arg10 : memref<80x128xf32, #tpu.memory_space<vmem>>) dst(%dma_wait3A_103 : memref<10128x128xf32, #tpu.memory_space<vmem_shared>>)
      %scan3A_104 = arith.constant 0 : i32
      scf.yield %scan3A_104 : i32
    }
    %scan3A_18 = arith.constant 62 : i32
    %dma_wait3A = arith.constant 9920 : i32
    %dma_wait3A_19 = tpu.memref_slice %arg7[%dma_wait3A] : memref<10000xi32, #tpu.memory_space<vmem>> -> memref<80xi32, #tpu.memory_space<vmem>>
    %dma_wait3A_20 = arith.constant 0 : i32
    %dma_wait3A_21 = arith.constant 0 : i32
    %dma_wait3A_22 = tpu.memref_slice %arg2[%dma_wait3A_20, %dma_wait3A_21] : memref<10000x128xf32, #tpu.memory_space<hbm>> -> memref<10000x128xf32, #tpu.memory_space<hbm>>
    tpu.wait_indirect_dma semaphore(%arg12 : memref<!tpu.dma_semaphore, #tpu.memory_space<semaphore_mem>>) src(%dma_wait3A_22 : memref<10000x128xf32, #tpu.memory_space<hbm>>) dst(%arg9 : memref<80x128xf32, #tpu.memory_space<vmem>>)
    %dma_start3A_23 = arith.constant 124 : i32
    %dma_start3A_24 = arith.constant 0 : i32
    %dma_start3A_25 = tpu.memref_slice %arg8[%dma_start3A_23, %dma_start3A_24] : memref<125x80xi32, #tpu.memory_space<vmem>> -> memref<1x80xi32, #tpu.memory_space<vmem>>
    %dma_start3A_26 = tpu.memref_squeeze %dma_start3A_25 : memref<1x80xi32, #tpu.memory_space<vmem>> -> memref<80xi32, #tpu.memory_space<vmem>>
    %dma_start3A_27 = arith.constant 0 : i32
    %dma_start3A_28 = arith.constant 0 : i32
    %dma_start3A_29 = tpu.memref_slice %arg11[%dma_start3A_27, %dma_start3A_28] : memref<10128x128xf32, #tpu.memory_space<vmem_shared>> -> memref<10128x128xf32, #tpu.memory_space<vmem_shared>>
    tpu.enqueue_indirect_dma source(%arg9 : memref<80x128xf32, #tpu.memory_space<vmem>>) target(%dma_start3A_29 : memref<10128x128xf32, #tpu.memory_space<vmem_shared>>) offsets(%dma_start3A_26 : memref<80xi32, #tpu.memory_space<vmem>>) semaphore(%arg14 : memref<!tpu.dma_semaphore, #tpu.memory_space<semaphore_mem>>) {add = true}
    %dma_wait3A_30 = arith.constant 124 : i32
    %dma_wait3A_31 = arith.constant 0 : i32
    %dma_wait3A_32 = tpu.memref_slice %arg8[%dma_wait3A_30, %dma_wait3A_31] : memref<125x80xi32, #tpu.memory_space<vmem>> -> memref<1x80xi32, #tpu.memory_space<vmem>>
    %dma_wait3A_33 = tpu.memref_squeeze %dma_wait3A_32 : memref<1x80xi32, #tpu.memory_space<vmem>> -> memref<80xi32, #tpu.memory_space<vmem>>
    %dma_wait3A_34 = arith.constant 0 : i32
    %dma_wait3A_35 = arith.constant 0 : i32
    %dma_wait3A_36 = tpu.memref_slice %arg11[%dma_wait3A_34, %dma_wait3A_35] : memref<10128x128xf32, #tpu.memory_space<vmem_shared>> -> memref<10128x128xf32, #tpu.memory_space<vmem_shared>>
    tpu.wait_indirect_dma semaphore(%arg14 : memref<!tpu.dma_semaphore, #tpu.memory_space<semaphore_mem>>) src(%arg9 : memref<80x128xf32, #tpu.memory_space<vmem>>) dst(%dma_wait3A_36 : memref<10128x128xf32, #tpu.memory_space<vmem_shared>>)
    %barrier3A_37 = arith.constant 0 : index
    tpu.barrier barrier_id(%barrier3A_37)
    %lt3A_38 = arith.constant 15 : i32
    %lt3A_39 = arith.cmpi slt, %arg1, %lt3A_38 : i32
    %convert_element_type3A_40 = arith.extui %lt3A_39 : i1 to i32
    %cond3A_41 = arith.constant 0 : i32
    %cond3A_42 = arith.cmpi ne, %convert_element_type3A_40, %cond3A_41 : i32
    scf.if %cond3A_42 {
      "tpu.region"() ({
        %run_scoped3A = tpu.sem_alloc : memref<!tpu.dma_semaphore, #tpu.memory_space<semaphore_mem>>
        %dma_start3A_48 = arith.constant 0 : i32
        %dma_start3A_49 = arith.constant 0 : i32
        %dma_start3A_50 = tpu.memref_slice %arg6[%arg0, %dma_start3A_48, %dma_start3A_49] : memref<2x10000x128xf32, #tpu.memory_space<hbm>> -> memref<1x10000x128xf32, #tpu.memory_space<hbm>>
        %dma_start3A_51 = tpu.memref_squeeze %dma_start3A_50 : memref<1x10000x128xf32, #tpu.memory_space<hbm>> -> memref<10000x128xf32, #tpu.memory_space<hbm>>
        %dma_start3A_52 = arith.constant 0 : i32
        %dma_start3A_53 = tpu.memref_slice %dma_start3A_51[%mul3A_2, %dma_start3A_52] : memref<10000x128xf32, #tpu.memory_space<hbm>> -> memref<632x128xf32, #tpu.memory_space<hbm>>
        %dma_start3A_54 = arith.constant 0 : i32
        %dma_start3A_55 = tpu.memref_slice %arg11[%mul3A_2, %dma_start3A_54] : memref<10128x128xf32, #tpu.memory_space<vmem_shared>> -> memref<632x128xf32, #tpu.memory_space<vmem_shared>>
        tpu.enqueue_dma source(%dma_start3A_55 : memref<632x128xf32, #tpu.memory_space<vmem_shared>>) target(%dma_start3A_53 : memref<632x128xf32, #tpu.memory_space<hbm>>) target_semaphore(%run_scoped3A : memref<!tpu.dma_semaphore, #tpu.memory_space<semaphore_mem>>)
        %dma_wait3A_56 = arith.constant 0 : i32
        %dma_wait3A_57 = arith.constant 0 : i32
        %dma_wait3A_58 = tpu.memref_slice %arg6[%arg0, %dma_wait3A_56, %dma_wait3A_57] : memref<2x10000x128xf32, #tpu.memory_space<hbm>> -> memref<1x10000x128xf32, #tpu.memory_space<hbm>>
        %dma_wait3A_59 = tpu.memref_squeeze %dma_wait3A_58 : memref<1x10000x128xf32, #tpu.memory_space<hbm>> -> memref<10000x128xf32, #tpu.memory_space<hbm>>
        %dma_wait3A_60 = arith.constant 0 : i32
        %dma_wait3A_61 = tpu.memref_slice %dma_wait3A_59[%mul3A_2, %dma_wait3A_60] : memref<10000x128xf32, #tpu.memory_space<hbm>> -> memref<632x128xf32, #tpu.memory_space<hbm>>
        %dma_wait3A_62 = arith.constant 0 : i32
        %dma_wait3A_63 = tpu.memref_slice %arg11[%mul3A_2, %dma_wait3A_62] : memref<10128x128xf32, #tpu.memory_space<vmem_shared>> -> memref<632x128xf32, #tpu.memory_space<vmem_shared>>
        tpu.wait_dma2 semaphore(%run_scoped3A : memref<!tpu.dma_semaphore, #tpu.memory_space<semaphore_mem>>) src(%dma_wait3A_63 : memref<632x128xf32, #tpu.memory_space<vmem_shared>>) dst(%dma_wait3A_61 : memref<632x128xf32, #tpu.memory_space<hbm>>)
        tpu.yield
      }) : () -> ()
    } else {
    }
    %eq3A_43 = arith.constant 15 : i32
    %eq3A_44 = arith.cmpi eq, %arg1, %eq3A_43 : i32
    %convert_element_type3A_45 = arith.extui %eq3A_44 : i1 to i32
    %cond3A_46 = arith.constant 0 : i32
    %cond3A_47 = arith.cmpi ne, %convert_element_type3A_45, %cond3A_46 : i32
    scf.if %cond3A_47 {
      "tpu.region"() ({
        %run_scoped3A = tpu.sem_alloc : memref<!tpu.dma_semaphore, #tpu.memory_space<semaphore_mem>>
        %dma_start3A_48 = arith.constant 0 : i32
        %dma_start3A_49 = arith.constant 0 : i32
        %dma_start3A_50 = tpu.memref_slice %arg6[%arg0, %dma_start3A_48, %dma_start3A_49] : memref<2x10000x128xf32, #tpu.memory_space<hbm>> -> memref<1x10000x128xf32, #tpu.memory_space<hbm>>
        %dma_start3A_51 = tpu.memref_squeeze %dma_start3A_50 : memref<1x10000x128xf32, #tpu.memory_space<hbm>> -> memref<10000x128xf32, #tpu.memory_space<hbm>>
        %dma_start3A_52 = arith.constant 9480 : i32
        %dma_start3A_53 = arith.constant 0 : i32
        %dma_start3A_54 = tpu.memref_slice %dma_start3A_51[%dma_start3A_52, %dma_start3A_53] : memref<10000x128xf32, #tpu.memory_space<hbm>> -> memref<520x128xf32, #tpu.memory_space<hbm>>
        %dma_start3A_55 = arith.constant 9480 : i32
        %dma_start3A_56 = arith.constant 0 : i32
        %dma_start3A_57 = tpu.memref_slice %arg11[%dma_start3A_55, %dma_start3A_56] : memref<10128x128xf32, #tpu.memory_space<vmem_shared>> -> memref<520x128xf32, #tpu.memory_space<vmem_shared>>
        tpu.enqueue_dma source(%dma_start3A_57 : memref<520x128xf32, #tpu.memory_space<vmem_shared>>) target(%dma_start3A_54 : memref<520x128xf32, #tpu.memory_space<hbm>>) target_semaphore(%run_scoped3A : memref<!tpu.dma_semaphore, #tpu.memory_space<semaphore_mem>>)
        %dma_wait3A_58 = arith.constant 0 : i32
        %dma_wait3A_59 = arith.constant 0 : i32
        %dma_wait3A_60 = tpu.memref_slice %arg6[%arg0, %dma_wait3A_58, %dma_wait3A_59] : memref<2x10000x128xf32, #tpu.memory_space<hbm>> -> memref<1x10000x128xf32, #tpu.memory_space<hbm>>
        %dma_wait3A_61 = tpu.memref_squeeze %dma_wait3A_60 : memref<1x10000x128xf32, #tpu.memory_space<hbm>> -> memref<10000x128xf32, #tpu.memory_space<hbm>>
        %dma_wait3A_62 = arith.constant 9480 : i32
        %dma_wait3A_63 = arith.constant 0 : i32
        %dma_wait3A_64 = tpu.memref_slice %dma_wait3A_61[%dma_wait3A_62, %dma_wait3A_63] : memref<10000x128xf32, #tpu.memory_space<hbm>> -> memref<520x128xf32, #tpu.memory_space<hbm>>
        %dma_wait3A_65 = arith.constant 9480 : i32
        %dma_wait3A_66 = arith.constant 0 : i32
        %dma_wait3A_67 = tpu.memref_slice %arg11[%dma_wait3A_65, %dma_wait3A_66] : memref<10128x128xf32, #tpu.memory_space<vmem_shared>> -> memref<520x128xf32, #tpu.memory_space<vmem_shared>>
        tpu.wait_dma2 semaphore(%run_scoped3A : memref<!tpu.dma_semaphore, #tpu.memory_space<semaphore_mem>>) src(%dma_wait3A_67 : memref<520x128xf32, #tpu.memory_space<vmem_shared>>) dst(%dma_wait3A_64 : memref<520x128xf32, #tpu.memory_space<hbm>>)
        tpu.yield
      }) : () -> ()
    } else {
    }
    return
  }
}

#map = affine_map<(d0, d1) -> (0, 0)>
#map1 = affine_map<(d0, d1) -> (0, 0, 0)>
module attributes {stable_mosaic.version = 14 : i64} {
  func.func @_scatter_kernel(%arg0: i32, %arg1: i32, %arg2: memref<10000x128xf32, #tpu.memory_space<hbm>>, %arg3: memref<32x10000xi32, #tpu.memory_space<hbm>>, %arg4: memref<32x125x80xi32, #tpu.memory_space<hbm>>, %arg5: memref<10000x128xf32, #tpu.memory_space<hbm>>, %arg6: memref<2x10000x128xf32, #tpu.memory_space<hbm>>, %arg7: memref<10000xi32, #tpu.memory_space<vmem>>, %arg8: memref<125x80xi32, #tpu.memory_space<vmem>>, %arg9: memref<80x128xf32, #tpu.memory_space<vmem>>, %arg10: memref<80x128xf32, #tpu.memory_space<vmem>>, %arg11: memref<10128x128xf32, #tpu.memory_space<vmem_shared>>, %arg12: memref<!tpu.dma_semaphore, #tpu.memory_space<semaphore_mem>>, %arg13: memref<!tpu.dma_semaphore, #tpu.memory_space<semaphore_mem>>, %arg14: memref<!tpu.dma_semaphore, #tpu.memory_space<semaphore_mem>>, %arg15: memref<!tpu.dma_semaphore, #tpu.memory_space<semaphore_mem>>) attributes {dimension_semantics = [#tpu.dimension_semantics<core_parallel>, #tpu.dimension_semantics<subcore_parallel>], iteration_bounds = array<i64: 2, 16>, scalar_prefetch = 0 : i64, scratch_operands = 9 : i64, tpu.core_type = #tpu.core_type<sc_vector_subcore>, window_params = [{transform_indices = #map}, {transform_indices = #map}, {transform_indices = #map1}, {transform_indices = #map}, {transform_indices = #map1}]} {
    %mul3A = arith.constant 2 : i32
    %mul3A_0 = arith.muli %arg1, %mul3A : i32
    %add3A = arith.addi %mul3A_0, %arg0 : i32
    %mul3A_1 = arith.constant 632 : i32
    %mul3A_2 = arith.muli %arg1, %mul3A_1 : i32
    %lt3A = arith.constant 15 : i32
    %lt3A_3 = arith.cmpi slt, %arg1, %lt3A : i32
    %convert_element_type3A = arith.extui %lt3A_3 : i1 to i32
    %cond3A = arith.constant 0 : i32
    %cond3A_4 = arith.cmpi ne, %convert_element_type3A, %cond3A : i32
    scf.if %cond3A_4 {
      "tpu.region"() ({
        %run_scoped3A = tpu.sem_alloc : memref<!tpu.dma_semaphore, #tpu.memory_space<semaphore_mem>>
        %dma_start3A_48 = arith.constant 0 : i32
        %dma_start3A_49 = tpu.memref_slice %arg11[%mul3A_2, %dma_start3A_48] : memref<10128x128xf32, #tpu.memory_space<vmem_shared>> -> memref<632x128xf32, #tpu.memory_space<vmem_shared>>
        %dma_start3A_50 = arith.constant 0 : i32
        %dma_start3A_51 = tpu.memref_slice %arg5[%mul3A_2, %dma_start3A_50] : memref<10000x128xf32, #tpu.memory_space<hbm>> -> memref<632x128xf32, #tpu.memory_space<hbm>>
        tpu.enqueue_dma source(%dma_start3A_51 : memref<632x128xf32, #tpu.memory_space<hbm>>) target(%dma_start3A_49 : memref<632x128xf32, #tpu.memory_space<vmem_shared>>) target_semaphore(%run_scoped3A : memref<!tpu.dma_semaphore, #tpu.memory_space<semaphore_mem>>)
        %dma_wait3A_52 = arith.constant 0 : i32
        %dma_wait3A_53 = tpu.memref_slice %arg11[%mul3A_2, %dma_wait3A_52] : memref<10128x128xf32, #tpu.memory_space<vmem_shared>> -> memref<632x128xf32, #tpu.memory_space<vmem_shared>>
        %dma_wait3A_54 = arith.constant 0 : i32
        %dma_wait3A_55 = tpu.memref_slice %arg5[%mul3A_2, %dma_wait3A_54] : memref<10000x128xf32, #tpu.memory_space<hbm>> -> memref<632x128xf32, #tpu.memory_space<hbm>>
        tpu.wait_dma2 semaphore(%run_scoped3A : memref<!tpu.dma_semaphore, #tpu.memory_space<semaphore_mem>>) src(%dma_wait3A_55 : memref<632x128xf32, #tpu.memory_space<hbm>>) dst(%dma_wait3A_53 : memref<632x128xf32, #tpu.memory_space<vmem_shared>>)
        tpu.yield
      }) : () -> ()
    } else {
    }
    %eq3A = arith.constant 15 : i32
    %eq3A_5 = arith.cmpi eq, %arg1, %eq3A : i32
    %convert_element_type3A_6 = arith.extui %eq3A_5 : i1 to i32
    %cond3A_7 = arith.constant 0 : i32
    %cond3A_8 = arith.cmpi ne, %convert_element_type3A_6, %cond3A_7 : i32
    scf.if %cond3A_8 {
      "tpu.region"() ({
        %run_scoped3A = tpu.sem_alloc : memref<!tpu.dma_semaphore, #tpu.memory_space<semaphore_mem>>
        %dma_start3A_48 = arith.constant 9480 : i32
        %dma_start3A_49 = arith.constant 0 : i32
        %dma_start3A_50 = tpu.memref_slice %arg11[%dma_start3A_48, %dma_start3A_49] : memref<10128x128xf32, #tpu.memory_space<vmem_shared>> -> memref<520x128xf32, #tpu.memory_space<vmem_shared>>
        %dma_start3A_51 = arith.constant 9480 : i32
        %dma_start3A_52 = arith.constant 0 : i32
        %dma_start3A_53 = tpu.memref_slice %arg5[%dma_start3A_51, %dma_start3A_52] : memref<10000x128xf32, #tpu.memory_space<hbm>> -> memref<520x128xf32, #tpu.memory_space<hbm>>
        tpu.enqueue_dma source(%dma_start3A_53 : memref<520x128xf32, #tpu.memory_space<hbm>>) target(%dma_start3A_50 : memref<520x128xf32, #tpu.memory_space<vmem_shared>>) target_semaphore(%run_scoped3A : memref<!tpu.dma_semaphore, #tpu.memory_space<semaphore_mem>>)
        %dma_wait3A_54 = arith.constant 9480 : i32
        %dma_wait3A_55 = arith.constant 0 : i32
        %dma_wait3A_56 = tpu.memref_slice %arg11[%dma_wait3A_54, %dma_wait3A_55] : memref<10128x128xf32, #tpu.memory_space<vmem_shared>> -> memref<520x128xf32, #tpu.memory_space<vmem_shared>>
        %dma_wait3A_57 = arith.constant 9480 : i32
        %dma_wait3A_58 = arith.constant 0 : i32
        %dma_wait3A_59 = tpu.memref_slice %arg5[%dma_wait3A_57, %dma_wait3A_58] : memref<10000x128xf32, #tpu.memory_space<hbm>> -> memref<520x128xf32, #tpu.memory_space<hbm>>
        tpu.wait_dma2 semaphore(%run_scoped3A : memref<!tpu.dma_semaphore, #tpu.memory_space<semaphore_mem>>) src(%dma_wait3A_59 : memref<520x128xf32, #tpu.memory_space<hbm>>) dst(%dma_wait3A_56 : memref<520x128xf32, #tpu.memory_space<vmem_shared>>)
        tpu.yield
      }) : () -> ()
    } else {
    }
    "tpu.region"() ({
      %run_scoped3A = tpu.sem_alloc : memref<!tpu.dma_semaphore, #tpu.memory_space<semaphore_mem>>
      %dma_start3A_48 = arith.constant 0 : i32
      %dma_start3A_49 = tpu.memref_slice %arg3[%add3A, %dma_start3A_48] : memref<32x10000xi32, #tpu.memory_space<hbm>> -> memref<1x10000xi32, #tpu.memory_space<hbm>>
      %dma_start3A_50 = tpu.memref_squeeze %dma_start3A_49 : memref<1x10000xi32, #tpu.memory_space<hbm>> -> memref<10000xi32, #tpu.memory_space<hbm>>
      %dma_start3A_51 = arith.constant 0 : i32
      %dma_start3A_52 = tpu.memref_slice %arg3[%add3A, %dma_start3A_51] : memref<32x10000xi32, #tpu.memory_space<hbm>> -> memref<1x10000xi32, #tpu.memory_space<hbm>>
      %dma_start3A_53 = tpu.memref_squeeze %dma_start3A_52 : memref<1x10000xi32, #tpu.memory_space<hbm>> -> memref<10000xi32, #tpu.memory_space<hbm>>
      tpu.enqueue_dma source(%dma_start3A_53 : memref<10000xi32, #tpu.memory_space<hbm>>) target(%arg7 : memref<10000xi32, #tpu.memory_space<vmem>>) target_semaphore(%run_scoped3A : memref<!tpu.dma_semaphore, #tpu.memory_space<semaphore_mem>>)
      %dma_wait3A_54 = arith.constant 0 : i32
      %dma_wait3A_55 = tpu.memref_slice %arg3[%add3A, %dma_wait3A_54] : memref<32x10000xi32, #tpu.memory_space<hbm>> -> memref<1x10000xi32, #tpu.memory_space<hbm>>
      %dma_wait3A_56 = tpu.memref_squeeze %dma_wait3A_55 : memref<1x10000xi32, #tpu.memory_space<hbm>> -> memref<10000xi32, #tpu.memory_space<hbm>>
      %dma_wait3A_57 = arith.constant 0 : i32
      %dma_wait3A_58 = tpu.memref_slice %arg3[%add3A, %dma_wait3A_57] : memref<32x10000xi32, #tpu.memory_space<hbm>> -> memref<1x10000xi32, #tpu.memory_space<hbm>>
      %dma_wait3A_59 = tpu.memref_squeeze %dma_wait3A_58 : memref<1x10000xi32, #tpu.memory_space<hbm>> -> memref<10000xi32, #tpu.memory_space<hbm>>
      tpu.wait_dma2 semaphore(%run_scoped3A : memref<!tpu.dma_semaphore, #tpu.memory_space<semaphore_mem>>) src(%dma_wait3A_59 : memref<10000xi32, #tpu.memory_space<hbm>>) dst(%arg7 : memref<10000xi32, #tpu.memory_space<vmem>>)
      tpu.yield
    }) : () -> ()
    "tpu.region"() ({
      %run_scoped3A = tpu.sem_alloc : memref<!tpu.dma_semaphore, #tpu.memory_space<semaphore_mem>>
      %dma_start3A_48 = arith.constant 0 : i32
      %dma_start3A_49 = arith.constant 0 : i32
      %dma_start3A_50 = tpu.memref_slice %arg4[%add3A, %dma_start3A_48, %dma_start3A_49] : memref<32x125x80xi32, #tpu.memory_space<hbm>> -> memref<1x125x80xi32, #tpu.memory_space<hbm>>
      %dma_start3A_51 = tpu.memref_squeeze %dma_start3A_50 : memref<1x125x80xi32, #tpu.memory_space<hbm>> -> memref<125x80xi32, #tpu.memory_space<hbm>>
      %dma_start3A_52 = arith.constant 0 : i32
      %dma_start3A_53 = arith.constant 0 : i32
      %dma_start3A_54 = tpu.memref_slice %arg4[%add3A, %dma_start3A_52, %dma_start3A_53] : memref<32x125x80xi32, #tpu.memory_space<hbm>> -> memref<1x125x80xi32, #tpu.memory_space<hbm>>
      %dma_start3A_55 = tpu.memref_squeeze %dma_start3A_54 : memref<1x125x80xi32, #tpu.memory_space<hbm>> -> memref<125x80xi32, #tpu.memory_space<hbm>>
      tpu.enqueue_dma source(%dma_start3A_55 : memref<125x80xi32, #tpu.memory_space<hbm>>) target(%arg8 : memref<125x80xi32, #tpu.memory_space<vmem>>) target_semaphore(%run_scoped3A : memref<!tpu.dma_semaphore, #tpu.memory_space<semaphore_mem>>)
      %dma_wait3A_56 = arith.constant 0 : i32
      %dma_wait3A_57 = arith.constant 0 : i32
      %dma_wait3A_58 = tpu.memref_slice %arg4[%add3A, %dma_wait3A_56, %dma_wait3A_57] : memref<32x125x80xi32, #tpu.memory_space<hbm>> -> memref<1x125x80xi32, #tpu.memory_space<hbm>>
      %dma_wait3A_59 = tpu.memref_squeeze %dma_wait3A_58 : memref<1x125x80xi32, #tpu.memory_space<hbm>> -> memref<125x80xi32, #tpu.memory_space<hbm>>
      %dma_wait3A_60 = arith.constant 0 : i32
      %dma_wait3A_61 = arith.constant 0 : i32
      %dma_wait3A_62 = tpu.memref_slice %arg4[%add3A, %dma_wait3A_60, %dma_wait3A_61] : memref<32x125x80xi32, #tpu.memory_space<hbm>> -> memref<1x125x80xi32, #tpu.memory_space<hbm>>
      %dma_wait3A_63 = tpu.memref_squeeze %dma_wait3A_62 : memref<1x125x80xi32, #tpu.memory_space<hbm>> -> memref<125x80xi32, #tpu.memory_space<hbm>>
      tpu.wait_dma2 semaphore(%run_scoped3A : memref<!tpu.dma_semaphore, #tpu.memory_space<semaphore_mem>>) src(%dma_wait3A_63 : memref<125x80xi32, #tpu.memory_space<hbm>>) dst(%arg8 : memref<125x80xi32, #tpu.memory_space<vmem>>)
      tpu.yield
    }) : () -> ()
    %barrier3A = arith.constant 0 : index
    tpu.barrier barrier_id(%barrier3A)
    %dma_start3A = arith.constant 0 : i32
    %dma_start3A_9 = tpu.memref_slice %arg7[%dma_start3A] : memref<10000xi32, #tpu.memory_space<vmem>> -> memref<80xi32, #tpu.memory_space<vmem>>
    %dma_start3A_10 = arith.constant 0 : i32
    %dma_start3A_11 = arith.constant 0 : i32
    %dma_start3A_12 = tpu.memref_slice %arg2[%dma_start3A_10, %dma_start3A_11] : memref<10000x128xf32, #tpu.memory_space<hbm>> -> memref<10000x128xf32, #tpu.memory_space<hbm>>
    tpu.enqueue_indirect_dma source(%dma_start3A_12 : memref<10000x128xf32, #tpu.memory_space<hbm>>) target(%arg9 : memref<80x128xf32, #tpu.memory_space<vmem>>) offsets(%dma_start3A_9 : memref<80xi32, #tpu.memory_space<vmem>>) semaphore(%arg12 : memref<!tpu.dma_semaphore, #tpu.memory_space<semaphore_mem>>)
    %scan3A = arith.constant 0 : i32
    %scan3A_13 = arith.constant 0 : i32
    %scan3A_14 = arith.constant 62 : i32
    %scan3A_15 = arith.addi %scan3A_13, %scan3A_14 : i32
    %scan3A_16 = arith.constant 1 : i32
    %scan3A_17 = scf.for %scan3A_48 = %scan3A_13 to %scan3A_15 step %scan3A_16 iter_args(%scan3A_49 = %scan3A) -> (i32)  : i32 {
      %mul3A_50 = arith.constant 2 : i32
      %mul3A_51 = arith.muli %mul3A_50, %scan3A_48 : i32
      %add3A_52 = arith.constant 1 : i32
      %add3A_53 = arith.addi %mul3A_51, %add3A_52 : i32
      %mul3A_54 = arith.constant 80 : i32
      %mul3A_55 = arith.muli %mul3A_51, %mul3A_54 : i32
      %dma_wait3A_56 = tpu.memref_slice %arg7[%mul3A_55] : memref<10000xi32, #tpu.memory_space<vmem>> -> memref<80xi32, #tpu.memory_space<vmem>>
      %dma_wait3A_57 = arith.constant 0 : i32
      %dma_wait3A_58 = arith.constant 0 : i32
      %dma_wait3A_59 = tpu.memref_slice %arg2[%dma_wait3A_57, %dma_wait3A_58] : memref<10000x128xf32, #tpu.memory_space<hbm>> -> memref<10000x128xf32, #tpu.memory_space<hbm>>
      tpu.wait_indirect_dma semaphore(%arg12 : memref<!tpu.dma_semaphore, #tpu.memory_space<semaphore_mem>>) src(%dma_wait3A_59 : memref<10000x128xf32, #tpu.memory_space<hbm>>) dst(%arg9 : memref<80x128xf32, #tpu.memory_space<vmem>>)
      %dma_start3A_60 = arith.constant 0 : i32
      %dma_start3A_61 = tpu.memref_slice %arg8[%mul3A_51, %dma_start3A_60] : memref<125x80xi32, #tpu.memory_space<vmem>> -> memref<1x80xi32, #tpu.memory_space<vmem>>
      %dma_start3A_62 = tpu.memref_squeeze %dma_start3A_61 : memref<1x80xi32, #tpu.memory_space<vmem>> -> memref<80xi32, #tpu.memory_space<vmem>>
      %dma_start3A_63 = arith.constant 0 : i32
      %dma_start3A_64 = arith.constant 0 : i32
      %dma_start3A_65 = tpu.memref_slice %arg11[%dma_start3A_63, %dma_start3A_64] : memref<10128x128xf32, #tpu.memory_space<vmem_shared>> -> memref<10128x128xf32, #tpu.memory_space<vmem_shared>>
      tpu.enqueue_indirect_dma source(%arg9 : memref<80x128xf32, #tpu.memory_space<vmem>>) target(%dma_start3A_65 : memref<10128x128xf32, #tpu.memory_space<vmem_shared>>) offsets(%dma_start3A_62 : memref<80xi32, #tpu.memory_space<vmem>>) semaphore(%arg14 : memref<!tpu.dma_semaphore, #tpu.memory_space<semaphore_mem>>) {add = true}
      %mul3A_66 = arith.constant 80 : i32
      %mul3A_67 = arith.muli %add3A_53, %mul3A_66 : i32
      %dma_start3A_68 = tpu.memref_slice %arg7[%mul3A_67] : memref<10000xi32, #tpu.memory_space<vmem>> -> memref<80xi32, #tpu.memory_space<vmem>>
      %dma_start3A_69 = arith.constant 0 : i32
      %dma_start3A_70 = arith.constant 0 : i32
      %dma_start3A_71 = tpu.memref_slice %arg2[%dma_start3A_69, %dma_start3A_70] : memref<10000x128xf32, #tpu.memory_space<hbm>> -> memref<10000x128xf32, #tpu.memory_space<hbm>>
      tpu.enqueue_indirect_dma source(%dma_start3A_71 : memref<10000x128xf32, #tpu.memory_space<hbm>>) target(%arg10 : memref<80x128xf32, #tpu.memory_space<vmem>>) offsets(%dma_start3A_68 : memref<80xi32, #tpu.memory_space<vmem>>) semaphore(%arg13 : memref<!tpu.dma_semaphore, #tpu.memory_space<semaphore_mem>>)
      %dma_wait3A_72 = arith.constant 0 : i32
      %dma_wait3A_73 = tpu.memref_slice %arg8[%mul3A_51, %dma_wait3A_72] : memref<125x80xi32, #tpu.memory_space<vmem>> -> memref<1x80xi32, #tpu.memory_space<vmem>>
      %dma_wait3A_74 = tpu.memref_squeeze %dma_wait3A_73 : memref<1x80xi32, #tpu.memory_space<vmem>> -> memref<80xi32, #tpu.memory_space<vmem>>
      %dma_wait3A_75 = arith.constant 0 : i32
      %dma_wait3A_76 = arith.constant 0 : i32
      %dma_wait3A_77 = tpu.memref_slice %arg11[%dma_wait3A_75, %dma_wait3A_76] : memref<10128x128xf32, #tpu.memory_space<vmem_shared>> -> memref<10128x128xf32, #tpu.memory_space<vmem_shared>>
      tpu.wait_indirect_dma semaphore(%arg14 : memref<!tpu.dma_semaphore, #tpu.memory_space<semaphore_mem>>) src(%arg9 : memref<80x128xf32, #tpu.memory_space<vmem>>) dst(%dma_wait3A_77 : memref<10128x128xf32, #tpu.memory_space<vmem_shared>>)
      %mul3A_78 = arith.constant 80 : i32
      %mul3A_79 = arith.muli %add3A_53, %mul3A_78 : i32
      %dma_wait3A_80 = tpu.memref_slice %arg7[%mul3A_79] : memref<10000xi32, #tpu.memory_space<vmem>> -> memref<80xi32, #tpu.memory_space<vmem>>
      %dma_wait3A_81 = arith.constant 0 : i32
      %dma_wait3A_82 = arith.constant 0 : i32
      %dma_wait3A_83 = tpu.memref_slice %arg2[%dma_wait3A_81, %dma_wait3A_82] : memref<10000x128xf32, #tpu.memory_space<hbm>> -> memref<10000x128xf32, #tpu.memory_space<hbm>>
      tpu.wait_indirect_dma semaphore(%arg13 : memref<!tpu.dma_semaphore, #tpu.memory_space<semaphore_mem>>) src(%dma_wait3A_83 : memref<10000x128xf32, #tpu.memory_space<hbm>>) dst(%arg10 : memref<80x128xf32, #tpu.memory_space<vmem>>)
      %dma_start3A_84 = arith.constant 0 : i32
      %dma_start3A_85 = tpu.memref_slice %arg8[%add3A_53, %dma_start3A_84] : memref<125x80xi32, #tpu.memory_space<vmem>> -> memref<1x80xi32, #tpu.memory_space<vmem>>
      %dma_start3A_86 = tpu.memref_squeeze %dma_start3A_85 : memref<1x80xi32, #tpu.memory_space<vmem>> -> memref<80xi32, #tpu.memory_space<vmem>>
      %dma_start3A_87 = arith.constant 0 : i32
      %dma_start3A_88 = arith.constant 0 : i32
      %dma_start3A_89 = tpu.memref_slice %arg11[%dma_start3A_87, %dma_start3A_88] : memref<10128x128xf32, #tpu.memory_space<vmem_shared>> -> memref<10128x128xf32, #tpu.memory_space<vmem_shared>>
      tpu.enqueue_indirect_dma source(%arg10 : memref<80x128xf32, #tpu.memory_space<vmem>>) target(%dma_start3A_89 : memref<10128x128xf32, #tpu.memory_space<vmem_shared>>) offsets(%dma_start3A_86 : memref<80xi32, #tpu.memory_space<vmem>>) semaphore(%arg15 : memref<!tpu.dma_semaphore, #tpu.memory_space<semaphore_mem>>) {add = true}
      %add3A_90 = arith.constant 2 : i32
      %add3A_91 = arith.addi %mul3A_51, %add3A_90 : i32
      %mul3A_92 = arith.constant 80 : i32
      %mul3A_93 = arith.muli %add3A_91, %mul3A_92 : i32
      %dma_start3A_94 = tpu.memref_slice %arg7[%mul3A_93] : memref<10000xi32, #tpu.memory_space<vmem>> -> memref<80xi32, #tpu.memory_space<vmem>>
      %dma_start3A_95 = arith.constant 0 : i32
      %dma_start3A_96 = arith.constant 0 : i32
      %dma_start3A_97 = tpu.memref_slice %arg2[%dma_start3A_95, %dma_start3A_96] : memref<10000x128xf32, #tpu.memory_space<hbm>> -> memref<10000x128xf32, #tpu.memory_space<hbm>>
      tpu.enqueue_indirect_dma source(%dma_start3A_97 : memref<10000x128xf32, #tpu.memory_space<hbm>>) target(%arg9 : memref<80x128xf32, #tpu.memory_space<vmem>>) offsets(%dma_start3A_94 : memref<80xi32, #tpu.memory_space<vmem>>) semaphore(%arg12 : memref<!tpu.dma_semaphore, #tpu.memory_space<semaphore_mem>>)
      %dma_wait3A_98 = arith.constant 0 : i32
      %dma_wait3A_99 = tpu.memref_slice %arg8[%add3A_53, %dma_wait3A_98] : memref<125x80xi32, #tpu.memory_space<vmem>> -> memref<1x80xi32, #tpu.memory_space<vmem>>
      %dma_wait3A_100 = tpu.memref_squeeze %dma_wait3A_99 : memref<1x80xi32, #tpu.memory_space<vmem>> -> memref<80xi32, #tpu.memory_space<vmem>>
      %dma_wait3A_101 = arith.constant 0 : i32
      %dma_wait3A_102 = arith.constant 0 : i32
      %dma_wait3A_103 = tpu.memref_slice %arg11[%dma_wait3A_101, %dma_wait3A_102] : memref<10128x128xf32, #tpu.memory_space<vmem_shared>> -> memref<10128x128xf32, #tpu.memory_space<vmem_shared>>
      tpu.wait_indirect_dma semaphore(%arg15 : memref<!tpu.dma_semaphore, #tpu.memory_space<semaphore_mem>>) src(%arg10 : memref<80x128xf32, #tpu.memory_space<vmem>>) dst(%dma_wait3A_103 : memref<10128x128xf32, #tpu.memory_space<vmem_shared>>)
      %scan3A_104 = arith.constant 0 : i32
      scf.yield %scan3A_104 : i32
    }
    %scan3A_18 = arith.constant 62 : i32
    %dma_wait3A = arith.constant 9920 : i32
    %dma_wait3A_19 = tpu.memref_slice %arg7[%dma_wait3A] : memref<10000xi32, #tpu.memory_space<vmem>> -> memref<80xi32, #tpu.memory_space<vmem>>
    %dma_wait3A_20 = arith.constant 0 : i32
    %dma_wait3A_21 = arith.constant 0 : i32
    %dma_wait3A_22 = tpu.memref_slice %arg2[%dma_wait3A_20, %dma_wait3A_21] : memref<10000x128xf32, #tpu.memory_space<hbm>> -> memref<10000x128xf32, #tpu.memory_space<hbm>>
    tpu.wait_indirect_dma semaphore(%arg12 : memref<!tpu.dma_semaphore, #tpu.memory_space<semaphore_mem>>) src(%dma_wait3A_22 : memref<10000x128xf32, #tpu.memory_space<hbm>>) dst(%arg9 : memref<80x128xf32, #tpu.memory_space<vmem>>)
    %dma_start3A_23 = arith.constant 124 : i32
    %dma_start3A_24 = arith.constant 0 : i32
    %dma_start3A_25 = tpu.memref_slice %arg8[%dma_start3A_23, %dma_start3A_24] : memref<125x80xi32, #tpu.memory_space<vmem>> -> memref<1x80xi32, #tpu.memory_space<vmem>>
    %dma_start3A_26 = tpu.memref_squeeze %dma_start3A_25 : memref<1x80xi32, #tpu.memory_space<vmem>> -> memref<80xi32, #tpu.memory_space<vmem>>
    %dma_start3A_27 = arith.constant 0 : i32
    %dma_start3A_28 = arith.constant 0 : i32
    %dma_start3A_29 = tpu.memref_slice %arg11[%dma_start3A_27, %dma_start3A_28] : memref<10128x128xf32, #tpu.memory_space<vmem_shared>> -> memref<10128x128xf32, #tpu.memory_space<vmem_shared>>
    tpu.enqueue_indirect_dma source(%arg9 : memref<80x128xf32, #tpu.memory_space<vmem>>) target(%dma_start3A_29 : memref<10128x128xf32, #tpu.memory_space<vmem_shared>>) offsets(%dma_start3A_26 : memref<80xi32, #tpu.memory_space<vmem>>) semaphore(%arg14 : memref<!tpu.dma_semaphore, #tpu.memory_space<semaphore_mem>>) {add = true}
    %dma_wait3A_30 = arith.constant 124 : i32
    %dma_wait3A_31 = arith.constant 0 : i32
    %dma_wait3A_32 = tpu.memref_slice %arg8[%dma_wait3A_30, %dma_wait3A_31] : memref<125x80xi32, #tpu.memory_space<vmem>> -> memref<1x80xi32, #tpu.memory_space<vmem>>
    %dma_wait3A_33 = tpu.memref_squeeze %dma_wait3A_32 : memref<1x80xi32, #tpu.memory_space<vmem>> -> memref<80xi32, #tpu.memory_space<vmem>>
    %dma_wait3A_34 = arith.constant 0 : i32
    %dma_wait3A_35 = arith.constant 0 : i32
    %dma_wait3A_36 = tpu.memref_slice %arg11[%dma_wait3A_34, %dma_wait3A_35] : memref<10128x128xf32, #tpu.memory_space<vmem_shared>> -> memref<10128x128xf32, #tpu.memory_space<vmem_shared>>
    tpu.wait_indirect_dma semaphore(%arg14 : memref<!tpu.dma_semaphore, #tpu.memory_space<semaphore_mem>>) src(%arg9 : memref<80x128xf32, #tpu.memory_space<vmem>>) dst(%dma_wait3A_36 : memref<10128x128xf32, #tpu.memory_space<vmem_shared>>)
    %barrier3A_37 = arith.constant 0 : index
    tpu.barrier barrier_id(%barrier3A_37)
    %lt3A_38 = arith.constant 15 : i32
    %lt3A_39 = arith.cmpi slt, %arg1, %lt3A_38 : i32
    %convert_element_type3A_40 = arith.extui %lt3A_39 : i1 to i32
    %cond3A_41 = arith.constant 0 : i32
    %cond3A_42 = arith.cmpi ne, %convert_element_type3A_40, %cond3A_41 : i32
    scf.if %cond3A_42 {
      "tpu.region"() ({
        %run_scoped3A = tpu.sem_alloc : memref<!tpu.dma_semaphore, #tpu.memory_space<semaphore_mem>>
        %dma_start3A_48 = arith.constant 0 : i32
        %dma_start3A_49 = arith.constant 0 : i32
        %dma_start3A_50 = tpu.memref_slice %arg6[%arg0, %dma_start3A_48, %dma_start3A_49] : memref<2x10000x128xf32, #tpu.memory_space<hbm>> -> memref<1x10000x128xf32, #tpu.memory_space<hbm>>
        %dma_start3A_51 = tpu.memref_squeeze %dma_start3A_50 : memref<1x10000x128xf32, #tpu.memory_space<hbm>> -> memref<10000x128xf32, #tpu.memory_space<hbm>>
        %dma_start3A_52 = arith.constant 0 : i32
        %dma_start3A_53 = tpu.memref_slice %dma_start3A_51[%mul3A_2, %dma_start3A_52] : memref<10000x128xf32, #tpu.memory_space<hbm>> -> memref<632x128xf32, #tpu.memory_space<hbm>>
        %dma_start3A_54 = arith.constant 0 : i32
        %dma_start3A_55 = tpu.memref_slice %arg11[%mul3A_2, %dma_start3A_54] : memref<10128x128xf32, #tpu.memory_space<vmem_shared>> -> memref<632x128xf32, #tpu.memory_space<vmem_shared>>
        tpu.enqueue_dma source(%dma_start3A_55 : memref<632x128xf32, #tpu.memory_space<vmem_shared>>) target(%dma_start3A_53 : memref<632x128xf32, #tpu.memory_space<hbm>>) target_semaphore(%run_scoped3A : memref<!tpu.dma_semaphore, #tpu.memory_space<semaphore_mem>>)
        %dma_wait3A_56 = arith.constant 0 : i32
        %dma_wait3A_57 = arith.constant 0 : i32
        %dma_wait3A_58 = tpu.memref_slice %arg6[%arg0, %dma_wait3A_56, %dma_wait3A_57] : memref<2x10000x128xf32, #tpu.memory_space<hbm>> -> memref<1x10000x128xf32, #tpu.memory_space<hbm>>
        %dma_wait3A_59 = tpu.memref_squeeze %dma_wait3A_58 : memref<1x10000x128xf32, #tpu.memory_space<hbm>> -> memref<10000x128xf32, #tpu.memory_space<hbm>>
        %dma_wait3A_60 = arith.constant 0 : i32
        %dma_wait3A_61 = tpu.memref_slice %dma_wait3A_59[%mul3A_2, %dma_wait3A_60] : memref<10000x128xf32, #tpu.memory_space<hbm>> -> memref<632x128xf32, #tpu.memory_space<hbm>>
        %dma_wait3A_62 = arith.constant 0 : i32
        %dma_wait3A_63 = tpu.memref_slice %arg11[%mul3A_2, %dma_wait3A_62] : memref<10128x128xf32, #tpu.memory_space<vmem_shared>> -> memref<632x128xf32, #tpu.memory_space<vmem_shared>>
        tpu.wait_dma2 semaphore(%run_scoped3A : memref<!tpu.dma_semaphore, #tpu.memory_space<semaphore_mem>>) src(%dma_wait3A_63 : memref<632x128xf32, #tpu.memory_space<vmem_shared>>) dst(%dma_wait3A_61 : memref<632x128xf32, #tpu.memory_space<hbm>>)
        tpu.yield
      }) : () -> ()
    } else {
    }
    %eq3A_43 = arith.constant 15 : i32
    %eq3A_44 = arith.cmpi eq, %arg1, %eq3A_43 : i32
    %convert_element_type3A_45 = arith.extui %eq3A_44 : i1 to i32
    %cond3A_46 = arith.constant 0 : i32
    %cond3A_47 = arith.cmpi ne, %convert_element_type3A_45, %cond3A_46 : i32
    scf.if %cond3A_47 {
      "tpu.region"() ({
        %run_scoped3A = tpu.sem_alloc : memref<!tpu.dma_semaphore, #tpu.memory_space<semaphore_mem>>
        %dma_start3A_48 = arith.constant 0 : i32
        %dma_start3A_49 = arith.constant 0 : i32
        %dma_start3A_50 = tpu.memref_slice %arg6[%arg0, %dma_start3A_48, %dma_start3A_49] : memref<2x10000x128xf32, #tpu.memory_space<hbm>> -> memref<1x10000x128xf32, #tpu.memory_space<hbm>>
        %dma_start3A_51 = tpu.memref_squeeze %dma_start3A_50 : memref<1x10000x128xf32, #tpu.memory_space<hbm>> -> memref<10000x128xf32, #tpu.memory_space<hbm>>
        %dma_start3A_52 = arith.constant 9480 : i32
        %dma_start3A_53 = arith.constant 0 : i32
        %dma_start3A_54 = tpu.memref_slice %dma_start3A_51[%dma_start3A_52, %dma_start3A_53] : memref<10000x128xf32, #tpu.memory_space<hbm>> -> memref<520x128xf32, #tpu.memory_space<hbm>>
        %dma_start3A_55 = arith.constant 9480 : i32
        %dma_start3A_56 = arith.constant 0 : i32
        %dma_start3A_57 = tpu.memref_slice %arg11[%dma_start3A_55, %dma_start3A_56] : memref<10128x128xf32, #tpu.memory_space<vmem_shared>> -> memref<520x128xf32, #tpu.memory_space<vmem_shared>>
        tpu.enqueue_dma source(%dma_start3A_57 : memref<520x128xf32, #tpu.memory_space<vmem_shared>>) target(%dma_start3A_54 : memref<520x128xf32, #tpu.memory_space<hbm>>) target_semaphore(%run_scoped3A : memref<!tpu.dma_semaphore, #tpu.memory_space<semaphore_mem>>)
        %dma_wait3A_58 = arith.constant 0 : i32
        %dma_wait3A_59 = arith.constant 0 : i32
        %dma_wait3A_60 = tpu.memref_slice %arg6[%arg0, %dma_wait3A_58, %dma_wait3A_59] : memref<2x10000x128xf32, #tpu.memory_space<hbm>> -> memref<1x10000x128xf32, #tpu.memory_space<hbm>>
        %dma_wait3A_61 = tpu.memref_squeeze %dma_wait3A_60 : memref<1x10000x128xf32, #tpu.memory_space<hbm>> -> memref<10000x128xf32, #tpu.memory_space<hbm>>
        %dma_wait3A_62 = arith.constant 9480 : i32
        %dma_wait3A_63 = arith.constant 0 : i32
        %dma_wait3A_64 = tpu.memref_slice %dma_wait3A_61[%dma_wait3A_62, %dma_wait3A_63] : memref<10000x128xf32, #tpu.memory_space<hbm>> -> memref<520x128xf32, #tpu.memory_space<hbm>>
        %dma_wait3A_65 = arith.constant 9480 : i32
        %dma_wait3A_66 = arith.constant 0 : i32
        %dma_wait3A_67 = tpu.memref_slice %arg11[%dma_wait3A_65, %dma_wait3A_66] : memref<10128x128xf32, #tpu.memory_space<vmem_shared>> -> memref<520x128xf32, #tpu.memory_space<vmem_shared>>
        tpu.wait_dma2 semaphore(%run_scoped3A : memref<!tpu.dma_semaphore, #tpu.memory_space<semaphore_mem>>) src(%dma_wait3A_67 : memref<520x128xf32, #tpu.memory_space<vmem_shared>>) dst(%dma_wait3A_64 : memref<520x128xf32, #tpu.memory_space<hbm>>)
        tpu.yield
      }) : () -> ()
    } else {
    }
    return
  }
}

#map = affine_map<(d0, d1) -> (0, 0)>
#map1 = affine_map<(d0, d1) -> (0, 0, 0)>
module attributes {stable_mosaic.version = 14 : i64} {
  func.func @_scatter_kernel(%arg0: i32, %arg1: i32, %arg2: memref<10000x128xf32, #tpu.memory_space<hbm>>, %arg3: memref<32x10000xi32, #tpu.memory_space<hbm>>, %arg4: memref<32x125x80xi32, #tpu.memory_space<hbm>>, %arg5: memref<10000x128xf32, #tpu.memory_space<hbm>>, %arg6: memref<2x10000x128xf32, #tpu.memory_space<hbm>>, %arg7: memref<10000xi32, #tpu.memory_space<vmem>>, %arg8: memref<125x80xi32, #tpu.memory_space<vmem>>, %arg9: memref<80x128xf32, #tpu.memory_space<vmem>>, %arg10: memref<80x128xf32, #tpu.memory_space<vmem>>, %arg11: memref<10128x128xf32, #tpu.memory_space<vmem_shared>>, %arg12: memref<!tpu.dma_semaphore, #tpu.memory_space<semaphore_mem>>, %arg13: memref<!tpu.dma_semaphore, #tpu.memory_space<semaphore_mem>>, %arg14: memref<!tpu.dma_semaphore, #tpu.memory_space<semaphore_mem>>, %arg15: memref<!tpu.dma_semaphore, #tpu.memory_space<semaphore_mem>>) attributes {dimension_semantics = [#tpu.dimension_semantics<core_parallel>, #tpu.dimension_semantics<subcore_parallel>], iteration_bounds = array<i64: 2, 16>, scalar_prefetch = 0 : i64, scratch_operands = 9 : i64, tpu.core_type = #tpu.core_type<sc_vector_subcore>, window_params = [{transform_indices = #map}, {transform_indices = #map}, {transform_indices = #map1}, {transform_indices = #map}, {transform_indices = #map1}]} {
    %mul3A = arith.constant 2 : i32
    %mul3A_0 = arith.muli %arg1, %mul3A : i32
    %add3A = arith.addi %mul3A_0, %arg0 : i32
    %mul3A_1 = arith.constant 632 : i32
    %mul3A_2 = arith.muli %arg1, %mul3A_1 : i32
    %lt3A = arith.constant 15 : i32
    %lt3A_3 = arith.cmpi slt, %arg1, %lt3A : i32
    %convert_element_type3A = arith.extui %lt3A_3 : i1 to i32
    %cond3A = arith.constant 0 : i32
    %cond3A_4 = arith.cmpi ne, %convert_element_type3A, %cond3A : i32
    scf.if %cond3A_4 {
      "tpu.region"() ({
        %run_scoped3A = tpu.sem_alloc : memref<!tpu.dma_semaphore, #tpu.memory_space<semaphore_mem>>
        %dma_start3A_48 = arith.constant 0 : i32
        %dma_start3A_49 = tpu.memref_slice %arg11[%mul3A_2, %dma_start3A_48] : memref<10128x128xf32, #tpu.memory_space<vmem_shared>> -> memref<632x128xf32, #tpu.memory_space<vmem_shared>>
        %dma_start3A_50 = arith.constant 0 : i32
        %dma_start3A_51 = tpu.memref_slice %arg5[%mul3A_2, %dma_start3A_50] : memref<10000x128xf32, #tpu.memory_space<hbm>> -> memref<632x128xf32, #tpu.memory_space<hbm>>
        tpu.enqueue_dma source(%dma_start3A_51 : memref<632x128xf32, #tpu.memory_space<hbm>>) target(%dma_start3A_49 : memref<632x128xf32, #tpu.memory_space<vmem_shared>>) target_semaphore(%run_scoped3A : memref<!tpu.dma_semaphore, #tpu.memory_space<semaphore_mem>>)
        %dma_wait3A_52 = arith.constant 0 : i32
        %dma_wait3A_53 = tpu.memref_slice %arg11[%mul3A_2, %dma_wait3A_52] : memref<10128x128xf32, #tpu.memory_space<vmem_shared>> -> memref<632x128xf32, #tpu.memory_space<vmem_shared>>
        %dma_wait3A_54 = arith.constant 0 : i32
        %dma_wait3A_55 = tpu.memref_slice %arg5[%mul3A_2, %dma_wait3A_54] : memref<10000x128xf32, #tpu.memory_space<hbm>> -> memref<632x128xf32, #tpu.memory_space<hbm>>
        tpu.wait_dma2 semaphore(%run_scoped3A : memref<!tpu.dma_semaphore, #tpu.memory_space<semaphore_mem>>) src(%dma_wait3A_55 : memref<632x128xf32, #tpu.memory_space<hbm>>) dst(%dma_wait3A_53 : memref<632x128xf32, #tpu.memory_space<vmem_shared>>)
        tpu.yield
      }) : () -> ()
    } else {
    }
    %eq3A = arith.constant 15 : i32
    %eq3A_5 = arith.cmpi eq, %arg1, %eq3A : i32
    %convert_element_type3A_6 = arith.extui %eq3A_5 : i1 to i32
    %cond3A_7 = arith.constant 0 : i32
    %cond3A_8 = arith.cmpi ne, %convert_element_type3A_6, %cond3A_7 : i32
    scf.if %cond3A_8 {
      "tpu.region"() ({
        %run_scoped3A = tpu.sem_alloc : memref<!tpu.dma_semaphore, #tpu.memory_space<semaphore_mem>>
        %dma_start3A_48 = arith.constant 9480 : i32
        %dma_start3A_49 = arith.constant 0 : i32
        %dma_start3A_50 = tpu.memref_slice %arg11[%dma_start3A_48, %dma_start3A_49] : memref<10128x128xf32, #tpu.memory_space<vmem_shared>> -> memref<520x128xf32, #tpu.memory_space<vmem_shared>>
        %dma_start3A_51 = arith.constant 9480 : i32
        %dma_start3A_52 = arith.constant 0 : i32
        %dma_start3A_53 = tpu.memref_slice %arg5[%dma_start3A_51, %dma_start3A_52] : memref<10000x128xf32, #tpu.memory_space<hbm>> -> memref<520x128xf32, #tpu.memory_space<hbm>>
        tpu.enqueue_dma source(%dma_start3A_53 : memref<520x128xf32, #tpu.memory_space<hbm>>) target(%dma_start3A_50 : memref<520x128xf32, #tpu.memory_space<vmem_shared>>) target_semaphore(%run_scoped3A : memref<!tpu.dma_semaphore, #tpu.memory_space<semaphore_mem>>)
        %dma_wait3A_54 = arith.constant 9480 : i32
        %dma_wait3A_55 = arith.constant 0 : i32
        %dma_wait3A_56 = tpu.memref_slice %arg11[%dma_wait3A_54, %dma_wait3A_55] : memref<10128x128xf32, #tpu.memory_space<vmem_shared>> -> memref<520x128xf32, #tpu.memory_space<vmem_shared>>
        %dma_wait3A_57 = arith.constant 9480 : i32
        %dma_wait3A_58 = arith.constant 0 : i32
        %dma_wait3A_59 = tpu.memref_slice %arg5[%dma_wait3A_57, %dma_wait3A_58] : memref<10000x128xf32, #tpu.memory_space<hbm>> -> memref<520x128xf32, #tpu.memory_space<hbm>>
        tpu.wait_dma2 semaphore(%run_scoped3A : memref<!tpu.dma_semaphore, #tpu.memory_space<semaphore_mem>>) src(%dma_wait3A_59 : memref<520x128xf32, #tpu.memory_space<hbm>>) dst(%dma_wait3A_56 : memref<520x128xf32, #tpu.memory_space<vmem_shared>>)
        tpu.yield
      }) : () -> ()
    } else {
    }
    "tpu.region"() ({
      %run_scoped3A = tpu.sem_alloc : memref<!tpu.dma_semaphore, #tpu.memory_space<semaphore_mem>>
      %dma_start3A_48 = arith.constant 0 : i32
      %dma_start3A_49 = tpu.memref_slice %arg3[%add3A, %dma_start3A_48] : memref<32x10000xi32, #tpu.memory_space<hbm>> -> memref<1x10000xi32, #tpu.memory_space<hbm>>
      %dma_start3A_50 = tpu.memref_squeeze %dma_start3A_49 : memref<1x10000xi32, #tpu.memory_space<hbm>> -> memref<10000xi32, #tpu.memory_space<hbm>>
      %dma_start3A_51 = arith.constant 0 : i32
      %dma_start3A_52 = tpu.memref_slice %arg3[%add3A, %dma_start3A_51] : memref<32x10000xi32, #tpu.memory_space<hbm>> -> memref<1x10000xi32, #tpu.memory_space<hbm>>
      %dma_start3A_53 = tpu.memref_squeeze %dma_start3A_52 : memref<1x10000xi32, #tpu.memory_space<hbm>> -> memref<10000xi32, #tpu.memory_space<hbm>>
      tpu.enqueue_dma source(%dma_start3A_53 : memref<10000xi32, #tpu.memory_space<hbm>>) target(%arg7 : memref<10000xi32, #tpu.memory_space<vmem>>) target_semaphore(%run_scoped3A : memref<!tpu.dma_semaphore, #tpu.memory_space<semaphore_mem>>)
      %dma_wait3A_54 = arith.constant 0 : i32
      %dma_wait3A_55 = tpu.memref_slice %arg3[%add3A, %dma_wait3A_54] : memref<32x10000xi32, #tpu.memory_space<hbm>> -> memref<1x10000xi32, #tpu.memory_space<hbm>>
      %dma_wait3A_56 = tpu.memref_squeeze %dma_wait3A_55 : memref<1x10000xi32, #tpu.memory_space<hbm>> -> memref<10000xi32, #tpu.memory_space<hbm>>
      %dma_wait3A_57 = arith.constant 0 : i32
      %dma_wait3A_58 = tpu.memref_slice %arg3[%add3A, %dma_wait3A_57] : memref<32x10000xi32, #tpu.memory_space<hbm>> -> memref<1x10000xi32, #tpu.memory_space<hbm>>
      %dma_wait3A_59 = tpu.memref_squeeze %dma_wait3A_58 : memref<1x10000xi32, #tpu.memory_space<hbm>> -> memref<10000xi32, #tpu.memory_space<hbm>>
      tpu.wait_dma2 semaphore(%run_scoped3A : memref<!tpu.dma_semaphore, #tpu.memory_space<semaphore_mem>>) src(%dma_wait3A_59 : memref<10000xi32, #tpu.memory_space<hbm>>) dst(%arg7 : memref<10000xi32, #tpu.memory_space<vmem>>)
      tpu.yield
    }) : () -> ()
    "tpu.region"() ({
      %run_scoped3A = tpu.sem_alloc : memref<!tpu.dma_semaphore, #tpu.memory_space<semaphore_mem>>
      %dma_start3A_48 = arith.constant 0 : i32
      %dma_start3A_49 = arith.constant 0 : i32
      %dma_start3A_50 = tpu.memref_slice %arg4[%add3A, %dma_start3A_48, %dma_start3A_49] : memref<32x125x80xi32, #tpu.memory_space<hbm>> -> memref<1x125x80xi32, #tpu.memory_space<hbm>>
      %dma_start3A_51 = tpu.memref_squeeze %dma_start3A_50 : memref<1x125x80xi32, #tpu.memory_space<hbm>> -> memref<125x80xi32, #tpu.memory_space<hbm>>
      %dma_start3A_52 = arith.constant 0 : i32
      %dma_start3A_53 = arith.constant 0 : i32
      %dma_start3A_54 = tpu.memref_slice %arg4[%add3A, %dma_start3A_52, %dma_start3A_53] : memref<32x125x80xi32, #tpu.memory_space<hbm>> -> memref<1x125x80xi32, #tpu.memory_space<hbm>>
      %dma_start3A_55 = tpu.memref_squeeze %dma_start3A_54 : memref<1x125x80xi32, #tpu.memory_space<hbm>> -> memref<125x80xi32, #tpu.memory_space<hbm>>
      tpu.enqueue_dma source(%dma_start3A_55 : memref<125x80xi32, #tpu.memory_space<hbm>>) target(%arg8 : memref<125x80xi32, #tpu.memory_space<vmem>>) target_semaphore(%run_scoped3A : memref<!tpu.dma_semaphore, #tpu.memory_space<semaphore_mem>>)
      %dma_wait3A_56 = arith.constant 0 : i32
      %dma_wait3A_57 = arith.constant 0 : i32
      %dma_wait3A_58 = tpu.memref_slice %arg4[%add3A, %dma_wait3A_56, %dma_wait3A_57] : memref<32x125x80xi32, #tpu.memory_space<hbm>> -> memref<1x125x80xi32, #tpu.memory_space<hbm>>
      %dma_wait3A_59 = tpu.memref_squeeze %dma_wait3A_58 : memref<1x125x80xi32, #tpu.memory_space<hbm>> -> memref<125x80xi32, #tpu.memory_space<hbm>>
      %dma_wait3A_60 = arith.constant 0 : i32
      %dma_wait3A_61 = arith.constant 0 : i32
      %dma_wait3A_62 = tpu.memref_slice %arg4[%add3A, %dma_wait3A_60, %dma_wait3A_61] : memref<32x125x80xi32, #tpu.memory_space<hbm>> -> memref<1x125x80xi32, #tpu.memory_space<hbm>>
      %dma_wait3A_63 = tpu.memref_squeeze %dma_wait3A_62 : memref<1x125x80xi32, #tpu.memory_space<hbm>> -> memref<125x80xi32, #tpu.memory_space<hbm>>
      tpu.wait_dma2 semaphore(%run_scoped3A : memref<!tpu.dma_semaphore, #tpu.memory_space<semaphore_mem>>) src(%dma_wait3A_63 : memref<125x80xi32, #tpu.memory_space<hbm>>) dst(%arg8 : memref<125x80xi32, #tpu.memory_space<vmem>>)
      tpu.yield
    }) : () -> ()
    %barrier3A = arith.constant 0 : index
    tpu.barrier barrier_id(%barrier3A)
    %dma_start3A = arith.constant 0 : i32
    %dma_start3A_9 = tpu.memref_slice %arg7[%dma_start3A] : memref<10000xi32, #tpu.memory_space<vmem>> -> memref<80xi32, #tpu.memory_space<vmem>>
    %dma_start3A_10 = arith.constant 0 : i32
    %dma_start3A_11 = arith.constant 0 : i32
    %dma_start3A_12 = tpu.memref_slice %arg2[%dma_start3A_10, %dma_start3A_11] : memref<10000x128xf32, #tpu.memory_space<hbm>> -> memref<10000x128xf32, #tpu.memory_space<hbm>>
    tpu.enqueue_indirect_dma source(%dma_start3A_12 : memref<10000x128xf32, #tpu.memory_space<hbm>>) target(%arg9 : memref<80x128xf32, #tpu.memory_space<vmem>>) offsets(%dma_start3A_9 : memref<80xi32, #tpu.memory_space<vmem>>) semaphore(%arg12 : memref<!tpu.dma_semaphore, #tpu.memory_space<semaphore_mem>>)
    %scan3A = arith.constant 0 : i32
    %scan3A_13 = arith.constant 0 : i32
    %scan3A_14 = arith.constant 62 : i32
    %scan3A_15 = arith.addi %scan3A_13, %scan3A_14 : i32
    %scan3A_16 = arith.constant 1 : i32
    %scan3A_17 = scf.for %scan3A_48 = %scan3A_13 to %scan3A_15 step %scan3A_16 iter_args(%scan3A_49 = %scan3A) -> (i32)  : i32 {
      %mul3A_50 = arith.constant 2 : i32
      %mul3A_51 = arith.muli %mul3A_50, %scan3A_48 : i32
      %add3A_52 = arith.constant 1 : i32
      %add3A_53 = arith.addi %mul3A_51, %add3A_52 : i32
      %mul3A_54 = arith.constant 80 : i32
      %mul3A_55 = arith.muli %mul3A_51, %mul3A_54 : i32
      %dma_wait3A_56 = tpu.memref_slice %arg7[%mul3A_55] : memref<10000xi32, #tpu.memory_space<vmem>> -> memref<80xi32, #tpu.memory_space<vmem>>
      %dma_wait3A_57 = arith.constant 0 : i32
      %dma_wait3A_58 = arith.constant 0 : i32
      %dma_wait3A_59 = tpu.memref_slice %arg2[%dma_wait3A_57, %dma_wait3A_58] : memref<10000x128xf32, #tpu.memory_space<hbm>> -> memref<10000x128xf32, #tpu.memory_space<hbm>>
      tpu.wait_indirect_dma semaphore(%arg12 : memref<!tpu.dma_semaphore, #tpu.memory_space<semaphore_mem>>) src(%dma_wait3A_59 : memref<10000x128xf32, #tpu.memory_space<hbm>>) dst(%arg9 : memref<80x128xf32, #tpu.memory_space<vmem>>)
      %dma_start3A_60 = arith.constant 0 : i32
      %dma_start3A_61 = tpu.memref_slice %arg8[%mul3A_51, %dma_start3A_60] : memref<125x80xi32, #tpu.memory_space<vmem>> -> memref<1x80xi32, #tpu.memory_space<vmem>>
      %dma_start3A_62 = tpu.memref_squeeze %dma_start3A_61 : memref<1x80xi32, #tpu.memory_space<vmem>> -> memref<80xi32, #tpu.memory_space<vmem>>
      %dma_start3A_63 = arith.constant 0 : i32
      %dma_start3A_64 = arith.constant 0 : i32
      %dma_start3A_65 = tpu.memref_slice %arg11[%dma_start3A_63, %dma_start3A_64] : memref<10128x128xf32, #tpu.memory_space<vmem_shared>> -> memref<10128x128xf32, #tpu.memory_space<vmem_shared>>
      tpu.enqueue_indirect_dma source(%arg9 : memref<80x128xf32, #tpu.memory_space<vmem>>) target(%dma_start3A_65 : memref<10128x128xf32, #tpu.memory_space<vmem_shared>>) offsets(%dma_start3A_62 : memref<80xi32, #tpu.memory_space<vmem>>) semaphore(%arg14 : memref<!tpu.dma_semaphore, #tpu.memory_space<semaphore_mem>>) {add = true}
      %mul3A_66 = arith.constant 80 : i32
      %mul3A_67 = arith.muli %add3A_53, %mul3A_66 : i32
      %dma_start3A_68 = tpu.memref_slice %arg7[%mul3A_67] : memref<10000xi32, #tpu.memory_space<vmem>> -> memref<80xi32, #tpu.memory_space<vmem>>
      %dma_start3A_69 = arith.constant 0 : i32
      %dma_start3A_70 = arith.constant 0 : i32
      %dma_start3A_71 = tpu.memref_slice %arg2[%dma_start3A_69, %dma_start3A_70] : memref<10000x128xf32, #tpu.memory_space<hbm>> -> memref<10000x128xf32, #tpu.memory_space<hbm>>
      tpu.enqueue_indirect_dma source(%dma_start3A_71 : memref<10000x128xf32, #tpu.memory_space<hbm>>) target(%arg10 : memref<80x128xf32, #tpu.memory_space<vmem>>) offsets(%dma_start3A_68 : memref<80xi32, #tpu.memory_space<vmem>>) semaphore(%arg13 : memref<!tpu.dma_semaphore, #tpu.memory_space<semaphore_mem>>)
      %dma_wait3A_72 = arith.constant 0 : i32
      %dma_wait3A_73 = tpu.memref_slice %arg8[%mul3A_51, %dma_wait3A_72] : memref<125x80xi32, #tpu.memory_space<vmem>> -> memref<1x80xi32, #tpu.memory_space<vmem>>
      %dma_wait3A_74 = tpu.memref_squeeze %dma_wait3A_73 : memref<1x80xi32, #tpu.memory_space<vmem>> -> memref<80xi32, #tpu.memory_space<vmem>>
      %dma_wait3A_75 = arith.constant 0 : i32
      %dma_wait3A_76 = arith.constant 0 : i32
      %dma_wait3A_77 = tpu.memref_slice %arg11[%dma_wait3A_75, %dma_wait3A_76] : memref<10128x128xf32, #tpu.memory_space<vmem_shared>> -> memref<10128x128xf32, #tpu.memory_space<vmem_shared>>
      tpu.wait_indirect_dma semaphore(%arg14 : memref<!tpu.dma_semaphore, #tpu.memory_space<semaphore_mem>>) src(%arg9 : memref<80x128xf32, #tpu.memory_space<vmem>>) dst(%dma_wait3A_77 : memref<10128x128xf32, #tpu.memory_space<vmem_shared>>)
      %mul3A_78 = arith.constant 80 : i32
      %mul3A_79 = arith.muli %add3A_53, %mul3A_78 : i32
      %dma_wait3A_80 = tpu.memref_slice %arg7[%mul3A_79] : memref<10000xi32, #tpu.memory_space<vmem>> -> memref<80xi32, #tpu.memory_space<vmem>>
      %dma_wait3A_81 = arith.constant 0 : i32
      %dma_wait3A_82 = arith.constant 0 : i32
      %dma_wait3A_83 = tpu.memref_slice %arg2[%dma_wait3A_81, %dma_wait3A_82] : memref<10000x128xf32, #tpu.memory_space<hbm>> -> memref<10000x128xf32, #tpu.memory_space<hbm>>
      tpu.wait_indirect_dma semaphore(%arg13 : memref<!tpu.dma_semaphore, #tpu.memory_space<semaphore_mem>>) src(%dma_wait3A_83 : memref<10000x128xf32, #tpu.memory_space<hbm>>) dst(%arg10 : memref<80x128xf32, #tpu.memory_space<vmem>>)
      %dma_start3A_84 = arith.constant 0 : i32
      %dma_start3A_85 = tpu.memref_slice %arg8[%add3A_53, %dma_start3A_84] : memref<125x80xi32, #tpu.memory_space<vmem>> -> memref<1x80xi32, #tpu.memory_space<vmem>>
      %dma_start3A_86 = tpu.memref_squeeze %dma_start3A_85 : memref<1x80xi32, #tpu.memory_space<vmem>> -> memref<80xi32, #tpu.memory_space<vmem>>
      %dma_start3A_87 = arith.constant 0 : i32
      %dma_start3A_88 = arith.constant 0 : i32
      %dma_start3A_89 = tpu.memref_slice %arg11[%dma_start3A_87, %dma_start3A_88] : memref<10128x128xf32, #tpu.memory_space<vmem_shared>> -> memref<10128x128xf32, #tpu.memory_space<vmem_shared>>
      tpu.enqueue_indirect_dma source(%arg10 : memref<80x128xf32, #tpu.memory_space<vmem>>) target(%dma_start3A_89 : memref<10128x128xf32, #tpu.memory_space<vmem_shared>>) offsets(%dma_start3A_86 : memref<80xi32, #tpu.memory_space<vmem>>) semaphore(%arg15 : memref<!tpu.dma_semaphore, #tpu.memory_space<semaphore_mem>>) {add = true}
      %add3A_90 = arith.constant 2 : i32
      %add3A_91 = arith.addi %mul3A_51, %add3A_90 : i32
      %mul3A_92 = arith.constant 80 : i32
      %mul3A_93 = arith.muli %add3A_91, %mul3A_92 : i32
      %dma_start3A_94 = tpu.memref_slice %arg7[%mul3A_93] : memref<10000xi32, #tpu.memory_space<vmem>> -> memref<80xi32, #tpu.memory_space<vmem>>
      %dma_start3A_95 = arith.constant 0 : i32
      %dma_start3A_96 = arith.constant 0 : i32
      %dma_start3A_97 = tpu.memref_slice %arg2[%dma_start3A_95, %dma_start3A_96] : memref<10000x128xf32, #tpu.memory_space<hbm>> -> memref<10000x128xf32, #tpu.memory_space<hbm>>
      tpu.enqueue_indirect_dma source(%dma_start3A_97 : memref<10000x128xf32, #tpu.memory_space<hbm>>) target(%arg9 : memref<80x128xf32, #tpu.memory_space<vmem>>) offsets(%dma_start3A_94 : memref<80xi32, #tpu.memory_space<vmem>>) semaphore(%arg12 : memref<!tpu.dma_semaphore, #tpu.memory_space<semaphore_mem>>)
      %dma_wait3A_98 = arith.constant 0 : i32
      %dma_wait3A_99 = tpu.memref_slice %arg8[%add3A_53, %dma_wait3A_98] : memref<125x80xi32, #tpu.memory_space<vmem>> -> memref<1x80xi32, #tpu.memory_space<vmem>>
      %dma_wait3A_100 = tpu.memref_squeeze %dma_wait3A_99 : memref<1x80xi32, #tpu.memory_space<vmem>> -> memref<80xi32, #tpu.memory_space<vmem>>
      %dma_wait3A_101 = arith.constant 0 : i32
      %dma_wait3A_102 = arith.constant 0 : i32
      %dma_wait3A_103 = tpu.memref_slice %arg11[%dma_wait3A_101, %dma_wait3A_102] : memref<10128x128xf32, #tpu.memory_space<vmem_shared>> -> memref<10128x128xf32, #tpu.memory_space<vmem_shared>>
      tpu.wait_indirect_dma semaphore(%arg15 : memref<!tpu.dma_semaphore, #tpu.memory_space<semaphore_mem>>) src(%arg10 : memref<80x128xf32, #tpu.memory_space<vmem>>) dst(%dma_wait3A_103 : memref<10128x128xf32, #tpu.memory_space<vmem_shared>>)
      %scan3A_104 = arith.constant 0 : i32
      scf.yield %scan3A_104 : i32
    }
    %scan3A_18 = arith.constant 62 : i32
    %dma_wait3A = arith.constant 9920 : i32
    %dma_wait3A_19 = tpu.memref_slice %arg7[%dma_wait3A] : memref<10000xi32, #tpu.memory_space<vmem>> -> memref<80xi32, #tpu.memory_space<vmem>>
    %dma_wait3A_20 = arith.constant 0 : i32
    %dma_wait3A_21 = arith.constant 0 : i32
    %dma_wait3A_22 = tpu.memref_slice %arg2[%dma_wait3A_20, %dma_wait3A_21] : memref<10000x128xf32, #tpu.memory_space<hbm>> -> memref<10000x128xf32, #tpu.memory_space<hbm>>
    tpu.wait_indirect_dma semaphore(%arg12 : memref<!tpu.dma_semaphore, #tpu.memory_space<semaphore_mem>>) src(%dma_wait3A_22 : memref<10000x128xf32, #tpu.memory_space<hbm>>) dst(%arg9 : memref<80x128xf32, #tpu.memory_space<vmem>>)
    %dma_start3A_23 = arith.constant 124 : i32
    %dma_start3A_24 = arith.constant 0 : i32
    %dma_start3A_25 = tpu.memref_slice %arg8[%dma_start3A_23, %dma_start3A_24] : memref<125x80xi32, #tpu.memory_space<vmem>> -> memref<1x80xi32, #tpu.memory_space<vmem>>
    %dma_start3A_26 = tpu.memref_squeeze %dma_start3A_25 : memref<1x80xi32, #tpu.memory_space<vmem>> -> memref<80xi32, #tpu.memory_space<vmem>>
    %dma_start3A_27 = arith.constant 0 : i32
    %dma_start3A_28 = arith.constant 0 : i32
    %dma_start3A_29 = tpu.memref_slice %arg11[%dma_start3A_27, %dma_start3A_28] : memref<10128x128xf32, #tpu.memory_space<vmem_shared>> -> memref<10128x128xf32, #tpu.memory_space<vmem_shared>>
    tpu.enqueue_indirect_dma source(%arg9 : memref<80x128xf32, #tpu.memory_space<vmem>>) target(%dma_start3A_29 : memref<10128x128xf32, #tpu.memory_space<vmem_shared>>) offsets(%dma_start3A_26 : memref<80xi32, #tpu.memory_space<vmem>>) semaphore(%arg14 : memref<!tpu.dma_semaphore, #tpu.memory_space<semaphore_mem>>) {add = true}
    %dma_wait3A_30 = arith.constant 124 : i32
    %dma_wait3A_31 = arith.constant 0 : i32
    %dma_wait3A_32 = tpu.memref_slice %arg8[%dma_wait3A_30, %dma_wait3A_31] : memref<125x80xi32, #tpu.memory_space<vmem>> -> memref<1x80xi32, #tpu.memory_space<vmem>>
    %dma_wait3A_33 = tpu.memref_squeeze %dma_wait3A_32 : memref<1x80xi32, #tpu.memory_space<vmem>> -> memref<80xi32, #tpu.memory_space<vmem>>
    %dma_wait3A_34 = arith.constant 0 : i32
    %dma_wait3A_35 = arith.constant 0 : i32
    %dma_wait3A_36 = tpu.memref_slice %arg11[%dma_wait3A_34, %dma_wait3A_35] : memref<10128x128xf32, #tpu.memory_space<vmem_shared>> -> memref<10128x128xf32, #tpu.memory_space<vmem_shared>>
    tpu.wait_indirect_dma semaphore(%arg14 : memref<!tpu.dma_semaphore, #tpu.memory_space<semaphore_mem>>) src(%arg9 : memref<80x128xf32, #tpu.memory_space<vmem>>) dst(%dma_wait3A_36 : memref<10128x128xf32, #tpu.memory_space<vmem_shared>>)
    %barrier3A_37 = arith.constant 0 : index
    tpu.barrier barrier_id(%barrier3A_37)
    %lt3A_38 = arith.constant 15 : i32
    %lt3A_39 = arith.cmpi slt, %arg1, %lt3A_38 : i32
    %convert_element_type3A_40 = arith.extui %lt3A_39 : i1 to i32
    %cond3A_41 = arith.constant 0 : i32
    %cond3A_42 = arith.cmpi ne, %convert_element_type3A_40, %cond3A_41 : i32
    scf.if %cond3A_42 {
      "tpu.region"() ({
        %run_scoped3A = tpu.sem_alloc : memref<!tpu.dma_semaphore, #tpu.memory_space<semaphore_mem>>
        %dma_start3A_48 = arith.constant 0 : i32
        %dma_start3A_49 = arith.constant 0 : i32
        %dma_start3A_50 = tpu.memref_slice %arg6[%arg0, %dma_start3A_48, %dma_start3A_49] : memref<2x10000x128xf32, #tpu.memory_space<hbm>> -> memref<1x10000x128xf32, #tpu.memory_space<hbm>>
        %dma_start3A_51 = tpu.memref_squeeze %dma_start3A_50 : memref<1x10000x128xf32, #tpu.memory_space<hbm>> -> memref<10000x128xf32, #tpu.memory_space<hbm>>
        %dma_start3A_52 = arith.constant 0 : i32
        %dma_start3A_53 = tpu.memref_slice %dma_start3A_51[%mul3A_2, %dma_start3A_52] : memref<10000x128xf32, #tpu.memory_space<hbm>> -> memref<632x128xf32, #tpu.memory_space<hbm>>
        %dma_start3A_54 = arith.constant 0 : i32
        %dma_start3A_55 = tpu.memref_slice %arg11[%mul3A_2, %dma_start3A_54] : memref<10128x128xf32, #tpu.memory_space<vmem_shared>> -> memref<632x128xf32, #tpu.memory_space<vmem_shared>>
        tpu.enqueue_dma source(%dma_start3A_55 : memref<632x128xf32, #tpu.memory_space<vmem_shared>>) target(%dma_start3A_53 : memref<632x128xf32, #tpu.memory_space<hbm>>) target_semaphore(%run_scoped3A : memref<!tpu.dma_semaphore, #tpu.memory_space<semaphore_mem>>)
        %dma_wait3A_56 = arith.constant 0 : i32
        %dma_wait3A_57 = arith.constant 0 : i32
        %dma_wait3A_58 = tpu.memref_slice %arg6[%arg0, %dma_wait3A_56, %dma_wait3A_57] : memref<2x10000x128xf32, #tpu.memory_space<hbm>> -> memref<1x10000x128xf32, #tpu.memory_space<hbm>>
        %dma_wait3A_59 = tpu.memref_squeeze %dma_wait3A_58 : memref<1x10000x128xf32, #tpu.memory_space<hbm>> -> memref<10000x128xf32, #tpu.memory_space<hbm>>
        %dma_wait3A_60 = arith.constant 0 : i32
        %dma_wait3A_61 = tpu.memref_slice %dma_wait3A_59[%mul3A_2, %dma_wait3A_60] : memref<10000x128xf32, #tpu.memory_space<hbm>> -> memref<632x128xf32, #tpu.memory_space<hbm>>
        %dma_wait3A_62 = arith.constant 0 : i32
        %dma_wait3A_63 = tpu.memref_slice %arg11[%mul3A_2, %dma_wait3A_62] : memref<10128x128xf32, #tpu.memory_space<vmem_shared>> -> memref<632x128xf32, #tpu.memory_space<vmem_shared>>
        tpu.wait_dma2 semaphore(%run_scoped3A : memref<!tpu.dma_semaphore, #tpu.memory_space<semaphore_mem>>) src(%dma_wait3A_63 : memref<632x128xf32, #tpu.memory_space<vmem_shared>>) dst(%dma_wait3A_61 : memref<632x128xf32, #tpu.memory_space<hbm>>)
        tpu.yield
      }) : () -> ()
    } else {
    }
    %eq3A_43 = arith.constant 15 : i32
    %eq3A_44 = arith.cmpi eq, %arg1, %eq3A_43 : i32
    %convert_element_type3A_45 = arith.extui %eq3A_44 : i1 to i32
    %cond3A_46 = arith.constant 0 : i32
    %cond3A_47 = arith.cmpi ne, %convert_element_type3A_45, %cond3A_46 : i32
    scf.if %cond3A_47 {
      "tpu.region"() ({
        %run_scoped3A = tpu.sem_alloc : memref<!tpu.dma_semaphore, #tpu.memory_space<semaphore_mem>>
        %dma_start3A_48 = arith.constant 0 : i32
        %dma_start3A_49 = arith.constant 0 : i32
        %dma_start3A_50 = tpu.memref_slice %arg6[%arg0, %dma_start3A_48, %dma_start3A_49] : memref<2x10000x128xf32, #tpu.memory_space<hbm>> -> memref<1x10000x128xf32, #tpu.memory_space<hbm>>
        %dma_start3A_51 = tpu.memref_squeeze %dma_start3A_50 : memref<1x10000x128xf32, #tpu.memory_space<hbm>> -> memref<10000x128xf32, #tpu.memory_space<hbm>>
        %dma_start3A_52 = arith.constant 9480 : i32
        %dma_start3A_53 = arith.constant 0 : i32
        %dma_start3A_54 = tpu.memref_slice %dma_start3A_51[%dma_start3A_52, %dma_start3A_53] : memref<10000x128xf32, #tpu.memory_space<hbm>> -> memref<520x128xf32, #tpu.memory_space<hbm>>
        %dma_start3A_55 = arith.constant 9480 : i32
        %dma_start3A_56 = arith.constant 0 : i32
        %dma_start3A_57 = tpu.memref_slice %arg11[%dma_start3A_55, %dma_start3A_56] : memref<10128x128xf32, #tpu.memory_space<vmem_shared>> -> memref<520x128xf32, #tpu.memory_space<vmem_shared>>
        tpu.enqueue_dma source(%dma_start3A_57 : memref<520x128xf32, #tpu.memory_space<vmem_shared>>) target(%dma_start3A_54 : memref<520x128xf32, #tpu.memory_space<hbm>>) target_semaphore(%run_scoped3A : memref<!tpu.dma_semaphore, #tpu.memory_space<semaphore_mem>>)
        %dma_wait3A_58 = arith.constant 0 : i32
        %dma_wait3A_59 = arith.constant 0 : i32
        %dma_wait3A_60 = tpu.memref_slice %arg6[%arg0, %dma_wait3A_58, %dma_wait3A_59] : memref<2x10000x128xf32, #tpu.memory_space<hbm>> -> memref<1x10000x128xf32, #tpu.memory_space<hbm>>
        %dma_wait3A_61 = tpu.memref_squeeze %dma_wait3A_60 : memref<1x10000x128xf32, #tpu.memory_space<hbm>> -> memref<10000x128xf32, #tpu.memory_space<hbm>>
        %dma_wait3A_62 = arith.constant 9480 : i32
        %dma_wait3A_63 = arith.constant 0 : i32
        %dma_wait3A_64 = tpu.memref_slice %dma_wait3A_61[%dma_wait3A_62, %dma_wait3A_63] : memref<10000x128xf32, #tpu.memory_space<hbm>> -> memref<520x128xf32, #tpu.memory_space<hbm>>
        %dma_wait3A_65 = arith.constant 9480 : i32
        %dma_wait3A_66 = arith.constant 0 : i32
        %dma_wait3A_67 = tpu.memref_slice %arg11[%dma_wait3A_65, %dma_wait3A_66] : memref<10128x128xf32, #tpu.memory_space<vmem_shared>> -> memref<520x128xf32, #tpu.memory_space<vmem_shared>>
        tpu.wait_dma2 semaphore(%run_scoped3A : memref<!tpu.dma_semaphore, #tpu.memory_space<semaphore_mem>>) src(%dma_wait3A_67 : memref<520x128xf32, #tpu.memory_space<vmem_shared>>) dst(%dma_wait3A_64 : memref<520x128xf32, #tpu.memory_space<hbm>>)
        tpu.yield
      }) : () -> ()
    } else {
    }
    return
  }
}

#map = affine_map<(d0, d1) -> (0, 0)>
#map1 = affine_map<(d0, d1) -> (0, 0, 0)>
module attributes {stable_mosaic.version = 14 : i64} {
  func.func @_scatter_kernel(%arg0: i32, %arg1: i32, %arg2: memref<10000x128xf32, #tpu.memory_space<hbm>>, %arg3: memref<32x10000xi32, #tpu.memory_space<hbm>>, %arg4: memref<32x125x80xi32, #tpu.memory_space<hbm>>, %arg5: memref<10000x128xf32, #tpu.memory_space<hbm>>, %arg6: memref<2x10000x128xf32, #tpu.memory_space<hbm>>, %arg7: memref<10000xi32, #tpu.memory_space<vmem>>, %arg8: memref<125x80xi32, #tpu.memory_space<vmem>>, %arg9: memref<80x128xf32, #tpu.memory_space<vmem>>, %arg10: memref<80x128xf32, #tpu.memory_space<vmem>>, %arg11: memref<10128x128xf32, #tpu.memory_space<vmem_shared>>, %arg12: memref<!tpu.dma_semaphore, #tpu.memory_space<semaphore_mem>>, %arg13: memref<!tpu.dma_semaphore, #tpu.memory_space<semaphore_mem>>, %arg14: memref<!tpu.dma_semaphore, #tpu.memory_space<semaphore_mem>>, %arg15: memref<!tpu.dma_semaphore, #tpu.memory_space<semaphore_mem>>) attributes {dimension_semantics = [#tpu.dimension_semantics<core_parallel>, #tpu.dimension_semantics<subcore_parallel>], iteration_bounds = array<i64: 2, 16>, scalar_prefetch = 0 : i64, scratch_operands = 9 : i64, tpu.core_type = #tpu.core_type<sc_vector_subcore>, window_params = [{transform_indices = #map}, {transform_indices = #map}, {transform_indices = #map1}, {transform_indices = #map}, {transform_indices = #map1}]} {
    %mul3A = arith.constant 2 : i32
    %mul3A_0 = arith.muli %arg1, %mul3A : i32
    %add3A = arith.addi %mul3A_0, %arg0 : i32
    %mul3A_1 = arith.constant 632 : i32
    %mul3A_2 = arith.muli %arg1, %mul3A_1 : i32
    %lt3A = arith.constant 15 : i32
    %lt3A_3 = arith.cmpi slt, %arg1, %lt3A : i32
    %convert_element_type3A = arith.extui %lt3A_3 : i1 to i32
    %cond3A = arith.constant 0 : i32
    %cond3A_4 = arith.cmpi ne, %convert_element_type3A, %cond3A : i32
    scf.if %cond3A_4 {
      "tpu.region"() ({
        %run_scoped3A = tpu.sem_alloc : memref<!tpu.dma_semaphore, #tpu.memory_space<semaphore_mem>>
        %dma_start3A_48 = arith.constant 0 : i32
        %dma_start3A_49 = tpu.memref_slice %arg11[%mul3A_2, %dma_start3A_48] : memref<10128x128xf32, #tpu.memory_space<vmem_shared>> -> memref<632x128xf32, #tpu.memory_space<vmem_shared>>
        %dma_start3A_50 = arith.constant 0 : i32
        %dma_start3A_51 = tpu.memref_slice %arg5[%mul3A_2, %dma_start3A_50] : memref<10000x128xf32, #tpu.memory_space<hbm>> -> memref<632x128xf32, #tpu.memory_space<hbm>>
        tpu.enqueue_dma source(%dma_start3A_51 : memref<632x128xf32, #tpu.memory_space<hbm>>) target(%dma_start3A_49 : memref<632x128xf32, #tpu.memory_space<vmem_shared>>) target_semaphore(%run_scoped3A : memref<!tpu.dma_semaphore, #tpu.memory_space<semaphore_mem>>)
        %dma_wait3A_52 = arith.constant 0 : i32
        %dma_wait3A_53 = tpu.memref_slice %arg11[%mul3A_2, %dma_wait3A_52] : memref<10128x128xf32, #tpu.memory_space<vmem_shared>> -> memref<632x128xf32, #tpu.memory_space<vmem_shared>>
        %dma_wait3A_54 = arith.constant 0 : i32
        %dma_wait3A_55 = tpu.memref_slice %arg5[%mul3A_2, %dma_wait3A_54] : memref<10000x128xf32, #tpu.memory_space<hbm>> -> memref<632x128xf32, #tpu.memory_space<hbm>>
        tpu.wait_dma2 semaphore(%run_scoped3A : memref<!tpu.dma_semaphore, #tpu.memory_space<semaphore_mem>>) src(%dma_wait3A_55 : memref<632x128xf32, #tpu.memory_space<hbm>>) dst(%dma_wait3A_53 : memref<632x128xf32, #tpu.memory_space<vmem_shared>>)
        tpu.yield
      }) : () -> ()
    } else {
    }
    %eq3A = arith.constant 15 : i32
    %eq3A_5 = arith.cmpi eq, %arg1, %eq3A : i32
    %convert_element_type3A_6 = arith.extui %eq3A_5 : i1 to i32
    %cond3A_7 = arith.constant 0 : i32
    %cond3A_8 = arith.cmpi ne, %convert_element_type3A_6, %cond3A_7 : i32
    scf.if %cond3A_8 {
      "tpu.region"() ({
        %run_scoped3A = tpu.sem_alloc : memref<!tpu.dma_semaphore, #tpu.memory_space<semaphore_mem>>
        %dma_start3A_48 = arith.constant 9480 : i32
        %dma_start3A_49 = arith.constant 0 : i32
        %dma_start3A_50 = tpu.memref_slice %arg11[%dma_start3A_48, %dma_start3A_49] : memref<10128x128xf32, #tpu.memory_space<vmem_shared>> -> memref<520x128xf32, #tpu.memory_space<vmem_shared>>
        %dma_start3A_51 = arith.constant 9480 : i32
        %dma_start3A_52 = arith.constant 0 : i32
        %dma_start3A_53 = tpu.memref_slice %arg5[%dma_start3A_51, %dma_start3A_52] : memref<10000x128xf32, #tpu.memory_space<hbm>> -> memref<520x128xf32, #tpu.memory_space<hbm>>
        tpu.enqueue_dma source(%dma_start3A_53 : memref<520x128xf32, #tpu.memory_space<hbm>>) target(%dma_start3A_50 : memref<520x128xf32, #tpu.memory_space<vmem_shared>>) target_semaphore(%run_scoped3A : memref<!tpu.dma_semaphore, #tpu.memory_space<semaphore_mem>>)
        %dma_wait3A_54 = arith.constant 9480 : i32
        %dma_wait3A_55 = arith.constant 0 : i32
        %dma_wait3A_56 = tpu.memref_slice %arg11[%dma_wait3A_54, %dma_wait3A_55] : memref<10128x128xf32, #tpu.memory_space<vmem_shared>> -> memref<520x128xf32, #tpu.memory_space<vmem_shared>>
        %dma_wait3A_57 = arith.constant 9480 : i32
        %dma_wait3A_58 = arith.constant 0 : i32
        %dma_wait3A_59 = tpu.memref_slice %arg5[%dma_wait3A_57, %dma_wait3A_58] : memref<10000x128xf32, #tpu.memory_space<hbm>> -> memref<520x128xf32, #tpu.memory_space<hbm>>
        tpu.wait_dma2 semaphore(%run_scoped3A : memref<!tpu.dma_semaphore, #tpu.memory_space<semaphore_mem>>) src(%dma_wait3A_59 : memref<520x128xf32, #tpu.memory_space<hbm>>) dst(%dma_wait3A_56 : memref<520x128xf32, #tpu.memory_space<vmem_shared>>)
        tpu.yield
      }) : () -> ()
    } else {
    }
    "tpu.region"() ({
      %run_scoped3A = tpu.sem_alloc : memref<!tpu.dma_semaphore, #tpu.memory_space<semaphore_mem>>
      %dma_start3A_48 = arith.constant 0 : i32
      %dma_start3A_49 = tpu.memref_slice %arg3[%add3A, %dma_start3A_48] : memref<32x10000xi32, #tpu.memory_space<hbm>> -> memref<1x10000xi32, #tpu.memory_space<hbm>>
      %dma_start3A_50 = tpu.memref_squeeze %dma_start3A_49 : memref<1x10000xi32, #tpu.memory_space<hbm>> -> memref<10000xi32, #tpu.memory_space<hbm>>
      %dma_start3A_51 = arith.constant 0 : i32
      %dma_start3A_52 = tpu.memref_slice %arg3[%add3A, %dma_start3A_51] : memref<32x10000xi32, #tpu.memory_space<hbm>> -> memref<1x10000xi32, #tpu.memory_space<hbm>>
      %dma_start3A_53 = tpu.memref_squeeze %dma_start3A_52 : memref<1x10000xi32, #tpu.memory_space<hbm>> -> memref<10000xi32, #tpu.memory_space<hbm>>
      tpu.enqueue_dma source(%dma_start3A_53 : memref<10000xi32, #tpu.memory_space<hbm>>) target(%arg7 : memref<10000xi32, #tpu.memory_space<vmem>>) target_semaphore(%run_scoped3A : memref<!tpu.dma_semaphore, #tpu.memory_space<semaphore_mem>>)
      %dma_wait3A_54 = arith.constant 0 : i32
      %dma_wait3A_55 = tpu.memref_slice %arg3[%add3A, %dma_wait3A_54] : memref<32x10000xi32, #tpu.memory_space<hbm>> -> memref<1x10000xi32, #tpu.memory_space<hbm>>
      %dma_wait3A_56 = tpu.memref_squeeze %dma_wait3A_55 : memref<1x10000xi32, #tpu.memory_space<hbm>> -> memref<10000xi32, #tpu.memory_space<hbm>>
      %dma_wait3A_57 = arith.constant 0 : i32
      %dma_wait3A_58 = tpu.memref_slice %arg3[%add3A, %dma_wait3A_57] : memref<32x10000xi32, #tpu.memory_space<hbm>> -> memref<1x10000xi32, #tpu.memory_space<hbm>>
      %dma_wait3A_59 = tpu.memref_squeeze %dma_wait3A_58 : memref<1x10000xi32, #tpu.memory_space<hbm>> -> memref<10000xi32, #tpu.memory_space<hbm>>
      tpu.wait_dma2 semaphore(%run_scoped3A : memref<!tpu.dma_semaphore, #tpu.memory_space<semaphore_mem>>) src(%dma_wait3A_59 : memref<10000xi32, #tpu.memory_space<hbm>>) dst(%arg7 : memref<10000xi32, #tpu.memory_space<vmem>>)
      tpu.yield
    }) : () -> ()
    "tpu.region"() ({
      %run_scoped3A = tpu.sem_alloc : memref<!tpu.dma_semaphore, #tpu.memory_space<semaphore_mem>>
      %dma_start3A_48 = arith.constant 0 : i32
      %dma_start3A_49 = arith.constant 0 : i32
      %dma_start3A_50 = tpu.memref_slice %arg4[%add3A, %dma_start3A_48, %dma_start3A_49] : memref<32x125x80xi32, #tpu.memory_space<hbm>> -> memref<1x125x80xi32, #tpu.memory_space<hbm>>
      %dma_start3A_51 = tpu.memref_squeeze %dma_start3A_50 : memref<1x125x80xi32, #tpu.memory_space<hbm>> -> memref<125x80xi32, #tpu.memory_space<hbm>>
      %dma_start3A_52 = arith.constant 0 : i32
      %dma_start3A_53 = arith.constant 0 : i32
      %dma_start3A_54 = tpu.memref_slice %arg4[%add3A, %dma_start3A_52, %dma_start3A_53] : memref<32x125x80xi32, #tpu.memory_space<hbm>> -> memref<1x125x80xi32, #tpu.memory_space<hbm>>
      %dma_start3A_55 = tpu.memref_squeeze %dma_start3A_54 : memref<1x125x80xi32, #tpu.memory_space<hbm>> -> memref<125x80xi32, #tpu.memory_space<hbm>>
      tpu.enqueue_dma source(%dma_start3A_55 : memref<125x80xi32, #tpu.memory_space<hbm>>) target(%arg8 : memref<125x80xi32, #tpu.memory_space<vmem>>) target_semaphore(%run_scoped3A : memref<!tpu.dma_semaphore, #tpu.memory_space<semaphore_mem>>)
      %dma_wait3A_56 = arith.constant 0 : i32
      %dma_wait3A_57 = arith.constant 0 : i32
      %dma_wait3A_58 = tpu.memref_slice %arg4[%add3A, %dma_wait3A_56, %dma_wait3A_57] : memref<32x125x80xi32, #tpu.memory_space<hbm>> -> memref<1x125x80xi32, #tpu.memory_space<hbm>>
      %dma_wait3A_59 = tpu.memref_squeeze %dma_wait3A_58 : memref<1x125x80xi32, #tpu.memory_space<hbm>> -> memref<125x80xi32, #tpu.memory_space<hbm>>
      %dma_wait3A_60 = arith.constant 0 : i32
      %dma_wait3A_61 = arith.constant 0 : i32
      %dma_wait3A_62 = tpu.memref_slice %arg4[%add3A, %dma_wait3A_60, %dma_wait3A_61] : memref<32x125x80xi32, #tpu.memory_space<hbm>> -> memref<1x125x80xi32, #tpu.memory_space<hbm>>
      %dma_wait3A_63 = tpu.memref_squeeze %dma_wait3A_62 : memref<1x125x80xi32, #tpu.memory_space<hbm>> -> memref<125x80xi32, #tpu.memory_space<hbm>>
      tpu.wait_dma2 semaphore(%run_scoped3A : memref<!tpu.dma_semaphore, #tpu.memory_space<semaphore_mem>>) src(%dma_wait3A_63 : memref<125x80xi32, #tpu.memory_space<hbm>>) dst(%arg8 : memref<125x80xi32, #tpu.memory_space<vmem>>)
      tpu.yield
    }) : () -> ()
    %barrier3A = arith.constant 0 : index
    tpu.barrier barrier_id(%barrier3A)
    %dma_start3A = arith.constant 0 : i32
    %dma_start3A_9 = tpu.memref_slice %arg7[%dma_start3A] : memref<10000xi32, #tpu.memory_space<vmem>> -> memref<80xi32, #tpu.memory_space<vmem>>
    %dma_start3A_10 = arith.constant 0 : i32
    %dma_start3A_11 = arith.constant 0 : i32
    %dma_start3A_12 = tpu.memref_slice %arg2[%dma_start3A_10, %dma_start3A_11] : memref<10000x128xf32, #tpu.memory_space<hbm>> -> memref<10000x128xf32, #tpu.memory_space<hbm>>
    tpu.enqueue_indirect_dma source(%dma_start3A_12 : memref<10000x128xf32, #tpu.memory_space<hbm>>) target(%arg9 : memref<80x128xf32, #tpu.memory_space<vmem>>) offsets(%dma_start3A_9 : memref<80xi32, #tpu.memory_space<vmem>>) semaphore(%arg12 : memref<!tpu.dma_semaphore, #tpu.memory_space<semaphore_mem>>)
    %scan3A = arith.constant 0 : i32
    %scan3A_13 = arith.constant 0 : i32
    %scan3A_14 = arith.constant 62 : i32
    %scan3A_15 = arith.addi %scan3A_13, %scan3A_14 : i32
    %scan3A_16 = arith.constant 1 : i32
    %scan3A_17 = scf.for %scan3A_48 = %scan3A_13 to %scan3A_15 step %scan3A_16 iter_args(%scan3A_49 = %scan3A) -> (i32)  : i32 {
      %mul3A_50 = arith.constant 2 : i32
      %mul3A_51 = arith.muli %mul3A_50, %scan3A_48 : i32
      %add3A_52 = arith.constant 1 : i32
      %add3A_53 = arith.addi %mul3A_51, %add3A_52 : i32
      %mul3A_54 = arith.constant 80 : i32
      %mul3A_55 = arith.muli %mul3A_51, %mul3A_54 : i32
      %dma_wait3A_56 = tpu.memref_slice %arg7[%mul3A_55] : memref<10000xi32, #tpu.memory_space<vmem>> -> memref<80xi32, #tpu.memory_space<vmem>>
      %dma_wait3A_57 = arith.constant 0 : i32
      %dma_wait3A_58 = arith.constant 0 : i32
      %dma_wait3A_59 = tpu.memref_slice %arg2[%dma_wait3A_57, %dma_wait3A_58] : memref<10000x128xf32, #tpu.memory_space<hbm>> -> memref<10000x128xf32, #tpu.memory_space<hbm>>
      tpu.wait_indirect_dma semaphore(%arg12 : memref<!tpu.dma_semaphore, #tpu.memory_space<semaphore_mem>>) src(%dma_wait3A_59 : memref<10000x128xf32, #tpu.memory_space<hbm>>) dst(%arg9 : memref<80x128xf32, #tpu.memory_space<vmem>>)
      %dma_start3A_60 = arith.constant 0 : i32
      %dma_start3A_61 = tpu.memref_slice %arg8[%mul3A_51, %dma_start3A_60] : memref<125x80xi32, #tpu.memory_space<vmem>> -> memref<1x80xi32, #tpu.memory_space<vmem>>
      %dma_start3A_62 = tpu.memref_squeeze %dma_start3A_61 : memref<1x80xi32, #tpu.memory_space<vmem>> -> memref<80xi32, #tpu.memory_space<vmem>>
      %dma_start3A_63 = arith.constant 0 : i32
      %dma_start3A_64 = arith.constant 0 : i32
      %dma_start3A_65 = tpu.memref_slice %arg11[%dma_start3A_63, %dma_start3A_64] : memref<10128x128xf32, #tpu.memory_space<vmem_shared>> -> memref<10128x128xf32, #tpu.memory_space<vmem_shared>>
      tpu.enqueue_indirect_dma source(%arg9 : memref<80x128xf32, #tpu.memory_space<vmem>>) target(%dma_start3A_65 : memref<10128x128xf32, #tpu.memory_space<vmem_shared>>) offsets(%dma_start3A_62 : memref<80xi32, #tpu.memory_space<vmem>>) semaphore(%arg14 : memref<!tpu.dma_semaphore, #tpu.memory_space<semaphore_mem>>) {add = true}
      %mul3A_66 = arith.constant 80 : i32
      %mul3A_67 = arith.muli %add3A_53, %mul3A_66 : i32
      %dma_start3A_68 = tpu.memref_slice %arg7[%mul3A_67] : memref<10000xi32, #tpu.memory_space<vmem>> -> memref<80xi32, #tpu.memory_space<vmem>>
      %dma_start3A_69 = arith.constant 0 : i32
      %dma_start3A_70 = arith.constant 0 : i32
      %dma_start3A_71 = tpu.memref_slice %arg2[%dma_start3A_69, %dma_start3A_70] : memref<10000x128xf32, #tpu.memory_space<hbm>> -> memref<10000x128xf32, #tpu.memory_space<hbm>>
      tpu.enqueue_indirect_dma source(%dma_start3A_71 : memref<10000x128xf32, #tpu.memory_space<hbm>>) target(%arg10 : memref<80x128xf32, #tpu.memory_space<vmem>>) offsets(%dma_start3A_68 : memref<80xi32, #tpu.memory_space<vmem>>) semaphore(%arg13 : memref<!tpu.dma_semaphore, #tpu.memory_space<semaphore_mem>>)
      %dma_wait3A_72 = arith.constant 0 : i32
      %dma_wait3A_73 = tpu.memref_slice %arg8[%mul3A_51, %dma_wait3A_72] : memref<125x80xi32, #tpu.memory_space<vmem>> -> memref<1x80xi32, #tpu.memory_space<vmem>>
      %dma_wait3A_74 = tpu.memref_squeeze %dma_wait3A_73 : memref<1x80xi32, #tpu.memory_space<vmem>> -> memref<80xi32, #tpu.memory_space<vmem>>
      %dma_wait3A_75 = arith.constant 0 : i32
      %dma_wait3A_76 = arith.constant 0 : i32
      %dma_wait3A_77 = tpu.memref_slice %arg11[%dma_wait3A_75, %dma_wait3A_76] : memref<10128x128xf32, #tpu.memory_space<vmem_shared>> -> memref<10128x128xf32, #tpu.memory_space<vmem_shared>>
      tpu.wait_indirect_dma semaphore(%arg14 : memref<!tpu.dma_semaphore, #tpu.memory_space<semaphore_mem>>) src(%arg9 : memref<80x128xf32, #tpu.memory_space<vmem>>) dst(%dma_wait3A_77 : memref<10128x128xf32, #tpu.memory_space<vmem_shared>>)
      %mul3A_78 = arith.constant 80 : i32
      %mul3A_79 = arith.muli %add3A_53, %mul3A_78 : i32
      %dma_wait3A_80 = tpu.memref_slice %arg7[%mul3A_79] : memref<10000xi32, #tpu.memory_space<vmem>> -> memref<80xi32, #tpu.memory_space<vmem>>
      %dma_wait3A_81 = arith.constant 0 : i32
      %dma_wait3A_82 = arith.constant 0 : i32
      %dma_wait3A_83 = tpu.memref_slice %arg2[%dma_wait3A_81, %dma_wait3A_82] : memref<10000x128xf32, #tpu.memory_space<hbm>> -> memref<10000x128xf32, #tpu.memory_space<hbm>>
      tpu.wait_indirect_dma semaphore(%arg13 : memref<!tpu.dma_semaphore, #tpu.memory_space<semaphore_mem>>) src(%dma_wait3A_83 : memref<10000x128xf32, #tpu.memory_space<hbm>>) dst(%arg10 : memref<80x128xf32, #tpu.memory_space<vmem>>)
      %dma_start3A_84 = arith.constant 0 : i32
      %dma_start3A_85 = tpu.memref_slice %arg8[%add3A_53, %dma_start3A_84] : memref<125x80xi32, #tpu.memory_space<vmem>> -> memref<1x80xi32, #tpu.memory_space<vmem>>
      %dma_start3A_86 = tpu.memref_squeeze %dma_start3A_85 : memref<1x80xi32, #tpu.memory_space<vmem>> -> memref<80xi32, #tpu.memory_space<vmem>>
      %dma_start3A_87 = arith.constant 0 : i32
      %dma_start3A_88 = arith.constant 0 : i32
      %dma_start3A_89 = tpu.memref_slice %arg11[%dma_start3A_87, %dma_start3A_88] : memref<10128x128xf32, #tpu.memory_space<vmem_shared>> -> memref<10128x128xf32, #tpu.memory_space<vmem_shared>>
      tpu.enqueue_indirect_dma source(%arg10 : memref<80x128xf32, #tpu.memory_space<vmem>>) target(%dma_start3A_89 : memref<10128x128xf32, #tpu.memory_space<vmem_shared>>) offsets(%dma_start3A_86 : memref<80xi32, #tpu.memory_space<vmem>>) semaphore(%arg15 : memref<!tpu.dma_semaphore, #tpu.memory_space<semaphore_mem>>) {add = true}
      %add3A_90 = arith.constant 2 : i32
      %add3A_91 = arith.addi %mul3A_51, %add3A_90 : i32
      %mul3A_92 = arith.constant 80 : i32
      %mul3A_93 = arith.muli %add3A_91, %mul3A_92 : i32
      %dma_start3A_94 = tpu.memref_slice %arg7[%mul3A_93] : memref<10000xi32, #tpu.memory_space<vmem>> -> memref<80xi32, #tpu.memory_space<vmem>>
      %dma_start3A_95 = arith.constant 0 : i32
      %dma_start3A_96 = arith.constant 0 : i32
      %dma_start3A_97 = tpu.memref_slice %arg2[%dma_start3A_95, %dma_start3A_96] : memref<10000x128xf32, #tpu.memory_space<hbm>> -> memref<10000x128xf32, #tpu.memory_space<hbm>>
      tpu.enqueue_indirect_dma source(%dma_start3A_97 : memref<10000x128xf32, #tpu.memory_space<hbm>>) target(%arg9 : memref<80x128xf32, #tpu.memory_space<vmem>>) offsets(%dma_start3A_94 : memref<80xi32, #tpu.memory_space<vmem>>) semaphore(%arg12 : memref<!tpu.dma_semaphore, #tpu.memory_space<semaphore_mem>>)
      %dma_wait3A_98 = arith.constant 0 : i32
      %dma_wait3A_99 = tpu.memref_slice %arg8[%add3A_53, %dma_wait3A_98] : memref<125x80xi32, #tpu.memory_space<vmem>> -> memref<1x80xi32, #tpu.memory_space<vmem>>
      %dma_wait3A_100 = tpu.memref_squeeze %dma_wait3A_99 : memref<1x80xi32, #tpu.memory_space<vmem>> -> memref<80xi32, #tpu.memory_space<vmem>>
      %dma_wait3A_101 = arith.constant 0 : i32
      %dma_wait3A_102 = arith.constant 0 : i32
      %dma_wait3A_103 = tpu.memref_slice %arg11[%dma_wait3A_101, %dma_wait3A_102] : memref<10128x128xf32, #tpu.memory_space<vmem_shared>> -> memref<10128x128xf32, #tpu.memory_space<vmem_shared>>
      tpu.wait_indirect_dma semaphore(%arg15 : memref<!tpu.dma_semaphore, #tpu.memory_space<semaphore_mem>>) src(%arg10 : memref<80x128xf32, #tpu.memory_space<vmem>>) dst(%dma_wait3A_103 : memref<10128x128xf32, #tpu.memory_space<vmem_shared>>)
      %scan3A_104 = arith.constant 0 : i32
      scf.yield %scan3A_104 : i32
    }
    %scan3A_18 = arith.constant 62 : i32
    %dma_wait3A = arith.constant 9920 : i32
    %dma_wait3A_19 = tpu.memref_slice %arg7[%dma_wait3A] : memref<10000xi32, #tpu.memory_space<vmem>> -> memref<80xi32, #tpu.memory_space<vmem>>
    %dma_wait3A_20 = arith.constant 0 : i32
    %dma_wait3A_21 = arith.constant 0 : i32
    %dma_wait3A_22 = tpu.memref_slice %arg2[%dma_wait3A_20, %dma_wait3A_21] : memref<10000x128xf32, #tpu.memory_space<hbm>> -> memref<10000x128xf32, #tpu.memory_space<hbm>>
    tpu.wait_indirect_dma semaphore(%arg12 : memref<!tpu.dma_semaphore, #tpu.memory_space<semaphore_mem>>) src(%dma_wait3A_22 : memref<10000x128xf32, #tpu.memory_space<hbm>>) dst(%arg9 : memref<80x128xf32, #tpu.memory_space<vmem>>)
    %dma_start3A_23 = arith.constant 124 : i32
    %dma_start3A_24 = arith.constant 0 : i32
    %dma_start3A_25 = tpu.memref_slice %arg8[%dma_start3A_23, %dma_start3A_24] : memref<125x80xi32, #tpu.memory_space<vmem>> -> memref<1x80xi32, #tpu.memory_space<vmem>>
    %dma_start3A_26 = tpu.memref_squeeze %dma_start3A_25 : memref<1x80xi32, #tpu.memory_space<vmem>> -> memref<80xi32, #tpu.memory_space<vmem>>
    %dma_start3A_27 = arith.constant 0 : i32
    %dma_start3A_28 = arith.constant 0 : i32
    %dma_start3A_29 = tpu.memref_slice %arg11[%dma_start3A_27, %dma_start3A_28] : memref<10128x128xf32, #tpu.memory_space<vmem_shared>> -> memref<10128x128xf32, #tpu.memory_space<vmem_shared>>
    tpu.enqueue_indirect_dma source(%arg9 : memref<80x128xf32, #tpu.memory_space<vmem>>) target(%dma_start3A_29 : memref<10128x128xf32, #tpu.memory_space<vmem_shared>>) offsets(%dma_start3A_26 : memref<80xi32, #tpu.memory_space<vmem>>) semaphore(%arg14 : memref<!tpu.dma_semaphore, #tpu.memory_space<semaphore_mem>>) {add = true}
    %dma_wait3A_30 = arith.constant 124 : i32
    %dma_wait3A_31 = arith.constant 0 : i32
    %dma_wait3A_32 = tpu.memref_slice %arg8[%dma_wait3A_30, %dma_wait3A_31] : memref<125x80xi32, #tpu.memory_space<vmem>> -> memref<1x80xi32, #tpu.memory_space<vmem>>
    %dma_wait3A_33 = tpu.memref_squeeze %dma_wait3A_32 : memref<1x80xi32, #tpu.memory_space<vmem>> -> memref<80xi32, #tpu.memory_space<vmem>>
    %dma_wait3A_34 = arith.constant 0 : i32
    %dma_wait3A_35 = arith.constant 0 : i32
    %dma_wait3A_36 = tpu.memref_slice %arg11[%dma_wait3A_34, %dma_wait3A_35] : memref<10128x128xf32, #tpu.memory_space<vmem_shared>> -> memref<10128x128xf32, #tpu.memory_space<vmem_shared>>
    tpu.wait_indirect_dma semaphore(%arg14 : memref<!tpu.dma_semaphore, #tpu.memory_space<semaphore_mem>>) src(%arg9 : memref<80x128xf32, #tpu.memory_space<vmem>>) dst(%dma_wait3A_36 : memref<10128x128xf32, #tpu.memory_space<vmem_shared>>)
    %barrier3A_37 = arith.constant 0 : index
    tpu.barrier barrier_id(%barrier3A_37)
    %lt3A_38 = arith.constant 15 : i32
    %lt3A_39 = arith.cmpi slt, %arg1, %lt3A_38 : i32
    %convert_element_type3A_40 = arith.extui %lt3A_39 : i1 to i32
    %cond3A_41 = arith.constant 0 : i32
    %cond3A_42 = arith.cmpi ne, %convert_element_type3A_40, %cond3A_41 : i32
    scf.if %cond3A_42 {
      "tpu.region"() ({
        %run_scoped3A = tpu.sem_alloc : memref<!tpu.dma_semaphore, #tpu.memory_space<semaphore_mem>>
        %dma_start3A_48 = arith.constant 0 : i32
        %dma_start3A_49 = arith.constant 0 : i32
        %dma_start3A_50 = tpu.memref_slice %arg6[%arg0, %dma_start3A_48, %dma_start3A_49] : memref<2x10000x128xf32, #tpu.memory_space<hbm>> -> memref<1x10000x128xf32, #tpu.memory_space<hbm>>
        %dma_start3A_51 = tpu.memref_squeeze %dma_start3A_50 : memref<1x10000x128xf32, #tpu.memory_space<hbm>> -> memref<10000x128xf32, #tpu.memory_space<hbm>>
        %dma_start3A_52 = arith.constant 0 : i32
        %dma_start3A_53 = tpu.memref_slice %dma_start3A_51[%mul3A_2, %dma_start3A_52] : memref<10000x128xf32, #tpu.memory_space<hbm>> -> memref<632x128xf32, #tpu.memory_space<hbm>>
        %dma_start3A_54 = arith.constant 0 : i32
        %dma_start3A_55 = tpu.memref_slice %arg11[%mul3A_2, %dma_start3A_54] : memref<10128x128xf32, #tpu.memory_space<vmem_shared>> -> memref<632x128xf32, #tpu.memory_space<vmem_shared>>
        tpu.enqueue_dma source(%dma_start3A_55 : memref<632x128xf32, #tpu.memory_space<vmem_shared>>) target(%dma_start3A_53 : memref<632x128xf32, #tpu.memory_space<hbm>>) target_semaphore(%run_scoped3A : memref<!tpu.dma_semaphore, #tpu.memory_space<semaphore_mem>>)
        %dma_wait3A_56 = arith.constant 0 : i32
        %dma_wait3A_57 = arith.constant 0 : i32
        %dma_wait3A_58 = tpu.memref_slice %arg6[%arg0, %dma_wait3A_56, %dma_wait3A_57] : memref<2x10000x128xf32, #tpu.memory_space<hbm>> -> memref<1x10000x128xf32, #tpu.memory_space<hbm>>
        %dma_wait3A_59 = tpu.memref_squeeze %dma_wait3A_58 : memref<1x10000x128xf32, #tpu.memory_space<hbm>> -> memref<10000x128xf32, #tpu.memory_space<hbm>>
        %dma_wait3A_60 = arith.constant 0 : i32
        %dma_wait3A_61 = tpu.memref_slice %dma_wait3A_59[%mul3A_2, %dma_wait3A_60] : memref<10000x128xf32, #tpu.memory_space<hbm>> -> memref<632x128xf32, #tpu.memory_space<hbm>>
        %dma_wait3A_62 = arith.constant 0 : i32
        %dma_wait3A_63 = tpu.memref_slice %arg11[%mul3A_2, %dma_wait3A_62] : memref<10128x128xf32, #tpu.memory_space<vmem_shared>> -> memref<632x128xf32, #tpu.memory_space<vmem_shared>>
        tpu.wait_dma2 semaphore(%run_scoped3A : memref<!tpu.dma_semaphore, #tpu.memory_space<semaphore_mem>>) src(%dma_wait3A_63 : memref<632x128xf32, #tpu.memory_space<vmem_shared>>) dst(%dma_wait3A_61 : memref<632x128xf32, #tpu.memory_space<hbm>>)
        tpu.yield
      }) : () -> ()
    } else {
    }
    %eq3A_43 = arith.constant 15 : i32
    %eq3A_44 = arith.cmpi eq, %arg1, %eq3A_43 : i32
    %convert_element_type3A_45 = arith.extui %eq3A_44 : i1 to i32
    %cond3A_46 = arith.constant 0 : i32
    %cond3A_47 = arith.cmpi ne, %convert_element_type3A_45, %cond3A_46 : i32
    scf.if %cond3A_47 {
      "tpu.region"() ({
        %run_scoped3A = tpu.sem_alloc : memref<!tpu.dma_semaphore, #tpu.memory_space<semaphore_mem>>
        %dma_start3A_48 = arith.constant 0 : i32
        %dma_start3A_49 = arith.constant 0 : i32
        %dma_start3A_50 = tpu.memref_slice %arg6[%arg0, %dma_start3A_48, %dma_start3A_49] : memref<2x10000x128xf32, #tpu.memory_space<hbm>> -> memref<1x10000x128xf32, #tpu.memory_space<hbm>>
        %dma_start3A_51 = tpu.memref_squeeze %dma_start3A_50 : memref<1x10000x128xf32, #tpu.memory_space<hbm>> -> memref<10000x128xf32, #tpu.memory_space<hbm>>
        %dma_start3A_52 = arith.constant 9480 : i32
        %dma_start3A_53 = arith.constant 0 : i32
        %dma_start3A_54 = tpu.memref_slice %dma_start3A_51[%dma_start3A_52, %dma_start3A_53] : memref<10000x128xf32, #tpu.memory_space<hbm>> -> memref<520x128xf32, #tpu.memory_space<hbm>>
        %dma_start3A_55 = arith.constant 9480 : i32
        %dma_start3A_56 = arith.constant 0 : i32
        %dma_start3A_57 = tpu.memref_slice %arg11[%dma_start3A_55, %dma_start3A_56] : memref<10128x128xf32, #tpu.memory_space<vmem_shared>> -> memref<520x128xf32, #tpu.memory_space<vmem_shared>>
        tpu.enqueue_dma source(%dma_start3A_57 : memref<520x128xf32, #tpu.memory_space<vmem_shared>>) target(%dma_start3A_54 : memref<520x128xf32, #tpu.memory_space<hbm>>) target_semaphore(%run_scoped3A : memref<!tpu.dma_semaphore, #tpu.memory_space<semaphore_mem>>)
        %dma_wait3A_58 = arith.constant 0 : i32
        %dma_wait3A_59 = arith.constant 0 : i32
        %dma_wait3A_60 = tpu.memref_slice %arg6[%arg0, %dma_wait3A_58, %dma_wait3A_59] : memref<2x10000x128xf32, #tpu.memory_space<hbm>> -> memref<1x10000x128xf32, #tpu.memory_space<hbm>>
        %dma_wait3A_61 = tpu.memref_squeeze %dma_wait3A_60 : memref<1x10000x128xf32, #tpu.memory_space<hbm>> -> memref<10000x128xf32, #tpu.memory_space<hbm>>
        %dma_wait3A_62 = arith.constant 9480 : i32
        %dma_wait3A_63 = arith.constant 0 : i32
        %dma_wait3A_64 = tpu.memref_slice %dma_wait3A_61[%dma_wait3A_62, %dma_wait3A_63] : memref<10000x128xf32, #tpu.memory_space<hbm>> -> memref<520x128xf32, #tpu.memory_space<hbm>>
        %dma_wait3A_65 = arith.constant 9480 : i32
        %dma_wait3A_66 = arith.constant 0 : i32
        %dma_wait3A_67 = tpu.memref_slice %arg11[%dma_wait3A_65, %dma_wait3A_66] : memref<10128x128xf32, #tpu.memory_space<vmem_shared>> -> memref<520x128xf32, #tpu.memory_space<vmem_shared>>
        tpu.wait_dma2 semaphore(%run_scoped3A : memref<!tpu.dma_semaphore, #tpu.memory_space<semaphore_mem>>) src(%dma_wait3A_67 : memref<520x128xf32, #tpu.memory_space<vmem_shared>>) dst(%dma_wait3A_64 : memref<520x128xf32, #tpu.memory_space<hbm>>)
        tpu.yield
      }) : () -> ()
    } else {
    }
    return
  }
}

#map = affine_map<(d0, d1) -> (0, 0)>
#map1 = affine_map<(d0, d1) -> (0, 0, 0)>
module attributes {stable_mosaic.version = 14 : i64} {
  func.func @_scatter_kernel(%arg0: i32, %arg1: i32, %arg2: memref<10000x128xf32, #tpu.memory_space<hbm>>, %arg3: memref<32x10000xi32, #tpu.memory_space<hbm>>, %arg4: memref<32x125x80xi32, #tpu.memory_space<hbm>>, %arg5: memref<10000x128xf32, #tpu.memory_space<hbm>>, %arg6: memref<2x10000x128xf32, #tpu.memory_space<hbm>>, %arg7: memref<10000xi32, #tpu.memory_space<vmem>>, %arg8: memref<125x80xi32, #tpu.memory_space<vmem>>, %arg9: memref<80x128xf32, #tpu.memory_space<vmem>>, %arg10: memref<80x128xf32, #tpu.memory_space<vmem>>, %arg11: memref<10128x128xf32, #tpu.memory_space<vmem_shared>>, %arg12: memref<!tpu.dma_semaphore, #tpu.memory_space<semaphore_mem>>, %arg13: memref<!tpu.dma_semaphore, #tpu.memory_space<semaphore_mem>>, %arg14: memref<!tpu.dma_semaphore, #tpu.memory_space<semaphore_mem>>, %arg15: memref<!tpu.dma_semaphore, #tpu.memory_space<semaphore_mem>>) attributes {dimension_semantics = [#tpu.dimension_semantics<core_parallel>, #tpu.dimension_semantics<subcore_parallel>], iteration_bounds = array<i64: 2, 16>, scalar_prefetch = 0 : i64, scratch_operands = 9 : i64, tpu.core_type = #tpu.core_type<sc_vector_subcore>, window_params = [{transform_indices = #map}, {transform_indices = #map}, {transform_indices = #map1}, {transform_indices = #map}, {transform_indices = #map1}]} {
    %mul3A = arith.constant 2 : i32
    %mul3A_0 = arith.muli %arg1, %mul3A : i32
    %add3A = arith.addi %mul3A_0, %arg0 : i32
    %mul3A_1 = arith.constant 632 : i32
    %mul3A_2 = arith.muli %arg1, %mul3A_1 : i32
    %lt3A = arith.constant 15 : i32
    %lt3A_3 = arith.cmpi slt, %arg1, %lt3A : i32
    %convert_element_type3A = arith.extui %lt3A_3 : i1 to i32
    %cond3A = arith.constant 0 : i32
    %cond3A_4 = arith.cmpi ne, %convert_element_type3A, %cond3A : i32
    scf.if %cond3A_4 {
      "tpu.region"() ({
        %run_scoped3A = tpu.sem_alloc : memref<!tpu.dma_semaphore, #tpu.memory_space<semaphore_mem>>
        %dma_start3A_48 = arith.constant 0 : i32
        %dma_start3A_49 = tpu.memref_slice %arg11[%mul3A_2, %dma_start3A_48] : memref<10128x128xf32, #tpu.memory_space<vmem_shared>> -> memref<632x128xf32, #tpu.memory_space<vmem_shared>>
        %dma_start3A_50 = arith.constant 0 : i32
        %dma_start3A_51 = tpu.memref_slice %arg5[%mul3A_2, %dma_start3A_50] : memref<10000x128xf32, #tpu.memory_space<hbm>> -> memref<632x128xf32, #tpu.memory_space<hbm>>
        tpu.enqueue_dma source(%dma_start3A_51 : memref<632x128xf32, #tpu.memory_space<hbm>>) target(%dma_start3A_49 : memref<632x128xf32, #tpu.memory_space<vmem_shared>>) target_semaphore(%run_scoped3A : memref<!tpu.dma_semaphore, #tpu.memory_space<semaphore_mem>>)
        %dma_wait3A_52 = arith.constant 0 : i32
        %dma_wait3A_53 = tpu.memref_slice %arg11[%mul3A_2, %dma_wait3A_52] : memref<10128x128xf32, #tpu.memory_space<vmem_shared>> -> memref<632x128xf32, #tpu.memory_space<vmem_shared>>
        %dma_wait3A_54 = arith.constant 0 : i32
        %dma_wait3A_55 = tpu.memref_slice %arg5[%mul3A_2, %dma_wait3A_54] : memref<10000x128xf32, #tpu.memory_space<hbm>> -> memref<632x128xf32, #tpu.memory_space<hbm>>
        tpu.wait_dma2 semaphore(%run_scoped3A : memref<!tpu.dma_semaphore, #tpu.memory_space<semaphore_mem>>) src(%dma_wait3A_55 : memref<632x128xf32, #tpu.memory_space<hbm>>) dst(%dma_wait3A_53 : memref<632x128xf32, #tpu.memory_space<vmem_shared>>)
        tpu.yield
      }) : () -> ()
    } else {
    }
    %eq3A = arith.constant 15 : i32
    %eq3A_5 = arith.cmpi eq, %arg1, %eq3A : i32
    %convert_element_type3A_6 = arith.extui %eq3A_5 : i1 to i32
    %cond3A_7 = arith.constant 0 : i32
    %cond3A_8 = arith.cmpi ne, %convert_element_type3A_6, %cond3A_7 : i32
    scf.if %cond3A_8 {
      "tpu.region"() ({
        %run_scoped3A = tpu.sem_alloc : memref<!tpu.dma_semaphore, #tpu.memory_space<semaphore_mem>>
        %dma_start3A_48 = arith.constant 9480 : i32
        %dma_start3A_49 = arith.constant 0 : i32
        %dma_start3A_50 = tpu.memref_slice %arg11[%dma_start3A_48, %dma_start3A_49] : memref<10128x128xf32, #tpu.memory_space<vmem_shared>> -> memref<520x128xf32, #tpu.memory_space<vmem_shared>>
        %dma_start3A_51 = arith.constant 9480 : i32
        %dma_start3A_52 = arith.constant 0 : i32
        %dma_start3A_53 = tpu.memref_slice %arg5[%dma_start3A_51, %dma_start3A_52] : memref<10000x128xf32, #tpu.memory_space<hbm>> -> memref<520x128xf32, #tpu.memory_space<hbm>>
        tpu.enqueue_dma source(%dma_start3A_53 : memref<520x128xf32, #tpu.memory_space<hbm>>) target(%dma_start3A_50 : memref<520x128xf32, #tpu.memory_space<vmem_shared>>) target_semaphore(%run_scoped3A : memref<!tpu.dma_semaphore, #tpu.memory_space<semaphore_mem>>)
        %dma_wait3A_54 = arith.constant 9480 : i32
        %dma_wait3A_55 = arith.constant 0 : i32
        %dma_wait3A_56 = tpu.memref_slice %arg11[%dma_wait3A_54, %dma_wait3A_55] : memref<10128x128xf32, #tpu.memory_space<vmem_shared>> -> memref<520x128xf32, #tpu.memory_space<vmem_shared>>
        %dma_wait3A_57 = arith.constant 9480 : i32
        %dma_wait3A_58 = arith.constant 0 : i32
        %dma_wait3A_59 = tpu.memref_slice %arg5[%dma_wait3A_57, %dma_wait3A_58] : memref<10000x128xf32, #tpu.memory_space<hbm>> -> memref<520x128xf32, #tpu.memory_space<hbm>>
        tpu.wait_dma2 semaphore(%run_scoped3A : memref<!tpu.dma_semaphore, #tpu.memory_space<semaphore_mem>>) src(%dma_wait3A_59 : memref<520x128xf32, #tpu.memory_space<hbm>>) dst(%dma_wait3A_56 : memref<520x128xf32, #tpu.memory_space<vmem_shared>>)
        tpu.yield
      }) : () -> ()
    } else {
    }
    "tpu.region"() ({
      %run_scoped3A = tpu.sem_alloc : memref<!tpu.dma_semaphore, #tpu.memory_space<semaphore_mem>>
      %dma_start3A_48 = arith.constant 0 : i32
      %dma_start3A_49 = tpu.memref_slice %arg3[%add3A, %dma_start3A_48] : memref<32x10000xi32, #tpu.memory_space<hbm>> -> memref<1x10000xi32, #tpu.memory_space<hbm>>
      %dma_start3A_50 = tpu.memref_squeeze %dma_start3A_49 : memref<1x10000xi32, #tpu.memory_space<hbm>> -> memref<10000xi32, #tpu.memory_space<hbm>>
      %dma_start3A_51 = arith.constant 0 : i32
      %dma_start3A_52 = tpu.memref_slice %arg3[%add3A, %dma_start3A_51] : memref<32x10000xi32, #tpu.memory_space<hbm>> -> memref<1x10000xi32, #tpu.memory_space<hbm>>
      %dma_start3A_53 = tpu.memref_squeeze %dma_start3A_52 : memref<1x10000xi32, #tpu.memory_space<hbm>> -> memref<10000xi32, #tpu.memory_space<hbm>>
      tpu.enqueue_dma source(%dma_start3A_53 : memref<10000xi32, #tpu.memory_space<hbm>>) target(%arg7 : memref<10000xi32, #tpu.memory_space<vmem>>) target_semaphore(%run_scoped3A : memref<!tpu.dma_semaphore, #tpu.memory_space<semaphore_mem>>)
      %dma_wait3A_54 = arith.constant 0 : i32
      %dma_wait3A_55 = tpu.memref_slice %arg3[%add3A, %dma_wait3A_54] : memref<32x10000xi32, #tpu.memory_space<hbm>> -> memref<1x10000xi32, #tpu.memory_space<hbm>>
      %dma_wait3A_56 = tpu.memref_squeeze %dma_wait3A_55 : memref<1x10000xi32, #tpu.memory_space<hbm>> -> memref<10000xi32, #tpu.memory_space<hbm>>
      %dma_wait3A_57 = arith.constant 0 : i32
      %dma_wait3A_58 = tpu.memref_slice %arg3[%add3A, %dma_wait3A_57] : memref<32x10000xi32, #tpu.memory_space<hbm>> -> memref<1x10000xi32, #tpu.memory_space<hbm>>
      %dma_wait3A_59 = tpu.memref_squeeze %dma_wait3A_58 : memref<1x10000xi32, #tpu.memory_space<hbm>> -> memref<10000xi32, #tpu.memory_space<hbm>>
      tpu.wait_dma2 semaphore(%run_scoped3A : memref<!tpu.dma_semaphore, #tpu.memory_space<semaphore_mem>>) src(%dma_wait3A_59 : memref<10000xi32, #tpu.memory_space<hbm>>) dst(%arg7 : memref<10000xi32, #tpu.memory_space<vmem>>)
      tpu.yield
    }) : () -> ()
    "tpu.region"() ({
      %run_scoped3A = tpu.sem_alloc : memref<!tpu.dma_semaphore, #tpu.memory_space<semaphore_mem>>
      %dma_start3A_48 = arith.constant 0 : i32
      %dma_start3A_49 = arith.constant 0 : i32
      %dma_start3A_50 = tpu.memref_slice %arg4[%add3A, %dma_start3A_48, %dma_start3A_49] : memref<32x125x80xi32, #tpu.memory_space<hbm>> -> memref<1x125x80xi32, #tpu.memory_space<hbm>>
      %dma_start3A_51 = tpu.memref_squeeze %dma_start3A_50 : memref<1x125x80xi32, #tpu.memory_space<hbm>> -> memref<125x80xi32, #tpu.memory_space<hbm>>
      %dma_start3A_52 = arith.constant 0 : i32
      %dma_start3A_53 = arith.constant 0 : i32
      %dma_start3A_54 = tpu.memref_slice %arg4[%add3A, %dma_start3A_52, %dma_start3A_53] : memref<32x125x80xi32, #tpu.memory_space<hbm>> -> memref<1x125x80xi32, #tpu.memory_space<hbm>>
      %dma_start3A_55 = tpu.memref_squeeze %dma_start3A_54 : memref<1x125x80xi32, #tpu.memory_space<hbm>> -> memref<125x80xi32, #tpu.memory_space<hbm>>
      tpu.enqueue_dma source(%dma_start3A_55 : memref<125x80xi32, #tpu.memory_space<hbm>>) target(%arg8 : memref<125x80xi32, #tpu.memory_space<vmem>>) target_semaphore(%run_scoped3A : memref<!tpu.dma_semaphore, #tpu.memory_space<semaphore_mem>>)
      %dma_wait3A_56 = arith.constant 0 : i32
      %dma_wait3A_57 = arith.constant 0 : i32
      %dma_wait3A_58 = tpu.memref_slice %arg4[%add3A, %dma_wait3A_56, %dma_wait3A_57] : memref<32x125x80xi32, #tpu.memory_space<hbm>> -> memref<1x125x80xi32, #tpu.memory_space<hbm>>
      %dma_wait3A_59 = tpu.memref_squeeze %dma_wait3A_58 : memref<1x125x80xi32, #tpu.memory_space<hbm>> -> memref<125x80xi32, #tpu.memory_space<hbm>>
      %dma_wait3A_60 = arith.constant 0 : i32
      %dma_wait3A_61 = arith.constant 0 : i32
      %dma_wait3A_62 = tpu.memref_slice %arg4[%add3A, %dma_wait3A_60, %dma_wait3A_61] : memref<32x125x80xi32, #tpu.memory_space<hbm>> -> memref<1x125x80xi32, #tpu.memory_space<hbm>>
      %dma_wait3A_63 = tpu.memref_squeeze %dma_wait3A_62 : memref<1x125x80xi32, #tpu.memory_space<hbm>> -> memref<125x80xi32, #tpu.memory_space<hbm>>
      tpu.wait_dma2 semaphore(%run_scoped3A : memref<!tpu.dma_semaphore, #tpu.memory_space<semaphore_mem>>) src(%dma_wait3A_63 : memref<125x80xi32, #tpu.memory_space<hbm>>) dst(%arg8 : memref<125x80xi32, #tpu.memory_space<vmem>>)
      tpu.yield
    }) : () -> ()
    %barrier3A = arith.constant 0 : index
    tpu.barrier barrier_id(%barrier3A)
    %dma_start3A = arith.constant 0 : i32
    %dma_start3A_9 = tpu.memref_slice %arg7[%dma_start3A] : memref<10000xi32, #tpu.memory_space<vmem>> -> memref<80xi32, #tpu.memory_space<vmem>>
    %dma_start3A_10 = arith.constant 0 : i32
    %dma_start3A_11 = arith.constant 0 : i32
    %dma_start3A_12 = tpu.memref_slice %arg2[%dma_start3A_10, %dma_start3A_11] : memref<10000x128xf32, #tpu.memory_space<hbm>> -> memref<10000x128xf32, #tpu.memory_space<hbm>>
    tpu.enqueue_indirect_dma source(%dma_start3A_12 : memref<10000x128xf32, #tpu.memory_space<hbm>>) target(%arg9 : memref<80x128xf32, #tpu.memory_space<vmem>>) offsets(%dma_start3A_9 : memref<80xi32, #tpu.memory_space<vmem>>) semaphore(%arg12 : memref<!tpu.dma_semaphore, #tpu.memory_space<semaphore_mem>>)
    %scan3A = arith.constant 0 : i32
    %scan3A_13 = arith.constant 0 : i32
    %scan3A_14 = arith.constant 62 : i32
    %scan3A_15 = arith.addi %scan3A_13, %scan3A_14 : i32
    %scan3A_16 = arith.constant 1 : i32
    %scan3A_17 = scf.for %scan3A_48 = %scan3A_13 to %scan3A_15 step %scan3A_16 iter_args(%scan3A_49 = %scan3A) -> (i32)  : i32 {
      %mul3A_50 = arith.constant 2 : i32
      %mul3A_51 = arith.muli %mul3A_50, %scan3A_48 : i32
      %add3A_52 = arith.constant 1 : i32
      %add3A_53 = arith.addi %mul3A_51, %add3A_52 : i32
      %mul3A_54 = arith.constant 80 : i32
      %mul3A_55 = arith.muli %mul3A_51, %mul3A_54 : i32
      %dma_wait3A_56 = tpu.memref_slice %arg7[%mul3A_55] : memref<10000xi32, #tpu.memory_space<vmem>> -> memref<80xi32, #tpu.memory_space<vmem>>
      %dma_wait3A_57 = arith.constant 0 : i32
      %dma_wait3A_58 = arith.constant 0 : i32
      %dma_wait3A_59 = tpu.memref_slice %arg2[%dma_wait3A_57, %dma_wait3A_58] : memref<10000x128xf32, #tpu.memory_space<hbm>> -> memref<10000x128xf32, #tpu.memory_space<hbm>>
      tpu.wait_indirect_dma semaphore(%arg12 : memref<!tpu.dma_semaphore, #tpu.memory_space<semaphore_mem>>) src(%dma_wait3A_59 : memref<10000x128xf32, #tpu.memory_space<hbm>>) dst(%arg9 : memref<80x128xf32, #tpu.memory_space<vmem>>)
      %dma_start3A_60 = arith.constant 0 : i32
      %dma_start3A_61 = tpu.memref_slice %arg8[%mul3A_51, %dma_start3A_60] : memref<125x80xi32, #tpu.memory_space<vmem>> -> memref<1x80xi32, #tpu.memory_space<vmem>>
      %dma_start3A_62 = tpu.memref_squeeze %dma_start3A_61 : memref<1x80xi32, #tpu.memory_space<vmem>> -> memref<80xi32, #tpu.memory_space<vmem>>
      %dma_start3A_63 = arith.constant 0 : i32
      %dma_start3A_64 = arith.constant 0 : i32
      %dma_start3A_65 = tpu.memref_slice %arg11[%dma_start3A_63, %dma_start3A_64] : memref<10128x128xf32, #tpu.memory_space<vmem_shared>> -> memref<10128x128xf32, #tpu.memory_space<vmem_shared>>
      tpu.enqueue_indirect_dma source(%arg9 : memref<80x128xf32, #tpu.memory_space<vmem>>) target(%dma_start3A_65 : memref<10128x128xf32, #tpu.memory_space<vmem_shared>>) offsets(%dma_start3A_62 : memref<80xi32, #tpu.memory_space<vmem>>) semaphore(%arg14 : memref<!tpu.dma_semaphore, #tpu.memory_space<semaphore_mem>>) {add = true}
      %mul3A_66 = arith.constant 80 : i32
      %mul3A_67 = arith.muli %add3A_53, %mul3A_66 : i32
      %dma_start3A_68 = tpu.memref_slice %arg7[%mul3A_67] : memref<10000xi32, #tpu.memory_space<vmem>> -> memref<80xi32, #tpu.memory_space<vmem>>
      %dma_start3A_69 = arith.constant 0 : i32
      %dma_start3A_70 = arith.constant 0 : i32
      %dma_start3A_71 = tpu.memref_slice %arg2[%dma_start3A_69, %dma_start3A_70] : memref<10000x128xf32, #tpu.memory_space<hbm>> -> memref<10000x128xf32, #tpu.memory_space<hbm>>
      tpu.enqueue_indirect_dma source(%dma_start3A_71 : memref<10000x128xf32, #tpu.memory_space<hbm>>) target(%arg10 : memref<80x128xf32, #tpu.memory_space<vmem>>) offsets(%dma_start3A_68 : memref<80xi32, #tpu.memory_space<vmem>>) semaphore(%arg13 : memref<!tpu.dma_semaphore, #tpu.memory_space<semaphore_mem>>)
      %dma_wait3A_72 = arith.constant 0 : i32
      %dma_wait3A_73 = tpu.memref_slice %arg8[%mul3A_51, %dma_wait3A_72] : memref<125x80xi32, #tpu.memory_space<vmem>> -> memref<1x80xi32, #tpu.memory_space<vmem>>
      %dma_wait3A_74 = tpu.memref_squeeze %dma_wait3A_73 : memref<1x80xi32, #tpu.memory_space<vmem>> -> memref<80xi32, #tpu.memory_space<vmem>>
      %dma_wait3A_75 = arith.constant 0 : i32
      %dma_wait3A_76 = arith.constant 0 : i32
      %dma_wait3A_77 = tpu.memref_slice %arg11[%dma_wait3A_75, %dma_wait3A_76] : memref<10128x128xf32, #tpu.memory_space<vmem_shared>> -> memref<10128x128xf32, #tpu.memory_space<vmem_shared>>
      tpu.wait_indirect_dma semaphore(%arg14 : memref<!tpu.dma_semaphore, #tpu.memory_space<semaphore_mem>>) src(%arg9 : memref<80x128xf32, #tpu.memory_space<vmem>>) dst(%dma_wait3A_77 : memref<10128x128xf32, #tpu.memory_space<vmem_shared>>)
      %mul3A_78 = arith.constant 80 : i32
      %mul3A_79 = arith.muli %add3A_53, %mul3A_78 : i32
      %dma_wait3A_80 = tpu.memref_slice %arg7[%mul3A_79] : memref<10000xi32, #tpu.memory_space<vmem>> -> memref<80xi32, #tpu.memory_space<vmem>>
      %dma_wait3A_81 = arith.constant 0 : i32
      %dma_wait3A_82 = arith.constant 0 : i32
      %dma_wait3A_83 = tpu.memref_slice %arg2[%dma_wait3A_81, %dma_wait3A_82] : memref<10000x128xf32, #tpu.memory_space<hbm>> -> memref<10000x128xf32, #tpu.memory_space<hbm>>
      tpu.wait_indirect_dma semaphore(%arg13 : memref<!tpu.dma_semaphore, #tpu.memory_space<semaphore_mem>>) src(%dma_wait3A_83 : memref<10000x128xf32, #tpu.memory_space<hbm>>) dst(%arg10 : memref<80x128xf32, #tpu.memory_space<vmem>>)
      %dma_start3A_84 = arith.constant 0 : i32
      %dma_start3A_85 = tpu.memref_slice %arg8[%add3A_53, %dma_start3A_84] : memref<125x80xi32, #tpu.memory_space<vmem>> -> memref<1x80xi32, #tpu.memory_space<vmem>>
      %dma_start3A_86 = tpu.memref_squeeze %dma_start3A_85 : memref<1x80xi32, #tpu.memory_space<vmem>> -> memref<80xi32, #tpu.memory_space<vmem>>
      %dma_start3A_87 = arith.constant 0 : i32
      %dma_start3A_88 = arith.constant 0 : i32
      %dma_start3A_89 = tpu.memref_slice %arg11[%dma_start3A_87, %dma_start3A_88] : memref<10128x128xf32, #tpu.memory_space<vmem_shared>> -> memref<10128x128xf32, #tpu.memory_space<vmem_shared>>
      tpu.enqueue_indirect_dma source(%arg10 : memref<80x128xf32, #tpu.memory_space<vmem>>) target(%dma_start3A_89 : memref<10128x128xf32, #tpu.memory_space<vmem_shared>>) offsets(%dma_start3A_86 : memref<80xi32, #tpu.memory_space<vmem>>) semaphore(%arg15 : memref<!tpu.dma_semaphore, #tpu.memory_space<semaphore_mem>>) {add = true}
      %add3A_90 = arith.constant 2 : i32
      %add3A_91 = arith.addi %mul3A_51, %add3A_90 : i32
      %mul3A_92 = arith.constant 80 : i32
      %mul3A_93 = arith.muli %add3A_91, %mul3A_92 : i32
      %dma_start3A_94 = tpu.memref_slice %arg7[%mul3A_93] : memref<10000xi32, #tpu.memory_space<vmem>> -> memref<80xi32, #tpu.memory_space<vmem>>
      %dma_start3A_95 = arith.constant 0 : i32
      %dma_start3A_96 = arith.constant 0 : i32
      %dma_start3A_97 = tpu.memref_slice %arg2[%dma_start3A_95, %dma_start3A_96] : memref<10000x128xf32, #tpu.memory_space<hbm>> -> memref<10000x128xf32, #tpu.memory_space<hbm>>
      tpu.enqueue_indirect_dma source(%dma_start3A_97 : memref<10000x128xf32, #tpu.memory_space<hbm>>) target(%arg9 : memref<80x128xf32, #tpu.memory_space<vmem>>) offsets(%dma_start3A_94 : memref<80xi32, #tpu.memory_space<vmem>>) semaphore(%arg12 : memref<!tpu.dma_semaphore, #tpu.memory_space<semaphore_mem>>)
      %dma_wait3A_98 = arith.constant 0 : i32
      %dma_wait3A_99 = tpu.memref_slice %arg8[%add3A_53, %dma_wait3A_98] : memref<125x80xi32, #tpu.memory_space<vmem>> -> memref<1x80xi32, #tpu.memory_space<vmem>>
      %dma_wait3A_100 = tpu.memref_squeeze %dma_wait3A_99 : memref<1x80xi32, #tpu.memory_space<vmem>> -> memref<80xi32, #tpu.memory_space<vmem>>
      %dma_wait3A_101 = arith.constant 0 : i32
      %dma_wait3A_102 = arith.constant 0 : i32
      %dma_wait3A_103 = tpu.memref_slice %arg11[%dma_wait3A_101, %dma_wait3A_102] : memref<10128x128xf32, #tpu.memory_space<vmem_shared>> -> memref<10128x128xf32, #tpu.memory_space<vmem_shared>>
      tpu.wait_indirect_dma semaphore(%arg15 : memref<!tpu.dma_semaphore, #tpu.memory_space<semaphore_mem>>) src(%arg10 : memref<80x128xf32, #tpu.memory_space<vmem>>) dst(%dma_wait3A_103 : memref<10128x128xf32, #tpu.memory_space<vmem_shared>>)
      %scan3A_104 = arith.constant 0 : i32
      scf.yield %scan3A_104 : i32
    }
    %scan3A_18 = arith.constant 62 : i32
    %dma_wait3A = arith.constant 9920 : i32
    %dma_wait3A_19 = tpu.memref_slice %arg7[%dma_wait3A] : memref<10000xi32, #tpu.memory_space<vmem>> -> memref<80xi32, #tpu.memory_space<vmem>>
    %dma_wait3A_20 = arith.constant 0 : i32
    %dma_wait3A_21 = arith.constant 0 : i32
    %dma_wait3A_22 = tpu.memref_slice %arg2[%dma_wait3A_20, %dma_wait3A_21] : memref<10000x128xf32, #tpu.memory_space<hbm>> -> memref<10000x128xf32, #tpu.memory_space<hbm>>
    tpu.wait_indirect_dma semaphore(%arg12 : memref<!tpu.dma_semaphore, #tpu.memory_space<semaphore_mem>>) src(%dma_wait3A_22 : memref<10000x128xf32, #tpu.memory_space<hbm>>) dst(%arg9 : memref<80x128xf32, #tpu.memory_space<vmem>>)
    %dma_start3A_23 = arith.constant 124 : i32
    %dma_start3A_24 = arith.constant 0 : i32
    %dma_start3A_25 = tpu.memref_slice %arg8[%dma_start3A_23, %dma_start3A_24] : memref<125x80xi32, #tpu.memory_space<vmem>> -> memref<1x80xi32, #tpu.memory_space<vmem>>
    %dma_start3A_26 = tpu.memref_squeeze %dma_start3A_25 : memref<1x80xi32, #tpu.memory_space<vmem>> -> memref<80xi32, #tpu.memory_space<vmem>>
    %dma_start3A_27 = arith.constant 0 : i32
    %dma_start3A_28 = arith.constant 0 : i32
    %dma_start3A_29 = tpu.memref_slice %arg11[%dma_start3A_27, %dma_start3A_28] : memref<10128x128xf32, #tpu.memory_space<vmem_shared>> -> memref<10128x128xf32, #tpu.memory_space<vmem_shared>>
    tpu.enqueue_indirect_dma source(%arg9 : memref<80x128xf32, #tpu.memory_space<vmem>>) target(%dma_start3A_29 : memref<10128x128xf32, #tpu.memory_space<vmem_shared>>) offsets(%dma_start3A_26 : memref<80xi32, #tpu.memory_space<vmem>>) semaphore(%arg14 : memref<!tpu.dma_semaphore, #tpu.memory_space<semaphore_mem>>) {add = true}
    %dma_wait3A_30 = arith.constant 124 : i32
    %dma_wait3A_31 = arith.constant 0 : i32
    %dma_wait3A_32 = tpu.memref_slice %arg8[%dma_wait3A_30, %dma_wait3A_31] : memref<125x80xi32, #tpu.memory_space<vmem>> -> memref<1x80xi32, #tpu.memory_space<vmem>>
    %dma_wait3A_33 = tpu.memref_squeeze %dma_wait3A_32 : memref<1x80xi32, #tpu.memory_space<vmem>> -> memref<80xi32, #tpu.memory_space<vmem>>
    %dma_wait3A_34 = arith.constant 0 : i32
    %dma_wait3A_35 = arith.constant 0 : i32
    %dma_wait3A_36 = tpu.memref_slice %arg11[%dma_wait3A_34, %dma_wait3A_35] : memref<10128x128xf32, #tpu.memory_space<vmem_shared>> -> memref<10128x128xf32, #tpu.memory_space<vmem_shared>>
    tpu.wait_indirect_dma semaphore(%arg14 : memref<!tpu.dma_semaphore, #tpu.memory_space<semaphore_mem>>) src(%arg9 : memref<80x128xf32, #tpu.memory_space<vmem>>) dst(%dma_wait3A_36 : memref<10128x128xf32, #tpu.memory_space<vmem_shared>>)
    %barrier3A_37 = arith.constant 0 : index
    tpu.barrier barrier_id(%barrier3A_37)
    %lt3A_38 = arith.constant 15 : i32
    %lt3A_39 = arith.cmpi slt, %arg1, %lt3A_38 : i32
    %convert_element_type3A_40 = arith.extui %lt3A_39 : i1 to i32
    %cond3A_41 = arith.constant 0 : i32
    %cond3A_42 = arith.cmpi ne, %convert_element_type3A_40, %cond3A_41 : i32
    scf.if %cond3A_42 {
      "tpu.region"() ({
        %run_scoped3A = tpu.sem_alloc : memref<!tpu.dma_semaphore, #tpu.memory_space<semaphore_mem>>
        %dma_start3A_48 = arith.constant 0 : i32
        %dma_start3A_49 = arith.constant 0 : i32
        %dma_start3A_50 = tpu.memref_slice %arg6[%arg0, %dma_start3A_48, %dma_start3A_49] : memref<2x10000x128xf32, #tpu.memory_space<hbm>> -> memref<1x10000x128xf32, #tpu.memory_space<hbm>>
        %dma_start3A_51 = tpu.memref_squeeze %dma_start3A_50 : memref<1x10000x128xf32, #tpu.memory_space<hbm>> -> memref<10000x128xf32, #tpu.memory_space<hbm>>
        %dma_start3A_52 = arith.constant 0 : i32
        %dma_start3A_53 = tpu.memref_slice %dma_start3A_51[%mul3A_2, %dma_start3A_52] : memref<10000x128xf32, #tpu.memory_space<hbm>> -> memref<632x128xf32, #tpu.memory_space<hbm>>
        %dma_start3A_54 = arith.constant 0 : i32
        %dma_start3A_55 = tpu.memref_slice %arg11[%mul3A_2, %dma_start3A_54] : memref<10128x128xf32, #tpu.memory_space<vmem_shared>> -> memref<632x128xf32, #tpu.memory_space<vmem_shared>>
        tpu.enqueue_dma source(%dma_start3A_55 : memref<632x128xf32, #tpu.memory_space<vmem_shared>>) target(%dma_start3A_53 : memref<632x128xf32, #tpu.memory_space<hbm>>) target_semaphore(%run_scoped3A : memref<!tpu.dma_semaphore, #tpu.memory_space<semaphore_mem>>)
        %dma_wait3A_56 = arith.constant 0 : i32
        %dma_wait3A_57 = arith.constant 0 : i32
        %dma_wait3A_58 = tpu.memref_slice %arg6[%arg0, %dma_wait3A_56, %dma_wait3A_57] : memref<2x10000x128xf32, #tpu.memory_space<hbm>> -> memref<1x10000x128xf32, #tpu.memory_space<hbm>>
        %dma_wait3A_59 = tpu.memref_squeeze %dma_wait3A_58 : memref<1x10000x128xf32, #tpu.memory_space<hbm>> -> memref<10000x128xf32, #tpu.memory_space<hbm>>
        %dma_wait3A_60 = arith.constant 0 : i32
        %dma_wait3A_61 = tpu.memref_slice %dma_wait3A_59[%mul3A_2, %dma_wait3A_60] : memref<10000x128xf32, #tpu.memory_space<hbm>> -> memref<632x128xf32, #tpu.memory_space<hbm>>
        %dma_wait3A_62 = arith.constant 0 : i32
        %dma_wait3A_63 = tpu.memref_slice %arg11[%mul3A_2, %dma_wait3A_62] : memref<10128x128xf32, #tpu.memory_space<vmem_shared>> -> memref<632x128xf32, #tpu.memory_space<vmem_shared>>
        tpu.wait_dma2 semaphore(%run_scoped3A : memref<!tpu.dma_semaphore, #tpu.memory_space<semaphore_mem>>) src(%dma_wait3A_63 : memref<632x128xf32, #tpu.memory_space<vmem_shared>>) dst(%dma_wait3A_61 : memref<632x128xf32, #tpu.memory_space<hbm>>)
        tpu.yield
      }) : () -> ()
    } else {
    }
    %eq3A_43 = arith.constant 15 : i32
    %eq3A_44 = arith.cmpi eq, %arg1, %eq3A_43 : i32
    %convert_element_type3A_45 = arith.extui %eq3A_44 : i1 to i32
    %cond3A_46 = arith.constant 0 : i32
    %cond3A_47 = arith.cmpi ne, %convert_element_type3A_45, %cond3A_46 : i32
    scf.if %cond3A_47 {
      "tpu.region"() ({
        %run_scoped3A = tpu.sem_alloc : memref<!tpu.dma_semaphore, #tpu.memory_space<semaphore_mem>>
        %dma_start3A_48 = arith.constant 0 : i32
        %dma_start3A_49 = arith.constant 0 : i32
        %dma_start3A_50 = tpu.memref_slice %arg6[%arg0, %dma_start3A_48, %dma_start3A_49] : memref<2x10000x128xf32, #tpu.memory_space<hbm>> -> memref<1x10000x128xf32, #tpu.memory_space<hbm>>
        %dma_start3A_51 = tpu.memref_squeeze %dma_start3A_50 : memref<1x10000x128xf32, #tpu.memory_space<hbm>> -> memref<10000x128xf32, #tpu.memory_space<hbm>>
        %dma_start3A_52 = arith.constant 9480 : i32
        %dma_start3A_53 = arith.constant 0 : i32
        %dma_start3A_54 = tpu.memref_slice %dma_start3A_51[%dma_start3A_52, %dma_start3A_53] : memref<10000x128xf32, #tpu.memory_space<hbm>> -> memref<520x128xf32, #tpu.memory_space<hbm>>
        %dma_start3A_55 = arith.constant 9480 : i32
        %dma_start3A_56 = arith.constant 0 : i32
        %dma_start3A_57 = tpu.memref_slice %arg11[%dma_start3A_55, %dma_start3A_56] : memref<10128x128xf32, #tpu.memory_space<vmem_shared>> -> memref<520x128xf32, #tpu.memory_space<vmem_shared>>
        tpu.enqueue_dma source(%dma_start3A_57 : memref<520x128xf32, #tpu.memory_space<vmem_shared>>) target(%dma_start3A_54 : memref<520x128xf32, #tpu.memory_space<hbm>>) target_semaphore(%run_scoped3A : memref<!tpu.dma_semaphore, #tpu.memory_space<semaphore_mem>>)
        %dma_wait3A_58 = arith.constant 0 : i32
        %dma_wait3A_59 = arith.constant 0 : i32
        %dma_wait3A_60 = tpu.memref_slice %arg6[%arg0, %dma_wait3A_58, %dma_wait3A_59] : memref<2x10000x128xf32, #tpu.memory_space<hbm>> -> memref<1x10000x128xf32, #tpu.memory_space<hbm>>
        %dma_wait3A_61 = tpu.memref_squeeze %dma_wait3A_60 : memref<1x10000x128xf32, #tpu.memory_space<hbm>> -> memref<10000x128xf32, #tpu.memory_space<hbm>>
        %dma_wait3A_62 = arith.constant 9480 : i32
        %dma_wait3A_63 = arith.constant 0 : i32
        %dma_wait3A_64 = tpu.memref_slice %dma_wait3A_61[%dma_wait3A_62, %dma_wait3A_63] : memref<10000x128xf32, #tpu.memory_space<hbm>> -> memref<520x128xf32, #tpu.memory_space<hbm>>
        %dma_wait3A_65 = arith.constant 9480 : i32
        %dma_wait3A_66 = arith.constant 0 : i32
        %dma_wait3A_67 = tpu.memref_slice %arg11[%dma_wait3A_65, %dma_wait3A_66] : memref<10128x128xf32, #tpu.memory_space<vmem_shared>> -> memref<520x128xf32, #tpu.memory_space<vmem_shared>>
        tpu.wait_dma2 semaphore(%run_scoped3A : memref<!tpu.dma_semaphore, #tpu.memory_space<semaphore_mem>>) src(%dma_wait3A_67 : memref<520x128xf32, #tpu.memory_space<vmem_shared>>) dst(%dma_wait3A_64 : memref<520x128xf32, #tpu.memory_space<hbm>>)
        tpu.yield
      }) : () -> ()
    } else {
    }
    return
  }
}

#map = affine_map<(d0, d1) -> (0, 0)>
#map1 = affine_map<(d0, d1) -> (0, 0, 0)>
module attributes {stable_mosaic.version = 14 : i64} {
  func.func @_scatter_kernel(%arg0: i32, %arg1: i32, %arg2: memref<10000x128xf32, #tpu.memory_space<hbm>>, %arg3: memref<32x10000xi32, #tpu.memory_space<hbm>>, %arg4: memref<32x125x80xi32, #tpu.memory_space<hbm>>, %arg5: memref<10000x128xf32, #tpu.memory_space<hbm>>, %arg6: memref<2x10000x128xf32, #tpu.memory_space<hbm>>, %arg7: memref<10000xi32, #tpu.memory_space<vmem>>, %arg8: memref<125x80xi32, #tpu.memory_space<vmem>>, %arg9: memref<80x128xf32, #tpu.memory_space<vmem>>, %arg10: memref<80x128xf32, #tpu.memory_space<vmem>>, %arg11: memref<10128x128xf32, #tpu.memory_space<vmem_shared>>, %arg12: memref<!tpu.dma_semaphore, #tpu.memory_space<semaphore_mem>>, %arg13: memref<!tpu.dma_semaphore, #tpu.memory_space<semaphore_mem>>, %arg14: memref<!tpu.dma_semaphore, #tpu.memory_space<semaphore_mem>>, %arg15: memref<!tpu.dma_semaphore, #tpu.memory_space<semaphore_mem>>) attributes {dimension_semantics = [#tpu.dimension_semantics<core_parallel>, #tpu.dimension_semantics<subcore_parallel>], iteration_bounds = array<i64: 2, 16>, scalar_prefetch = 0 : i64, scratch_operands = 9 : i64, tpu.core_type = #tpu.core_type<sc_vector_subcore>, window_params = [{transform_indices = #map}, {transform_indices = #map}, {transform_indices = #map1}, {transform_indices = #map}, {transform_indices = #map1}]} {
    %mul3A = arith.constant 2 : i32
    %mul3A_0 = arith.muli %arg1, %mul3A : i32
    %add3A = arith.addi %mul3A_0, %arg0 : i32
    %mul3A_1 = arith.constant 632 : i32
    %mul3A_2 = arith.muli %arg1, %mul3A_1 : i32
    %lt3A = arith.constant 15 : i32
    %lt3A_3 = arith.cmpi slt, %arg1, %lt3A : i32
    %convert_element_type3A = arith.extui %lt3A_3 : i1 to i32
    %cond3A = arith.constant 0 : i32
    %cond3A_4 = arith.cmpi ne, %convert_element_type3A, %cond3A : i32
    scf.if %cond3A_4 {
      "tpu.region"() ({
        %run_scoped3A = tpu.sem_alloc : memref<!tpu.dma_semaphore, #tpu.memory_space<semaphore_mem>>
        %dma_start3A_48 = arith.constant 0 : i32
        %dma_start3A_49 = tpu.memref_slice %arg11[%mul3A_2, %dma_start3A_48] : memref<10128x128xf32, #tpu.memory_space<vmem_shared>> -> memref<632x128xf32, #tpu.memory_space<vmem_shared>>
        %dma_start3A_50 = arith.constant 0 : i32
        %dma_start3A_51 = tpu.memref_slice %arg5[%mul3A_2, %dma_start3A_50] : memref<10000x128xf32, #tpu.memory_space<hbm>> -> memref<632x128xf32, #tpu.memory_space<hbm>>
        tpu.enqueue_dma source(%dma_start3A_51 : memref<632x128xf32, #tpu.memory_space<hbm>>) target(%dma_start3A_49 : memref<632x128xf32, #tpu.memory_space<vmem_shared>>) target_semaphore(%run_scoped3A : memref<!tpu.dma_semaphore, #tpu.memory_space<semaphore_mem>>)
        %dma_wait3A_52 = arith.constant 0 : i32
        %dma_wait3A_53 = tpu.memref_slice %arg11[%mul3A_2, %dma_wait3A_52] : memref<10128x128xf32, #tpu.memory_space<vmem_shared>> -> memref<632x128xf32, #tpu.memory_space<vmem_shared>>
        %dma_wait3A_54 = arith.constant 0 : i32
        %dma_wait3A_55 = tpu.memref_slice %arg5[%mul3A_2, %dma_wait3A_54] : memref<10000x128xf32, #tpu.memory_space<hbm>> -> memref<632x128xf32, #tpu.memory_space<hbm>>
        tpu.wait_dma2 semaphore(%run_scoped3A : memref<!tpu.dma_semaphore, #tpu.memory_space<semaphore_mem>>) src(%dma_wait3A_55 : memref<632x128xf32, #tpu.memory_space<hbm>>) dst(%dma_wait3A_53 : memref<632x128xf32, #tpu.memory_space<vmem_shared>>)
        tpu.yield
      }) : () -> ()
    } else {
    }
    %eq3A = arith.constant 15 : i32
    %eq3A_5 = arith.cmpi eq, %arg1, %eq3A : i32
    %convert_element_type3A_6 = arith.extui %eq3A_5 : i1 to i32
    %cond3A_7 = arith.constant 0 : i32
    %cond3A_8 = arith.cmpi ne, %convert_element_type3A_6, %cond3A_7 : i32
    scf.if %cond3A_8 {
      "tpu.region"() ({
        %run_scoped3A = tpu.sem_alloc : memref<!tpu.dma_semaphore, #tpu.memory_space<semaphore_mem>>
        %dma_start3A_48 = arith.constant 9480 : i32
        %dma_start3A_49 = arith.constant 0 : i32
        %dma_start3A_50 = tpu.memref_slice %arg11[%dma_start3A_48, %dma_start3A_49] : memref<10128x128xf32, #tpu.memory_space<vmem_shared>> -> memref<520x128xf32, #tpu.memory_space<vmem_shared>>
        %dma_start3A_51 = arith.constant 9480 : i32
        %dma_start3A_52 = arith.constant 0 : i32
        %dma_start3A_53 = tpu.memref_slice %arg5[%dma_start3A_51, %dma_start3A_52] : memref<10000x128xf32, #tpu.memory_space<hbm>> -> memref<520x128xf32, #tpu.memory_space<hbm>>
        tpu.enqueue_dma source(%dma_start3A_53 : memref<520x128xf32, #tpu.memory_space<hbm>>) target(%dma_start3A_50 : memref<520x128xf32, #tpu.memory_space<vmem_shared>>) target_semaphore(%run_scoped3A : memref<!tpu.dma_semaphore, #tpu.memory_space<semaphore_mem>>)
        %dma_wait3A_54 = arith.constant 9480 : i32
        %dma_wait3A_55 = arith.constant 0 : i32
        %dma_wait3A_56 = tpu.memref_slice %arg11[%dma_wait3A_54, %dma_wait3A_55] : memref<10128x128xf32, #tpu.memory_space<vmem_shared>> -> memref<520x128xf32, #tpu.memory_space<vmem_shared>>
        %dma_wait3A_57 = arith.constant 9480 : i32
        %dma_wait3A_58 = arith.constant 0 : i32
        %dma_wait3A_59 = tpu.memref_slice %arg5[%dma_wait3A_57, %dma_wait3A_58] : memref<10000x128xf32, #tpu.memory_space<hbm>> -> memref<520x128xf32, #tpu.memory_space<hbm>>
        tpu.wait_dma2 semaphore(%run_scoped3A : memref<!tpu.dma_semaphore, #tpu.memory_space<semaphore_mem>>) src(%dma_wait3A_59 : memref<520x128xf32, #tpu.memory_space<hbm>>) dst(%dma_wait3A_56 : memref<520x128xf32, #tpu.memory_space<vmem_shared>>)
        tpu.yield
      }) : () -> ()
    } else {
    }
    "tpu.region"() ({
      %run_scoped3A = tpu.sem_alloc : memref<!tpu.dma_semaphore, #tpu.memory_space<semaphore_mem>>
      %dma_start3A_48 = arith.constant 0 : i32
      %dma_start3A_49 = tpu.memref_slice %arg3[%add3A, %dma_start3A_48] : memref<32x10000xi32, #tpu.memory_space<hbm>> -> memref<1x10000xi32, #tpu.memory_space<hbm>>
      %dma_start3A_50 = tpu.memref_squeeze %dma_start3A_49 : memref<1x10000xi32, #tpu.memory_space<hbm>> -> memref<10000xi32, #tpu.memory_space<hbm>>
      %dma_start3A_51 = arith.constant 0 : i32
      %dma_start3A_52 = tpu.memref_slice %arg3[%add3A, %dma_start3A_51] : memref<32x10000xi32, #tpu.memory_space<hbm>> -> memref<1x10000xi32, #tpu.memory_space<hbm>>
      %dma_start3A_53 = tpu.memref_squeeze %dma_start3A_52 : memref<1x10000xi32, #tpu.memory_space<hbm>> -> memref<10000xi32, #tpu.memory_space<hbm>>
      tpu.enqueue_dma source(%dma_start3A_53 : memref<10000xi32, #tpu.memory_space<hbm>>) target(%arg7 : memref<10000xi32, #tpu.memory_space<vmem>>) target_semaphore(%run_scoped3A : memref<!tpu.dma_semaphore, #tpu.memory_space<semaphore_mem>>)
      %dma_wait3A_54 = arith.constant 0 : i32
      %dma_wait3A_55 = tpu.memref_slice %arg3[%add3A, %dma_wait3A_54] : memref<32x10000xi32, #tpu.memory_space<hbm>> -> memref<1x10000xi32, #tpu.memory_space<hbm>>
      %dma_wait3A_56 = tpu.memref_squeeze %dma_wait3A_55 : memref<1x10000xi32, #tpu.memory_space<hbm>> -> memref<10000xi32, #tpu.memory_space<hbm>>
      %dma_wait3A_57 = arith.constant 0 : i32
      %dma_wait3A_58 = tpu.memref_slice %arg3[%add3A, %dma_wait3A_57] : memref<32x10000xi32, #tpu.memory_space<hbm>> -> memref<1x10000xi32, #tpu.memory_space<hbm>>
      %dma_wait3A_59 = tpu.memref_squeeze %dma_wait3A_58 : memref<1x10000xi32, #tpu.memory_space<hbm>> -> memref<10000xi32, #tpu.memory_space<hbm>>
      tpu.wait_dma2 semaphore(%run_scoped3A : memref<!tpu.dma_semaphore, #tpu.memory_space<semaphore_mem>>) src(%dma_wait3A_59 : memref<10000xi32, #tpu.memory_space<hbm>>) dst(%arg7 : memref<10000xi32, #tpu.memory_space<vmem>>)
      tpu.yield
    }) : () -> ()
    "tpu.region"() ({
      %run_scoped3A = tpu.sem_alloc : memref<!tpu.dma_semaphore, #tpu.memory_space<semaphore_mem>>
      %dma_start3A_48 = arith.constant 0 : i32
      %dma_start3A_49 = arith.constant 0 : i32
      %dma_start3A_50 = tpu.memref_slice %arg4[%add3A, %dma_start3A_48, %dma_start3A_49] : memref<32x125x80xi32, #tpu.memory_space<hbm>> -> memref<1x125x80xi32, #tpu.memory_space<hbm>>
      %dma_start3A_51 = tpu.memref_squeeze %dma_start3A_50 : memref<1x125x80xi32, #tpu.memory_space<hbm>> -> memref<125x80xi32, #tpu.memory_space<hbm>>
      %dma_start3A_52 = arith.constant 0 : i32
      %dma_start3A_53 = arith.constant 0 : i32
      %dma_start3A_54 = tpu.memref_slice %arg4[%add3A, %dma_start3A_52, %dma_start3A_53] : memref<32x125x80xi32, #tpu.memory_space<hbm>> -> memref<1x125x80xi32, #tpu.memory_space<hbm>>
      %dma_start3A_55 = tpu.memref_squeeze %dma_start3A_54 : memref<1x125x80xi32, #tpu.memory_space<hbm>> -> memref<125x80xi32, #tpu.memory_space<hbm>>
      tpu.enqueue_dma source(%dma_start3A_55 : memref<125x80xi32, #tpu.memory_space<hbm>>) target(%arg8 : memref<125x80xi32, #tpu.memory_space<vmem>>) target_semaphore(%run_scoped3A : memref<!tpu.dma_semaphore, #tpu.memory_space<semaphore_mem>>)
      %dma_wait3A_56 = arith.constant 0 : i32
      %dma_wait3A_57 = arith.constant 0 : i32
      %dma_wait3A_58 = tpu.memref_slice %arg4[%add3A, %dma_wait3A_56, %dma_wait3A_57] : memref<32x125x80xi32, #tpu.memory_space<hbm>> -> memref<1x125x80xi32, #tpu.memory_space<hbm>>
      %dma_wait3A_59 = tpu.memref_squeeze %dma_wait3A_58 : memref<1x125x80xi32, #tpu.memory_space<hbm>> -> memref<125x80xi32, #tpu.memory_space<hbm>>
      %dma_wait3A_60 = arith.constant 0 : i32
      %dma_wait3A_61 = arith.constant 0 : i32
      %dma_wait3A_62 = tpu.memref_slice %arg4[%add3A, %dma_wait3A_60, %dma_wait3A_61] : memref<32x125x80xi32, #tpu.memory_space<hbm>> -> memref<1x125x80xi32, #tpu.memory_space<hbm>>
      %dma_wait3A_63 = tpu.memref_squeeze %dma_wait3A_62 : memref<1x125x80xi32, #tpu.memory_space<hbm>> -> memref<125x80xi32, #tpu.memory_space<hbm>>
      tpu.wait_dma2 semaphore(%run_scoped3A : memref<!tpu.dma_semaphore, #tpu.memory_space<semaphore_mem>>) src(%dma_wait3A_63 : memref<125x80xi32, #tpu.memory_space<hbm>>) dst(%arg8 : memref<125x80xi32, #tpu.memory_space<vmem>>)
      tpu.yield
    }) : () -> ()
    %barrier3A = arith.constant 0 : index
    tpu.barrier barrier_id(%barrier3A)
    %dma_start3A = arith.constant 0 : i32
    %dma_start3A_9 = tpu.memref_slice %arg7[%dma_start3A] : memref<10000xi32, #tpu.memory_space<vmem>> -> memref<80xi32, #tpu.memory_space<vmem>>
    %dma_start3A_10 = arith.constant 0 : i32
    %dma_start3A_11 = arith.constant 0 : i32
    %dma_start3A_12 = tpu.memref_slice %arg2[%dma_start3A_10, %dma_start3A_11] : memref<10000x128xf32, #tpu.memory_space<hbm>> -> memref<10000x128xf32, #tpu.memory_space<hbm>>
    tpu.enqueue_indirect_dma source(%dma_start3A_12 : memref<10000x128xf32, #tpu.memory_space<hbm>>) target(%arg9 : memref<80x128xf32, #tpu.memory_space<vmem>>) offsets(%dma_start3A_9 : memref<80xi32, #tpu.memory_space<vmem>>) semaphore(%arg12 : memref<!tpu.dma_semaphore, #tpu.memory_space<semaphore_mem>>)
    %scan3A = arith.constant 0 : i32
    %scan3A_13 = arith.constant 0 : i32
    %scan3A_14 = arith.constant 62 : i32
    %scan3A_15 = arith.addi %scan3A_13, %scan3A_14 : i32
    %scan3A_16 = arith.constant 1 : i32
    %scan3A_17 = scf.for %scan3A_48 = %scan3A_13 to %scan3A_15 step %scan3A_16 iter_args(%scan3A_49 = %scan3A) -> (i32)  : i32 {
      %mul3A_50 = arith.constant 2 : i32
      %mul3A_51 = arith.muli %mul3A_50, %scan3A_48 : i32
      %add3A_52 = arith.constant 1 : i32
      %add3A_53 = arith.addi %mul3A_51, %add3A_52 : i32
      %mul3A_54 = arith.constant 80 : i32
      %mul3A_55 = arith.muli %mul3A_51, %mul3A_54 : i32
      %dma_wait3A_56 = tpu.memref_slice %arg7[%mul3A_55] : memref<10000xi32, #tpu.memory_space<vmem>> -> memref<80xi32, #tpu.memory_space<vmem>>
      %dma_wait3A_57 = arith.constant 0 : i32
      %dma_wait3A_58 = arith.constant 0 : i32
      %dma_wait3A_59 = tpu.memref_slice %arg2[%dma_wait3A_57, %dma_wait3A_58] : memref<10000x128xf32, #tpu.memory_space<hbm>> -> memref<10000x128xf32, #tpu.memory_space<hbm>>
      tpu.wait_indirect_dma semaphore(%arg12 : memref<!tpu.dma_semaphore, #tpu.memory_space<semaphore_mem>>) src(%dma_wait3A_59 : memref<10000x128xf32, #tpu.memory_space<hbm>>) dst(%arg9 : memref<80x128xf32, #tpu.memory_space<vmem>>)
      %dma_start3A_60 = arith.constant 0 : i32
      %dma_start3A_61 = tpu.memref_slice %arg8[%mul3A_51, %dma_start3A_60] : memref<125x80xi32, #tpu.memory_space<vmem>> -> memref<1x80xi32, #tpu.memory_space<vmem>>
      %dma_start3A_62 = tpu.memref_squeeze %dma_start3A_61 : memref<1x80xi32, #tpu.memory_space<vmem>> -> memref<80xi32, #tpu.memory_space<vmem>>
      %dma_start3A_63 = arith.constant 0 : i32
      %dma_start3A_64 = arith.constant 0 : i32
      %dma_start3A_65 = tpu.memref_slice %arg11[%dma_start3A_63, %dma_start3A_64] : memref<10128x128xf32, #tpu.memory_space<vmem_shared>> -> memref<10128x128xf32, #tpu.memory_space<vmem_shared>>
      tpu.enqueue_indirect_dma source(%arg9 : memref<80x128xf32, #tpu.memory_space<vmem>>) target(%dma_start3A_65 : memref<10128x128xf32, #tpu.memory_space<vmem_shared>>) offsets(%dma_start3A_62 : memref<80xi32, #tpu.memory_space<vmem>>) semaphore(%arg14 : memref<!tpu.dma_semaphore, #tpu.memory_space<semaphore_mem>>) {add = true}
      %mul3A_66 = arith.constant 80 : i32
      %mul3A_67 = arith.muli %add3A_53, %mul3A_66 : i32
      %dma_start3A_68 = tpu.memref_slice %arg7[%mul3A_67] : memref<10000xi32, #tpu.memory_space<vmem>> -> memref<80xi32, #tpu.memory_space<vmem>>
      %dma_start3A_69 = arith.constant 0 : i32
      %dma_start3A_70 = arith.constant 0 : i32
      %dma_start3A_71 = tpu.memref_slice %arg2[%dma_start3A_69, %dma_start3A_70] : memref<10000x128xf32, #tpu.memory_space<hbm>> -> memref<10000x128xf32, #tpu.memory_space<hbm>>
      tpu.enqueue_indirect_dma source(%dma_start3A_71 : memref<10000x128xf32, #tpu.memory_space<hbm>>) target(%arg10 : memref<80x128xf32, #tpu.memory_space<vmem>>) offsets(%dma_start3A_68 : memref<80xi32, #tpu.memory_space<vmem>>) semaphore(%arg13 : memref<!tpu.dma_semaphore, #tpu.memory_space<semaphore_mem>>)
      %dma_wait3A_72 = arith.constant 0 : i32
      %dma_wait3A_73 = tpu.memref_slice %arg8[%mul3A_51, %dma_wait3A_72] : memref<125x80xi32, #tpu.memory_space<vmem>> -> memref<1x80xi32, #tpu.memory_space<vmem>>
      %dma_wait3A_74 = tpu.memref_squeeze %dma_wait3A_73 : memref<1x80xi32, #tpu.memory_space<vmem>> -> memref<80xi32, #tpu.memory_space<vmem>>
      %dma_wait3A_75 = arith.constant 0 : i32
      %dma_wait3A_76 = arith.constant 0 : i32
      %dma_wait3A_77 = tpu.memref_slice %arg11[%dma_wait3A_75, %dma_wait3A_76] : memref<10128x128xf32, #tpu.memory_space<vmem_shared>> -> memref<10128x128xf32, #tpu.memory_space<vmem_shared>>
      tpu.wait_indirect_dma semaphore(%arg14 : memref<!tpu.dma_semaphore, #tpu.memory_space<semaphore_mem>>) src(%arg9 : memref<80x128xf32, #tpu.memory_space<vmem>>) dst(%dma_wait3A_77 : memref<10128x128xf32, #tpu.memory_space<vmem_shared>>)
      %mul3A_78 = arith.constant 80 : i32
      %mul3A_79 = arith.muli %add3A_53, %mul3A_78 : i32
      %dma_wait3A_80 = tpu.memref_slice %arg7[%mul3A_79] : memref<10000xi32, #tpu.memory_space<vmem>> -> memref<80xi32, #tpu.memory_space<vmem>>
      %dma_wait3A_81 = arith.constant 0 : i32
      %dma_wait3A_82 = arith.constant 0 : i32
      %dma_wait3A_83 = tpu.memref_slice %arg2[%dma_wait3A_81, %dma_wait3A_82] : memref<10000x128xf32, #tpu.memory_space<hbm>> -> memref<10000x128xf32, #tpu.memory_space<hbm>>
      tpu.wait_indirect_dma semaphore(%arg13 : memref<!tpu.dma_semaphore, #tpu.memory_space<semaphore_mem>>) src(%dma_wait3A_83 : memref<10000x128xf32, #tpu.memory_space<hbm>>) dst(%arg10 : memref<80x128xf32, #tpu.memory_space<vmem>>)
      %dma_start3A_84 = arith.constant 0 : i32
      %dma_start3A_85 = tpu.memref_slice %arg8[%add3A_53, %dma_start3A_84] : memref<125x80xi32, #tpu.memory_space<vmem>> -> memref<1x80xi32, #tpu.memory_space<vmem>>
      %dma_start3A_86 = tpu.memref_squeeze %dma_start3A_85 : memref<1x80xi32, #tpu.memory_space<vmem>> -> memref<80xi32, #tpu.memory_space<vmem>>
      %dma_start3A_87 = arith.constant 0 : i32
      %dma_start3A_88 = arith.constant 0 : i32
      %dma_start3A_89 = tpu.memref_slice %arg11[%dma_start3A_87, %dma_start3A_88] : memref<10128x128xf32, #tpu.memory_space<vmem_shared>> -> memref<10128x128xf32, #tpu.memory_space<vmem_shared>>
      tpu.enqueue_indirect_dma source(%arg10 : memref<80x128xf32, #tpu.memory_space<vmem>>) target(%dma_start3A_89 : memref<10128x128xf32, #tpu.memory_space<vmem_shared>>) offsets(%dma_start3A_86 : memref<80xi32, #tpu.memory_space<vmem>>) semaphore(%arg15 : memref<!tpu.dma_semaphore, #tpu.memory_space<semaphore_mem>>) {add = true}
      %add3A_90 = arith.constant 2 : i32
      %add3A_91 = arith.addi %mul3A_51, %add3A_90 : i32
      %mul3A_92 = arith.constant 80 : i32
      %mul3A_93 = arith.muli %add3A_91, %mul3A_92 : i32
      %dma_start3A_94 = tpu.memref_slice %arg7[%mul3A_93] : memref<10000xi32, #tpu.memory_space<vmem>> -> memref<80xi32, #tpu.memory_space<vmem>>
      %dma_start3A_95 = arith.constant 0 : i32
      %dma_start3A_96 = arith.constant 0 : i32
      %dma_start3A_97 = tpu.memref_slice %arg2[%dma_start3A_95, %dma_start3A_96] : memref<10000x128xf32, #tpu.memory_space<hbm>> -> memref<10000x128xf32, #tpu.memory_space<hbm>>
      tpu.enqueue_indirect_dma source(%dma_start3A_97 : memref<10000x128xf32, #tpu.memory_space<hbm>>) target(%arg9 : memref<80x128xf32, #tpu.memory_space<vmem>>) offsets(%dma_start3A_94 : memref<80xi32, #tpu.memory_space<vmem>>) semaphore(%arg12 : memref<!tpu.dma_semaphore, #tpu.memory_space<semaphore_mem>>)
      %dma_wait3A_98 = arith.constant 0 : i32
      %dma_wait3A_99 = tpu.memref_slice %arg8[%add3A_53, %dma_wait3A_98] : memref<125x80xi32, #tpu.memory_space<vmem>> -> memref<1x80xi32, #tpu.memory_space<vmem>>
      %dma_wait3A_100 = tpu.memref_squeeze %dma_wait3A_99 : memref<1x80xi32, #tpu.memory_space<vmem>> -> memref<80xi32, #tpu.memory_space<vmem>>
      %dma_wait3A_101 = arith.constant 0 : i32
      %dma_wait3A_102 = arith.constant 0 : i32
      %dma_wait3A_103 = tpu.memref_slice %arg11[%dma_wait3A_101, %dma_wait3A_102] : memref<10128x128xf32, #tpu.memory_space<vmem_shared>> -> memref<10128x128xf32, #tpu.memory_space<vmem_shared>>
      tpu.wait_indirect_dma semaphore(%arg15 : memref<!tpu.dma_semaphore, #tpu.memory_space<semaphore_mem>>) src(%arg10 : memref<80x128xf32, #tpu.memory_space<vmem>>) dst(%dma_wait3A_103 : memref<10128x128xf32, #tpu.memory_space<vmem_shared>>)
      %scan3A_104 = arith.constant 0 : i32
      scf.yield %scan3A_104 : i32
    }
    %scan3A_18 = arith.constant 62 : i32
    %dma_wait3A = arith.constant 9920 : i32
    %dma_wait3A_19 = tpu.memref_slice %arg7[%dma_wait3A] : memref<10000xi32, #tpu.memory_space<vmem>> -> memref<80xi32, #tpu.memory_space<vmem>>
    %dma_wait3A_20 = arith.constant 0 : i32
    %dma_wait3A_21 = arith.constant 0 : i32
    %dma_wait3A_22 = tpu.memref_slice %arg2[%dma_wait3A_20, %dma_wait3A_21] : memref<10000x128xf32, #tpu.memory_space<hbm>> -> memref<10000x128xf32, #tpu.memory_space<hbm>>
    tpu.wait_indirect_dma semaphore(%arg12 : memref<!tpu.dma_semaphore, #tpu.memory_space<semaphore_mem>>) src(%dma_wait3A_22 : memref<10000x128xf32, #tpu.memory_space<hbm>>) dst(%arg9 : memref<80x128xf32, #tpu.memory_space<vmem>>)
    %dma_start3A_23 = arith.constant 124 : i32
    %dma_start3A_24 = arith.constant 0 : i32
    %dma_start3A_25 = tpu.memref_slice %arg8[%dma_start3A_23, %dma_start3A_24] : memref<125x80xi32, #tpu.memory_space<vmem>> -> memref<1x80xi32, #tpu.memory_space<vmem>>
    %dma_start3A_26 = tpu.memref_squeeze %dma_start3A_25 : memref<1x80xi32, #tpu.memory_space<vmem>> -> memref<80xi32, #tpu.memory_space<vmem>>
    %dma_start3A_27 = arith.constant 0 : i32
    %dma_start3A_28 = arith.constant 0 : i32
    %dma_start3A_29 = tpu.memref_slice %arg11[%dma_start3A_27, %dma_start3A_28] : memref<10128x128xf32, #tpu.memory_space<vmem_shared>> -> memref<10128x128xf32, #tpu.memory_space<vmem_shared>>
    tpu.enqueue_indirect_dma source(%arg9 : memref<80x128xf32, #tpu.memory_space<vmem>>) target(%dma_start3A_29 : memref<10128x128xf32, #tpu.memory_space<vmem_shared>>) offsets(%dma_start3A_26 : memref<80xi32, #tpu.memory_space<vmem>>) semaphore(%arg14 : memref<!tpu.dma_semaphore, #tpu.memory_space<semaphore_mem>>) {add = true}
    %dma_wait3A_30 = arith.constant 124 : i32
    %dma_wait3A_31 = arith.constant 0 : i32
    %dma_wait3A_32 = tpu.memref_slice %arg8[%dma_wait3A_30, %dma_wait3A_31] : memref<125x80xi32, #tpu.memory_space<vmem>> -> memref<1x80xi32, #tpu.memory_space<vmem>>
    %dma_wait3A_33 = tpu.memref_squeeze %dma_wait3A_32 : memref<1x80xi32, #tpu.memory_space<vmem>> -> memref<80xi32, #tpu.memory_space<vmem>>
    %dma_wait3A_34 = arith.constant 0 : i32
    %dma_wait3A_35 = arith.constant 0 : i32
    %dma_wait3A_36 = tpu.memref_slice %arg11[%dma_wait3A_34, %dma_wait3A_35] : memref<10128x128xf32, #tpu.memory_space<vmem_shared>> -> memref<10128x128xf32, #tpu.memory_space<vmem_shared>>
    tpu.wait_indirect_dma semaphore(%arg14 : memref<!tpu.dma_semaphore, #tpu.memory_space<semaphore_mem>>) src(%arg9 : memref<80x128xf32, #tpu.memory_space<vmem>>) dst(%dma_wait3A_36 : memref<10128x128xf32, #tpu.memory_space<vmem_shared>>)
    %barrier3A_37 = arith.constant 0 : index
    tpu.barrier barrier_id(%barrier3A_37)
    %lt3A_38 = arith.constant 15 : i32
    %lt3A_39 = arith.cmpi slt, %arg1, %lt3A_38 : i32
    %convert_element_type3A_40 = arith.extui %lt3A_39 : i1 to i32
    %cond3A_41 = arith.constant 0 : i32
    %cond3A_42 = arith.cmpi ne, %convert_element_type3A_40, %cond3A_41 : i32
    scf.if %cond3A_42 {
      "tpu.region"() ({
        %run_scoped3A = tpu.sem_alloc : memref<!tpu.dma_semaphore, #tpu.memory_space<semaphore_mem>>
        %dma_start3A_48 = arith.constant 0 : i32
        %dma_start3A_49 = arith.constant 0 : i32
        %dma_start3A_50 = tpu.memref_slice %arg6[%arg0, %dma_start3A_48, %dma_start3A_49] : memref<2x10000x128xf32, #tpu.memory_space<hbm>> -> memref<1x10000x128xf32, #tpu.memory_space<hbm>>
        %dma_start3A_51 = tpu.memref_squeeze %dma_start3A_50 : memref<1x10000x128xf32, #tpu.memory_space<hbm>> -> memref<10000x128xf32, #tpu.memory_space<hbm>>
        %dma_start3A_52 = arith.constant 0 : i32
        %dma_start3A_53 = tpu.memref_slice %dma_start3A_51[%mul3A_2, %dma_start3A_52] : memref<10000x128xf32, #tpu.memory_space<hbm>> -> memref<632x128xf32, #tpu.memory_space<hbm>>
        %dma_start3A_54 = arith.constant 0 : i32
        %dma_start3A_55 = tpu.memref_slice %arg11[%mul3A_2, %dma_start3A_54] : memref<10128x128xf32, #tpu.memory_space<vmem_shared>> -> memref<632x128xf32, #tpu.memory_space<vmem_shared>>
        tpu.enqueue_dma source(%dma_start3A_55 : memref<632x128xf32, #tpu.memory_space<vmem_shared>>) target(%dma_start3A_53 : memref<632x128xf32, #tpu.memory_space<hbm>>) target_semaphore(%run_scoped3A : memref<!tpu.dma_semaphore, #tpu.memory_space<semaphore_mem>>)
        %dma_wait3A_56 = arith.constant 0 : i32
        %dma_wait3A_57 = arith.constant 0 : i32
        %dma_wait3A_58 = tpu.memref_slice %arg6[%arg0, %dma_wait3A_56, %dma_wait3A_57] : memref<2x10000x128xf32, #tpu.memory_space<hbm>> -> memref<1x10000x128xf32, #tpu.memory_space<hbm>>
        %dma_wait3A_59 = tpu.memref_squeeze %dma_wait3A_58 : memref<1x10000x128xf32, #tpu.memory_space<hbm>> -> memref<10000x128xf32, #tpu.memory_space<hbm>>
        %dma_wait3A_60 = arith.constant 0 : i32
        %dma_wait3A_61 = tpu.memref_slice %dma_wait3A_59[%mul3A_2, %dma_wait3A_60] : memref<10000x128xf32, #tpu.memory_space<hbm>> -> memref<632x128xf32, #tpu.memory_space<hbm>>
        %dma_wait3A_62 = arith.constant 0 : i32
        %dma_wait3A_63 = tpu.memref_slice %arg11[%mul3A_2, %dma_wait3A_62] : memref<10128x128xf32, #tpu.memory_space<vmem_shared>> -> memref<632x128xf32, #tpu.memory_space<vmem_shared>>
        tpu.wait_dma2 semaphore(%run_scoped3A : memref<!tpu.dma_semaphore, #tpu.memory_space<semaphore_mem>>) src(%dma_wait3A_63 : memref<632x128xf32, #tpu.memory_space<vmem_shared>>) dst(%dma_wait3A_61 : memref<632x128xf32, #tpu.memory_space<hbm>>)
        tpu.yield
      }) : () -> ()
    } else {
    }
    %eq3A_43 = arith.constant 15 : i32
    %eq3A_44 = arith.cmpi eq, %arg1, %eq3A_43 : i32
    %convert_element_type3A_45 = arith.extui %eq3A_44 : i1 to i32
    %cond3A_46 = arith.constant 0 : i32
    %cond3A_47 = arith.cmpi ne, %convert_element_type3A_45, %cond3A_46 : i32
    scf.if %cond3A_47 {
      "tpu.region"() ({
        %run_scoped3A = tpu.sem_alloc : memref<!tpu.dma_semaphore, #tpu.memory_space<semaphore_mem>>
        %dma_start3A_48 = arith.constant 0 : i32
        %dma_start3A_49 = arith.constant 0 : i32
        %dma_start3A_50 = tpu.memref_slice %arg6[%arg0, %dma_start3A_48, %dma_start3A_49] : memref<2x10000x128xf32, #tpu.memory_space<hbm>> -> memref<1x10000x128xf32, #tpu.memory_space<hbm>>
        %dma_start3A_51 = tpu.memref_squeeze %dma_start3A_50 : memref<1x10000x128xf32, #tpu.memory_space<hbm>> -> memref<10000x128xf32, #tpu.memory_space<hbm>>
        %dma_start3A_52 = arith.constant 9480 : i32
        %dma_start3A_53 = arith.constant 0 : i32
        %dma_start3A_54 = tpu.memref_slice %dma_start3A_51[%dma_start3A_52, %dma_start3A_53] : memref<10000x128xf32, #tpu.memory_space<hbm>> -> memref<520x128xf32, #tpu.memory_space<hbm>>
        %dma_start3A_55 = arith.constant 9480 : i32
        %dma_start3A_56 = arith.constant 0 : i32
        %dma_start3A_57 = tpu.memref_slice %arg11[%dma_start3A_55, %dma_start3A_56] : memref<10128x128xf32, #tpu.memory_space<vmem_shared>> -> memref<520x128xf32, #tpu.memory_space<vmem_shared>>
        tpu.enqueue_dma source(%dma_start3A_57 : memref<520x128xf32, #tpu.memory_space<vmem_shared>>) target(%dma_start3A_54 : memref<520x128xf32, #tpu.memory_space<hbm>>) target_semaphore(%run_scoped3A : memref<!tpu.dma_semaphore, #tpu.memory_space<semaphore_mem>>)
        %dma_wait3A_58 = arith.constant 0 : i32
        %dma_wait3A_59 = arith.constant 0 : i32
        %dma_wait3A_60 = tpu.memref_slice %arg6[%arg0, %dma_wait3A_58, %dma_wait3A_59] : memref<2x10000x128xf32, #tpu.memory_space<hbm>> -> memref<1x10000x128xf32, #tpu.memory_space<hbm>>
        %dma_wait3A_61 = tpu.memref_squeeze %dma_wait3A_60 : memref<1x10000x128xf32, #tpu.memory_space<hbm>> -> memref<10000x128xf32, #tpu.memory_space<hbm>>
        %dma_wait3A_62 = arith.constant 9480 : i32
        %dma_wait3A_63 = arith.constant 0 : i32
        %dma_wait3A_64 = tpu.memref_slice %dma_wait3A_61[%dma_wait3A_62, %dma_wait3A_63] : memref<10000x128xf32, #tpu.memory_space<hbm>> -> memref<520x128xf32, #tpu.memory_space<hbm>>
        %dma_wait3A_65 = arith.constant 9480 : i32
        %dma_wait3A_66 = arith.constant 0 : i32
        %dma_wait3A_67 = tpu.memref_slice %arg11[%dma_wait3A_65, %dma_wait3A_66] : memref<10128x128xf32, #tpu.memory_space<vmem_shared>> -> memref<520x128xf32, #tpu.memory_space<vmem_shared>>
        tpu.wait_dma2 semaphore(%run_scoped3A : memref<!tpu.dma_semaphore, #tpu.memory_space<semaphore_mem>>) src(%dma_wait3A_67 : memref<520x128xf32, #tpu.memory_space<vmem_shared>>) dst(%dma_wait3A_64 : memref<520x128xf32, #tpu.memory_space<hbm>>)
        tpu.yield
      }) : () -> ()
    } else {
    }
    return
  }
}

#map = affine_map<(d0, d1) -> (0, 0)>
#map1 = affine_map<(d0, d1) -> (0, 0, 0)>
module attributes {stable_mosaic.version = 14 : i64} {
  func.func @_scatter_kernel(%arg0: i32, %arg1: i32, %arg2: memref<10000x128xf32, #tpu.memory_space<hbm>>, %arg3: memref<32x10000xi32, #tpu.memory_space<hbm>>, %arg4: memref<32x125x80xi32, #tpu.memory_space<hbm>>, %arg5: memref<10000x128xf32, #tpu.memory_space<hbm>>, %arg6: memref<2x10000x128xf32, #tpu.memory_space<hbm>>, %arg7: memref<10000xi32, #tpu.memory_space<vmem>>, %arg8: memref<125x80xi32, #tpu.memory_space<vmem>>, %arg9: memref<80x128xf32, #tpu.memory_space<vmem>>, %arg10: memref<80x128xf32, #tpu.memory_space<vmem>>, %arg11: memref<10128x128xf32, #tpu.memory_space<vmem_shared>>, %arg12: memref<!tpu.dma_semaphore, #tpu.memory_space<semaphore_mem>>, %arg13: memref<!tpu.dma_semaphore, #tpu.memory_space<semaphore_mem>>, %arg14: memref<!tpu.dma_semaphore, #tpu.memory_space<semaphore_mem>>, %arg15: memref<!tpu.dma_semaphore, #tpu.memory_space<semaphore_mem>>) attributes {dimension_semantics = [#tpu.dimension_semantics<core_parallel>, #tpu.dimension_semantics<subcore_parallel>], iteration_bounds = array<i64: 2, 16>, scalar_prefetch = 0 : i64, scratch_operands = 9 : i64, tpu.core_type = #tpu.core_type<sc_vector_subcore>, window_params = [{transform_indices = #map}, {transform_indices = #map}, {transform_indices = #map1}, {transform_indices = #map}, {transform_indices = #map1}]} {
    %mul3A = arith.constant 2 : i32
    %mul3A_0 = arith.muli %arg1, %mul3A : i32
    %add3A = arith.addi %mul3A_0, %arg0 : i32
    %mul3A_1 = arith.constant 632 : i32
    %mul3A_2 = arith.muli %arg1, %mul3A_1 : i32
    %lt3A = arith.constant 15 : i32
    %lt3A_3 = arith.cmpi slt, %arg1, %lt3A : i32
    %convert_element_type3A = arith.extui %lt3A_3 : i1 to i32
    %cond3A = arith.constant 0 : i32
    %cond3A_4 = arith.cmpi ne, %convert_element_type3A, %cond3A : i32
    scf.if %cond3A_4 {
      "tpu.region"() ({
        %run_scoped3A = tpu.sem_alloc : memref<!tpu.dma_semaphore, #tpu.memory_space<semaphore_mem>>
        %dma_start3A_48 = arith.constant 0 : i32
        %dma_start3A_49 = tpu.memref_slice %arg11[%mul3A_2, %dma_start3A_48] : memref<10128x128xf32, #tpu.memory_space<vmem_shared>> -> memref<632x128xf32, #tpu.memory_space<vmem_shared>>
        %dma_start3A_50 = arith.constant 0 : i32
        %dma_start3A_51 = tpu.memref_slice %arg5[%mul3A_2, %dma_start3A_50] : memref<10000x128xf32, #tpu.memory_space<hbm>> -> memref<632x128xf32, #tpu.memory_space<hbm>>
        tpu.enqueue_dma source(%dma_start3A_51 : memref<632x128xf32, #tpu.memory_space<hbm>>) target(%dma_start3A_49 : memref<632x128xf32, #tpu.memory_space<vmem_shared>>) target_semaphore(%run_scoped3A : memref<!tpu.dma_semaphore, #tpu.memory_space<semaphore_mem>>)
        %dma_wait3A_52 = arith.constant 0 : i32
        %dma_wait3A_53 = tpu.memref_slice %arg11[%mul3A_2, %dma_wait3A_52] : memref<10128x128xf32, #tpu.memory_space<vmem_shared>> -> memref<632x128xf32, #tpu.memory_space<vmem_shared>>
        %dma_wait3A_54 = arith.constant 0 : i32
        %dma_wait3A_55 = tpu.memref_slice %arg5[%mul3A_2, %dma_wait3A_54] : memref<10000x128xf32, #tpu.memory_space<hbm>> -> memref<632x128xf32, #tpu.memory_space<hbm>>
        tpu.wait_dma2 semaphore(%run_scoped3A : memref<!tpu.dma_semaphore, #tpu.memory_space<semaphore_mem>>) src(%dma_wait3A_55 : memref<632x128xf32, #tpu.memory_space<hbm>>) dst(%dma_wait3A_53 : memref<632x128xf32, #tpu.memory_space<vmem_shared>>)
        tpu.yield
      }) : () -> ()
    } else {
    }
    %eq3A = arith.constant 15 : i32
    %eq3A_5 = arith.cmpi eq, %arg1, %eq3A : i32
    %convert_element_type3A_6 = arith.extui %eq3A_5 : i1 to i32
    %cond3A_7 = arith.constant 0 : i32
    %cond3A_8 = arith.cmpi ne, %convert_element_type3A_6, %cond3A_7 : i32
    scf.if %cond3A_8 {
      "tpu.region"() ({
        %run_scoped3A = tpu.sem_alloc : memref<!tpu.dma_semaphore, #tpu.memory_space<semaphore_mem>>
        %dma_start3A_48 = arith.constant 9480 : i32
        %dma_start3A_49 = arith.constant 0 : i32
        %dma_start3A_50 = tpu.memref_slice %arg11[%dma_start3A_48, %dma_start3A_49] : memref<10128x128xf32, #tpu.memory_space<vmem_shared>> -> memref<520x128xf32, #tpu.memory_space<vmem_shared>>
        %dma_start3A_51 = arith.constant 9480 : i32
        %dma_start3A_52 = arith.constant 0 : i32
        %dma_start3A_53 = tpu.memref_slice %arg5[%dma_start3A_51, %dma_start3A_52] : memref<10000x128xf32, #tpu.memory_space<hbm>> -> memref<520x128xf32, #tpu.memory_space<hbm>>
        tpu.enqueue_dma source(%dma_start3A_53 : memref<520x128xf32, #tpu.memory_space<hbm>>) target(%dma_start3A_50 : memref<520x128xf32, #tpu.memory_space<vmem_shared>>) target_semaphore(%run_scoped3A : memref<!tpu.dma_semaphore, #tpu.memory_space<semaphore_mem>>)
        %dma_wait3A_54 = arith.constant 9480 : i32
        %dma_wait3A_55 = arith.constant 0 : i32
        %dma_wait3A_56 = tpu.memref_slice %arg11[%dma_wait3A_54, %dma_wait3A_55] : memref<10128x128xf32, #tpu.memory_space<vmem_shared>> -> memref<520x128xf32, #tpu.memory_space<vmem_shared>>
        %dma_wait3A_57 = arith.constant 9480 : i32
        %dma_wait3A_58 = arith.constant 0 : i32
        %dma_wait3A_59 = tpu.memref_slice %arg5[%dma_wait3A_57, %dma_wait3A_58] : memref<10000x128xf32, #tpu.memory_space<hbm>> -> memref<520x128xf32, #tpu.memory_space<hbm>>
        tpu.wait_dma2 semaphore(%run_scoped3A : memref<!tpu.dma_semaphore, #tpu.memory_space<semaphore_mem>>) src(%dma_wait3A_59 : memref<520x128xf32, #tpu.memory_space<hbm>>) dst(%dma_wait3A_56 : memref<520x128xf32, #tpu.memory_space<vmem_shared>>)
        tpu.yield
      }) : () -> ()
    } else {
    }
    "tpu.region"() ({
      %run_scoped3A = tpu.sem_alloc : memref<!tpu.dma_semaphore, #tpu.memory_space<semaphore_mem>>
      %dma_start3A_48 = arith.constant 0 : i32
      %dma_start3A_49 = tpu.memref_slice %arg3[%add3A, %dma_start3A_48] : memref<32x10000xi32, #tpu.memory_space<hbm>> -> memref<1x10000xi32, #tpu.memory_space<hbm>>
      %dma_start3A_50 = tpu.memref_squeeze %dma_start3A_49 : memref<1x10000xi32, #tpu.memory_space<hbm>> -> memref<10000xi32, #tpu.memory_space<hbm>>
      %dma_start3A_51 = arith.constant 0 : i32
      %dma_start3A_52 = tpu.memref_slice %arg3[%add3A, %dma_start3A_51] : memref<32x10000xi32, #tpu.memory_space<hbm>> -> memref<1x10000xi32, #tpu.memory_space<hbm>>
      %dma_start3A_53 = tpu.memref_squeeze %dma_start3A_52 : memref<1x10000xi32, #tpu.memory_space<hbm>> -> memref<10000xi32, #tpu.memory_space<hbm>>
      tpu.enqueue_dma source(%dma_start3A_53 : memref<10000xi32, #tpu.memory_space<hbm>>) target(%arg7 : memref<10000xi32, #tpu.memory_space<vmem>>) target_semaphore(%run_scoped3A : memref<!tpu.dma_semaphore, #tpu.memory_space<semaphore_mem>>)
      %dma_wait3A_54 = arith.constant 0 : i32
      %dma_wait3A_55 = tpu.memref_slice %arg3[%add3A, %dma_wait3A_54] : memref<32x10000xi32, #tpu.memory_space<hbm>> -> memref<1x10000xi32, #tpu.memory_space<hbm>>
      %dma_wait3A_56 = tpu.memref_squeeze %dma_wait3A_55 : memref<1x10000xi32, #tpu.memory_space<hbm>> -> memref<10000xi32, #tpu.memory_space<hbm>>
      %dma_wait3A_57 = arith.constant 0 : i32
      %dma_wait3A_58 = tpu.memref_slice %arg3[%add3A, %dma_wait3A_57] : memref<32x10000xi32, #tpu.memory_space<hbm>> -> memref<1x10000xi32, #tpu.memory_space<hbm>>
      %dma_wait3A_59 = tpu.memref_squeeze %dma_wait3A_58 : memref<1x10000xi32, #tpu.memory_space<hbm>> -> memref<10000xi32, #tpu.memory_space<hbm>>
      tpu.wait_dma2 semaphore(%run_scoped3A : memref<!tpu.dma_semaphore, #tpu.memory_space<semaphore_mem>>) src(%dma_wait3A_59 : memref<10000xi32, #tpu.memory_space<hbm>>) dst(%arg7 : memref<10000xi32, #tpu.memory_space<vmem>>)
      tpu.yield
    }) : () -> ()
    "tpu.region"() ({
      %run_scoped3A = tpu.sem_alloc : memref<!tpu.dma_semaphore, #tpu.memory_space<semaphore_mem>>
      %dma_start3A_48 = arith.constant 0 : i32
      %dma_start3A_49 = arith.constant 0 : i32
      %dma_start3A_50 = tpu.memref_slice %arg4[%add3A, %dma_start3A_48, %dma_start3A_49] : memref<32x125x80xi32, #tpu.memory_space<hbm>> -> memref<1x125x80xi32, #tpu.memory_space<hbm>>
      %dma_start3A_51 = tpu.memref_squeeze %dma_start3A_50 : memref<1x125x80xi32, #tpu.memory_space<hbm>> -> memref<125x80xi32, #tpu.memory_space<hbm>>
      %dma_start3A_52 = arith.constant 0 : i32
      %dma_start3A_53 = arith.constant 0 : i32
      %dma_start3A_54 = tpu.memref_slice %arg4[%add3A, %dma_start3A_52, %dma_start3A_53] : memref<32x125x80xi32, #tpu.memory_space<hbm>> -> memref<1x125x80xi32, #tpu.memory_space<hbm>>
      %dma_start3A_55 = tpu.memref_squeeze %dma_start3A_54 : memref<1x125x80xi32, #tpu.memory_space<hbm>> -> memref<125x80xi32, #tpu.memory_space<hbm>>
      tpu.enqueue_dma source(%dma_start3A_55 : memref<125x80xi32, #tpu.memory_space<hbm>>) target(%arg8 : memref<125x80xi32, #tpu.memory_space<vmem>>) target_semaphore(%run_scoped3A : memref<!tpu.dma_semaphore, #tpu.memory_space<semaphore_mem>>)
      %dma_wait3A_56 = arith.constant 0 : i32
      %dma_wait3A_57 = arith.constant 0 : i32
      %dma_wait3A_58 = tpu.memref_slice %arg4[%add3A, %dma_wait3A_56, %dma_wait3A_57] : memref<32x125x80xi32, #tpu.memory_space<hbm>> -> memref<1x125x80xi32, #tpu.memory_space<hbm>>
      %dma_wait3A_59 = tpu.memref_squeeze %dma_wait3A_58 : memref<1x125x80xi32, #tpu.memory_space<hbm>> -> memref<125x80xi32, #tpu.memory_space<hbm>>
      %dma_wait3A_60 = arith.constant 0 : i32
      %dma_wait3A_61 = arith.constant 0 : i32
      %dma_wait3A_62 = tpu.memref_slice %arg4[%add3A, %dma_wait3A_60, %dma_wait3A_61] : memref<32x125x80xi32, #tpu.memory_space<hbm>> -> memref<1x125x80xi32, #tpu.memory_space<hbm>>
      %dma_wait3A_63 = tpu.memref_squeeze %dma_wait3A_62 : memref<1x125x80xi32, #tpu.memory_space<hbm>> -> memref<125x80xi32, #tpu.memory_space<hbm>>
      tpu.wait_dma2 semaphore(%run_scoped3A : memref<!tpu.dma_semaphore, #tpu.memory_space<semaphore_mem>>) src(%dma_wait3A_63 : memref<125x80xi32, #tpu.memory_space<hbm>>) dst(%arg8 : memref<125x80xi32, #tpu.memory_space<vmem>>)
      tpu.yield
    }) : () -> ()
    %barrier3A = arith.constant 0 : index
    tpu.barrier barrier_id(%barrier3A)
    %dma_start3A = arith.constant 0 : i32
    %dma_start3A_9 = tpu.memref_slice %arg7[%dma_start3A] : memref<10000xi32, #tpu.memory_space<vmem>> -> memref<80xi32, #tpu.memory_space<vmem>>
    %dma_start3A_10 = arith.constant 0 : i32
    %dma_start3A_11 = arith.constant 0 : i32
    %dma_start3A_12 = tpu.memref_slice %arg2[%dma_start3A_10, %dma_start3A_11] : memref<10000x128xf32, #tpu.memory_space<hbm>> -> memref<10000x128xf32, #tpu.memory_space<hbm>>
    tpu.enqueue_indirect_dma source(%dma_start3A_12 : memref<10000x128xf32, #tpu.memory_space<hbm>>) target(%arg9 : memref<80x128xf32, #tpu.memory_space<vmem>>) offsets(%dma_start3A_9 : memref<80xi32, #tpu.memory_space<vmem>>) semaphore(%arg12 : memref<!tpu.dma_semaphore, #tpu.memory_space<semaphore_mem>>)
    %scan3A = arith.constant 0 : i32
    %scan3A_13 = arith.constant 0 : i32
    %scan3A_14 = arith.constant 62 : i32
    %scan3A_15 = arith.addi %scan3A_13, %scan3A_14 : i32
    %scan3A_16 = arith.constant 1 : i32
    %scan3A_17 = scf.for %scan3A_48 = %scan3A_13 to %scan3A_15 step %scan3A_16 iter_args(%scan3A_49 = %scan3A) -> (i32)  : i32 {
      %mul3A_50 = arith.constant 2 : i32
      %mul3A_51 = arith.muli %mul3A_50, %scan3A_48 : i32
      %add3A_52 = arith.constant 1 : i32
      %add3A_53 = arith.addi %mul3A_51, %add3A_52 : i32
      %mul3A_54 = arith.constant 80 : i32
      %mul3A_55 = arith.muli %mul3A_51, %mul3A_54 : i32
      %dma_wait3A_56 = tpu.memref_slice %arg7[%mul3A_55] : memref<10000xi32, #tpu.memory_space<vmem>> -> memref<80xi32, #tpu.memory_space<vmem>>
      %dma_wait3A_57 = arith.constant 0 : i32
      %dma_wait3A_58 = arith.constant 0 : i32
      %dma_wait3A_59 = tpu.memref_slice %arg2[%dma_wait3A_57, %dma_wait3A_58] : memref<10000x128xf32, #tpu.memory_space<hbm>> -> memref<10000x128xf32, #tpu.memory_space<hbm>>
      tpu.wait_indirect_dma semaphore(%arg12 : memref<!tpu.dma_semaphore, #tpu.memory_space<semaphore_mem>>) src(%dma_wait3A_59 : memref<10000x128xf32, #tpu.memory_space<hbm>>) dst(%arg9 : memref<80x128xf32, #tpu.memory_space<vmem>>)
      %dma_start3A_60 = arith.constant 0 : i32
      %dma_start3A_61 = tpu.memref_slice %arg8[%mul3A_51, %dma_start3A_60] : memref<125x80xi32, #tpu.memory_space<vmem>> -> memref<1x80xi32, #tpu.memory_space<vmem>>
      %dma_start3A_62 = tpu.memref_squeeze %dma_start3A_61 : memref<1x80xi32, #tpu.memory_space<vmem>> -> memref<80xi32, #tpu.memory_space<vmem>>
      %dma_start3A_63 = arith.constant 0 : i32
      %dma_start3A_64 = arith.constant 0 : i32
      %dma_start3A_65 = tpu.memref_slice %arg11[%dma_start3A_63, %dma_start3A_64] : memref<10128x128xf32, #tpu.memory_space<vmem_shared>> -> memref<10128x128xf32, #tpu.memory_space<vmem_shared>>
      tpu.enqueue_indirect_dma source(%arg9 : memref<80x128xf32, #tpu.memory_space<vmem>>) target(%dma_start3A_65 : memref<10128x128xf32, #tpu.memory_space<vmem_shared>>) offsets(%dma_start3A_62 : memref<80xi32, #tpu.memory_space<vmem>>) semaphore(%arg14 : memref<!tpu.dma_semaphore, #tpu.memory_space<semaphore_mem>>) {add = true}
      %mul3A_66 = arith.constant 80 : i32
      %mul3A_67 = arith.muli %add3A_53, %mul3A_66 : i32
      %dma_start3A_68 = tpu.memref_slice %arg7[%mul3A_67] : memref<10000xi32, #tpu.memory_space<vmem>> -> memref<80xi32, #tpu.memory_space<vmem>>
      %dma_start3A_69 = arith.constant 0 : i32
      %dma_start3A_70 = arith.constant 0 : i32
      %dma_start3A_71 = tpu.memref_slice %arg2[%dma_start3A_69, %dma_start3A_70] : memref<10000x128xf32, #tpu.memory_space<hbm>> -> memref<10000x128xf32, #tpu.memory_space<hbm>>
      tpu.enqueue_indirect_dma source(%dma_start3A_71 : memref<10000x128xf32, #tpu.memory_space<hbm>>) target(%arg10 : memref<80x128xf32, #tpu.memory_space<vmem>>) offsets(%dma_start3A_68 : memref<80xi32, #tpu.memory_space<vmem>>) semaphore(%arg13 : memref<!tpu.dma_semaphore, #tpu.memory_space<semaphore_mem>>)
      %dma_wait3A_72 = arith.constant 0 : i32
      %dma_wait3A_73 = tpu.memref_slice %arg8[%mul3A_51, %dma_wait3A_72] : memref<125x80xi32, #tpu.memory_space<vmem>> -> memref<1x80xi32, #tpu.memory_space<vmem>>
      %dma_wait3A_74 = tpu.memref_squeeze %dma_wait3A_73 : memref<1x80xi32, #tpu.memory_space<vmem>> -> memref<80xi32, #tpu.memory_space<vmem>>
      %dma_wait3A_75 = arith.constant 0 : i32
      %dma_wait3A_76 = arith.constant 0 : i32
      %dma_wait3A_77 = tpu.memref_slice %arg11[%dma_wait3A_75, %dma_wait3A_76] : memref<10128x128xf32, #tpu.memory_space<vmem_shared>> -> memref<10128x128xf32, #tpu.memory_space<vmem_shared>>
      tpu.wait_indirect_dma semaphore(%arg14 : memref<!tpu.dma_semaphore, #tpu.memory_space<semaphore_mem>>) src(%arg9 : memref<80x128xf32, #tpu.memory_space<vmem>>) dst(%dma_wait3A_77 : memref<10128x128xf32, #tpu.memory_space<vmem_shared>>)
      %mul3A_78 = arith.constant 80 : i32
      %mul3A_79 = arith.muli %add3A_53, %mul3A_78 : i32
      %dma_wait3A_80 = tpu.memref_slice %arg7[%mul3A_79] : memref<10000xi32, #tpu.memory_space<vmem>> -> memref<80xi32, #tpu.memory_space<vmem>>
      %dma_wait3A_81 = arith.constant 0 : i32
      %dma_wait3A_82 = arith.constant 0 : i32
      %dma_wait3A_83 = tpu.memref_slice %arg2[%dma_wait3A_81, %dma_wait3A_82] : memref<10000x128xf32, #tpu.memory_space<hbm>> -> memref<10000x128xf32, #tpu.memory_space<hbm>>
      tpu.wait_indirect_dma semaphore(%arg13 : memref<!tpu.dma_semaphore, #tpu.memory_space<semaphore_mem>>) src(%dma_wait3A_83 : memref<10000x128xf32, #tpu.memory_space<hbm>>) dst(%arg10 : memref<80x128xf32, #tpu.memory_space<vmem>>)
      %dma_start3A_84 = arith.constant 0 : i32
      %dma_start3A_85 = tpu.memref_slice %arg8[%add3A_53, %dma_start3A_84] : memref<125x80xi32, #tpu.memory_space<vmem>> -> memref<1x80xi32, #tpu.memory_space<vmem>>
      %dma_start3A_86 = tpu.memref_squeeze %dma_start3A_85 : memref<1x80xi32, #tpu.memory_space<vmem>> -> memref<80xi32, #tpu.memory_space<vmem>>
      %dma_start3A_87 = arith.constant 0 : i32
      %dma_start3A_88 = arith.constant 0 : i32
      %dma_start3A_89 = tpu.memref_slice %arg11[%dma_start3A_87, %dma_start3A_88] : memref<10128x128xf32, #tpu.memory_space<vmem_shared>> -> memref<10128x128xf32, #tpu.memory_space<vmem_shared>>
      tpu.enqueue_indirect_dma source(%arg10 : memref<80x128xf32, #tpu.memory_space<vmem>>) target(%dma_start3A_89 : memref<10128x128xf32, #tpu.memory_space<vmem_shared>>) offsets(%dma_start3A_86 : memref<80xi32, #tpu.memory_space<vmem>>) semaphore(%arg15 : memref<!tpu.dma_semaphore, #tpu.memory_space<semaphore_mem>>) {add = true}
      %add3A_90 = arith.constant 2 : i32
      %add3A_91 = arith.addi %mul3A_51, %add3A_90 : i32
      %mul3A_92 = arith.constant 80 : i32
      %mul3A_93 = arith.muli %add3A_91, %mul3A_92 : i32
      %dma_start3A_94 = tpu.memref_slice %arg7[%mul3A_93] : memref<10000xi32, #tpu.memory_space<vmem>> -> memref<80xi32, #tpu.memory_space<vmem>>
      %dma_start3A_95 = arith.constant 0 : i32
      %dma_start3A_96 = arith.constant 0 : i32
      %dma_start3A_97 = tpu.memref_slice %arg2[%dma_start3A_95, %dma_start3A_96] : memref<10000x128xf32, #tpu.memory_space<hbm>> -> memref<10000x128xf32, #tpu.memory_space<hbm>>
      tpu.enqueue_indirect_dma source(%dma_start3A_97 : memref<10000x128xf32, #tpu.memory_space<hbm>>) target(%arg9 : memref<80x128xf32, #tpu.memory_space<vmem>>) offsets(%dma_start3A_94 : memref<80xi32, #tpu.memory_space<vmem>>) semaphore(%arg12 : memref<!tpu.dma_semaphore, #tpu.memory_space<semaphore_mem>>)
      %dma_wait3A_98 = arith.constant 0 : i32
      %dma_wait3A_99 = tpu.memref_slice %arg8[%add3A_53, %dma_wait3A_98] : memref<125x80xi32, #tpu.memory_space<vmem>> -> memref<1x80xi32, #tpu.memory_space<vmem>>
      %dma_wait3A_100 = tpu.memref_squeeze %dma_wait3A_99 : memref<1x80xi32, #tpu.memory_space<vmem>> -> memref<80xi32, #tpu.memory_space<vmem>>
      %dma_wait3A_101 = arith.constant 0 : i32
      %dma_wait3A_102 = arith.constant 0 : i32
      %dma_wait3A_103 = tpu.memref_slice %arg11[%dma_wait3A_101, %dma_wait3A_102] : memref<10128x128xf32, #tpu.memory_space<vmem_shared>> -> memref<10128x128xf32, #tpu.memory_space<vmem_shared>>
      tpu.wait_indirect_dma semaphore(%arg15 : memref<!tpu.dma_semaphore, #tpu.memory_space<semaphore_mem>>) src(%arg10 : memref<80x128xf32, #tpu.memory_space<vmem>>) dst(%dma_wait3A_103 : memref<10128x128xf32, #tpu.memory_space<vmem_shared>>)
      %scan3A_104 = arith.constant 0 : i32
      scf.yield %scan3A_104 : i32
    }
    %scan3A_18 = arith.constant 62 : i32
    %dma_wait3A = arith.constant 9920 : i32
    %dma_wait3A_19 = tpu.memref_slice %arg7[%dma_wait3A] : memref<10000xi32, #tpu.memory_space<vmem>> -> memref<80xi32, #tpu.memory_space<vmem>>
    %dma_wait3A_20 = arith.constant 0 : i32
    %dma_wait3A_21 = arith.constant 0 : i32
    %dma_wait3A_22 = tpu.memref_slice %arg2[%dma_wait3A_20, %dma_wait3A_21] : memref<10000x128xf32, #tpu.memory_space<hbm>> -> memref<10000x128xf32, #tpu.memory_space<hbm>>
    tpu.wait_indirect_dma semaphore(%arg12 : memref<!tpu.dma_semaphore, #tpu.memory_space<semaphore_mem>>) src(%dma_wait3A_22 : memref<10000x128xf32, #tpu.memory_space<hbm>>) dst(%arg9 : memref<80x128xf32, #tpu.memory_space<vmem>>)
    %dma_start3A_23 = arith.constant 124 : i32
    %dma_start3A_24 = arith.constant 0 : i32
    %dma_start3A_25 = tpu.memref_slice %arg8[%dma_start3A_23, %dma_start3A_24] : memref<125x80xi32, #tpu.memory_space<vmem>> -> memref<1x80xi32, #tpu.memory_space<vmem>>
    %dma_start3A_26 = tpu.memref_squeeze %dma_start3A_25 : memref<1x80xi32, #tpu.memory_space<vmem>> -> memref<80xi32, #tpu.memory_space<vmem>>
    %dma_start3A_27 = arith.constant 0 : i32
    %dma_start3A_28 = arith.constant 0 : i32
    %dma_start3A_29 = tpu.memref_slice %arg11[%dma_start3A_27, %dma_start3A_28] : memref<10128x128xf32, #tpu.memory_space<vmem_shared>> -> memref<10128x128xf32, #tpu.memory_space<vmem_shared>>
    tpu.enqueue_indirect_dma source(%arg9 : memref<80x128xf32, #tpu.memory_space<vmem>>) target(%dma_start3A_29 : memref<10128x128xf32, #tpu.memory_space<vmem_shared>>) offsets(%dma_start3A_26 : memref<80xi32, #tpu.memory_space<vmem>>) semaphore(%arg14 : memref<!tpu.dma_semaphore, #tpu.memory_space<semaphore_mem>>) {add = true}
    %dma_wait3A_30 = arith.constant 124 : i32
    %dma_wait3A_31 = arith.constant 0 : i32
    %dma_wait3A_32 = tpu.memref_slice %arg8[%dma_wait3A_30, %dma_wait3A_31] : memref<125x80xi32, #tpu.memory_space<vmem>> -> memref<1x80xi32, #tpu.memory_space<vmem>>
    %dma_wait3A_33 = tpu.memref_squeeze %dma_wait3A_32 : memref<1x80xi32, #tpu.memory_space<vmem>> -> memref<80xi32, #tpu.memory_space<vmem>>
    %dma_wait3A_34 = arith.constant 0 : i32
    %dma_wait3A_35 = arith.constant 0 : i32
    %dma_wait3A_36 = tpu.memref_slice %arg11[%dma_wait3A_34, %dma_wait3A_35] : memref<10128x128xf32, #tpu.memory_space<vmem_shared>> -> memref<10128x128xf32, #tpu.memory_space<vmem_shared>>
    tpu.wait_indirect_dma semaphore(%arg14 : memref<!tpu.dma_semaphore, #tpu.memory_space<semaphore_mem>>) src(%arg9 : memref<80x128xf32, #tpu.memory_space<vmem>>) dst(%dma_wait3A_36 : memref<10128x128xf32, #tpu.memory_space<vmem_shared>>)
    %barrier3A_37 = arith.constant 0 : index
    tpu.barrier barrier_id(%barrier3A_37)
    %lt3A_38 = arith.constant 15 : i32
    %lt3A_39 = arith.cmpi slt, %arg1, %lt3A_38 : i32
    %convert_element_type3A_40 = arith.extui %lt3A_39 : i1 to i32
    %cond3A_41 = arith.constant 0 : i32
    %cond3A_42 = arith.cmpi ne, %convert_element_type3A_40, %cond3A_41 : i32
    scf.if %cond3A_42 {
      "tpu.region"() ({
        %run_scoped3A = tpu.sem_alloc : memref<!tpu.dma_semaphore, #tpu.memory_space<semaphore_mem>>
        %dma_start3A_48 = arith.constant 0 : i32
        %dma_start3A_49 = arith.constant 0 : i32
        %dma_start3A_50 = tpu.memref_slice %arg6[%arg0, %dma_start3A_48, %dma_start3A_49] : memref<2x10000x128xf32, #tpu.memory_space<hbm>> -> memref<1x10000x128xf32, #tpu.memory_space<hbm>>
        %dma_start3A_51 = tpu.memref_squeeze %dma_start3A_50 : memref<1x10000x128xf32, #tpu.memory_space<hbm>> -> memref<10000x128xf32, #tpu.memory_space<hbm>>
        %dma_start3A_52 = arith.constant 0 : i32
        %dma_start3A_53 = tpu.memref_slice %dma_start3A_51[%mul3A_2, %dma_start3A_52] : memref<10000x128xf32, #tpu.memory_space<hbm>> -> memref<632x128xf32, #tpu.memory_space<hbm>>
        %dma_start3A_54 = arith.constant 0 : i32
        %dma_start3A_55 = tpu.memref_slice %arg11[%mul3A_2, %dma_start3A_54] : memref<10128x128xf32, #tpu.memory_space<vmem_shared>> -> memref<632x128xf32, #tpu.memory_space<vmem_shared>>
        tpu.enqueue_dma source(%dma_start3A_55 : memref<632x128xf32, #tpu.memory_space<vmem_shared>>) target(%dma_start3A_53 : memref<632x128xf32, #tpu.memory_space<hbm>>) target_semaphore(%run_scoped3A : memref<!tpu.dma_semaphore, #tpu.memory_space<semaphore_mem>>)
        %dma_wait3A_56 = arith.constant 0 : i32
        %dma_wait3A_57 = arith.constant 0 : i32
        %dma_wait3A_58 = tpu.memref_slice %arg6[%arg0, %dma_wait3A_56, %dma_wait3A_57] : memref<2x10000x128xf32, #tpu.memory_space<hbm>> -> memref<1x10000x128xf32, #tpu.memory_space<hbm>>
        %dma_wait3A_59 = tpu.memref_squeeze %dma_wait3A_58 : memref<1x10000x128xf32, #tpu.memory_space<hbm>> -> memref<10000x128xf32, #tpu.memory_space<hbm>>
        %dma_wait3A_60 = arith.constant 0 : i32
        %dma_wait3A_61 = tpu.memref_slice %dma_wait3A_59[%mul3A_2, %dma_wait3A_60] : memref<10000x128xf32, #tpu.memory_space<hbm>> -> memref<632x128xf32, #tpu.memory_space<hbm>>
        %dma_wait3A_62 = arith.constant 0 : i32
        %dma_wait3A_63 = tpu.memref_slice %arg11[%mul3A_2, %dma_wait3A_62] : memref<10128x128xf32, #tpu.memory_space<vmem_shared>> -> memref<632x128xf32, #tpu.memory_space<vmem_shared>>
        tpu.wait_dma2 semaphore(%run_scoped3A : memref<!tpu.dma_semaphore, #tpu.memory_space<semaphore_mem>>) src(%dma_wait3A_63 : memref<632x128xf32, #tpu.memory_space<vmem_shared>>) dst(%dma_wait3A_61 : memref<632x128xf32, #tpu.memory_space<hbm>>)
        tpu.yield
      }) : () -> ()
    } else {
    }
    %eq3A_43 = arith.constant 15 : i32
    %eq3A_44 = arith.cmpi eq, %arg1, %eq3A_43 : i32
    %convert_element_type3A_45 = arith.extui %eq3A_44 : i1 to i32
    %cond3A_46 = arith.constant 0 : i32
    %cond3A_47 = arith.cmpi ne, %convert_element_type3A_45, %cond3A_46 : i32
    scf.if %cond3A_47 {
      "tpu.region"() ({
        %run_scoped3A = tpu.sem_alloc : memref<!tpu.dma_semaphore, #tpu.memory_space<semaphore_mem>>
        %dma_start3A_48 = arith.constant 0 : i32
        %dma_start3A_49 = arith.constant 0 : i32
        %dma_start3A_50 = tpu.memref_slice %arg6[%arg0, %dma_start3A_48, %dma_start3A_49] : memref<2x10000x128xf32, #tpu.memory_space<hbm>> -> memref<1x10000x128xf32, #tpu.memory_space<hbm>>
        %dma_start3A_51 = tpu.memref_squeeze %dma_start3A_50 : memref<1x10000x128xf32, #tpu.memory_space<hbm>> -> memref<10000x128xf32, #tpu.memory_space<hbm>>
        %dma_start3A_52 = arith.constant 9480 : i32
        %dma_start3A_53 = arith.constant 0 : i32
        %dma_start3A_54 = tpu.memref_slice %dma_start3A_51[%dma_start3A_52, %dma_start3A_53] : memref<10000x128xf32, #tpu.memory_space<hbm>> -> memref<520x128xf32, #tpu.memory_space<hbm>>
        %dma_start3A_55 = arith.constant 9480 : i32
        %dma_start3A_56 = arith.constant 0 : i32
        %dma_start3A_57 = tpu.memref_slice %arg11[%dma_start3A_55, %dma_start3A_56] : memref<10128x128xf32, #tpu.memory_space<vmem_shared>> -> memref<520x128xf32, #tpu.memory_space<vmem_shared>>
        tpu.enqueue_dma source(%dma_start3A_57 : memref<520x128xf32, #tpu.memory_space<vmem_shared>>) target(%dma_start3A_54 : memref<520x128xf32, #tpu.memory_space<hbm>>) target_semaphore(%run_scoped3A : memref<!tpu.dma_semaphore, #tpu.memory_space<semaphore_mem>>)
        %dma_wait3A_58 = arith.constant 0 : i32
        %dma_wait3A_59 = arith.constant 0 : i32
        %dma_wait3A_60 = tpu.memref_slice %arg6[%arg0, %dma_wait3A_58, %dma_wait3A_59] : memref<2x10000x128xf32, #tpu.memory_space<hbm>> -> memref<1x10000x128xf32, #tpu.memory_space<hbm>>
        %dma_wait3A_61 = tpu.memref_squeeze %dma_wait3A_60 : memref<1x10000x128xf32, #tpu.memory_space<hbm>> -> memref<10000x128xf32, #tpu.memory_space<hbm>>
        %dma_wait3A_62 = arith.constant 9480 : i32
        %dma_wait3A_63 = arith.constant 0 : i32
        %dma_wait3A_64 = tpu.memref_slice %dma_wait3A_61[%dma_wait3A_62, %dma_wait3A_63] : memref<10000x128xf32, #tpu.memory_space<hbm>> -> memref<520x128xf32, #tpu.memory_space<hbm>>
        %dma_wait3A_65 = arith.constant 9480 : i32
        %dma_wait3A_66 = arith.constant 0 : i32
        %dma_wait3A_67 = tpu.memref_slice %arg11[%dma_wait3A_65, %dma_wait3A_66] : memref<10128x128xf32, #tpu.memory_space<vmem_shared>> -> memref<520x128xf32, #tpu.memory_space<vmem_shared>>
        tpu.wait_dma2 semaphore(%run_scoped3A : memref<!tpu.dma_semaphore, #tpu.memory_space<semaphore_mem>>) src(%dma_wait3A_67 : memref<520x128xf32, #tpu.memory_space<vmem_shared>>) dst(%dma_wait3A_64 : memref<520x128xf32, #tpu.memory_space<hbm>>)
        tpu.yield
      }) : () -> ()
    } else {
    }
    return
  }
}

module attributes {stable_mosaic.version = 14 : i64} {
  func.func @_deg_body(%arg0: i32, %arg1: memref<1x1x2000xi32, #tpu.memory_space<vmem>>, %arg2: memref<80x128xf32, #tpu.memory_space<vmem>>) attributes {dimension_semantics = [#tpu.dimension_semantics<arbitrary>], iteration_bounds = array<i64: 160>, scalar_prefetch = 0 : i64, scratch_operands = 0 : i64, tpu.core_type = #tpu.core_type<tc>, window_params = [{transform_indices = @transform_0, window_bounds = array<i64: 1, 1, 2000>}, {pipeline_mode = #tpu.pipeline_mode<synchronous>, transform_indices = @transform_1, window_bounds = array<i64: 80, 128>}]} {
    %get3A = arith.constant 0 : index
    %get3A_0 = arith.constant 0 : index
    %get3A_1 = arith.constant 0 : index
    %get3A_2 = vector.load %arg1[%get3A, %get3A_0, %get3A_1] : memref<1x1x2000xi32, #tpu.memory_space<vmem>>, vector<1x1x2000xi32>
    %get3A_3 = vector.shape_cast %get3A_2 : vector<1x1x2000xi32> to vector<2000xi32>
    %jit3A = arith.constant 128 : i32
    %div3A = vector.broadcast %jit3A : i32 to vector<2000xi32>
    %div3A_4 = arith.divsi %get3A_3, %div3A : vector<2000xi32>
    %sign3A = arith.constant 0 : i32
    %sign3A_5 = vector.broadcast %sign3A : i32 to vector<2000xi32>
    %sign3A_6 = arith.cmpi sgt, %get3A_3, %sign3A_5 : vector<2000xi32>
    %sign3A_7 = arith.extui %sign3A_6 : vector<2000xi1> to vector<2000xi32>
    %sign3A_8 = arith.constant 0 : i32
    %sign3A_9 = vector.broadcast %sign3A_8 : i32 to vector<2000xi32>
    %sign3A_10 = arith.cmpi slt, %get3A_3, %sign3A_9 : vector<2000xi32>
    %sign3A_11 = arith.extui %sign3A_10 : vector<2000xi1> to vector<2000xi32>
    %sign3A_12 = arith.subi %sign3A_7, %sign3A_11 : vector<2000xi32>
    %sign3A_13 = arith.constant 0 : i32
    %sign3A_14 = arith.cmpi sgt, %jit3A, %sign3A_13 : i32
    %sign3A_15 = arith.extui %sign3A_14 : i1 to i32
    %sign3A_16 = arith.constant 0 : i32
    %sign3A_17 = arith.cmpi slt, %jit3A, %sign3A_16 : i32
    %sign3A_18 = arith.extui %sign3A_17 : i1 to i32
    %sign3A_19 = arith.subi %sign3A_15, %sign3A_18 : i32
    %ne3A = vector.broadcast %sign3A_19 : i32 to vector<2000xi32>
    %ne3A_20 = arith.cmpi ne, %sign3A_12, %ne3A : vector<2000xi32>
    %rem3A = vector.broadcast %jit3A : i32 to vector<2000xi32>
    %rem3A_21 = arith.remsi %get3A_3, %rem3A : vector<2000xi32>
    %ne3A_22 = arith.constant 0 : i32
    %ne3A_23 = vector.broadcast %ne3A_22 : i32 to vector<2000xi32>
    %ne3A_24 = arith.cmpi ne, %rem3A_21, %ne3A_23 : vector<2000xi32>
    %and3A = arith.andi %ne3A_20, %ne3A_24 : vector<2000xi1>
    %sub3A = arith.constant 1 : i32
    %sub3A_25 = vector.broadcast %sub3A : i32 to vector<2000xi32>
    %sub3A_26 = arith.subi %div3A_4, %sub3A_25 : vector<2000xi32>
    %select_n3A = arith.select %and3A, %sub3A_26, %div3A_4 : vector<2000xi1>, vector<2000xi32>
    %jit3A_27 = arith.constant 128 : i32
    %eq3A = arith.constant 0 : i32
    %eq3A_28 = arith.cmpi eq, %jit3A_27, %eq3A : i32
    %jit3A_29 = arith.constant 1 : i32
    %select_n3A_30 = arith.select %eq3A_28, %jit3A_29, %jit3A_27 : i32
    %rem3A_31 = vector.broadcast %select_n3A_30 : i32 to vector<2000xi32>
    %rem3A_32 = arith.remsi %get3A_3, %rem3A_31 : vector<2000xi32>
    %ne3A_33 = arith.constant 0 : i32
    %ne3A_34 = vector.broadcast %ne3A_33 : i32 to vector<2000xi32>
    %ne3A_35 = arith.cmpi ne, %rem3A_32, %ne3A_34 : vector<2000xi32>
    %lt3A = arith.constant 0 : i32
    %lt3A_36 = vector.broadcast %lt3A : i32 to vector<2000xi32>
    %lt3A_37 = arith.cmpi slt, %rem3A_32, %lt3A_36 : vector<2000xi32>
    %lt3A_38 = arith.constant 0 : i32
    %lt3A_39 = arith.cmpi slt, %select_n3A_30, %lt3A_38 : i32
    %ne3A_40 = vector.broadcast %lt3A_39 : i1 to vector<2000xi1>
    %ne3A_41 = vector.broadcast %ne3A_40 : vector<2000xi1> to vector<2000xi1>
    %ne3A_42 = arith.xori %lt3A_37, %ne3A_41 : vector<2000xi1>
    %and3A_43 = arith.andi %ne3A_42, %ne3A_35 : vector<2000xi1>
    %add3A = vector.broadcast %select_n3A_30 : i32 to vector<2000xi32>
    %add3A_44 = arith.addi %rem3A_32, %add3A : vector<2000xi32>
    %select_n3A_45 = arith.select %and3A_43, %add3A_44, %rem3A_32 : vector<2000xi1>, vector<2000xi32>
    %broadcast_in_dim3A = vector.shape_cast %select_n3A : vector<2000xi32> to vector<1x2000xi32>
    %iota3A = tpu.iota {dimensions = array<i32: 0>} : vector<80x2000xi32>
    %eq3A_46 = vector.broadcast %broadcast_in_dim3A : vector<1x2000xi32> to vector<80x2000xi32>
    %eq3A_47 = arith.cmpi eq, %eq3A_46, %iota3A : vector<80x2000xi32>
    %convert_element_type3A = arith.extui %eq3A_47 : vector<80x2000xi1> to vector<80x2000xi32>
    %convert_element_type3A_48 = arith.sitofp %convert_element_type3A : vector<80x2000xi32> to vector<80x2000xf32>
    %broadcast_in_dim3A_49 = vector.shape_cast %select_n3A_45 : vector<2000xi32> to vector<2000x1xi32>
    %iota3A_50 = tpu.iota {dimensions = array<i32: 1>} : vector<2000x128xi32>
    %eq3A_51 = vector.broadcast %broadcast_in_dim3A_49 : vector<2000x1xi32> to vector<2000x128xi32>
    %eq3A_52 = arith.cmpi eq, %eq3A_51, %iota3A_50 : vector<2000x128xi32>
    %convert_element_type3A_53 = arith.extui %eq3A_52 : vector<2000x128xi1> to vector<2000x128xi32>
    %convert_element_type3A_54 = arith.sitofp %convert_element_type3A_53 : vector<2000x128xi32> to vector<2000x128xf32>
    %dot_general3A = arith.constant dense<0.000000e+00> : vector<80x128xf32>
    %dot_general3A_55 = tpu.matmul %convert_element_type3A_48, %convert_element_type3A_54, %dot_general3A {dimension_numbers = #tpu.dot_dimension_numbers<[1], [0], [0], [1], [0, 0, 1, 1], [], []>, transpose_lhs_hint = false} : vector<80x2000xf32>, vector<2000x128xf32>, vector<80x128xf32> -> vector<80x128xf32>
    %eq3A_56 = arith.constant 0 : i32
    %eq3A_57 = arith.cmpi eq, %arg0, %eq3A_56 : i32
    %convert_element_type3A_58 = arith.extui %eq3A_57 : i1 to i32
    %cond3A = arith.constant 0 : i32
    %cond3A_59 = arith.cmpi ne, %convert_element_type3A_58, %cond3A : i32
    scf.if %cond3A_59 {
      %broadcast_in_dim3A_66 = arith.constant 0.000000e+00 : f32
      %broadcast_in_dim3A_67 = vector.broadcast %broadcast_in_dim3A_66 : f32 to vector<80x128xf32>
      %swap3A_68 = arith.constant 0 : index
      %swap3A_69 = arith.constant 0 : index
      %swap3A_70 = vector.load %arg2[%swap3A_68, %swap3A_69] : memref<80x128xf32, #tpu.memory_space<vmem>>, vector<80x128xf32>
      tpu.vector_store %arg2[%swap3A_68, %swap3A_69], %broadcast_in_dim3A_67 {strides = array<i32>} : memref<80x128xf32, #tpu.memory_space<vmem>>, vector<80x128xf32>,
    } else {
    }
    %get3A_60 = arith.constant 0 : index
    %get3A_61 = arith.constant 0 : index
    %get3A_62 = vector.load %arg2[%get3A_60, %get3A_61] : memref<80x128xf32, #tpu.memory_space<vmem>>, vector<80x128xf32>
    %add3A_63 = arith.addf %get3A_62, %dot_general3A_55 : vector<80x128xf32>
    %swap3A = arith.constant 0 : index
    %swap3A_64 = arith.constant 0 : index
    %swap3A_65 = vector.load %arg2[%swap3A, %swap3A_64] : memref<80x128xf32, #tpu.memory_space<vmem>>, vector<80x128xf32>
    tpu.vector_store %arg2[%swap3A, %swap3A_64], %add3A_63 {strides = array<i32>} : memref<80x128xf32, #tpu.memory_space<vmem>>, vector<80x128xf32>,
    return
  }
  func.func @transform_0(%arg0: i32) -> (i32, i32, i32) {
    %c0_i32 = arith.constant 0 : i32
    %c0_i32_0 = arith.constant 0 : i32
    %c0_i32_1 = arith.constant 0 : i32
    return %arg0, %c0_i32, %c0_i32_0 : i32, i32, i32
  }
  func.func @transform_1(%arg0: i32) -> (i32, i32) {
    %c0_i32 = arith.constant 0 : i32
    %c0_i32_0 = arith.constant 0 : i32
    %c0_i32_1 = arith.constant 0 : i32
    return %c0_i32, %c0_i32_0 : i32, i32
  }
}

module attributes {stable_mosaic.version = 14 : i64} {
  func.func @_proj_body(%arg0: i32, %arg1: memref<2000x1xf32, #tpu.memory_space<vmem>>, %arg2: memref<2000x128xf32, #tpu.memory_space<vmem>>, %arg3: memref<128x128xf32, #tpu.memory_space<vmem>>, %arg4: memref<1x128xf32, #tpu.memory_space<vmem>>, %arg5: memref<2000x1xf32, #tpu.memory_space<vmem>>, %arg6: memref<2000x128xf32, #tpu.memory_space<vmem>>, %arg7: memref<2000x128xf32, #tpu.memory_space<vmem>>) attributes {dimension_semantics = [#tpu.dimension_semantics<arbitrary>], iteration_bounds = array<i64: 5>, scalar_prefetch = 0 : i64, scratch_operands = 0 : i64, tpu.core_type = #tpu.core_type<tc>, window_params = [{transform_indices = @transform_0, window_bounds = array<i64: 2000, 1>}, {transform_indices = @transform_1, window_bounds = array<i64: 2000, 128>}, {pipeline_mode = #tpu.pipeline_mode<synchronous>, transform_indices = @transform_2, window_bounds = array<i64: 128, 128>}, {pipeline_mode = #tpu.pipeline_mode<synchronous>, transform_indices = @transform_3, window_bounds = array<i64: 1, 128>}, {transform_indices = @transform_4, window_bounds = array<i64: 2000, 1>}, {transform_indices = @transform_5, window_bounds = array<i64: 2000, 128>}, {transform_indices = @transform_6, window_bounds = array<i64: 2000, 128>}]} {
    %get3A = arith.constant 0 : index
    %get3A_0 = arith.constant 0 : index
    %get3A_1 = vector.load %arg1[%get3A, %get3A_0] : memref<2000x1xf32, #tpu.memory_space<vmem>>, vector<2000x1xf32>
    %add3A = arith.constant 1.000000e+00 : f32
    %add3A_2 = vector.broadcast %add3A : f32 to vector<2000x1xf32>
    %add3A_3 = arith.addf %get3A_1, %add3A_2 : vector<2000x1xf32>
    %sqrt3A = math.sqrt %add3A_3 : vector<2000x1xf32>
    %div3A = arith.constant 1.000000e+00 : f32
    %div3A_4 = vector.broadcast %div3A : f32 to vector<2000x1xf32>
    %div3A_5 = arith.divf %div3A_4, %sqrt3A : vector<2000x1xf32>
    %get3A_6 = arith.constant 0 : index
    %get3A_7 = arith.constant 0 : index
    %get3A_8 = vector.load %arg2[%get3A_6, %get3A_7] : memref<2000x128xf32, #tpu.memory_space<vmem>>, vector<2000x128xf32>
    %get3A_9 = arith.constant 0 : index
    %get3A_10 = arith.constant 0 : index
    %get3A_11 = vector.load %arg3[%get3A_9, %get3A_10] : memref<128x128xf32, #tpu.memory_space<vmem>>, vector<128x128xf32>
    %dot_general3A = arith.constant dense<0.000000e+00> : vector<2000x128xf32>
    %dot_general3A_12 = tpu.matmul %get3A_8, %get3A_11, %dot_general3A {dimension_numbers = #tpu.dot_dimension_numbers<[1], [0], [0], [1], [0, 0, 1, 1], [], []>, transpose_lhs_hint = false} : vector<2000x128xf32>, vector<128x128xf32>, vector<2000x128xf32> -> vector<2000x128xf32>
    %get3A_13 = arith.constant 0 : index
    %get3A_14 = arith.constant 0 : index
    %get3A_15 = vector.load %arg4[%get3A_13, %get3A_14] : memref<1x128xf32, #tpu.memory_space<vmem>>, vector<1x128xf32>
    %add3A_16 = vector.broadcast %get3A_15 : vector<1x128xf32> to vector<2000x128xf32>
    %add3A_17 = arith.addf %dot_general3A_12, %add3A_16 : vector<2000x128xf32>
    %max3A = arith.constant 0.000000e+00 : f32
    %max3A_18 = vector.broadcast %max3A : f32 to vector<2000x128xf32>
    %max3A_19 = arith.maximumf %add3A_17, %max3A_18 : vector<2000x128xf32>
    %swap3A = arith.constant 0 : index
    %swap3A_20 = arith.constant 0 : index
    %swap3A_21 = vector.load %arg5[%swap3A, %swap3A_20] : memref<2000x1xf32, #tpu.memory_space<vmem>>, vector<2000x1xf32>
    tpu.vector_store %arg5[%swap3A, %swap3A_20], %div3A_5 {strides = array<i32>} : memref<2000x1xf32, #tpu.memory_space<vmem>>, vector<2000x1xf32>,
    %swap3A_22 = arith.constant 0 : index
    %swap3A_23 = arith.constant 0 : index
    %swap3A_24 = vector.load %arg6[%swap3A_22, %swap3A_23] : memref<2000x128xf32, #tpu.memory_space<vmem>>, vector<2000x128xf32>
    tpu.vector_store %arg6[%swap3A_22, %swap3A_23], %max3A_19 {strides = array<i32>} : memref<2000x128xf32, #tpu.memory_space<vmem>>, vector<2000x128xf32>,
    %mul3A = vector.broadcast %div3A_5 : vector<2000x1xf32> to vector<2000x128xf32>
    %mul3A_25 = arith.mulf %max3A_19, %mul3A : vector<2000x128xf32>
    %swap3A_26 = arith.constant 0 : index
    %swap3A_27 = arith.constant 0 : index
    %swap3A_28 = vector.load %arg7[%swap3A_26, %swap3A_27] : memref<2000x128xf32, #tpu.memory_space<vmem>>, vector<2000x128xf32>
    tpu.vector_store %arg7[%swap3A_26, %swap3A_27], %mul3A_25 {strides = array<i32>} : memref<2000x128xf32, #tpu.memory_space<vmem>>, vector<2000x128xf32>,
    return
  }
  func.func @transform_0(%arg0: i32) -> (i32, i32) {
    %c0_i32 = arith.constant 0 : i32
    %c0_i32_0 = arith.constant 0 : i32
    return %arg0, %c0_i32 : i32, i32
  }
  func.func @transform_1(%arg0: i32) -> (i32, i32) {
    %c0_i32 = arith.constant 0 : i32
    %c0_i32_0 = arith.constant 0 : i32
    return %arg0, %c0_i32 : i32, i32
  }
  func.func @transform_2(%arg0: i32) -> (i32, i32) {
    %c0_i32 = arith.constant 0 : i32
    %c0_i32_0 = arith.constant 0 : i32
    %c0_i32_1 = arith.constant 0 : i32
    return %c0_i32, %c0_i32_0 : i32, i32
  }
  func.func @transform_3(%arg0: i32) -> (i32, i32) {
    %c0_i32 = arith.constant 0 : i32
    %c0_i32_0 = arith.constant 0 : i32
    %c0_i32_1 = arith.constant 0 : i32
    return %c0_i32, %c0_i32_0 : i32, i32
  }
  func.func @transform_4(%arg0: i32) -> (i32, i32) {
    %c0_i32 = arith.constant 0 : i32
    %c0_i32_0 = arith.constant 0 : i32
    return %arg0, %c0_i32 : i32, i32
  }
  func.func @transform_5(%arg0: i32) -> (i32, i32) {
    %c0_i32 = arith.constant 0 : i32
    %c0_i32_0 = arith.constant 0 : i32
    return %arg0, %c0_i32 : i32, i32
  }
  func.func @transform_6(%arg0: i32) -> (i32, i32) {
    %c0_i32 = arith.constant 0 : i32
    %c0_i32_0 = arith.constant 0 : i32
    return %arg0, %c0_i32 : i32, i32
  }
}

module attributes {stable_mosaic.version = 14 : i64} {
  func.func @body(%arg0: i32, %arg1: memref<2x2000x128xf32, #tpu.memory_space<vmem>>, %arg2: memref<2000x128xf32, #tpu.memory_space<vmem>>, %arg3: memref<2000x128xf32, #tpu.memory_space<vmem>>, %arg4: memref<2000x1xf32, #tpu.memory_space<vmem>>, %arg5: memref<128x128xf32, #tpu.memory_space<vmem>>, %arg6: memref<128x128xf32, #tpu.memory_space<vmem>>, %arg7: memref<1x128xf32, #tpu.memory_space<vmem>>, %arg8: memref<1x128xf32, #tpu.memory_space<vmem>>, %arg9: memref<1x1xf32, #tpu.memory_space<vmem>>, %arg10: memref<2000x128xf32, #tpu.memory_space<vmem>>) attributes {dimension_semantics = [#tpu.dimension_semantics<arbitrary>], iteration_bounds = array<i64: 5>, scalar_prefetch = 0 : i64, scratch_operands = 0 : i64, tpu.core_type = #tpu.core_type<tc>, window_params = [{transform_indices = @transform_0, window_bounds = array<i64: 2, 2000, 128>}, {transform_indices = @transform_1, window_bounds = array<i64: 2000, 128>}, {transform_indices = @transform_2, window_bounds = array<i64: 2000, 128>}, {transform_indices = @transform_3, window_bounds = array<i64: 2000, 1>}, {pipeline_mode = #tpu.pipeline_mode<synchronous>, transform_indices = @transform_4, window_bounds = array<i64: 128, 128>}, {pipeline_mode = #tpu.pipeline_mode<synchronous>, transform_indices = @transform_5, window_bounds = array<i64: 128, 128>}, {pipeline_mode = #tpu.pipeline_mode<synchronous>, transform_indices = @transform_6, window_bounds = array<i64: 1, 128>}, {pipeline_mode = #tpu.pipeline_mode<synchronous>, transform_indices = @transform_7, window_bounds = array<i64: 1, 128>}, {pipeline_mode = #tpu.pipeline_mode<synchronous>, transform_indices = @transform_8, window_bounds = array<i64: 1, 1>}, {transform_indices = @transform_9, window_bounds = array<i64: 2000, 128>}]} {
    %get3A = arith.constant 0 : index
    %get3A_0 = arith.constant 0 : index
    %get3A_1 = vector.load %arg4[%get3A, %get3A_0] : memref<2000x1xf32, #tpu.memory_space<vmem>>, vector<2000x1xf32>
    %get3A_2 = arith.constant 0 : index
    %get3A_3 = arith.constant 0 : index
    %get3A_4 = vector.load %arg9[%get3A_2, %get3A_3] : memref<1x1xf32, #tpu.memory_space<vmem>>, vector<1x1xf32>
    %get3A_5 = vector.extract %get3A_4[0, 0] : f32 from vector<1x1xf32>
    %get3A_6 = arith.constant 0 : index
    %get3A_7 = arith.constant 0 : index
    %get3A_8 = arith.constant 0 : index
    %get3A_9 = vector.load %arg1[%get3A_6, %get3A_7, %get3A_8] : memref<2x2000x128xf32, #tpu.memory_space<vmem>>, vector<1x2000x128xf32>
    %get3A_10 = vector.shape_cast %get3A_9 : vector<1x2000x128xf32> to vector<2000x128xf32>
    %get3A_11 = arith.constant 1 : index
    %get3A_12 = arith.constant 0 : index
    %get3A_13 = arith.constant 0 : index
    %get3A_14 = vector.load %arg1[%get3A_11, %get3A_12, %get3A_13] : memref<2x2000x128xf32, #tpu.memory_space<vmem>>, vector<1x2000x128xf32>
    %get3A_15 = vector.shape_cast %get3A_14 : vector<1x2000x128xf32> to vector<2000x128xf32>
    %add3A = arith.addf %get3A_10, %get3A_15 : vector<2000x128xf32>
    %get3A_16 = arith.constant 0 : index
    %get3A_17 = arith.constant 0 : index
    %get3A_18 = vector.load %arg2[%get3A_16, %get3A_17] : memref<2000x128xf32, #tpu.memory_space<vmem>>, vector<2000x128xf32>
    %add3A_19 = arith.addf %add3A, %get3A_18 : vector<2000x128xf32>
    %mul3A = vector.broadcast %get3A_1 : vector<2000x1xf32> to vector<2000x128xf32>
    %mul3A_20 = arith.mulf %mul3A, %add3A_19 : vector<2000x128xf32>
    %mul3A_21 = arith.constant 0.899999976 : f32
    %mul3A_22 = vector.broadcast %mul3A_21 : f32 to vector<2000x128xf32>
    %mul3A_23 = arith.mulf %mul3A_20, %mul3A_22 : vector<2000x128xf32>
    %get3A_24 = arith.constant 0 : index
    %get3A_25 = arith.constant 0 : index
    %get3A_26 = vector.load %arg3[%get3A_24, %get3A_25] : memref<2000x128xf32, #tpu.memory_space<vmem>>, vector<2000x128xf32>
    %mul3A_27 = arith.constant 1.000000e-01 : f32
    %mul3A_28 = vector.broadcast %mul3A_27 : f32 to vector<2000x128xf32>
    %mul3A_29 = arith.mulf %mul3A_28, %get3A_26 : vector<2000x128xf32>
    %sub3A = arith.constant 1.000000e+00 : f32
    %sub3A_30 = arith.subf %sub3A, %get3A_5 : f32
    %mul3A_31 = vector.broadcast %sub3A_30 : f32 to vector<2000x128xf32>
    %mul3A_32 = arith.mulf %mul3A_31, %mul3A_23 : vector<2000x128xf32>
    %get3A_33 = arith.constant 0 : index
    %get3A_34 = arith.constant 0 : index
    %get3A_35 = vector.load %arg5[%get3A_33, %get3A_34] : memref<128x128xf32, #tpu.memory_space<vmem>>, vector<128x128xf32>
    %dot_general3A = arith.constant dense<0.000000e+00> : vector<2000x128xf32>
    %dot_general3A_36 = tpu.matmul %mul3A_23, %get3A_35, %dot_general3A {dimension_numbers = #tpu.dot_dimension_numbers<[1], [0], [0], [1], [0, 0, 1, 1], [], []>, transpose_lhs_hint = false} : vector<2000x128xf32>, vector<128x128xf32>, vector<2000x128xf32> -> vector<2000x128xf32>
    %mul3A_37 = vector.broadcast %get3A_5 : f32 to vector<2000x128xf32>
    %mul3A_38 = arith.mulf %mul3A_37, %dot_general3A_36 : vector<2000x128xf32>
    %add3A_39 = arith.addf %mul3A_32, %mul3A_38 : vector<2000x128xf32>
    %sub3A_40 = arith.constant 1.000000e+00 : f32
    %sub3A_41 = arith.subf %sub3A_40, %get3A_5 : f32
    %mul3A_42 = vector.broadcast %sub3A_41 : f32 to vector<2000x128xf32>
    %mul3A_43 = arith.mulf %mul3A_42, %mul3A_29 : vector<2000x128xf32>
    %add3A_44 = arith.addf %add3A_39, %mul3A_43 : vector<2000x128xf32>
    %get3A_45 = arith.constant 0 : index
    %get3A_46 = arith.constant 0 : index
    %get3A_47 = vector.load %arg6[%get3A_45, %get3A_46] : memref<128x128xf32, #tpu.memory_space<vmem>>, vector<128x128xf32>
    %dot_general3A_48 = arith.constant dense<0.000000e+00> : vector<2000x128xf32>
    %dot_general3A_49 = tpu.matmul %mul3A_29, %get3A_47, %dot_general3A_48 {dimension_numbers = #tpu.dot_dimension_numbers<[1], [0], [0], [1], [0, 0, 1, 1], [], []>, transpose_lhs_hint = false} : vector<2000x128xf32>, vector<128x128xf32>, vector<2000x128xf32> -> vector<2000x128xf32>
    %mul3A_50 = vector.broadcast %get3A_5 : f32 to vector<2000x128xf32>
    %mul3A_51 = arith.mulf %mul3A_50, %dot_general3A_49 : vector<2000x128xf32>
    %add3A_52 = arith.addf %add3A_44, %mul3A_51 : vector<2000x128xf32>
    %reduce_sum3A = arith.constant dense<0.000000e+00> : vector<2000xf32>
    %reduce_sum3A_53 = vector.multi_reduction <add>, %add3A_52, %reduce_sum3A [1] : vector<2000x128xf32> to vector<2000xf32>
    %broadcast_in_dim3A = vector.shape_cast %reduce_sum3A_53 : vector<2000xf32> to vector<2000x1xf32>
    %div3A = arith.constant 1.280000e+02 : f32
    %div3A_54 = vector.broadcast %div3A : f32 to vector<2000x1xf32>
    %div3A_55 = arith.divf %broadcast_in_dim3A, %div3A_54 : vector<2000x1xf32>
    %sub3A_56 = vector.broadcast %div3A_55 : vector<2000x1xf32> to vector<2000x128xf32>
    %sub3A_57 = arith.subf %add3A_52, %sub3A_56 : vector<2000x128xf32>
    %mul3A_58 = arith.mulf %sub3A_57, %sub3A_57 : vector<2000x128xf32>
    %reduce_sum3A_59 = arith.constant dense<0.000000e+00> : vector<2000xf32>
    %reduce_sum3A_60 = vector.multi_reduction <add>, %mul3A_58, %reduce_sum3A_59 [1] : vector<2000x128xf32> to vector<2000xf32>
    %broadcast_in_dim3A_61 = vector.shape_cast %reduce_sum3A_60 : vector<2000xf32> to vector<2000x1xf32>
    %div3A_62 = arith.constant 1.280000e+02 : f32
    %div3A_63 = vector.broadcast %div3A_62 : f32 to vector<2000x1xf32>
    %div3A_64 = arith.divf %broadcast_in_dim3A_61, %div3A_63 : vector<2000x1xf32>
    %add3A_65 = arith.constant 9.99999974E-6 : f32
    %add3A_66 = vector.broadcast %add3A_65 : f32 to vector<2000x1xf32>
    %add3A_67 = arith.addf %div3A_64, %add3A_66 : vector<2000x1xf32>
    %sqrt3A = math.sqrt %add3A_67 : vector<2000x1xf32>
    %div3A_68 = vector.broadcast %sqrt3A : vector<2000x1xf32> to vector<2000x128xf32>
    %div3A_69 = arith.divf %sub3A_57, %div3A_68 : vector<2000x128xf32>
    %get3A_70 = arith.constant 0 : index
    %get3A_71 = arith.constant 0 : index
    %get3A_72 = vector.load %arg7[%get3A_70, %get3A_71] : memref<1x128xf32, #tpu.memory_space<vmem>>, vector<1x128xf32>
    %mul3A_73 = vector.broadcast %get3A_72 : vector<1x128xf32> to vector<2000x128xf32>
    %mul3A_74 = arith.mulf %div3A_69, %mul3A_73 : vector<2000x128xf32>
    %get3A_75 = arith.constant 0 : index
    %get3A_76 = arith.constant 0 : index
    %get3A_77 = vector.load %arg8[%get3A_75, %get3A_76] : memref<1x128xf32, #tpu.memory_space<vmem>>, vector<1x128xf32>
    %add3A_78 = vector.broadcast %get3A_77 : vector<1x128xf32> to vector<2000x128xf32>
    %add3A_79 = arith.addf %mul3A_74, %add3A_78 : vector<2000x128xf32>
    %max3A = arith.constant 0.000000e+00 : f32
    %max3A_80 = vector.broadcast %max3A : f32 to vector<2000x128xf32>
    %max3A_81 = arith.maximumf %add3A_79, %max3A_80 : vector<2000x128xf32>
    %mul3A_82 = vector.broadcast %get3A_1 : vector<2000x1xf32> to vector<2000x128xf32>
    %mul3A_83 = arith.mulf %max3A_81, %mul3A_82 : vector<2000x128xf32>
    %swap3A = arith.constant 0 : index
    %swap3A_84 = arith.constant 0 : index
    %swap3A_85 = vector.load %arg10[%swap3A, %swap3A_84] : memref<2000x128xf32, #tpu.memory_space<vmem>>, vector<2000x128xf32>
    tpu.vector_store %arg10[%swap3A, %swap3A_84], %mul3A_83 {strides = array<i32>} : memref<2000x128xf32, #tpu.memory_space<vmem>>, vector<2000x128xf32>,
    return
  }
  func.func @transform_0(%arg0: i32) -> (i32, i32, i32) {
    %c0_i32 = arith.constant 0 : i32
    %c0_i32_0 = arith.constant 0 : i32
    %c0_i32_1 = arith.constant 0 : i32
    return %c0_i32, %arg0, %c0_i32_0 : i32, i32, i32
  }
  func.func @transform_1(%arg0: i32) -> (i32, i32) {
    %c0_i32 = arith.constant 0 : i32
    %c0_i32_0 = arith.constant 0 : i32
    return %arg0, %c0_i32 : i32, i32
  }
  func.func @transform_2(%arg0: i32) -> (i32, i32) {
    %c0_i32 = arith.constant 0 : i32
    %c0_i32_0 = arith.constant 0 : i32
    return %arg0, %c0_i32 : i32, i32
  }
  func.func @transform_3(%arg0: i32) -> (i32, i32) {
    %c0_i32 = arith.constant 0 : i32
    %c0_i32_0 = arith.constant 0 : i32
    return %arg0, %c0_i32 : i32, i32
  }
  func.func @transform_4(%arg0: i32) -> (i32, i32) {
    %c0_i32 = arith.constant 0 : i32
    %c0_i32_0 = arith.constant 0 : i32
    %c0_i32_1 = arith.constant 0 : i32
    return %c0_i32, %c0_i32_0 : i32, i32
  }
  func.func @transform_5(%arg0: i32) -> (i32, i32) {
    %c0_i32 = arith.constant 0 : i32
    %c0_i32_0 = arith.constant 0 : i32
    %c0_i32_1 = arith.constant 0 : i32
    return %c0_i32, %c0_i32_0 : i32, i32
  }
  func.func @transform_6(%arg0: i32) -> (i32, i32) {
    %c0_i32 = arith.constant 0 : i32
    %c0_i32_0 = arith.constant 0 : i32
    %c0_i32_1 = arith.constant 0 : i32
    return %c0_i32, %c0_i32_0 : i32, i32
  }
  func.func @transform_7(%arg0: i32) -> (i32, i32) {
    %c0_i32 = arith.constant 0 : i32
    %c0_i32_0 = arith.constant 0 : i32
    %c0_i32_1 = arith.constant 0 : i32
    return %c0_i32, %c0_i32_0 : i32, i32
  }
  func.func @transform_8(%arg0: i32) -> (i32, i32) {
    %c0_i32 = arith.constant 0 : i32
    %c0_i32_0 = arith.constant 0 : i32
    %c0_i32_1 = arith.constant 0 : i32
    return %c0_i32, %c0_i32_0 : i32, i32
  }
  func.func @transform_9(%arg0: i32) -> (i32, i32) {
    %c0_i32 = arith.constant 0 : i32
    %c0_i32_0 = arith.constant 0 : i32
    return %arg0, %c0_i32 : i32, i32
  }
}

module attributes {stable_mosaic.version = 14 : i64} {
  func.func @body(%arg0: i32, %arg1: memref<2x2000x128xf32, #tpu.memory_space<vmem>>, %arg2: memref<2000x128xf32, #tpu.memory_space<vmem>>, %arg3: memref<2000x128xf32, #tpu.memory_space<vmem>>, %arg4: memref<2000x1xf32, #tpu.memory_space<vmem>>, %arg5: memref<128x128xf32, #tpu.memory_space<vmem>>, %arg6: memref<128x128xf32, #tpu.memory_space<vmem>>, %arg7: memref<1x128xf32, #tpu.memory_space<vmem>>, %arg8: memref<1x128xf32, #tpu.memory_space<vmem>>, %arg9: memref<1x1xf32, #tpu.memory_space<vmem>>, %arg10: memref<2000x128xf32, #tpu.memory_space<vmem>>) attributes {dimension_semantics = [#tpu.dimension_semantics<arbitrary>], iteration_bounds = array<i64: 5>, scalar_prefetch = 0 : i64, scratch_operands = 0 : i64, tpu.core_type = #tpu.core_type<tc>, window_params = [{transform_indices = @transform_0, window_bounds = array<i64: 2, 2000, 128>}, {transform_indices = @transform_1, window_bounds = array<i64: 2000, 128>}, {transform_indices = @transform_2, window_bounds = array<i64: 2000, 128>}, {transform_indices = @transform_3, window_bounds = array<i64: 2000, 1>}, {pipeline_mode = #tpu.pipeline_mode<synchronous>, transform_indices = @transform_4, window_bounds = array<i64: 128, 128>}, {pipeline_mode = #tpu.pipeline_mode<synchronous>, transform_indices = @transform_5, window_bounds = array<i64: 128, 128>}, {pipeline_mode = #tpu.pipeline_mode<synchronous>, transform_indices = @transform_6, window_bounds = array<i64: 1, 128>}, {pipeline_mode = #tpu.pipeline_mode<synchronous>, transform_indices = @transform_7, window_bounds = array<i64: 1, 128>}, {pipeline_mode = #tpu.pipeline_mode<synchronous>, transform_indices = @transform_8, window_bounds = array<i64: 1, 1>}, {transform_indices = @transform_9, window_bounds = array<i64: 2000, 128>}]} {
    %get3A = arith.constant 0 : index
    %get3A_0 = arith.constant 0 : index
    %get3A_1 = vector.load %arg4[%get3A, %get3A_0] : memref<2000x1xf32, #tpu.memory_space<vmem>>, vector<2000x1xf32>
    %get3A_2 = arith.constant 0 : index
    %get3A_3 = arith.constant 0 : index
    %get3A_4 = vector.load %arg9[%get3A_2, %get3A_3] : memref<1x1xf32, #tpu.memory_space<vmem>>, vector<1x1xf32>
    %get3A_5 = vector.extract %get3A_4[0, 0] : f32 from vector<1x1xf32>
    %get3A_6 = arith.constant 0 : index
    %get3A_7 = arith.constant 0 : index
    %get3A_8 = arith.constant 0 : index
    %get3A_9 = vector.load %arg1[%get3A_6, %get3A_7, %get3A_8] : memref<2x2000x128xf32, #tpu.memory_space<vmem>>, vector<1x2000x128xf32>
    %get3A_10 = vector.shape_cast %get3A_9 : vector<1x2000x128xf32> to vector<2000x128xf32>
    %get3A_11 = arith.constant 1 : index
    %get3A_12 = arith.constant 0 : index
    %get3A_13 = arith.constant 0 : index
    %get3A_14 = vector.load %arg1[%get3A_11, %get3A_12, %get3A_13] : memref<2x2000x128xf32, #tpu.memory_space<vmem>>, vector<1x2000x128xf32>
    %get3A_15 = vector.shape_cast %get3A_14 : vector<1x2000x128xf32> to vector<2000x128xf32>
    %add3A = arith.addf %get3A_10, %get3A_15 : vector<2000x128xf32>
    %get3A_16 = arith.constant 0 : index
    %get3A_17 = arith.constant 0 : index
    %get3A_18 = vector.load %arg2[%get3A_16, %get3A_17] : memref<2000x128xf32, #tpu.memory_space<vmem>>, vector<2000x128xf32>
    %add3A_19 = arith.addf %add3A, %get3A_18 : vector<2000x128xf32>
    %mul3A = vector.broadcast %get3A_1 : vector<2000x1xf32> to vector<2000x128xf32>
    %mul3A_20 = arith.mulf %mul3A, %add3A_19 : vector<2000x128xf32>
    %mul3A_21 = arith.constant 0.899999976 : f32
    %mul3A_22 = vector.broadcast %mul3A_21 : f32 to vector<2000x128xf32>
    %mul3A_23 = arith.mulf %mul3A_20, %mul3A_22 : vector<2000x128xf32>
    %get3A_24 = arith.constant 0 : index
    %get3A_25 = arith.constant 0 : index
    %get3A_26 = vector.load %arg3[%get3A_24, %get3A_25] : memref<2000x128xf32, #tpu.memory_space<vmem>>, vector<2000x128xf32>
    %mul3A_27 = arith.constant 1.000000e-01 : f32
    %mul3A_28 = vector.broadcast %mul3A_27 : f32 to vector<2000x128xf32>
    %mul3A_29 = arith.mulf %mul3A_28, %get3A_26 : vector<2000x128xf32>
    %sub3A = arith.constant 1.000000e+00 : f32
    %sub3A_30 = arith.subf %sub3A, %get3A_5 : f32
    %mul3A_31 = vector.broadcast %sub3A_30 : f32 to vector<2000x128xf32>
    %mul3A_32 = arith.mulf %mul3A_31, %mul3A_23 : vector<2000x128xf32>
    %get3A_33 = arith.constant 0 : index
    %get3A_34 = arith.constant 0 : index
    %get3A_35 = vector.load %arg5[%get3A_33, %get3A_34] : memref<128x128xf32, #tpu.memory_space<vmem>>, vector<128x128xf32>
    %dot_general3A = arith.constant dense<0.000000e+00> : vector<2000x128xf32>
    %dot_general3A_36 = tpu.matmul %mul3A_23, %get3A_35, %dot_general3A {dimension_numbers = #tpu.dot_dimension_numbers<[1], [0], [0], [1], [0, 0, 1, 1], [], []>, transpose_lhs_hint = false} : vector<2000x128xf32>, vector<128x128xf32>, vector<2000x128xf32> -> vector<2000x128xf32>
    %mul3A_37 = vector.broadcast %get3A_5 : f32 to vector<2000x128xf32>
    %mul3A_38 = arith.mulf %mul3A_37, %dot_general3A_36 : vector<2000x128xf32>
    %add3A_39 = arith.addf %mul3A_32, %mul3A_38 : vector<2000x128xf32>
    %sub3A_40 = arith.constant 1.000000e+00 : f32
    %sub3A_41 = arith.subf %sub3A_40, %get3A_5 : f32
    %mul3A_42 = vector.broadcast %sub3A_41 : f32 to vector<2000x128xf32>
    %mul3A_43 = arith.mulf %mul3A_42, %mul3A_29 : vector<2000x128xf32>
    %add3A_44 = arith.addf %add3A_39, %mul3A_43 : vector<2000x128xf32>
    %get3A_45 = arith.constant 0 : index
    %get3A_46 = arith.constant 0 : index
    %get3A_47 = vector.load %arg6[%get3A_45, %get3A_46] : memref<128x128xf32, #tpu.memory_space<vmem>>, vector<128x128xf32>
    %dot_general3A_48 = arith.constant dense<0.000000e+00> : vector<2000x128xf32>
    %dot_general3A_49 = tpu.matmul %mul3A_29, %get3A_47, %dot_general3A_48 {dimension_numbers = #tpu.dot_dimension_numbers<[1], [0], [0], [1], [0, 0, 1, 1], [], []>, transpose_lhs_hint = false} : vector<2000x128xf32>, vector<128x128xf32>, vector<2000x128xf32> -> vector<2000x128xf32>
    %mul3A_50 = vector.broadcast %get3A_5 : f32 to vector<2000x128xf32>
    %mul3A_51 = arith.mulf %mul3A_50, %dot_general3A_49 : vector<2000x128xf32>
    %add3A_52 = arith.addf %add3A_44, %mul3A_51 : vector<2000x128xf32>
    %reduce_sum3A = arith.constant dense<0.000000e+00> : vector<2000xf32>
    %reduce_sum3A_53 = vector.multi_reduction <add>, %add3A_52, %reduce_sum3A [1] : vector<2000x128xf32> to vector<2000xf32>
    %broadcast_in_dim3A = vector.shape_cast %reduce_sum3A_53 : vector<2000xf32> to vector<2000x1xf32>
    %div3A = arith.constant 1.280000e+02 : f32
    %div3A_54 = vector.broadcast %div3A : f32 to vector<2000x1xf32>
    %div3A_55 = arith.divf %broadcast_in_dim3A, %div3A_54 : vector<2000x1xf32>
    %sub3A_56 = vector.broadcast %div3A_55 : vector<2000x1xf32> to vector<2000x128xf32>
    %sub3A_57 = arith.subf %add3A_52, %sub3A_56 : vector<2000x128xf32>
    %mul3A_58 = arith.mulf %sub3A_57, %sub3A_57 : vector<2000x128xf32>
    %reduce_sum3A_59 = arith.constant dense<0.000000e+00> : vector<2000xf32>
    %reduce_sum3A_60 = vector.multi_reduction <add>, %mul3A_58, %reduce_sum3A_59 [1] : vector<2000x128xf32> to vector<2000xf32>
    %broadcast_in_dim3A_61 = vector.shape_cast %reduce_sum3A_60 : vector<2000xf32> to vector<2000x1xf32>
    %div3A_62 = arith.constant 1.280000e+02 : f32
    %div3A_63 = vector.broadcast %div3A_62 : f32 to vector<2000x1xf32>
    %div3A_64 = arith.divf %broadcast_in_dim3A_61, %div3A_63 : vector<2000x1xf32>
    %add3A_65 = arith.constant 9.99999974E-6 : f32
    %add3A_66 = vector.broadcast %add3A_65 : f32 to vector<2000x1xf32>
    %add3A_67 = arith.addf %div3A_64, %add3A_66 : vector<2000x1xf32>
    %sqrt3A = math.sqrt %add3A_67 : vector<2000x1xf32>
    %div3A_68 = vector.broadcast %sqrt3A : vector<2000x1xf32> to vector<2000x128xf32>
    %div3A_69 = arith.divf %sub3A_57, %div3A_68 : vector<2000x128xf32>
    %get3A_70 = arith.constant 0 : index
    %get3A_71 = arith.constant 0 : index
    %get3A_72 = vector.load %arg7[%get3A_70, %get3A_71] : memref<1x128xf32, #tpu.memory_space<vmem>>, vector<1x128xf32>
    %mul3A_73 = vector.broadcast %get3A_72 : vector<1x128xf32> to vector<2000x128xf32>
    %mul3A_74 = arith.mulf %div3A_69, %mul3A_73 : vector<2000x128xf32>
    %get3A_75 = arith.constant 0 : index
    %get3A_76 = arith.constant 0 : index
    %get3A_77 = vector.load %arg8[%get3A_75, %get3A_76] : memref<1x128xf32, #tpu.memory_space<vmem>>, vector<1x128xf32>
    %add3A_78 = vector.broadcast %get3A_77 : vector<1x128xf32> to vector<2000x128xf32>
    %add3A_79 = arith.addf %mul3A_74, %add3A_78 : vector<2000x128xf32>
    %max3A = arith.constant 0.000000e+00 : f32
    %max3A_80 = vector.broadcast %max3A : f32 to vector<2000x128xf32>
    %max3A_81 = arith.maximumf %add3A_79, %max3A_80 : vector<2000x128xf32>
    %swap3A = arith.constant 0 : index
    %swap3A_82 = arith.constant 0 : index
    %swap3A_83 = vector.load %arg10[%swap3A, %swap3A_82] : memref<2000x128xf32, #tpu.memory_space<vmem>>, vector<2000x128xf32>
    tpu.vector_store %arg10[%swap3A, %swap3A_82], %max3A_81 {strides = array<i32>} : memref<2000x128xf32, #tpu.memory_space<vmem>>, vector<2000x128xf32>,
    return
  }
  func.func @transform_0(%arg0: i32) -> (i32, i32, i32) {
    %c0_i32 = arith.constant 0 : i32
    %c0_i32_0 = arith.constant 0 : i32
    %c0_i32_1 = arith.constant 0 : i32
    return %c0_i32, %arg0, %c0_i32_0 : i32, i32, i32
  }
  func.func @transform_1(%arg0: i32) -> (i32, i32) {
    %c0_i32 = arith.constant 0 : i32
    %c0_i32_0 = arith.constant 0 : i32
    return %arg0, %c0_i32 : i32, i32
  }
  func.func @transform_2(%arg0: i32) -> (i32, i32) {
    %c0_i32 = arith.constant 0 : i32
    %c0_i32_0 = arith.constant 0 : i32
    return %arg0, %c0_i32 : i32, i32
  }
  func.func @transform_3(%arg0: i32) -> (i32, i32) {
    %c0_i32 = arith.constant 0 : i32
    %c0_i32_0 = arith.constant 0 : i32
    return %arg0, %c0_i32 : i32, i32
  }
  func.func @transform_4(%arg0: i32) -> (i32, i32) {
    %c0_i32 = arith.constant 0 : i32
    %c0_i32_0 = arith.constant 0 : i32
    %c0_i32_1 = arith.constant 0 : i32
    return %c0_i32, %c0_i32_0 : i32, i32
  }
  func.func @transform_5(%arg0: i32) -> (i32, i32) {
    %c0_i32 = arith.constant 0 : i32
    %c0_i32_0 = arith.constant 0 : i32
    %c0_i32_1 = arith.constant 0 : i32
    return %c0_i32, %c0_i32_0 : i32, i32
  }
  func.func @transform_6(%arg0: i32) -> (i32, i32) {
    %c0_i32 = arith.constant 0 : i32
    %c0_i32_0 = arith.constant 0 : i32
    %c0_i32_1 = arith.constant 0 : i32
    return %c0_i32, %c0_i32_0 : i32, i32
  }
  func.func @transform_7(%arg0: i32) -> (i32, i32) {
    %c0_i32 = arith.constant 0 : i32
    %c0_i32_0 = arith.constant 0 : i32
    %c0_i32_1 = arith.constant 0 : i32
    return %c0_i32, %c0_i32_0 : i32, i32
  }
  func.func @transform_8(%arg0: i32) -> (i32, i32) {
    %c0_i32 = arith.constant 0 : i32
    %c0_i32_0 = arith.constant 0 : i32
    %c0_i32_1 = arith.constant 0 : i32
    return %c0_i32, %c0_i32_0 : i32, i32
  }
  func.func @transform_9(%arg0: i32) -> (i32, i32) {
    %c0_i32 = arith.constant 0 : i32
    %c0_i32_0 = arith.constant 0 : i32
    return %arg0, %c0_i32 : i32, i32
  }
}

module attributes {stable_mosaic.version = 14 : i64} {
  func.func @_pool_body(%arg0: i32, %arg1: memref<2000x128xf32, #tpu.memory_space<vmem>>, %arg2: memref<2000x1xf32, #tpu.memory_space<vmem>>, %arg3: memref<1x1x2000xi32, #tpu.memory_space<vmem>>, %arg4: memref<128x128xf32, #tpu.memory_space<vmem>>, %arg5: memref<1x128xf32, #tpu.memory_space<vmem>>, %arg6: memref<128x64xf32, #tpu.memory_space<vmem>>, %arg7: memref<1x64xf32, #tpu.memory_space<vmem>>, %arg8: memref<64x1xf32, #tpu.memory_space<vmem>>, %arg9: memref<1x1xf32, #tpu.memory_space<vmem>>, %arg10: memref<64x1xf32, #tpu.memory_space<vmem>>, %arg11: memref<64x128xf32, #tpu.memory_space<vmem>>, %arg12: memref<64x1xf32, #tpu.memory_space<vmem>>) attributes {dimension_semantics = [#tpu.dimension_semantics<arbitrary>], iteration_bounds = array<i64: 5>, scalar_prefetch = 0 : i64, scratch_operands = 2 : i64, tpu.core_type = #tpu.core_type<tc>, window_params = [{transform_indices = @transform_0, window_bounds = array<i64: 2000, 128>}, {transform_indices = @transform_1, window_bounds = array<i64: 2000, 1>}, {transform_indices = @transform_2, window_bounds = array<i64: 1, 1, 2000>}, {pipeline_mode = #tpu.pipeline_mode<synchronous>, transform_indices = @transform_3, window_bounds = array<i64: 128, 128>}, {pipeline_mode = #tpu.pipeline_mode<synchronous>, transform_indices = @transform_4, window_bounds = array<i64: 1, 128>}, {pipeline_mode = #tpu.pipeline_mode<synchronous>, transform_indices = @transform_5, window_bounds = array<i64: 128, 64>}, {pipeline_mode = #tpu.pipeline_mode<synchronous>, transform_indices = @transform_6, window_bounds = array<i64: 1, 64>}, {pipeline_mode = #tpu.pipeline_mode<synchronous>, transform_indices = @transform_7, window_bounds = array<i64: 64, 1>}, {pipeline_mode = #tpu.pipeline_mode<synchronous>, transform_indices = @transform_8, window_bounds = array<i64: 1, 1>}, {pipeline_mode = #tpu.pipeline_mode<synchronous>, transform_indices = @transform_9, window_bounds = array<i64: 64, 1>}]} {
    %eq3A = arith.constant 0 : i32
    %eq3A_0 = arith.cmpi eq, %arg0, %eq3A : i32
    %convert_element_type3A = arith.extui %eq3A_0 : i1 to i32
    %cond3A = arith.constant 0 : i32
    %cond3A_1 = arith.cmpi ne, %convert_element_type3A, %cond3A : i32
    scf.if %cond3A_1 {
      %broadcast_in_dim3A_32 = arith.constant 0.000000e+00 : f32
      %broadcast_in_dim3A_33 = vector.broadcast %broadcast_in_dim3A_32 : f32 to vector<64x128xf32>
      %swap3A_34 = arith.constant 0 : index
      %swap3A_35 = arith.constant 0 : index
      %swap3A_36 = vector.load %arg11[%swap3A_34, %swap3A_35] : memref<64x128xf32, #tpu.memory_space<vmem>>, vector<64x128xf32>
      tpu.vector_store %arg11[%swap3A_34, %swap3A_35], %broadcast_in_dim3A_33 {strides = array<i32>} : memref<64x128xf32, #tpu.memory_space<vmem>>, vector<64x128xf32>,
      %broadcast_in_dim3A_37 = arith.constant 0.000000e+00 : f32
      %broadcast_in_dim3A_38 = vector.broadcast %broadcast_in_dim3A_37 : f32 to vector<64x1xf32>
      %swap3A_39 = arith.constant 0 : index
      %swap3A_40 = arith.constant 0 : index
      %swap3A_41 = vector.load %arg12[%swap3A_39, %swap3A_40] : memref<64x1xf32, #tpu.memory_space<vmem>>, vector<64x1xf32>
      tpu.vector_store %arg12[%swap3A_39, %swap3A_40], %broadcast_in_dim3A_38 {strides = array<i32>} : memref<64x1xf32, #tpu.memory_space<vmem>>, vector<64x1xf32>,
    } else {
    }
    %get3A = arith.constant 0 : index
    %get3A_2 = arith.constant 0 : index
    %get3A_3 = vector.load %arg1[%get3A, %get3A_2] : memref<2000x128xf32, #tpu.memory_space<vmem>>, vector<2000x128xf32>
    %get3A_4 = arith.constant 0 : index
    %get3A_5 = arith.constant 0 : index
    %get3A_6 = arith.constant 0 : index
    %get3A_7 = vector.load %arg3[%get3A_4, %get3A_5, %get3A_6] : memref<1x1x2000xi32, #tpu.memory_space<vmem>>, vector<1x1x2000xi32>
    %get3A_8 = vector.shape_cast %get3A_7 : vector<1x1x2000xi32> to vector<1x2000xi32>
    %iota3A = tpu.iota {dimensions = array<i32: 0>} : vector<64x2000xi32>
    %eq3A_9 = vector.broadcast %get3A_8 : vector<1x2000xi32> to vector<64x2000xi32>
    %eq3A_10 = arith.cmpi eq, %eq3A_9, %iota3A : vector<64x2000xi32>
    %convert_element_type3A_11 = arith.extui %eq3A_10 : vector<64x2000xi1> to vector<64x2000xi32>
    %convert_element_type3A_12 = arith.sitofp %convert_element_type3A_11 : vector<64x2000xi32> to vector<64x2000xf32>
    %get3A_13 = arith.constant 0 : index
    %get3A_14 = arith.constant 0 : index
    %get3A_15 = vector.load %arg11[%get3A_13, %get3A_14] : memref<64x128xf32, #tpu.memory_space<vmem>>, vector<64x128xf32>
    %dot_general3A = arith.constant dense<0.000000e+00> : vector<64x128xf32>
    %dot_general3A_16 = tpu.matmul %convert_element_type3A_12, %get3A_3, %dot_general3A {dimension_numbers = #tpu.dot_dimension_numbers<[1], [0], [0], [1], [0, 0, 1, 1], [], []>, precision = #tpu.contract_precision<fp32>, transpose_lhs_hint = false} : vector<64x2000xf32>, vector<2000x128xf32>, vector<64x128xf32> -> vector<64x128xf32>
    %add3A = arith.addf %get3A_15, %dot_general3A_16 : vector<64x128xf32>
    %swap3A = arith.constant 0 : index
    %swap3A_17 = arith.constant 0 : index
    %swap3A_18 = vector.load %arg11[%swap3A, %swap3A_17] : memref<64x128xf32, #tpu.memory_space<vmem>>, vector<64x128xf32>
    tpu.vector_store %arg11[%swap3A, %swap3A_17], %add3A {strides = array<i32>} : memref<64x128xf32, #tpu.memory_space<vmem>>, vector<64x128xf32>,
    %get3A_19 = arith.constant 0 : index
    %get3A_20 = arith.constant 0 : index
    %get3A_21 = vector.load %arg12[%get3A_19, %get3A_20] : memref<64x1xf32, #tpu.memory_space<vmem>>, vector<64x1xf32>
    %reduce_sum3A = arith.constant dense<0.000000e+00> : vector<64xf32>
    %reduce_sum3A_22 = vector.multi_reduction <add>, %convert_element_type3A_12, %reduce_sum3A [1] : vector<64x2000xf32> to vector<64xf32>
    %broadcast_in_dim3A = vector.shape_cast %reduce_sum3A_22 : vector<64xf32> to vector<64x1xf32>
    %add3A_23 = arith.addf %get3A_21, %broadcast_in_dim3A : vector<64x1xf32>
    %swap3A_24 = arith.constant 0 : index
    %swap3A_25 = arith.constant 0 : index
    %swap3A_26 = vector.load %arg12[%swap3A_24, %swap3A_25] : memref<64x1xf32, #tpu.memory_space<vmem>>, vector<64x1xf32>
    tpu.vector_store %arg12[%swap3A_24, %swap3A_25], %add3A_23 {strides = array<i32>} : memref<64x1xf32, #tpu.memory_space<vmem>>, vector<64x1xf32>,
    %eq3A_27 = arith.constant 4 : i32
    %eq3A_28 = arith.cmpi eq, %arg0, %eq3A_27 : i32
    %convert_element_type3A_29 = arith.extui %eq3A_28 : i1 to i32
    %cond3A_30 = arith.constant 0 : i32
    %cond3A_31 = arith.cmpi ne, %convert_element_type3A_29, %cond3A_30 : i32
    scf.if %cond3A_31 {
      %get3A_32 = arith.constant 0 : index
      %get3A_33 = arith.constant 0 : index
      %get3A_34 = vector.load %arg11[%get3A_32, %get3A_33] : memref<64x128xf32, #tpu.memory_space<vmem>>, vector<64x128xf32>
      %get3A_35 = arith.constant 0 : index
      %get3A_36 = arith.constant 0 : index
      %get3A_37 = vector.load %arg12[%get3A_35, %get3A_36] : memref<64x1xf32, #tpu.memory_space<vmem>>, vector<64x1xf32>
      %max3A = arith.constant 1.000000e+00 : f32
      %max3A_38 = vector.broadcast %max3A : f32 to vector<64x1xf32>
      %max3A_39 = arith.maximumf %get3A_37, %max3A_38 : vector<64x1xf32>
      %div3A = vector.broadcast %max3A_39 : vector<64x1xf32> to vector<64x128xf32>
      %div3A_40 = arith.divf %get3A_34, %div3A : vector<64x128xf32>
      %get3A_41 = arith.constant 0 : index
      %get3A_42 = arith.constant 0 : index
      %get3A_43 = vector.load %arg4[%get3A_41, %get3A_42] : memref<128x128xf32, #tpu.memory_space<vmem>>, vector<128x128xf32>
      %dot_general3A_44 = arith.constant dense<0.000000e+00> : vector<64x128xf32>
      %dot_general3A_45 = tpu.matmul %div3A_40, %get3A_43, %dot_general3A_44 {dimension_numbers = #tpu.dot_dimension_numbers<[1], [0], [0], [1], [0, 0, 1, 1], [], []>, transpose_lhs_hint = false} : vector<64x128xf32>, vector<128x128xf32>, vector<64x128xf32> -> vector<64x128xf32>
      %get3A_46 = arith.constant 0 : index
      %get3A_47 = arith.constant 0 : index
      %get3A_48 = vector.load %arg5[%get3A_46, %get3A_47] : memref<1x128xf32, #tpu.memory_space<vmem>>, vector<1x128xf32>
      %add3A_49 = vector.broadcast %get3A_48 : vector<1x128xf32> to vector<64x128xf32>
      %add3A_50 = arith.addf %dot_general3A_45, %add3A_49 : vector<64x128xf32>
      %max3A_51 = arith.constant 0.000000e+00 : f32
      %max3A_52 = vector.broadcast %max3A_51 : f32 to vector<64x128xf32>
      %max3A_53 = arith.maximumf %add3A_50, %max3A_52 : vector<64x128xf32>
      %get3A_54 = arith.constant 0 : index
      %get3A_55 = arith.constant 0 : index
      %get3A_56 = vector.load %arg6[%get3A_54, %get3A_55] : memref<128x64xf32, #tpu.memory_space<vmem>>, vector<128x64xf32>
      %dot_general3A_57 = arith.constant dense<0.000000e+00> : vector<64x64xf32>
      %dot_general3A_58 = tpu.matmul %max3A_53, %get3A_56, %dot_general3A_57 {dimension_numbers = #tpu.dot_dimension_numbers<[1], [0], [0], [1], [0, 0, 1, 1], [], []>, transpose_lhs_hint = false} : vector<64x128xf32>, vector<128x64xf32>, vector<64x64xf32> -> vector<64x64xf32>
      %get3A_59 = arith.constant 0 : index
      %get3A_60 = arith.constant 0 : index
      %get3A_61 = vector.load %arg7[%get3A_59, %get3A_60] : memref<1x64xf32, #tpu.memory_space<vmem>>, vector<1x64xf32>
      %add3A_62 = vector.broadcast %get3A_61 : vector<1x64xf32> to vector<64x64xf32>
      %add3A_63 = arith.addf %dot_general3A_58, %add3A_62 : vector<64x64xf32>
      %max3A_64 = arith.constant 0.000000e+00 : f32
      %max3A_65 = vector.broadcast %max3A_64 : f32 to vector<64x64xf32>
      %max3A_66 = arith.maximumf %add3A_63, %max3A_65 : vector<64x64xf32>
      %get3A_67 = arith.constant 0 : index
      %get3A_68 = arith.constant 0 : index
      %get3A_69 = vector.load %arg8[%get3A_67, %get3A_68] : memref<64x1xf32, #tpu.memory_space<vmem>>, vector<64x1xf32>
      %dot_general3A_70 = arith.constant dense<0.000000e+00> : vector<64x1xf32>
      %dot_general3A_71 = tpu.matmul %max3A_66, %get3A_69, %dot_general3A_70 {dimension_numbers = #tpu.dot_dimension_numbers<[1], [0], [0], [1], [0, 0, 1, 1], [], []>, transpose_lhs_hint = false} : vector<64x64xf32>, vector<64x1xf32>, vector<64x1xf32> -> vector<64x1xf32>
      %get3A_72 = arith.constant 0 : index
      %get3A_73 = arith.constant 0 : index
      %get3A_74 = vector.load %arg9[%get3A_72, %get3A_73] : memref<1x1xf32, #tpu.memory_space<vmem>>, vector<1x1xf32>
      %add3A_75 = vector.broadcast %get3A_74 : vector<1x1xf32> to vector<64x1xf32>
      %add3A_76 = arith.addf %dot_general3A_71, %add3A_75 : vector<64x1xf32>
      %swap3A_77 = arith.constant 0 : index
      %swap3A_78 = arith.constant 0 : index
      %swap3A_79 = vector.load %arg10[%swap3A_77, %swap3A_78] : memref<64x1xf32, #tpu.memory_space<vmem>>, vector<64x1xf32>
      tpu.vector_store %arg10[%swap3A_77, %swap3A_78], %add3A_76 {strides = array<i32>} : memref<64x1xf32, #tpu.memory_space<vmem>>, vector<64x1xf32>,
    } else {
    }
    return
  }
  func.func @transform_0(%arg0: i32) -> (i32, i32) {
    %c0_i32 = arith.constant 0 : i32
    %c0_i32_0 = arith.constant 0 : i32
    return %arg0, %c0_i32 : i32, i32
  }
  func.func @transform_1(%arg0: i32) -> (i32, i32) {
    %c0_i32 = arith.constant 0 : i32
    %c0_i32_0 = arith.constant 0 : i32
    return %arg0, %c0_i32 : i32, i32
  }
  func.func @transform_2(%arg0: i32) -> (i32, i32, i32) {
    %c0_i32 = arith.constant 0 : i32
    %c0_i32_0 = arith.constant 0 : i32
    %c0_i32_1 = arith.constant 0 : i32
    return %arg0, %c0_i32, %c0_i32_0 : i32, i32, i32
  }
  func.func @transform_3(%arg0: i32) -> (i32, i32) {
    %c0_i32 = arith.constant 0 : i32
    %c0_i32_0 = arith.constant 0 : i32
    %c0_i32_1 = arith.constant 0 : i32
    return %c0_i32, %c0_i32_0 : i32, i32
  }
  func.func @transform_4(%arg0: i32) -> (i32, i32) {
    %c0_i32 = arith.constant 0 : i32
    %c0_i32_0 = arith.constant 0 : i32
    %c0_i32_1 = arith.constant 0 : i32
    return %c0_i32, %c0_i32_0 : i32, i32
  }
  func.func @transform_5(%arg0: i32) -> (i32, i32) {
    %c0_i32 = arith.constant 0 : i32
    %c0_i32_0 = arith.constant 0 : i32
    %c0_i32_1 = arith.constant 0 : i32
    return %c0_i32, %c0_i32_0 : i32, i32
  }
  func.func @transform_6(%arg0: i32) -> (i32, i32) {
    %c0_i32 = arith.constant 0 : i32
    %c0_i32_0 = arith.constant 0 : i32
    %c0_i32_1 = arith.constant 0 : i32
    return %c0_i32, %c0_i32_0 : i32, i32
  }
  func.func @transform_7(%arg0: i32) -> (i32, i32) {
    %c0_i32 = arith.constant 0 : i32
    %c0_i32_0 = arith.constant 0 : i32
    %c0_i32_1 = arith.constant 0 : i32
    return %c0_i32, %c0_i32_0 : i32, i32
  }
  func.func @transform_8(%arg0: i32) -> (i32, i32) {
    %c0_i32 = arith.constant 0 : i32
    %c0_i32_0 = arith.constant 0 : i32
    %c0_i32_1 = arith.constant 0 : i32
    return %c0_i32, %c0_i32_0 : i32, i32
  }
  func.func @transform_9(%arg0: i32) -> (i32, i32) {
    %c0_i32 = arith.constant 0 : i32
    %c0_i32_0 = arith.constant 0 : i32
    %c0_i32_1 = arith.constant 0 : i32
    return %c0_i32, %c0_i32_0 : i32, i32
  }
}

</mosaic_0001>

<sc_bundles>
// kernel: kernel.21.cloned.1.call-start
scs
__scs_entry_jumppad:
0x0: {  	(pc) =	sbr.rel $0x88, $3  }
0x1: {  	(tag) =	ssettag $0x0;
	lr =	simm.s32 $0x1  }
0x2: {  	[smem:$0x3F92] =	sst lr;
	_ =	strace $0xD0000000  }
0x3: {  	_ = 	snop  }
0x4: {  	_ = 	snop  }
0x5: {  	_ = 	snop  }
0x6: {  	_ = 	snop  }
0x7: {  	_ = 	snop  }
__scs_overlays_trampoline_lowered:
0x8: {  	[smem:$0x3FA1] =	sst s0  }
0x9: {  	[smem:$0x3FA2] =	sst s1  }
0xa: {  	[smem:$0x3FA3] =	sst s2  }
0xb: {  	[smem:$0x3FA4] =	sst s3  }
0xc: {  	[smem:$0x3FA5] =	sst s4  }
0xd: {  	[smem:$0x3FA6] =	sst s5  }
0xe: {  	[smem:$0x3FA7] =	sst s6  }
0xf: {  	[smem:$0x3FA8] =	sst s7  }
0x10: {  	[smem:$0x3FA9] =	sst s8  }
0x11: {  	[smem:$0x3FAA] =	sst s9;
	s0 =	simm.s32 @!p0 $0x0  }
0x12: {  	s1 =	sld [smem:$0x3F90];
	s0 =	simm.s32 @p0 $0x1  }
0x13: {  	[smem:$0x3FAB] =	sst s0;
	s0 =	simm.s32 @!p1 $0x0  }
0x14: {  	s2 =	sld [smem:$0x3F8F];
	s0 =	simm.s32 @p1 $0x1  }
0x15: {  	[smem:$0x3FAC] =	sst s0;
	s0 =	simm.s32 @!p2 $0x0  }
0x16: {  	s3 =	sld [smem:$0x3FDB];
	s0 =	simm.s32 @p2 $0x1  }
0x17: {  	s4 =	simm.s32 $0x1BF5;
	[smem:$0x3FAE] =	sst s0  }
0x18: {  	s0 =	sld [smem:$0x3F91];
	_ =	swait.ge [sflag:s4], $0x0  }
0x19: {  	s7 =	sld [smem:$0x3F92]  }
0x1a: {  	s8 =	sadd.s32 $0xFFFFE003, lr  }
0x1b: {  	s9 =	sadd.s32 $0xFFFFFEF7, lr;
	s5 =	simm.s32 $0xFFFFFFFF;
	p2 =	slt.u32 s8, $0xFFFFF086  }
0x1c: {  	p1 =	slt.u32 s9, $0xF7A;
	s5 =	simm.s32 @!p2 $0x0  }
0x1d: {  	s5 =	simm.s32 @p1 $0x1;
	p0 =	seq.s32 s7, s2  }
0x1e: {  	s7 =	smul.u32 @!p0 $0xF7A, s2;
	p2 =	seq.s32 @!p0 s5, $0x0  }
0x1f: {  	s9 =	smul.u32 $0xF7A, s1;
	s8 =	simm.s32 @!p0 $0x1BF5;
	p2 =	por !p2, p0  }
0x20: {  	[sflag:s8] =	ssyncset.s32 @!p0 $0xFFFFF086;
	s6 =	sadd.s32 @!p0 s3, s7;
	s7 =	simm.s32 @!p0 $0x108  }
0x21: {  	s3 =	sadd.s32 s3, s9;
	s6 =	sadd.s32 @!p0 $0x88, s6;
	s7 =	simm.s32 @p2 $0x1082  }
0x22: {  	[simem:s7], [sflag:s8] =	dma.local @!p0 [hbm:s6], $0xF7A  }
0x23: {  	s9 =	sor.u32 $0xD0000000, s2;
	s6 =	simm.s32 $0x108;
	_ =	swait.ge @!p0 [sflag:s8], $0x0  }
0x24: {  	s3 =	sadd.s32 $0x88, s3;
	s6 =	simm.s32 @!p1 $0x1082;
	[sflag:s4] =	ssyncset.s32 $0xFFFFF086  }
0x25: {  	[simem:s6], [sflag:s4] =	dma.local [hbm:s3], $0xF7A  }
0x26: {  	[smem:$0x3F92] =	sst s1;
	(tag) =	ssettag s2;
	_ =	strace s9  }
0x27: {  	s1 =	sld [smem:$0x3FA2]  }
0x28: {  	s2 =	sld [smem:$0x3FA3]  }
0x29: {  	s4 =	sld [smem:$0x3FA5]  }
0x2a: {  	p0 =	seq.s32 s5, $0x0;
	s5 =	sld [smem:$0x3FA6]  }
0x2b: {  	s6 =	sld [smem:$0x3FA7]  }
0x2c: {  	s7 =	sld [smem:$0x3FA8]  }
0x2d: {  	s3 =	simm.s32 $0x108;
	s8 =	sld [smem:$0x3FA9]  }
0x2e: {  	s3 =	simm.s32 @!p0 $0x1082;
	s9 =	sld [smem:$0x3FAA]  }
0x2f: {  	lr =	sadd.s32 s0, s3;
	s0 =	sld [smem:$0x3FA1]  }
0x30: {  	s3 =	sld [smem:$0x3FA4]  }
0x31: {  	[smem:$0x3FAD] =	sst s10  }
0x32: {  	s10 =	sld [smem:$0x3FAB];
	_ =	sdelay $0x3  }
0x33: {  	p0 =	seq.s32 s10, $0x1;
	s10 =	sld [smem:$0x3FAD];
	_ =	sdelay $0x3  }
0x34: {  	[smem:$0x3FAD] =	sst s10  }
0x35: {  	s10 =	sld [smem:$0x3FAC];
	_ =	sdelay $0x3  }
0x36: {  	p1 =	seq.s32 s10, $0x1;
	s10 =	sld [smem:$0x3FAD];
	_ =	sdelay $0x3  }
0x37: {  	[smem:$0x3FAD] =	sst s10  }
0x38: {  	s10 =	sld [smem:$0x3FAE]  }
0x39: {  	_ = 	snop;
	(pc) =	sbr.ind lr, $3  }
0x3a: {  	_ = 	snop  }
0x3b: {  	_ = 	snop  }
0x3c: {  	p2 =	seq.s32 s10, $0x1;
	s10 =	sld [smem:$0x3FAD]  }
0x3d: {  	_ =	shalt  }
0x3e: {  	_ =	shalt  }
0x3f: {  	_ =	shalt  }
0x40: {  	_ =	shalt  }
0x41: {  	_ =	shalt  }
0x42: {  	_ =	shalt  }
0x43: {  	_ =	shalt  }
0x44: {  	_ =	shalt  }
0x45: {  	_ =	shalt  }
0x46: {  	_ =	shalt  }
0x47: {  	_ =	shalt  }
0x48: {  	_ =	shalt  }
0x49: {  	_ =	shalt  }
0x4a: {  	_ =	shalt  }
0x4b: {  	_ =	shalt  }
0x4c: {  	_ =	shalt  }
0x4d: {  	_ =	shalt  }
0x4e: {  	_ =	shalt  }
0x4f: {  	_ =	shalt  }
0x50: {  	_ =	shalt  }
0x51: {  	_ =	shalt  }
0x52: {  	_ =	shalt  }
0x53: {  	_ =	shalt  }
0x54: {  	_ =	shalt  }
0x55: {  	_ =	shalt  }
0x56: {  	_ =	shalt  }
0x57: {  	_ =	shalt  }
0x58: {  	_ =	shalt  }
0x59: {  	_ =	shalt  }
0x5a: {  	_ =	shalt  }
0x5b: {  	_ =	shalt  }
0x5c: {  	_ =	shalt  }
0x5d: {  	_ =	shalt  }
0x5e: {  	_ =	shalt  }
0x5f: {  	_ =	shalt  }
0x60: {  	_ =	shalt  }
0x61: {  	_ =	shalt  }
0x62: {  	_ =	shalt  }
0x63: {  	_ =	shalt  }
0x64: {  	_ =	shalt  }
0x65: {  	_ =	shalt  }
0x66: {  	_ =	shalt  }
0x67: {  	_ =	shalt  }
0x68: {  	_ =	shalt  }
0x69: {  	_ =	shalt  }
0x6a: {  	_ =	shalt  }
0x6b: {  	_ =	shalt  }
0x6c: {  	_ =	shalt  }
0x6d: {  	_ =	shalt  }
0x6e: {  	_ =	shalt  }
0x6f: {  	_ =	shalt  }
0x70: {  	_ =	shalt  }
0x71: {  	_ =	shalt  }
0x72: {  	_ =	shalt  }
0x73: {  	_ =	shalt  }
0x74: {  	_ =	shalt  }
0x75: {  	_ =	shalt  }
0x76: {  	_ =	shalt  }
0x77: {  	_ =	shalt  }
0x78: {  	_ =	shalt  }
0x79: {  	_ =	shalt  }
0x7a: {  	_ =	shalt  }
0x7b: {  	_ =	shalt  }
0x7c: {  	_ =	shalt  }
0x7d: {  	_ =	shalt  }
0x7e: {  	_ =	shalt  }
0x7f: {  	_ =	shalt  }
0x80: {  	_ =	shalt  }
0x81: {  	_ =	shalt  }
0x82: {  	_ =	shalt  }
0x83: {  	_ =	shalt  }
0x84: {  	_ =	shalt  }
0x85: {  	_ =	shalt  }
0x86: {  	_ =	shalt  }
0x87: {  	_ =	shalt  }
.Lfunc_end0:
.L_simem_size_0:
called_computation_lowered:
.L_overlay_start_0:
0x88: {  	s2 =	sld [smem:$0x3FD9]  }
0x89: {  	s3 =	sld [smem:$0x3FFE];
	_ =	sdelay $0x1  }
0x8a: {  	s1 =	srdreg.scid  }
0x8b: {  	s0 =	sand.u32 $0x1, s1  }
0x8c: {  	s16 =	sshll.u32 s0, $0xA;
	s2 =	sadd.s32 s3, s2  }
0x8d: {  	s2 =	sadd.s32 s2, s16  }
0x8e: {  	[smem:$0x3FB9] =	sst s2  }
0x8f: {  	_ = 	snop  }
0x90: {  	(tm) =	ssettm $0x1  }
0x91: {  	s17 =	sld [smem:$0x3FFB];
	_ =	sdelay $0x3  }
0x92: {  	_ =	strace s17  }
0x93: {  	s2 =	sld [smem:$0x3FFC];
	_ =	sdelay $0x3  }
0x94: {  	_ =	strace s2  }
0x95: {  	s2 =	sld [smem:$0x3FFD];
	_ =	sdelay $0x3  }
0x96: {  	_ =	strace s2  }
0x97: {  	_ =	strace $0x8FFFFFFF  }
0x98: {  	s18 =	sld [smem:$0x3FDB];
	_ =	sdelay $0x1  }
0x99: {  	s19 =	simm.s32 $_scs_section_size  }
0x9a: {  	s4 =	simm.s32 $_size__tile_overlayer_lowered;
	s5 =	simm.s32 $_tile_overlayer_lowered  }
0x9b: {  	s22 =	simm.s32 $0x1BFF;
	s21 =	sshll.u32 s5, $0x1;
	s2 =	sadd.s32 s19, s18  }
0x9c: {  	s6 =	simm.s32 $0x0;
	s20 =	sshll.u32 s4, $0x1;
	s4 =	sadd.s32 s21, s2  }
0x9d: {  	[timem:s6], [sflag:s22] =	dma.local [hbm:s4], s20  }
0x9e: {  	_ =	swait.ge [sflag:s22], s20  }
0x9f: {  	s3 =	ssub.s32 $0x0, s20;
	[sflag:s22] =	ssyncset.done $0x0  }
0xa0: {  	[sflag:s22] =	ssyncadd.s32 s3;
	_ =	sdelay $0x1  }
0xa1: {  	s23 =	simm.s32 $0x1B8B  }
0xa2: {  	_ =	swait.ge [sflag:s23], $0x1  }
0xa3: {  	[sflag:s23] =	ssyncset.done $0x0  }
0xa4: {  	s25 =	simm.s32 $0x1B8E;
	s24 =	sld [smem:$0x3FFE];
	[sflag:s23] =	ssyncadd.s32 $0xFFFFFFFF  }
0xa5: {  	s26 =	simm.s32 $execute0_lowered;
	[smem:$0x3FD2] =	sst s25  }
0xa6: {  	s4 =	sshll.u32 s26, $0x1;
	_ =	strace $0x80000046;
	[dreg:$0x1] =	wrdreg $0xFFFFFFFF  }
0xa7: {  	s28 =	simm.s32 $_size_execute0_lowered;
	s2 =	sadd.s32 s2, s4;
	[dreg:$0x0] =	wrdreg $0x0  }
0xa8: {  	s4 =	sshll.u32 s28, $0x1;
	[dreg:$0x2] =	wrdreg s2  }
0xa9: {  	[dreg:$0x3] =	wrdreg s4  }
0xaa: {  	[dreg:$0x4] =	wrdreg $0xC0  }
0xab: {  	_ =	task [dreg:s6], $0x5FFFF  }
0xac: {  	[dreg:$0x1] =	wrdreg $0xFFFFFFFF  }
0xad: {  	[dreg:$0x0] =	wrdreg $0x60  }
0xae: {  	[dreg:$0x2] =	wrdreg s24  }
0xaf: {  	[dreg:$0x3] =	wrdreg $0xB7800  }
0xb0: {  	[dreg:$0x4] =	wrdreg $0x9  }
0xb1: {  	_ =	task.clear_ibuf [dreg:s6], $0x5FFFF;
	_ =	strace $0x90000046  }
0xb2: {  	s29 =	simm.s32 $0x9;
	_ =	strace $0x80000048  }
0xb3: {  	_ =	swait.ge [sflag:s29], $0x1  }
0xb4: {  	[sflag:s29] =	ssyncadd.s32 $0xFFFFFFFF  }
0xb5: {  	_ =	strace $0x90000048  }
0xb6: {  	_ =	sfence  }
0xb7: {  	s30 =	sld [smem:$0x0];
	_ =	sdelay $0x2  }
0xb8: {  	s31 =	sshll.u32 s1, $0xD;
	s1 =	sshrl.u32 s1, $0x2  }
0xb9: {  	s3 =	sand.u32 $0x4000, s31;
	s1 =	sadd.s32 s1, s30  }
0xba: {  	s0 =	sor.u32 s3, s0;
	s1 =	sshll.u32 s1, $0x11  }
0xbb: {  	s0 =	sor.u32 s1, s0  }
0xbc: {  	s0 =	sadd.s32 $0x8F2B, s0  }
0xbd: {  	[sflag:s0] =	ssyncadd.remote.s32 $0x1  }
0xbe: {  	_ =	sfence.sel $0xFFFF  }
0xbf: {  	[dreg:$0x0] =	wrdreg $0xFFFFFFFF;
	(pc) =	sbr.abs _section_cstart, $3  }
0xc0: {  	[dreg:$0x1] =	wrdreg $0xFFFFFFFF  }
0xc1: {  	_ =	task.clear_ibuf [dreg:s6], $0x2FFFF;
	_ =	strace $0x9FFFFFFF  }
0xc2: {  	(tm) =	ssettm $0x7FFFFFFF  }
0xc3: {  	_ =	shalt  }
tec
execute0_lowered:
.L_overlay_start_1:
0x0: {  	(tag) =	ssettag $0x1  }
0x1: {  	s7 =	rddreg [dreg:$0x0];
	s1 =	srdreg.scid  }
0x2: {  	s0 =	stileid.u32;
	s2 =	rddreg [dreg:$0x1]  }
0x3: {  	s16 =	simm.s32 $0x400;
	s17 =	simm.s32 $0x5;
	s18 =	simm.s32 $0x2780  }
0x4: {  	s19 =	simm.s32 $0x50;
	s20 =	simm.s32 $0x6780;
	s21 =	simm.s32 $0x1  }
0x5: {  	s22 =	simm.s32 $0x8F80;
	s23 =	simm.s32 $0x3;
	s24 =	simm.s32 $0x2  }
0x6: {  	s25 =	simm.s32 $0x4;
	s26 =	simm.s32 $0x6580;
	s28 =	simm.s32 $0x0  }
0x7: {  	s6 =	sand.u32 $0x1, s1;
	s3 =	sshll.u32 s0, $0x1;
	s4 =	sshrl.u32 s0, $0x2  }
0x8: {  	s11 =	smul.u32 $0x4F000, s0;
	s15 =	sadd.s32 $0x128400, s2;
	p0 =	seq.s32 s0, $0xF  }
0x9: {  	s8 =	sor.u32 s6, s3;
	s3 =	simm.s32 $0x0;
	s4 =	smul.u32 $0x13C00, s4  }
0xa: {  	s10 =	smul.u32 $0x27100, s6;
	s6 =	ssub.s32 $0x2, s6;
	s5 =	sshll.u32 s8, $0x7  }
0xb: {  	[smem:$0x7FF] =	sst s3;
	s8 =	sshll.u32 s8, $0xB;
	s13 =	sshrl.u32 s6, $0x1  }
0xc: {  	s11 =	sshrl.u32 s11, $0x2;
	s5 =	sand.u32 $0x380, s5;
	_ =	strace $0x80000047  }
0xd: {  	s12 =	sadd.s32 s8, s7;
	s10 =	sadd.s32 s10, s7;
	s13 =	ssub.s32 s6, s13  }
0xe: {  	s14 =	sadd.s32 s11, s2;
	s9 =	sor.u32 s4, s5;
	s4 =	smul.u32 $0x2780, s0  }
0xf: {  	s5 =	sadd.s32 $0x20600, s7;
	s10 =	sadd.s32 $0x6EA00, s10;
	s11 =	smax.u32 s13, $0x1  }
0x10: {  	s13 =	sshll.u32 @!p0 s0, $0x6;
	s14 =	sshrl.u32 @!p0 s14, $0x3;
	s9 =	sshrl.u32 s9, $0x3  }
0x11: {  	s13 =	sor.u32 @!p0 $0x1C05, s13;
	s9 =	sadd.s32 s9, s7;
	s31 =	sadd.s32 s4, s7  }
0x12: {  	s7 =	sadd.s32 $0x6C880, s7;
	s6 =	sadd.s32 $0x47800, s31;
	s8 =	sadd.s32 $0x16800, s9  }
0x13: {  	s9 =	sadd.s32 $0x6800, s12;
	s12 =	sshrl.u32 @p0 s15, $0x3;
	s15 =	simm.s32 $0x80  }
.LBB2_1:
0x14: {  	s29 =	simm.s32 @p0 $0x1FC5  }
0x15: {  	[spmem:s12], [sflag:s29] =	dma.local @p0 [hbm:s7], $0x2080  }
0x16: {  	s29 =	simm.s32 @p0 $0x5  }
0x17: {  	_ =	swait.ge @p0 [sflag:s29], $0x2080  }
0x18: {  	[sflag:s29] =	ssyncset.done @p0 $0x0  }
0x19: {  	[sflag:s29] =	ssyncadd.s32 @p0 $0xFFFFDF80;
	s29 =	simm.s32 @!p0 $0x5  }
0x1a: {  	[spmem:s14], [sflag:s13] =	dma.local @!p0 [hbm:s6], $0x2780  }
0x1b: {  	_ =	swait.ge @!p0 [sflag:s29], $0x2780  }
0x1c: {  	[sflag:s29] =	ssyncset.done @!p0 $0x0  }
0x1d: {  	[sflag:s29] =	ssyncadd.s32 @!p0 $0xFFFFD880  }
0x1e: {  	[tilespmem:s3], [sflag:$0x5] =	stream.strided.gather [hbm4b:s8+s15], $0x2780, s16, s15, $0x38;
	[tilespmem:$0x1F400] =	vst v63  }
0x1f: {  	_ =	swait.ge [sflag:s17], $0x2780  }
0x20: {  	[sflag:s17] =	ssyncset.done $0x0  }
0x21: {  	[sflag:s17] =	ssyncadd.s32 $0xFFFFD880  }
0x22: {  	[tilespmem:s18], [sflag:$0x5] =	stream.linear.gather [hbm4b:s9+s3], $0x3E80, $0x38;
	[tilespmem:$0x1F400] =	vst v63  }
0x23: {  	_ =	swait.ge [sflag:s17], $0x3E80  }
0x24: {  	[sflag:s17] =	ssyncset.done $0x0  }
0x25: {  	[sflag:s17] =	ssyncadd.s32 $0xFFFFC180  }
0x26: {  	[bflag:$0x0] =	sbarrier.arrive $0xFFFF  }
0x27: {  	[tilespmem:s20], [sflag:$0x1] =	stream.indirect.gather [hbm4b:s5+s19], $0x80, s3, s19, $0xb8;
	[tilespmem:$0x1F400] =	vst v63  }
0x28: {  	_ =	swait.ge [sflag:s21], $0x2800  }
0x29: {  	[sflag:s21] =	ssyncset.done $0x0  }
0x2a: {  	s29 =	simm.s32 $0x2780;
	[sflag:s21] =	ssyncadd.s32 $0xFFFFD800  }
0x2b: {  	[spmem:s2] =	stream.indirect.scatter.add.f32 [tilespmem:s20], [sflag:$0x3], $0x80, s29, s19, $0xb8;
	[tilespmem:$0x1F400] =	vst v63  }
0x2c: {  	s29 =	simm.s32 $0x50  }
0x2d: {  	[tilespmem:s22], [sflag:$0x2] =	stream.indirect.gather [hbm4b:s5+s19], $0x80, s29, s19, $0xb8;
	[tilespmem:$0x1F400] =	vst v63  }
0x2e: {  	_ =	swait.ge [sflag:s23], $0x2800  }
0x2f: {  	[sflag:s23] =	ssyncset.done $0x0  }
0x30: {  	[sflag:s23] =	ssyncadd.s32 $0xFFFFD800  }
0x31: {  	_ =	swait.ge [sflag:s24], $0x2800  }
0x32: {  	[sflag:s24] =	ssyncset.done $0x0  }
0x33: {  	s29 =	simm.s32 $0x2800;
	[sflag:s24] =	ssyncadd.s32 $0xFFFFD800  }
0x34: {  	[spmem:s2] =	stream.indirect.scatter.add.f32 [tilespmem:s22], [sflag:$0x4], $0x80, s29, s19, $0xb8;
	[tilespmem:$0x1F400] =	vst v63  }
0x35: {  	s29 =	simm.s32 $0xA0  }
0x36: {  	[tilespmem:s20], [sflag:$0x1] =	stream.indirect.gather [hbm4b:s5+s19], $0x80, s29, s19, $0xb8;
	[tilespmem:$0x1F400] =	vst v63  }
0x37: {  	_ =	swait.ge [sflag:s25], $0x2800  }
0x38: {  	s30 =	simm.s32 $0x400;
	[sflag:s25] =	ssyncset.done $0x0  }
.LBB2_2:
0x39: {  	p1 =	sne.s32 s30, $0xF400;
	[sflag:s25] =	ssyncadd.s32 $0xFFFFD800;
	s29 =	sadd.s32 $0xA0, s29  }
0x3a: {  	s31 =	smov.u32 s30;
	s30 =	sadd.s32 $0x400, s30  }
0x3b: {  	_ =	swait.ge [sflag:s21], $0x2800  }
0x3c: {  	s31 =	sshra.s32 s31, $0x2;
	[sflag:s21] =	ssyncset.done $0x0  }
0x3d: {  	s1 =	sadd.s32 $0x2780, s31;
	[sflag:s21] =	ssyncadd.s32 $0xFFFFD800  }
0x3e: {  	[spmem:s2] =	stream.indirect.scatter.add.f32 [tilespmem:s20], [sflag:$0x3], $0x80, s1, s19, $0xb8;
	[tilespmem:$0x1F400] =	vst v63  }
0x3f: {  	s1 =	sadd.s32 $0xFFFFFFB0, s29  }
0x40: {  	[tilespmem:s22], [sflag:$0x2] =	stream.indirect.gather [hbm4b:s5+s19], $0x80, s1, s19, $0xb8;
	[tilespmem:$0x1F400] =	vst v63  }
0x41: {  	_ =	swait.ge [sflag:s23], $0x2800  }
0x42: {  	[sflag:s23] =	ssyncset.done $0x0  }
0x43: {  	[sflag:s23] =	ssyncadd.s32 $0xFFFFD800  }
0x44: {  	_ =	swait.ge [sflag:s24], $0x2800  }
0x45: {  	[sflag:s24] =	ssyncset.done $0x0  }
0x46: {  	s1 =	sadd.s32 $0x2800, s31;
	[sflag:s24] =	ssyncadd.s32 $0xFFFFD800  }
0x47: {  	[spmem:s2] =	stream.indirect.scatter.add.f32 [tilespmem:s22], [sflag:$0x4], $0x80, s1, s19, $0xb8;
	[tilespmem:$0x1F400] =	vst v63  }
.Ltmp0:
0x48: {  	_ = 	snop;
	(pc) =	sbr.rel @p1 .LBB2_2-.Ltmp0, $4  }
0x49: {  	_ = 	snop  }
0x4a: {  	[tilespmem:s20], [sflag:$0x1] =	stream.indirect.gather [hbm4b:s5+s19], $0x80, s29, s19, $0xb8;
	[tilespmem:$0x1F400] =	vst v63  }
0x4b: {  	_ =	swait.ge [sflag:s25], $0x2800  }
0x4c: {  	[sflag:s25] =	ssyncset.done $0x0  }
0x4d: {  	[sflag:s25] =	ssyncadd.s32 $0xFFFFD800  }
0x4e: {  	_ =	swait.ge [sflag:s21], $0x2800  }
0x4f: {  	[sflag:s21] =	ssyncset.done $0x0  }
0x50: {  	[sflag:s21] =	ssyncadd.s32 $0xFFFFD800  }
0x51: {  	[spmem:s2] =	stream.indirect.scatter.add.f32 [tilespmem:s20], [sflag:$0x3], $0x80, s26, s19, $0xb8;
	[tilespmem:$0x1F400] =	vst v63  }
0x52: {  	_ =	swait.ge [sflag:s23], $0x2800  }
0x53: {  	[sflag:s23] =	ssyncset.done $0x0  }
0x54: {  	[sflag:s23] =	ssyncadd.s32 $0xFFFFD800  }
0x55: {  	s1 =	sadd.s32 @p0 $0x25080, s10;
	s29 =	simm.s32 @p0 $0x1FC5;
	[bflag:$0x0] =	sbarrier.arrive $0xFFFF  }
0x56: {  	[hbm:s1], [sflag:s29] =	dma.local @p0 [spmem:s12], $0x2080  }
0x57: {  	s1 =	simm.s32 @p0 $0x5  }
0x58: {  	_ =	swait.ge @p0 [sflag:s1], $0x2080  }
0x59: {  	s28 =	sadd.s32 $0x1, s28;
	[sflag:s1] =	ssyncset.done @p0 $0x0  }
0x5a: {  	p1 =	sne.s32 s28, s11;
	[sflag:s1] =	ssyncadd.s32 @p0 $0xFFFFDF80;
	s1 =	sadd.s32 @!p0 s4, s10  }
0x5b: {  	[hbm:s1], [sflag:s13] =	dma.local @!p0 [spmem:s14], $0x2780  }
.Ltmp1:
0x5c: {  	_ = 	snop;
	(pc) =	sbr.rel @p1 .LBB2_1-.Ltmp1, $4  }
0x5d: {  	s1 =	simm.s32 @!p0 $0x5  }
0x5e: {  	_ =	swait.ge @!p0 [sflag:s1], $0x2780  }
0x5f: {  	[sflag:s1] =	ssyncset.done @!p0 $0x0  }
0x60: {  	[sflag:s1] =	ssyncadd.s32 @!p0 $0xFFFFD880  }
0x61: {  	_ =	sfence.sel $0x180000  }
0x62: {  	[bflag:$0x0] =	sbarrier.arrive $0xFFFF  }
0x63: {  	_ =	strace $0x90000047  }
0x64: {  	[bflag:$0x2] =	sbarrier.arrive $0xFFFF  }
0x65: {  	p0 =	sne.s32 s0, $0x0;
	s0 =	rddreg [dreg:$0x2]  }
0x66: {  	s0 =	sadd.s32 @!p0 $0x100000, s0  }
0x67: {  	[sflag:s0] =	ssyncadd.tile.s32 @!p0 $0x1;
	_ =	shalt  }
.Lfunc_end2:
_tile_overlayer_lowered:
.L_overlay_start_2:
0x68: {  	(tag) =	ssettag $0x2  }
0x69: {  	s0 =	rddreg [dreg:$0x0];
	s2 =	stileid.u32  }
0x6a: {  	s1 =	rddreg [dreg:$0x1];
	p0 =	sne.s32 s2, $0x0  }
0x6b: {  	s3 =	rddreg [dreg:$0x2];
	[bflag:$0x3] =	sbarrier.arrive $0xFFFF;
	s2 =	simm.s32 @!p0 $0x1C05  }
0x6c: {  	[timem:s3], [sflag:s2] =	dma.local @!p0 [hbm:s0], s1  }
0x6d: {  	s0 =	simm.s32 @!p0 $0x5  }
0x6e: {  	_ =	swait.ge @!p0 [sflag:s0], s1  }
0x6f: {  	s1 =	ssub.s32 @!p0 $0x0, s1;
	[sflag:s0] =	ssyncset.done @!p0 $0x0  }
0x70: {  	[sflag:s0] =	ssyncadd.s32 @!p0 s1  }
0x71: {  	[bflag:$0x3] =	sbarrier.arrive $0xFFFF  }
0x72: {  	_ =	shalt  }

// kernel: kernel.24.cloned.1.call-start
scs
__scs_entry_jumppad:
0x0: {  	(pc) =	sbr.rel $0x88, $3  }
0x1: {  	(tag) =	ssettag $0x0;
	lr =	simm.s32 $0x1  }
0x2: {  	[smem:$0x3F92] =	sst lr;
	_ =	strace $0xD0000000  }
0x3: {  	_ = 	snop  }
0x4: {  	_ = 	snop  }
0x5: {  	_ = 	snop  }
0x6: {  	_ = 	snop  }
0x7: {  	_ = 	snop  }
__scs_overlays_trampoline_lowered:
0x8: {  	[smem:$0x3FA1] =	sst s0  }
0x9: {  	[smem:$0x3FA2] =	sst s1  }
0xa: {  	[smem:$0x3FA3] =	sst s2  }
0xb: {  	[smem:$0x3FA4] =	sst s3  }
0xc: {  	[smem:$0x3FA5] =	sst s4  }
0xd: {  	[smem:$0x3FA6] =	sst s5  }
0xe: {  	[smem:$0x3FA7] =	sst s6  }
0xf: {  	[smem:$0x3FA8] =	sst s7  }
0x10: {  	[smem:$0x3FA9] =	sst s8  }
0x11: {  	[smem:$0x3FAA] =	sst s9;
	s0 =	simm.s32 @!p0 $0x0  }
0x12: {  	s1 =	sld [smem:$0x3F90];
	s0 =	simm.s32 @p0 $0x1  }
0x13: {  	[smem:$0x3FAB] =	sst s0;
	s0 =	simm.s32 @!p1 $0x0  }
0x14: {  	s2 =	sld [smem:$0x3F8F];
	s0 =	simm.s32 @p1 $0x1  }
0x15: {  	[smem:$0x3FAC] =	sst s0;
	s0 =	simm.s32 @!p2 $0x0  }
0x16: {  	s3 =	sld [smem:$0x3FDB];
	s0 =	simm.s32 @p2 $0x1  }
0x17: {  	s4 =	simm.s32 $0x1BF5;
	[smem:$0x3FAE] =	sst s0  }
0x18: {  	s0 =	sld [smem:$0x3F91];
	_ =	swait.ge [sflag:s4], $0x0  }
0x19: {  	s7 =	sld [smem:$0x3F92]  }
0x1a: {  	s8 =	sadd.s32 $0xFFFFE003, lr  }
0x1b: {  	s9 =	sadd.s32 $0xFFFFFEF7, lr;
	s5 =	simm.s32 $0xFFFFFFFF;
	p2 =	slt.u32 s8, $0xFFFFF086  }
0x1c: {  	p1 =	slt.u32 s9, $0xF7A;
	s5 =	simm.s32 @!p2 $0x0  }
0x1d: {  	s5 =	simm.s32 @p1 $0x1;
	p0 =	seq.s32 s7, s2  }
0x1e: {  	s7 =	smul.u32 @!p0 $0xF7A, s2;
	p2 =	seq.s32 @!p0 s5, $0x0  }
0x1f: {  	s9 =	smul.u32 $0xF7A, s1;
	s8 =	simm.s32 @!p0 $0x1BF5;
	p2 =	por !p2, p0  }
0x20: {  	[sflag:s8] =	ssyncset.s32 @!p0 $0xFFFFF086;
	s6 =	sadd.s32 @!p0 s3, s7;
	s7 =	simm.s32 @!p0 $0x108  }
0x21: {  	s3 =	sadd.s32 s3, s9;
	s6 =	sadd.s32 @!p0 $0x88, s6;
	s7 =	simm.s32 @p2 $0x1082  }
0x22: {  	[simem:s7], [sflag:s8] =	dma.local @!p0 [hbm:s6], $0xF7A  }
0x23: {  	s9 =	sor.u32 $0xD0000000, s2;
	s6 =	simm.s32 $0x108;
	_ =	swait.ge @!p0 [sflag:s8], $0x0  }
0x24: {  	s3 =	sadd.s32 $0x88, s3;
	s6 =	simm.s32 @!p1 $0x1082;
	[sflag:s4] =	ssyncset.s32 $0xFFFFF086  }
0x25: {  	[simem:s6], [sflag:s4] =	dma.local [hbm:s3], $0xF7A  }
0x26: {  	[smem:$0x3F92] =	sst s1;
	(tag) =	ssettag s2;
	_ =	strace s9  }
0x27: {  	s1 =	sld [smem:$0x3FA2]  }
0x28: {  	s2 =	sld [smem:$0x3FA3]  }
0x29: {  	s4 =	sld [smem:$0x3FA5]  }
0x2a: {  	p0 =	seq.s32 s5, $0x0;
	s5 =	sld [smem:$0x3FA6]  }
0x2b: {  	s6 =	sld [smem:$0x3FA7]  }
0x2c: {  	s7 =	sld [smem:$0x3FA8]  }
0x2d: {  	s3 =	simm.s32 $0x108;
	s8 =	sld [smem:$0x3FA9]  }
0x2e: {  	s3 =	simm.s32 @!p0 $0x1082;
	s9 =	sld [smem:$0x3FAA]  }
0x2f: {  	lr =	sadd.s32 s0, s3;
	s0 =	sld [smem:$0x3FA1]  }
0x30: {  	s3 =	sld [smem:$0x3FA4]  }
0x31: {  	[smem:$0x3FAD] =	sst s10  }
0x32: {  	s10 =	sld [smem:$0x3FAB];
	_ =	sdelay $0x3  }
0x33: {  	p0 =	seq.s32 s10, $0x1;
	s10 =	sld [smem:$0x3FAD];
	_ =	sdelay $0x3  }
0x34: {  	[smem:$0x3FAD] =	sst s10  }
0x35: {  	s10 =	sld [smem:$0x3FAC];
	_ =	sdelay $0x3  }
0x36: {  	p1 =	seq.s32 s10, $0x1;
	s10 =	sld [smem:$0x3FAD];
	_ =	sdelay $0x3  }
0x37: {  	[smem:$0x3FAD] =	sst s10  }
0x38: {  	s10 =	sld [smem:$0x3FAE]  }
0x39: {  	_ = 	snop;
	(pc) =	sbr.ind lr, $3  }
0x3a: {  	_ = 	snop  }
0x3b: {  	_ = 	snop  }
0x3c: {  	p2 =	seq.s32 s10, $0x1;
	s10 =	sld [smem:$0x3FAD]  }
0x3d: {  	_ =	shalt  }
0x3e: {  	_ =	shalt  }
0x3f: {  	_ =	shalt  }
0x40: {  	_ =	shalt  }
0x41: {  	_ =	shalt  }
0x42: {  	_ =	shalt  }
0x43: {  	_ =	shalt  }
0x44: {  	_ =	shalt  }
0x45: {  	_ =	shalt  }
0x46: {  	_ =	shalt  }
0x47: {  	_ =	shalt  }
0x48: {  	_ =	shalt  }
0x49: {  	_ =	shalt  }
0x4a: {  	_ =	shalt  }
0x4b: {  	_ =	shalt  }
0x4c: {  	_ =	shalt  }
0x4d: {  	_ =	shalt  }
0x4e: {  	_ =	shalt  }
0x4f: {  	_ =	shalt  }
0x50: {  	_ =	shalt  }
0x51: {  	_ =	shalt  }
0x52: {  	_ =	shalt  }
0x53: {  	_ =	shalt  }
0x54: {  	_ =	shalt  }
0x55: {  	_ =	shalt  }
0x56: {  	_ =	shalt  }
0x57: {  	_ =	shalt  }
0x58: {  	_ =	shalt  }
0x59: {  	_ =	shalt  }
0x5a: {  	_ =	shalt  }
0x5b: {  	_ =	shalt  }
0x5c: {  	_ =	shalt  }
0x5d: {  	_ =	shalt  }
0x5e: {  	_ =	shalt  }
0x5f: {  	_ =	shalt  }
0x60: {  	_ =	shalt  }
0x61: {  	_ =	shalt  }
0x62: {  	_ =	shalt  }
0x63: {  	_ =	shalt  }
0x64: {  	_ =	shalt  }
0x65: {  	_ =	shalt  }
0x66: {  	_ =	shalt  }
0x67: {  	_ =	shalt  }
0x68: {  	_ =	shalt  }
0x69: {  	_ =	shalt  }
0x6a: {  	_ =	shalt  }
0x6b: {  	_ =	shalt  }
0x6c: {  	_ =	shalt  }
0x6d: {  	_ =	shalt  }
0x6e: {  	_ =	shalt  }
0x6f: {  	_ =	shalt  }
0x70: {  	_ =	shalt  }
0x71: {  	_ =	shalt  }
0x72: {  	_ =	shalt  }
0x73: {  	_ =	shalt  }
0x74: {  	_ =	shalt  }
0x75: {  	_ =	shalt  }
0x76: {  	_ =	shalt  }
0x77: {  	_ =	shalt  }
0x78: {  	_ =	shalt  }
0x79: {  	_ =	shalt  }
0x7a: {  	_ =	shalt  }
0x7b: {  	_ =	shalt  }
0x7c: {  	_ =	shalt  }
0x7d: {  	_ =	shalt  }
0x7e: {  	_ =	shalt  }
0x7f: {  	_ =	shalt  }
0x80: {  	_ =	shalt  }
0x81: {  	_ =	shalt  }
0x82: {  	_ =	shalt  }
0x83: {  	_ =	shalt  }
0x84: {  	_ =	shalt  }
0x85: {  	_ =	shalt  }
0x86: {  	_ =	shalt  }
0x87: {  	_ =	shalt  }
.Lfunc_end0:
.L_simem_size_0:
called_computation.1_lowered:
.L_overlay_start_0:
0x88: {  	s2 =	sld [smem:$0x3FD9]  }
0x89: {  	s3 =	sld [smem:$0x3FFE];
	_ =	sdelay $0x1  }
0x8a: {  	s1 =	srdreg.scid  }
0x8b: {  	s0 =	sand.u32 $0x1, s1  }
0x8c: {  	s16 =	sshll.u32 s0, $0xA;
	s2 =	sadd.s32 s3, s2  }
0x8d: {  	s2 =	sadd.s32 s2, s16  }
0x8e: {  	[smem:$0x3FB9] =	sst s2  }
0x8f: {  	_ = 	snop  }
0x90: {  	(tm) =	ssettm $0x1  }
0x91: {  	s17 =	sld [smem:$0x3FFB];
	_ =	sdelay $0x3  }
0x92: {  	_ =	strace s17  }
0x93: {  	s2 =	sld [smem:$0x3FFC];
	_ =	sdelay $0x3  }
0x94: {  	_ =	strace s2  }
0x95: {  	s2 =	sld [smem:$0x3FFD];
	_ =	sdelay $0x3  }
0x96: {  	_ =	strace s2  }
0x97: {  	_ =	strace $0x8FFFFFFF  }
0x98: {  	s18 =	sld [smem:$0x3FDB];
	_ =	sdelay $0x1  }
0x99: {  	s19 =	simm.s32 $_scs_section_size  }
0x9a: {  	s4 =	simm.s32 $_size__tile_overlayer_lowered;
	s5 =	simm.s32 $_tile_overlayer_lowered  }
0x9b: {  	s22 =	simm.s32 $0x1BFF;
	s21 =	sshll.u32 s5, $0x1;
	s2 =	sadd.s32 s19, s18  }
0x9c: {  	s6 =	simm.s32 $0x0;
	s20 =	sshll.u32 s4, $0x1;
	s4 =	sadd.s32 s21, s2  }
0x9d: {  	[timem:s6], [sflag:s22] =	dma.local [hbm:s4], s20  }
0x9e: {  	_ =	swait.ge [sflag:s22], s20  }
0x9f: {  	s3 =	ssub.s32 $0x0, s20;
	[sflag:s22] =	ssyncset.done $0x0  }
0xa0: {  	[sflag:s22] =	ssyncadd.s32 s3;
	_ =	sdelay $0x1  }
0xa1: {  	s23 =	simm.s32 $0x1B8B  }
0xa2: {  	_ =	swait.ge [sflag:s23], $0x1  }
0xa3: {  	[sflag:s23] =	ssyncset.done $0x0  }
0xa4: {  	s25 =	simm.s32 $0x1B8E;
	s24 =	sld [smem:$0x3FFE];
	[sflag:s23] =	ssyncadd.s32 $0xFFFFFFFF  }
0xa5: {  	s26 =	simm.s32 $execute0_lowered;
	[smem:$0x3FD2] =	sst s25  }
0xa6: {  	s4 =	sshll.u32 s26, $0x1;
	_ =	strace $0x80000049;
	[dreg:$0x1] =	wrdreg $0xFFFFFFFF  }
0xa7: {  	s28 =	simm.s32 $_size_execute0_lowered;
	s2 =	sadd.s32 s2, s4;
	[dreg:$0x0] =	wrdreg $0x0  }
0xa8: {  	s4 =	sshll.u32 s28, $0x1;
	[dreg:$0x2] =	wrdreg s2  }
0xa9: {  	[dreg:$0x3] =	wrdreg s4  }
0xaa: {  	[dreg:$0x4] =	wrdreg $0xC0  }
0xab: {  	_ =	task [dreg:s6], $0x5FFFF  }
0xac: {  	[dreg:$0x1] =	wrdreg $0xFFFFFFFF  }
0xad: {  	[dreg:$0x0] =	wrdreg $0x60  }
0xae: {  	[dreg:$0x2] =	wrdreg s24  }
0xaf: {  	[dreg:$0x3] =	wrdreg $0xB7800  }
0xb0: {  	[dreg:$0x4] =	wrdreg $0x9  }
0xb1: {  	_ =	task.clear_ibuf [dreg:s6], $0x5FFFF;
	_ =	strace $0x90000049  }
0xb2: {  	s29 =	simm.s32 $0x9;
	_ =	strace $0x8000004B  }
0xb3: {  	_ =	swait.ge [sflag:s29], $0x1  }
0xb4: {  	[sflag:s29] =	ssyncadd.s32 $0xFFFFFFFF  }
0xb5: {  	_ =	strace $0x9000004B  }
0xb6: {  	_ =	sfence  }
0xb7: {  	s30 =	sld [smem:$0x0];
	_ =	sdelay $0x2  }
0xb8: {  	s31 =	sshll.u32 s1, $0xD;
	s1 =	sshrl.u32 s1, $0x2  }
0xb9: {  	s3 =	sand.u32 $0x4000, s31;
	s1 =	sadd.s32 s1, s30  }
0xba: {  	s0 =	sor.u32 s3, s0;
	s1 =	sshll.u32 s1, $0x11  }
0xbb: {  	s0 =	sor.u32 s1, s0  }
0xbc: {  	s0 =	sadd.s32 $0x8F2B, s0  }
0xbd: {  	[sflag:s0] =	ssyncadd.remote.s32 $0x1  }
0xbe: {  	_ =	sfence.sel $0xFFFF  }
0xbf: {  	[dreg:$0x0] =	wrdreg $0xFFFFFFFF;
	(pc) =	sbr.abs _section_cstart, $3  }
0xc0: {  	[dreg:$0x1] =	wrdreg $0xFFFFFFFF  }
0xc1: {  	_ =	task.clear_ibuf [dreg:s6], $0x2FFFF;
	_ =	strace $0x9FFFFFFF  }
0xc2: {  	(tm) =	ssettm $0x7FFFFFFF  }
0xc3: {  	_ =	shalt  }
tec
execute0_lowered:
.L_overlay_start_1:
0x0: {  	(tag) =	ssettag $0x1  }
0x1: {  	s7 =	rddreg [dreg:$0x0];
	s1 =	srdreg.scid  }
0x2: {  	s0 =	stileid.u32;
	s2 =	rddreg [dreg:$0x1]  }
0x3: {  	s16 =	simm.s32 $0x400;
	s17 =	simm.s32 $0x5;
	s18 =	simm.s32 $0x2780  }
0x4: {  	s19 =	simm.s32 $0x50;
	s20 =	simm.s32 $0x6780;
	s21 =	simm.s32 $0x1  }
0x5: {  	s22 =	simm.s32 $0x8F80;
	s23 =	simm.s32 $0x3;
	s24 =	simm.s32 $0x2  }
0x6: {  	s25 =	simm.s32 $0x4;
	s26 =	simm.s32 $0x6580;
	s28 =	simm.s32 $0x0  }
0x7: {  	s6 =	sand.u32 $0x1, s1;
	s3 =	sshll.u32 s0, $0x1;
	s4 =	sshrl.u32 s0, $0x2  }
0x8: {  	s11 =	smul.u32 $0x4F000, s0;
	s15 =	sadd.s32 $0x128400, s2;
	p0 =	seq.s32 s0, $0xF  }
0x9: {  	s8 =	sor.u32 s6, s3;
	s3 =	simm.s32 $0x0;
	s4 =	smul.u32 $0x13C00, s4  }
0xa: {  	s10 =	smul.u32 $0x27100, s6;
	s6 =	ssub.s32 $0x2, s6;
	s5 =	sshll.u32 s8, $0x7  }
0xb: {  	[smem:$0x7FF] =	sst s3;
	s8 =	sshll.u32 s8, $0xB;
	s13 =	sshrl.u32 s6, $0x1  }
0xc: {  	s11 =	sshrl.u32 s11, $0x2;
	s5 =	sand.u32 $0x380, s5;
	_ =	strace $0x8000004A  }
0xd: {  	s12 =	sadd.s32 s8, s7;
	s10 =	sadd.s32 s10, s7;
	s13 =	ssub.s32 s6, s13  }
0xe: {  	s14 =	sadd.s32 s11, s2;
	s9 =	sor.u32 s4, s5;
	s4 =	smul.u32 $0x2780, s0  }
0xf: {  	s5 =	sadd.s32 $0x20600, s7;
	s10 =	sadd.s32 $0x6EA00, s10;
	s11 =	smax.u32 s13, $0x1  }
0x10: {  	s13 =	sshll.u32 @!p0 s0, $0x6;
	s14 =	sshrl.u32 @!p0 s14, $0x3;
	s9 =	sshrl.u32 s9, $0x3  }
0x11: {  	s13 =	sor.u32 @!p0 $0x1C05, s13;
	s9 =	sadd.s32 s9, s7;
	s31 =	sadd.s32 s4, s7  }
0x12: {  	s7 =	sadd.s32 $0x6C880, s7;
	s6 =	sadd.s32 $0x47800, s31;
	s8 =	sadd.s32 $0x16800, s9  }
0x13: {  	s9 =	sadd.s32 $0x6800, s12;
	s12 =	sshrl.u32 @p0 s15, $0x3;
	s15 =	simm.s32 $0x80  }
.LBB2_1:
0x14: {  	s29 =	simm.s32 @p0 $0x1FC5  }
0x15: {  	[spmem:s12], [sflag:s29] =	dma.local @p0 [hbm:s7], $0x2080  }
0x16: {  	s29 =	simm.s32 @p0 $0x5  }
0x17: {  	_ =	swait.ge @p0 [sflag:s29], $0x2080  }
0x18: {  	[sflag:s29] =	ssyncset.done @p0 $0x0  }
0x19: {  	[sflag:s29] =	ssyncadd.s32 @p0 $0xFFFFDF80;
	s29 =	simm.s32 @!p0 $0x5  }
0x1a: {  	[spmem:s14], [sflag:s13] =	dma.local @!p0 [hbm:s6], $0x2780  }
0x1b: {  	_ =	swait.ge @!p0 [sflag:s29], $0x2780  }
0x1c: {  	[sflag:s29] =	ssyncset.done @!p0 $0x0  }
0x1d: {  	[sflag:s29] =	ssyncadd.s32 @!p0 $0xFFFFD880  }
0x1e: {  	[tilespmem:s3], [sflag:$0x5] =	stream.strided.gather [hbm4b:s8+s15], $0x2780, s16, s15, $0x38;
	[tilespmem:$0x1F400] =	vst v63  }
0x1f: {  	_ =	swait.ge [sflag:s17], $0x2780  }
0x20: {  	[sflag:s17] =	ssyncset.done $0x0  }
0x21: {  	[sflag:s17] =	ssyncadd.s32 $0xFFFFD880  }
0x22: {  	[tilespmem:s18], [sflag:$0x5] =	stream.linear.gather [hbm4b:s9+s3], $0x3E80, $0x38;
	[tilespmem:$0x1F400] =	vst v63  }
0x23: {  	_ =	swait.ge [sflag:s17], $0x3E80  }
0x24: {  	[sflag:s17] =	ssyncset.done $0x0  }
0x25: {  	[sflag:s17] =	ssyncadd.s32 $0xFFFFC180  }
0x26: {  	[bflag:$0x0] =	sbarrier.arrive $0xFFFF  }
0x27: {  	[tilespmem:s20], [sflag:$0x1] =	stream.indirect.gather [hbm4b:s5+s19], $0x80, s3, s19, $0xb8;
	[tilespmem:$0x1F400] =	vst v63  }
0x28: {  	_ =	swait.ge [sflag:s21], $0x2800  }
0x29: {  	[sflag:s21] =	ssyncset.done $0x0  }
0x2a: {  	s29 =	simm.s32 $0x2780;
	[sflag:s21] =	ssyncadd.s32 $0xFFFFD800  }
0x2b: {  	[spmem:s2] =	stream.indirect.scatter.add.f32 [tilespmem:s20], [sflag:$0x3], $0x80, s29, s19, $0xb8;
	[tilespmem:$0x1F400] =	vst v63  }
0x2c: {  	s29 =	simm.s32 $0x50  }
0x2d: {  	[tilespmem:s22], [sflag:$0x2] =	stream.indirect.gather [hbm4b:s5+s19], $0x80, s29, s19, $0xb8;
	[tilespmem:$0x1F400] =	vst v63  }
0x2e: {  	_ =	swait.ge [sflag:s23], $0x2800  }
0x2f: {  	[sflag:s23] =	ssyncset.done $0x0  }
0x30: {  	[sflag:s23] =	ssyncadd.s32 $0xFFFFD800  }
0x31: {  	_ =	swait.ge [sflag:s24], $0x2800  }
0x32: {  	[sflag:s24] =	ssyncset.done $0x0  }
0x33: {  	s29 =	simm.s32 $0x2800;
	[sflag:s24] =	ssyncadd.s32 $0xFFFFD800  }
0x34: {  	[spmem:s2] =	stream.indirect.scatter.add.f32 [tilespmem:s22], [sflag:$0x4], $0x80, s29, s19, $0xb8;
	[tilespmem:$0x1F400] =	vst v63  }
0x35: {  	s29 =	simm.s32 $0xA0  }
0x36: {  	[tilespmem:s20], [sflag:$0x1] =	stream.indirect.gather [hbm4b:s5+s19], $0x80, s29, s19, $0xb8;
	[tilespmem:$0x1F400] =	vst v63  }
0x37: {  	_ =	swait.ge [sflag:s25], $0x2800  }
0x38: {  	s30 =	simm.s32 $0x400;
	[sflag:s25] =	ssyncset.done $0x0  }
.LBB2_2:
0x39: {  	p1 =	sne.s32 s30, $0xF400;
	[sflag:s25] =	ssyncadd.s32 $0xFFFFD800;
	s29 =	sadd.s32 $0xA0, s29  }
0x3a: {  	s31 =	smov.u32 s30;
	s30 =	sadd.s32 $0x400, s30  }
0x3b: {  	_ =	swait.ge [sflag:s21], $0x2800  }
0x3c: {  	s31 =	sshra.s32 s31, $0x2;
	[sflag:s21] =	ssyncset.done $0x0  }
0x3d: {  	s1 =	sadd.s32 $0x2780, s31;
	[sflag:s21] =	ssyncadd.s32 $0xFFFFD800  }
0x3e: {  	[spmem:s2] =	stream.indirect.scatter.add.f32 [tilespmem:s20], [sflag:$0x3], $0x80, s1, s19, $0xb8;
	[tilespmem:$0x1F400] =	vst v63  }
0x3f: {  	s1 =	sadd.s32 $0xFFFFFFB0, s29  }
0x40: {  	[tilespmem:s22], [sflag:$0x2] =	stream.indirect.gather [hbm4b:s5+s19], $0x80, s1, s19, $0xb8;
	[tilespmem:$0x1F400] =	vst v63  }
0x41: {  	_ =	swait.ge [sflag:s23], $0x2800  }
0x42: {  	[sflag:s23] =	ssyncset.done $0x0  }
0x43: {  	[sflag:s23] =	ssyncadd.s32 $0xFFFFD800  }
0x44: {  	_ =	swait.ge [sflag:s24], $0x2800  }
0x45: {  	[sflag:s24] =	ssyncset.done $0x0  }
0x46: {  	s1 =	sadd.s32 $0x2800, s31;
	[sflag:s24] =	ssyncadd.s32 $0xFFFFD800  }
0x47: {  	[spmem:s2] =	stream.indirect.scatter.add.f32 [tilespmem:s22], [sflag:$0x4], $0x80, s1, s19, $0xb8;
	[tilespmem:$0x1F400] =	vst v63  }
.Ltmp0:
0x48: {  	_ = 	snop;
	(pc) =	sbr.rel @p1 .LBB2_2-.Ltmp0, $4  }
0x49: {  	_ = 	snop  }
0x4a: {  	[tilespmem:s20], [sflag:$0x1] =	stream.indirect.gather [hbm4b:s5+s19], $0x80, s29, s19, $0xb8;
	[tilespmem:$0x1F400] =	vst v63  }
0x4b: {  	_ =	swait.ge [sflag:s25], $0x2800  }
0x4c: {  	[sflag:s25] =	ssyncset.done $0x0  }
0x4d: {  	[sflag:s25] =	ssyncadd.s32 $0xFFFFD800  }
0x4e: {  	_ =	swait.ge [sflag:s21], $0x2800  }
0x4f: {  	[sflag:s21] =	ssyncset.done $0x0  }
0x50: {  	[sflag:s21] =	ssyncadd.s32 $0xFFFFD800  }
0x51: {  	[spmem:s2] =	stream.indirect.scatter.add.f32 [tilespmem:s20], [sflag:$0x3], $0x80, s26, s19, $0xb8;
	[tilespmem:$0x1F400] =	vst v63  }
0x52: {  	_ =	swait.ge [sflag:s23], $0x2800  }
0x53: {  	[sflag:s23] =	ssyncset.done $0x0  }
0x54: {  	[sflag:s23] =	ssyncadd.s32 $0xFFFFD800  }
0x55: {  	s1 =	sadd.s32 @p0 $0x25080, s10;
	s29 =	simm.s32 @p0 $0x1FC5;
	[bflag:$0x0] =	sbarrier.arrive $0xFFFF  }
0x56: {  	[hbm:s1], [sflag:s29] =	dma.local @p0 [spmem:s12], $0x2080  }
0x57: {  	s1 =	simm.s32 @p0 $0x5  }
0x58: {  	_ =	swait.ge @p0 [sflag:s1], $0x2080  }
0x59: {  	s28 =	sadd.s32 $0x1, s28;
	[sflag:s1] =	ssyncset.done @p0 $0x0  }
0x5a: {  	p1 =	sne.s32 s28, s11;
	[sflag:s1] =	ssyncadd.s32 @p0 $0xFFFFDF80;
	s1 =	sadd.s32 @!p0 s4, s10  }
0x5b: {  	[hbm:s1], [sflag:s13] =	dma.local @!p0 [spmem:s14], $0x2780  }
.Ltmp1:
0x5c: {  	_ = 	snop;
	(pc) =	sbr.rel @p1 .LBB2_1-.Ltmp1, $4  }
0x5d: {  	s1 =	simm.s32 @!p0 $0x5  }
0x5e: {  	_ =	swait.ge @!p0 [sflag:s1], $0x2780  }
0x5f: {  	[sflag:s1] =	ssyncset.done @!p0 $0x0  }
0x60: {  	[sflag:s1] =	ssyncadd.s32 @!p0 $0xFFFFD880  }
0x61: {  	_ =	sfence.sel $0x180000  }
0x62: {  	[bflag:$0x0] =	sbarrier.arrive $0xFFFF  }
0x63: {  	_ =	strace $0x9000004A  }
0x64: {  	[bflag:$0x2] =	sbarrier.arrive $0xFFFF  }
0x65: {  	p0 =	sne.s32 s0, $0x0;
	s0 =	rddreg [dreg:$0x2]  }
0x66: {  	s0 =	sadd.s32 @!p0 $0x100000, s0  }
0x67: {  	[sflag:s0] =	ssyncadd.tile.s32 @!p0 $0x1;
	_ =	shalt  }
.Lfunc_end2:
_tile_overlayer_lowered:
.L_overlay_start_2:
0x68: {  	(tag) =	ssettag $0x2  }
0x69: {  	s0 =	rddreg [dreg:$0x0];
	s2 =	stileid.u32  }
0x6a: {  	s1 =	rddreg [dreg:$0x1];
	p0 =	sne.s32 s2, $0x0  }
0x6b: {  	s3 =	rddreg [dreg:$0x2];
	[bflag:$0x3] =	sbarrier.arrive $0xFFFF;
	s2 =	simm.s32 @!p0 $0x1C05  }
0x6c: {  	[timem:s3], [sflag:s2] =	dma.local @!p0 [hbm:s0], s1  }
0x6d: {  	s0 =	simm.s32 @!p0 $0x5  }
0x6e: {  	_ =	swait.ge @!p0 [sflag:s0], s1  }
0x6f: {  	s1 =	ssub.s32 @!p0 $0x0, s1;
	[sflag:s0] =	ssyncset.done @!p0 $0x0  }
0x70: {  	[sflag:s0] =	ssyncadd.s32 @!p0 s1  }
0x71: {  	[bflag:$0x3] =	sbarrier.arrive $0xFFFF  }
0x72: {  	_ =	shalt  }

// kernel: kernel.27.cloned.1.call-start
scs
__scs_entry_jumppad:
0x0: {  	(pc) =	sbr.rel $0x88, $3  }
0x1: {  	(tag) =	ssettag $0x0;
	lr =	simm.s32 $0x1  }
0x2: {  	[smem:$0x3F92] =	sst lr;
	_ =	strace $0xD0000000  }
0x3: {  	_ = 	snop  }
0x4: {  	_ = 	snop  }
0x5: {  	_ = 	snop  }
0x6: {  	_ = 	snop  }
0x7: {  	_ = 	snop  }
__scs_overlays_trampoline_lowered:
0x8: {  	[smem:$0x3FA1] =	sst s0  }
0x9: {  	[smem:$0x3FA2] =	sst s1  }
0xa: {  	[smem:$0x3FA3] =	sst s2  }
0xb: {  	[smem:$0x3FA4] =	sst s3  }
0xc: {  	[smem:$0x3FA5] =	sst s4  }
0xd: {  	[smem:$0x3FA6] =	sst s5  }
0xe: {  	[smem:$0x3FA7] =	sst s6  }
0xf: {  	[smem:$0x3FA8] =	sst s7  }
0x10: {  	[smem:$0x3FA9] =	sst s8  }
0x11: {  	[smem:$0x3FAA] =	sst s9;
	s0 =	simm.s32 @!p0 $0x0  }
0x12: {  	s1 =	sld [smem:$0x3F90];
	s0 =	simm.s32 @p0 $0x1  }
0x13: {  	[smem:$0x3FAB] =	sst s0;
	s0 =	simm.s32 @!p1 $0x0  }
0x14: {  	s2 =	sld [smem:$0x3F8F];
	s0 =	simm.s32 @p1 $0x1  }
0x15: {  	[smem:$0x3FAC] =	sst s0;
	s0 =	simm.s32 @!p2 $0x0  }
0x16: {  	s3 =	sld [smem:$0x3FDB];
	s0 =	simm.s32 @p2 $0x1  }
0x17: {  	s4 =	simm.s32 $0x1BF5;
	[smem:$0x3FAE] =	sst s0  }
0x18: {  	s0 =	sld [smem:$0x3F91];
	_ =	swait.ge [sflag:s4], $0x0  }
0x19: {  	s7 =	sld [smem:$0x3F92]  }
0x1a: {  	s8 =	sadd.s32 $0xFFFFE003, lr  }
0x1b: {  	s9 =	sadd.s32 $0xFFFFFEF7, lr;
	s5 =	simm.s32 $0xFFFFFFFF;
	p2 =	slt.u32 s8, $0xFFFFF086  }
0x1c: {  	p1 =	slt.u32 s9, $0xF7A;
	s5 =	simm.s32 @!p2 $0x0  }
0x1d: {  	s5 =	simm.s32 @p1 $0x1;
	p0 =	seq.s32 s7, s2  }
0x1e: {  	s7 =	smul.u32 @!p0 $0xF7A, s2;
	p2 =	seq.s32 @!p0 s5, $0x0  }
0x1f: {  	s9 =	smul.u32 $0xF7A, s1;
	s8 =	simm.s32 @!p0 $0x1BF5;
	p2 =	por !p2, p0  }
0x20: {  	[sflag:s8] =	ssyncset.s32 @!p0 $0xFFFFF086;
	s6 =	sadd.s32 @!p0 s3, s7;
	s7 =	simm.s32 @!p0 $0x108  }
0x21: {  	s3 =	sadd.s32 s3, s9;
	s6 =	sadd.s32 @!p0 $0x88, s6;
	s7 =	simm.s32 @p2 $0x1082  }
0x22: {  	[simem:s7], [sflag:s8] =	dma.local @!p0 [hbm:s6], $0xF7A  }
0x23: {  	s9 =	sor.u32 $0xD0000000, s2;
	s6 =	simm.s32 $0x108;
	_ =	swait.ge @!p0 [sflag:s8], $0x0  }
0x24: {  	s3 =	sadd.s32 $0x88, s3;
	s6 =	simm.s32 @!p1 $0x1082;
	[sflag:s4] =	ssyncset.s32 $0xFFFFF086  }
0x25: {  	[simem:s6], [sflag:s4] =	dma.local [hbm:s3], $0xF7A  }
0x26: {  	[smem:$0x3F92] =	sst s1;
	(tag) =	ssettag s2;
	_ =	strace s9  }
0x27: {  	s1 =	sld [smem:$0x3FA2]  }
0x28: {  	s2 =	sld [smem:$0x3FA3]  }
0x29: {  	s4 =	sld [smem:$0x3FA5]  }
0x2a: {  	p0 =	seq.s32 s5, $0x0;
	s5 =	sld [smem:$0x3FA6]  }
0x2b: {  	s6 =	sld [smem:$0x3FA7]  }
0x2c: {  	s7 =	sld [smem:$0x3FA8]  }
0x2d: {  	s3 =	simm.s32 $0x108;
	s8 =	sld [smem:$0x3FA9]  }
0x2e: {  	s3 =	simm.s32 @!p0 $0x1082;
	s9 =	sld [smem:$0x3FAA]  }
0x2f: {  	lr =	sadd.s32 s0, s3;
	s0 =	sld [smem:$0x3FA1]  }
0x30: {  	s3 =	sld [smem:$0x3FA4]  }
0x31: {  	[smem:$0x3FAD] =	sst s10  }
0x32: {  	s10 =	sld [smem:$0x3FAB];
	_ =	sdelay $0x3  }
0x33: {  	p0 =	seq.s32 s10, $0x1;
	s10 =	sld [smem:$0x3FAD];
	_ =	sdelay $0x3  }
0x34: {  	[smem:$0x3FAD] =	sst s10  }
0x35: {  	s10 =	sld [smem:$0x3FAC];
	_ =	sdelay $0x3  }
0x36: {  	p1 =	seq.s32 s10, $0x1;
	s10 =	sld [smem:$0x3FAD];
	_ =	sdelay $0x3  }
0x37: {  	[smem:$0x3FAD] =	sst s10  }
0x38: {  	s10 =	sld [smem:$0x3FAE]  }
0x39: {  	_ = 	snop;
	(pc) =	sbr.ind lr, $3  }
0x3a: {  	_ = 	snop  }
0x3b: {  	_ = 	snop  }
0x3c: {  	p2 =	seq.s32 s10, $0x1;
	s10 =	sld [smem:$0x3FAD]  }
0x3d: {  	_ =	shalt  }
0x3e: {  	_ =	shalt  }
0x3f: {  	_ =	shalt  }
0x40: {  	_ =	shalt  }
0x41: {  	_ =	shalt  }
0x42: {  	_ =	shalt  }
0x43: {  	_ =	shalt  }
0x44: {  	_ =	shalt  }
0x45: {  	_ =	shalt  }
0x46: {  	_ =	shalt  }
0x47: {  	_ =	shalt  }
0x48: {  	_ =	shalt  }
0x49: {  	_ =	shalt  }
0x4a: {  	_ =	shalt  }
0x4b: {  	_ =	shalt  }
0x4c: {  	_ =	shalt  }
0x4d: {  	_ =	shalt  }
0x4e: {  	_ =	shalt  }
0x4f: {  	_ =	shalt  }
0x50: {  	_ =	shalt  }
0x51: {  	_ =	shalt  }
0x52: {  	_ =	shalt  }
0x53: {  	_ =	shalt  }
0x54: {  	_ =	shalt  }
0x55: {  	_ =	shalt  }
0x56: {  	_ =	shalt  }
0x57: {  	_ =	shalt  }
0x58: {  	_ =	shalt  }
0x59: {  	_ =	shalt  }
0x5a: {  	_ =	shalt  }
0x5b: {  	_ =	shalt  }
0x5c: {  	_ =	shalt  }
0x5d: {  	_ =	shalt  }
0x5e: {  	_ =	shalt  }
0x5f: {  	_ =	shalt  }
0x60: {  	_ =	shalt  }
0x61: {  	_ =	shalt  }
0x62: {  	_ =	shalt  }
0x63: {  	_ =	shalt  }
0x64: {  	_ =	shalt  }
0x65: {  	_ =	shalt  }
0x66: {  	_ =	shalt  }
0x67: {  	_ =	shalt  }
0x68: {  	_ =	shalt  }
0x69: {  	_ =	shalt  }
0x6a: {  	_ =	shalt  }
0x6b: {  	_ =	shalt  }
0x6c: {  	_ =	shalt  }
0x6d: {  	_ =	shalt  }
0x6e: {  	_ =	shalt  }
0x6f: {  	_ =	shalt  }
0x70: {  	_ =	shalt  }
0x71: {  	_ =	shalt  }
0x72: {  	_ =	shalt  }
0x73: {  	_ =	shalt  }
0x74: {  	_ =	shalt  }
0x75: {  	_ =	shalt  }
0x76: {  	_ =	shalt  }
0x77: {  	_ =	shalt  }
0x78: {  	_ =	shalt  }
0x79: {  	_ =	shalt  }
0x7a: {  	_ =	shalt  }
0x7b: {  	_ =	shalt  }
0x7c: {  	_ =	shalt  }
0x7d: {  	_ =	shalt  }
0x7e: {  	_ =	shalt  }
0x7f: {  	_ =	shalt  }
0x80: {  	_ =	shalt  }
0x81: {  	_ =	shalt  }
0x82: {  	_ =	shalt  }
0x83: {  	_ =	shalt  }
0x84: {  	_ =	shalt  }
0x85: {  	_ =	shalt  }
0x86: {  	_ =	shalt  }
0x87: {  	_ =	shalt  }
.Lfunc_end0:
.L_simem_size_0:
called_computation.2_lowered:
.L_overlay_start_0:
0x88: {  	s2 =	sld [smem:$0x3FD9]  }
0x89: {  	s3 =	sld [smem:$0x3FFE];
	_ =	sdelay $0x1  }
0x8a: {  	s1 =	srdreg.scid  }
0x8b: {  	s0 =	sand.u32 $0x1, s1  }
0x8c: {  	s16 =	sshll.u32 s0, $0xA;
	s2 =	sadd.s32 s3, s2  }
0x8d: {  	s2 =	sadd.s32 s2, s16  }
0x8e: {  	[smem:$0x3FB9] =	sst s2  }
0x8f: {  	_ = 	snop  }
0x90: {  	(tm) =	ssettm $0x1  }
0x91: {  	s17 =	sld [smem:$0x3FFB];
	_ =	sdelay $0x3  }
0x92: {  	_ =	strace s17  }
0x93: {  	s2 =	sld [smem:$0x3FFC];
	_ =	sdelay $0x3  }
0x94: {  	_ =	strace s2  }
0x95: {  	s2 =	sld [smem:$0x3FFD];
	_ =	sdelay $0x3  }
0x96: {  	_ =	strace s2  }
0x97: {  	_ =	strace $0x8FFFFFFF  }
0x98: {  	s18 =	sld [smem:$0x3FDB];
	_ =	sdelay $0x1  }
0x99: {  	s19 =	simm.s32 $_scs_section_size  }
0x9a: {  	s4 =	simm.s32 $_size__tile_overlayer_lowered;
	s5 =	simm.s32 $_tile_overlayer_lowered  }
0x9b: {  	s22 =	simm.s32 $0x1BFF;
	s21 =	sshll.u32 s5, $0x1;
	s2 =	sadd.s32 s19, s18  }
0x9c: {  	s6 =	simm.s32 $0x0;
	s20 =	sshll.u32 s4, $0x1;
	s4 =	sadd.s32 s21, s2  }
0x9d: {  	[timem:s6], [sflag:s22] =	dma.local [hbm:s4], s20  }
0x9e: {  	_ =	swait.ge [sflag:s22], s20  }
0x9f: {  	s3 =	ssub.s32 $0x0, s20;
	[sflag:s22] =	ssyncset.done $0x0  }
0xa0: {  	[sflag:s22] =	ssyncadd.s32 s3;
	_ =	sdelay $0x1  }
0xa1: {  	s23 =	simm.s32 $0x1B8B  }
0xa2: {  	_ =	swait.ge [sflag:s23], $0x1  }
0xa3: {  	[sflag:s23] =	ssyncset.done $0x0  }
0xa4: {  	s25 =	simm.s32 $0x1B8E;
	s24 =	sld [smem:$0x3FFE];
	[sflag:s23] =	ssyncadd.s32 $0xFFFFFFFF  }
0xa5: {  	s26 =	simm.s32 $execute0_lowered;
	[smem:$0x3FD2] =	sst s25  }
0xa6: {  	s4 =	sshll.u32 s26, $0x1;
	_ =	strace $0x8000004C;
	[dreg:$0x1] =	wrdreg $0xFFFFFFFF  }
0xa7: {  	s28 =	simm.s32 $_size_execute0_lowered;
	s2 =	sadd.s32 s2, s4;
	[dreg:$0x0] =	wrdreg $0x0  }
0xa8: {  	s4 =	sshll.u32 s28, $0x1;
	[dreg:$0x2] =	wrdreg s2  }
0xa9: {  	[dreg:$0x3] =	wrdreg s4  }
0xaa: {  	[dreg:$0x4] =	wrdreg $0xC0  }
0xab: {  	_ =	task [dreg:s6], $0x5FFFF  }
0xac: {  	[dreg:$0x1] =	wrdreg $0xFFFFFFFF  }
0xad: {  	[dreg:$0x0] =	wrdreg $0x60  }
0xae: {  	[dreg:$0x2] =	wrdreg s24  }
0xaf: {  	[dreg:$0x3] =	wrdreg $0xB7800  }
0xb0: {  	[dreg:$0x4] =	wrdreg $0x9  }
0xb1: {  	_ =	task.clear_ibuf [dreg:s6], $0x5FFFF;
	_ =	strace $0x9000004C  }
0xb2: {  	s29 =	simm.s32 $0x9;
	_ =	strace $0x8000004E  }
0xb3: {  	_ =	swait.ge [sflag:s29], $0x1  }
0xb4: {  	[sflag:s29] =	ssyncadd.s32 $0xFFFFFFFF  }
0xb5: {  	_ =	strace $0x9000004E  }
0xb6: {  	_ =	sfence  }
0xb7: {  	s30 =	sld [smem:$0x0];
	_ =	sdelay $0x2  }
0xb8: {  	s31 =	sshll.u32 s1, $0xD;
	s1 =	sshrl.u32 s1, $0x2  }
0xb9: {  	s3 =	sand.u32 $0x4000, s31;
	s1 =	sadd.s32 s1, s30  }
0xba: {  	s0 =	sor.u32 s3, s0;
	s1 =	sshll.u32 s1, $0x11  }
0xbb: {  	s0 =	sor.u32 s1, s0  }
0xbc: {  	s0 =	sadd.s32 $0x8F2B, s0  }
0xbd: {  	[sflag:s0] =	ssyncadd.remote.s32 $0x1  }
0xbe: {  	_ =	sfence.sel $0xFFFF  }
0xbf: {  	[dreg:$0x0] =	wrdreg $0xFFFFFFFF;
	(pc) =	sbr.abs _section_cstart, $3  }
0xc0: {  	[dreg:$0x1] =	wrdreg $0xFFFFFFFF  }
0xc1: {  	_ =	task.clear_ibuf [dreg:s6], $0x2FFFF;
	_ =	strace $0x9FFFFFFF  }
0xc2: {  	(tm) =	ssettm $0x7FFFFFFF  }
0xc3: {  	_ =	shalt  }
tec
execute0_lowered:
.L_overlay_start_1:
0x0: {  	(tag) =	ssettag $0x1  }
0x1: {  	s7 =	rddreg [dreg:$0x0];
	s1 =	srdreg.scid  }
0x2: {  	s0 =	stileid.u32;
	s2 =	rddreg [dreg:$0x1]  }
0x3: {  	s16 =	simm.s32 $0x400;
	s17 =	simm.s32 $0x5;
	s18 =	simm.s32 $0x2780  }
0x4: {  	s19 =	simm.s32 $0x50;
	s20 =	simm.s32 $0x6780;
	s21 =	simm.s32 $0x1  }
0x5: {  	s22 =	simm.s32 $0x8F80;
	s23 =	simm.s32 $0x3;
	s24 =	simm.s32 $0x2  }
0x6: {  	s25 =	simm.s32 $0x4;
	s26 =	simm.s32 $0x6580;
	s28 =	simm.s32 $0x0  }
0x7: {  	s6 =	sand.u32 $0x1, s1;
	s3 =	sshll.u32 s0, $0x1;
	s4 =	sshrl.u32 s0, $0x2  }
0x8: {  	s11 =	smul.u32 $0x4F000, s0;
	s15 =	sadd.s32 $0x128400, s2;
	p0 =	seq.s32 s0, $0xF  }
0x9: {  	s8 =	sor.u32 s6, s3;
	s3 =	simm.s32 $0x0;
	s4 =	smul.u32 $0x13C00, s4  }
0xa: {  	s10 =	smul.u32 $0x27100, s6;
	s6 =	ssub.s32 $0x2, s6;
	s5 =	sshll.u32 s8, $0x7  }
0xb: {  	[smem:$0x7FF] =	sst s3;
	s8 =	sshll.u32 s8, $0xB;
	s13 =	sshrl.u32 s6, $0x1  }
0xc: {  	s11 =	sshrl.u32 s11, $0x2;
	s5 =	sand.u32 $0x380, s5;
	_ =	strace $0x8000004D  }
0xd: {  	s12 =	sadd.s32 s8, s7;
	s10 =	sadd.s32 s10, s7;
	s13 =	ssub.s32 s6, s13  }
0xe: {  	s14 =	sadd.s32 s11, s2;
	s9 =	sor.u32 s4, s5;
	s4 =	smul.u32 $0x2780, s0  }
0xf: {  	s5 =	sadd.s32 $0x20600, s7;
	s10 =	sadd.s32 $0x6EA00, s10;
	s11 =	smax.u32 s13, $0x1  }
0x10: {  	s13 =	sshll.u32 @!p0 s0, $0x6;
	s14 =	sshrl.u32 @!p0 s14, $0x3;
	s9 =	sshrl.u32 s9, $0x3  }
0x11: {  	s13 =	sor.u32 @!p0 $0x1C05, s13;
	s9 =	sadd.s32 s9, s7;
	s31 =	sadd.s32 s4, s7  }
0x12: {  	s7 =	sadd.s32 $0x6C880, s7;
	s6 =	sadd.s32 $0x47800, s31;
	s8 =	sadd.s32 $0x16800, s9  }
0x13: {  	s9 =	sadd.s32 $0x6800, s12;
	s12 =	sshrl.u32 @p0 s15, $0x3;
	s15 =	simm.s32 $0x80  }
.LBB2_1:
0x14: {  	s29 =	simm.s32 @p0 $0x1FC5  }
0x15: {  	[spmem:s12], [sflag:s29] =	dma.local @p0 [hbm:s7], $0x2080  }
0x16: {  	s29 =	simm.s32 @p0 $0x5  }
0x17: {  	_ =	swait.ge @p0 [sflag:s29], $0x2080  }
0x18: {  	[sflag:s29] =	ssyncset.done @p0 $0x0  }
0x19: {  	[sflag:s29] =	ssyncadd.s32 @p0 $0xFFFFDF80;
	s29 =	simm.s32 @!p0 $0x5  }
0x1a: {  	[spmem:s14], [sflag:s13] =	dma.local @!p0 [hbm:s6], $0x2780  }
0x1b: {  	_ =	swait.ge @!p0 [sflag:s29], $0x2780  }
0x1c: {  	[sflag:s29] =	ssyncset.done @!p0 $0x0  }
0x1d: {  	[sflag:s29] =	ssyncadd.s32 @!p0 $0xFFFFD880  }
0x1e: {  	[tilespmem:s3], [sflag:$0x5] =	stream.strided.gather [hbm4b:s8+s15], $0x2780, s16, s15, $0x38;
	[tilespmem:$0x1F400] =	vst v63  }
0x1f: {  	_ =	swait.ge [sflag:s17], $0x2780  }
0x20: {  	[sflag:s17] =	ssyncset.done $0x0  }
0x21: {  	[sflag:s17] =	ssyncadd.s32 $0xFFFFD880  }
0x22: {  	[tilespmem:s18], [sflag:$0x5] =	stream.linear.gather [hbm4b:s9+s3], $0x3E80, $0x38;
	[tilespmem:$0x1F400] =	vst v63  }
0x23: {  	_ =	swait.ge [sflag:s17], $0x3E80  }
0x24: {  	[sflag:s17] =	ssyncset.done $0x0  }
0x25: {  	[sflag:s17] =	ssyncadd.s32 $0xFFFFC180  }
0x26: {  	[bflag:$0x0] =	sbarrier.arrive $0xFFFF  }
0x27: {  	[tilespmem:s20], [sflag:$0x1] =	stream.indirect.gather [hbm4b:s5+s19], $0x80, s3, s19, $0xb8;
	[tilespmem:$0x1F400] =	vst v63  }
0x28: {  	_ =	swait.ge [sflag:s21], $0x2800  }
0x29: {  	[sflag:s21] =	ssyncset.done $0x0  }
0x2a: {  	s29 =	simm.s32 $0x2780;
	[sflag:s21] =	ssyncadd.s32 $0xFFFFD800  }
0x2b: {  	[spmem:s2] =	stream.indirect.scatter.add.f32 [tilespmem:s20], [sflag:$0x3], $0x80, s29, s19, $0xb8;
	[tilespmem:$0x1F400] =	vst v63  }
0x2c: {  	s29 =	simm.s32 $0x50  }
0x2d: {  	[tilespmem:s22], [sflag:$0x2] =	stream.indirect.gather [hbm4b:s5+s19], $0x80, s29, s19, $0xb8;
	[tilespmem:$0x1F400] =	vst v63  }
0x2e: {  	_ =	swait.ge [sflag:s23], $0x2800  }
0x2f: {  	[sflag:s23] =	ssyncset.done $0x0  }
0x30: {  	[sflag:s23] =	ssyncadd.s32 $0xFFFFD800  }
0x31: {  	_ =	swait.ge [sflag:s24], $0x2800  }
0x32: {  	[sflag:s24] =	ssyncset.done $0x0  }
0x33: {  	s29 =	simm.s32 $0x2800;
	[sflag:s24] =	ssyncadd.s32 $0xFFFFD800  }
0x34: {  	[spmem:s2] =	stream.indirect.scatter.add.f32 [tilespmem:s22], [sflag:$0x4], $0x80, s29, s19, $0xb8;
	[tilespmem:$0x1F400] =	vst v63  }
0x35: {  	s29 =	simm.s32 $0xA0  }
0x36: {  	[tilespmem:s20], [sflag:$0x1] =	stream.indirect.gather [hbm4b:s5+s19], $0x80, s29, s19, $0xb8;
	[tilespmem:$0x1F400] =	vst v63  }
0x37: {  	_ =	swait.ge [sflag:s25], $0x2800  }
0x38: {  	s30 =	simm.s32 $0x400;
	[sflag:s25] =	ssyncset.done $0x0  }
.LBB2_2:
0x39: {  	p1 =	sne.s32 s30, $0xF400;
	[sflag:s25] =	ssyncadd.s32 $0xFFFFD800;
	s29 =	sadd.s32 $0xA0, s29  }
0x3a: {  	s31 =	smov.u32 s30;
	s30 =	sadd.s32 $0x400, s30  }
0x3b: {  	_ =	swait.ge [sflag:s21], $0x2800  }
0x3c: {  	s31 =	sshra.s32 s31, $0x2;
	[sflag:s21] =	ssyncset.done $0x0  }
0x3d: {  	s1 =	sadd.s32 $0x2780, s31;
	[sflag:s21] =	ssyncadd.s32 $0xFFFFD800  }
0x3e: {  	[spmem:s2] =	stream.indirect.scatter.add.f32 [tilespmem:s20], [sflag:$0x3], $0x80, s1, s19, $0xb8;
	[tilespmem:$0x1F400] =	vst v63  }
0x3f: {  	s1 =	sadd.s32 $0xFFFFFFB0, s29  }
0x40: {  	[tilespmem:s22], [sflag:$0x2] =	stream.indirect.gather [hbm4b:s5+s19], $0x80, s1, s19, $0xb8;
	[tilespmem:$0x1F400] =	vst v63  }
0x41: {  	_ =	swait.ge [sflag:s23], $0x2800  }
0x42: {  	[sflag:s23] =	ssyncset.done $0x0  }
0x43: {  	[sflag:s23] =	ssyncadd.s32 $0xFFFFD800  }
0x44: {  	_ =	swait.ge [sflag:s24], $0x2800  }
0x45: {  	[sflag:s24] =	ssyncset.done $0x0  }
0x46: {  	s1 =	sadd.s32 $0x2800, s31;
	[sflag:s24] =	ssyncadd.s32 $0xFFFFD800  }
0x47: {  	[spmem:s2] =	stream.indirect.scatter.add.f32 [tilespmem:s22], [sflag:$0x4], $0x80, s1, s19, $0xb8;
	[tilespmem:$0x1F400] =	vst v63  }
.Ltmp0:
0x48: {  	_ = 	snop;
	(pc) =	sbr.rel @p1 .LBB2_2-.Ltmp0, $4  }
0x49: {  	_ = 	snop  }
0x4a: {  	[tilespmem:s20], [sflag:$0x1] =	stream.indirect.gather [hbm4b:s5+s19], $0x80, s29, s19, $0xb8;
	[tilespmem:$0x1F400] =	vst v63  }
0x4b: {  	_ =	swait.ge [sflag:s25], $0x2800  }
0x4c: {  	[sflag:s25] =	ssyncset.done $0x0  }
0x4d: {  	[sflag:s25] =	ssyncadd.s32 $0xFFFFD800  }
0x4e: {  	_ =	swait.ge [sflag:s21], $0x2800  }
0x4f: {  	[sflag:s21] =	ssyncset.done $0x0  }
0x50: {  	[sflag:s21] =	ssyncadd.s32 $0xFFFFD800  }
0x51: {  	[spmem:s2] =	stream.indirect.scatter.add.f32 [tilespmem:s20], [sflag:$0x3], $0x80, s26, s19, $0xb8;
	[tilespmem:$0x1F400] =	vst v63  }
0x52: {  	_ =	swait.ge [sflag:s23], $0x2800  }
0x53: {  	[sflag:s23] =	ssyncset.done $0x0  }
0x54: {  	[sflag:s23] =	ssyncadd.s32 $0xFFFFD800  }
0x55: {  	s1 =	sadd.s32 @p0 $0x25080, s10;
	s29 =	simm.s32 @p0 $0x1FC5;
	[bflag:$0x0] =	sbarrier.arrive $0xFFFF  }
0x56: {  	[hbm:s1], [sflag:s29] =	dma.local @p0 [spmem:s12], $0x2080  }
0x57: {  	s1 =	simm.s32 @p0 $0x5  }
0x58: {  	_ =	swait.ge @p0 [sflag:s1], $0x2080  }
0x59: {  	s28 =	sadd.s32 $0x1, s28;
	[sflag:s1] =	ssyncset.done @p0 $0x0  }
0x5a: {  	p1 =	sne.s32 s28, s11;
	[sflag:s1] =	ssyncadd.s32 @p0 $0xFFFFDF80;
	s1 =	sadd.s32 @!p0 s4, s10  }
0x5b: {  	[hbm:s1], [sflag:s13] =	dma.local @!p0 [spmem:s14], $0x2780  }
.Ltmp1:
0x5c: {  	_ = 	snop;
	(pc) =	sbr.rel @p1 .LBB2_1-.Ltmp1, $4  }
0x5d: {  	s1 =	simm.s32 @!p0 $0x5  }
0x5e: {  	_ =	swait.ge @!p0 [sflag:s1], $0x2780  }
0x5f: {  	[sflag:s1] =	ssyncset.done @!p0 $0x0  }
0x60: {  	[sflag:s1] =	ssyncadd.s32 @!p0 $0xFFFFD880  }
0x61: {  	_ =	sfence.sel $0x180000  }
0x62: {  	[bflag:$0x0] =	sbarrier.arrive $0xFFFF  }
0x63: {  	_ =	strace $0x9000004D  }
0x64: {  	[bflag:$0x2] =	sbarrier.arrive $0xFFFF  }
0x65: {  	p0 =	sne.s32 s0, $0x0;
	s0 =	rddreg [dreg:$0x2]  }
0x66: {  	s0 =	sadd.s32 @!p0 $0x100000, s0  }
0x67: {  	[sflag:s0] =	ssyncadd.tile.s32 @!p0 $0x1;
	_ =	shalt  }
.Lfunc_end2:
_tile_overlayer_lowered:
.L_overlay_start_2:
0x68: {  	(tag) =	ssettag $0x2  }
0x69: {  	s0 =	rddreg [dreg:$0x0];
	s2 =	stileid.u32  }
0x6a: {  	s1 =	rddreg [dreg:$0x1];
	p0 =	sne.s32 s2, $0x0  }
0x6b: {  	s3 =	rddreg [dreg:$0x2];
	[bflag:$0x3] =	sbarrier.arrive $0xFFFF;
	s2 =	simm.s32 @!p0 $0x1C05  }
0x6c: {  	[timem:s3], [sflag:s2] =	dma.local @!p0 [hbm:s0], s1  }
0x6d: {  	s0 =	simm.s32 @!p0 $0x5  }
0x6e: {  	_ =	swait.ge @!p0 [sflag:s0], s1  }
0x6f: {  	s1 =	ssub.s32 @!p0 $0x0, s1;
	[sflag:s0] =	ssyncset.done @!p0 $0x0  }
0x70: {  	[sflag:s0] =	ssyncadd.s32 @!p0 s1  }
0x71: {  	[bflag:$0x3] =	sbarrier.arrive $0xFFFF  }
0x72: {  	_ =	shalt  }

// kernel: kernel.30.cloned.1.call-start
scs
__scs_entry_jumppad:
0x0: {  	(pc) =	sbr.rel $0x88, $3  }
0x1: {  	(tag) =	ssettag $0x0;
	lr =	simm.s32 $0x1  }
0x2: {  	[smem:$0x3F92] =	sst lr;
	_ =	strace $0xD0000000  }
0x3: {  	_ = 	snop  }
0x4: {  	_ = 	snop  }
0x5: {  	_ = 	snop  }
0x6: {  	_ = 	snop  }
0x7: {  	_ = 	snop  }
__scs_overlays_trampoline_lowered:
0x8: {  	[smem:$0x3FA1] =	sst s0  }
0x9: {  	[smem:$0x3FA2] =	sst s1  }
0xa: {  	[smem:$0x3FA3] =	sst s2  }
0xb: {  	[smem:$0x3FA4] =	sst s3  }
0xc: {  	[smem:$0x3FA5] =	sst s4  }
0xd: {  	[smem:$0x3FA6] =	sst s5  }
0xe: {  	[smem:$0x3FA7] =	sst s6  }
0xf: {  	[smem:$0x3FA8] =	sst s7  }
0x10: {  	[smem:$0x3FA9] =	sst s8  }
0x11: {  	[smem:$0x3FAA] =	sst s9;
	s0 =	simm.s32 @!p0 $0x0  }
0x12: {  	s1 =	sld [smem:$0x3F90];
	s0 =	simm.s32 @p0 $0x1  }
0x13: {  	[smem:$0x3FAB] =	sst s0;
	s0 =	simm.s32 @!p1 $0x0  }
0x14: {  	s2 =	sld [smem:$0x3F8F];
	s0 =	simm.s32 @p1 $0x1  }
0x15: {  	[smem:$0x3FAC] =	sst s0;
	s0 =	simm.s32 @!p2 $0x0  }
0x16: {  	s3 =	sld [smem:$0x3FDB];
	s0 =	simm.s32 @p2 $0x1  }
0x17: {  	s4 =	simm.s32 $0x1BF5;
	[smem:$0x3FAE] =	sst s0  }
0x18: {  	s0 =	sld [smem:$0x3F91];
	_ =	swait.ge [sflag:s4], $0x0  }
0x19: {  	s7 =	sld [smem:$0x3F92]  }
0x1a: {  	s8 =	sadd.s32 $0xFFFFE003, lr  }
0x1b: {  	s9 =	sadd.s32 $0xFFFFFEF7, lr;
	s5 =	simm.s32 $0xFFFFFFFF;
	p2 =	slt.u32 s8, $0xFFFFF086  }
0x1c: {  	p1 =	slt.u32 s9, $0xF7A;
	s5 =	simm.s32 @!p2 $0x0  }
0x1d: {  	s5 =	simm.s32 @p1 $0x1;
	p0 =	seq.s32 s7, s2  }
0x1e: {  	s7 =	smul.u32 @!p0 $0xF7A, s2;
	p2 =	seq.s32 @!p0 s5, $0x0  }
0x1f: {  	s9 =	smul.u32 $0xF7A, s1;
	s8 =	simm.s32 @!p0 $0x1BF5;
	p2 =	por !p2, p0  }
0x20: {  	[sflag:s8] =	ssyncset.s32 @!p0 $0xFFFFF086;
	s6 =	sadd.s32 @!p0 s3, s7;
	s7 =	simm.s32 @!p0 $0x108  }
0x21: {  	s3 =	sadd.s32 s3, s9;
	s6 =	sadd.s32 @!p0 $0x88, s6;
	s7 =	simm.s32 @p2 $0x1082  }
0x22: {  	[simem:s7], [sflag:s8] =	dma.local @!p0 [hbm:s6], $0xF7A  }
0x23: {  	s9 =	sor.u32 $0xD0000000, s2;
	s6 =	simm.s32 $0x108;
	_ =	swait.ge @!p0 [sflag:s8], $0x0  }
0x24: {  	s3 =	sadd.s32 $0x88, s3;
	s6 =	simm.s32 @!p1 $0x1082;
	[sflag:s4] =	ssyncset.s32 $0xFFFFF086  }
0x25: {  	[simem:s6], [sflag:s4] =	dma.local [hbm:s3], $0xF7A  }
0x26: {  	[smem:$0x3F92] =	sst s1;
	(tag) =	ssettag s2;
	_ =	strace s9  }
0x27: {  	s1 =	sld [smem:$0x3FA2]  }
0x28: {  	s2 =	sld [smem:$0x3FA3]  }
0x29: {  	s4 =	sld [smem:$0x3FA5]  }
0x2a: {  	p0 =	seq.s32 s5, $0x0;
	s5 =	sld [smem:$0x3FA6]  }
0x2b: {  	s6 =	sld [smem:$0x3FA7]  }
0x2c: {  	s7 =	sld [smem:$0x3FA8]  }
0x2d: {  	s3 =	simm.s32 $0x108;
	s8 =	sld [smem:$0x3FA9]  }
0x2e: {  	s3 =	simm.s32 @!p0 $0x1082;
	s9 =	sld [smem:$0x3FAA]  }
0x2f: {  	lr =	sadd.s32 s0, s3;
	s0 =	sld [smem:$0x3FA1]  }
0x30: {  	s3 =	sld [smem:$0x3FA4]  }
0x31: {  	[smem:$0x3FAD] =	sst s10  }
0x32: {  	s10 =	sld [smem:$0x3FAB];
	_ =	sdelay $0x3  }
0x33: {  	p0 =	seq.s32 s10, $0x1;
	s10 =	sld [smem:$0x3FAD];
	_ =	sdelay $0x3  }
0x34: {  	[smem:$0x3FAD] =	sst s10  }
0x35: {  	s10 =	sld [smem:$0x3FAC];
	_ =	sdelay $0x3  }
0x36: {  	p1 =	seq.s32 s10, $0x1;
	s10 =	sld [smem:$0x3FAD];
	_ =	sdelay $0x3  }
0x37: {  	[smem:$0x3FAD] =	sst s10  }
0x38: {  	s10 =	sld [smem:$0x3FAE]  }
0x39: {  	_ = 	snop;
	(pc) =	sbr.ind lr, $3  }
0x3a: {  	_ = 	snop  }
0x3b: {  	_ = 	snop  }
0x3c: {  	p2 =	seq.s32 s10, $0x1;
	s10 =	sld [smem:$0x3FAD]  }
0x3d: {  	_ =	shalt  }
0x3e: {  	_ =	shalt  }
0x3f: {  	_ =	shalt  }
0x40: {  	_ =	shalt  }
0x41: {  	_ =	shalt  }
0x42: {  	_ =	shalt  }
0x43: {  	_ =	shalt  }
0x44: {  	_ =	shalt  }
0x45: {  	_ =	shalt  }
0x46: {  	_ =	shalt  }
0x47: {  	_ =	shalt  }
0x48: {  	_ =	shalt  }
0x49: {  	_ =	shalt  }
0x4a: {  	_ =	shalt  }
0x4b: {  	_ =	shalt  }
0x4c: {  	_ =	shalt  }
0x4d: {  	_ =	shalt  }
0x4e: {  	_ =	shalt  }
0x4f: {  	_ =	shalt  }
0x50: {  	_ =	shalt  }
0x51: {  	_ =	shalt  }
0x52: {  	_ =	shalt  }
0x53: {  	_ =	shalt  }
0x54: {  	_ =	shalt  }
0x55: {  	_ =	shalt  }
0x56: {  	_ =	shalt  }
0x57: {  	_ =	shalt  }
0x58: {  	_ =	shalt  }
0x59: {  	_ =	shalt  }
0x5a: {  	_ =	shalt  }
0x5b: {  	_ =	shalt  }
0x5c: {  	_ =	shalt  }
0x5d: {  	_ =	shalt  }
0x5e: {  	_ =	shalt  }
0x5f: {  	_ =	shalt  }
0x60: {  	_ =	shalt  }
0x61: {  	_ =	shalt  }
0x62: {  	_ =	shalt  }
0x63: {  	_ =	shalt  }
0x64: {  	_ =	shalt  }
0x65: {  	_ =	shalt  }
0x66: {  	_ =	shalt  }
0x67: {  	_ =	shalt  }
0x68: {  	_ =	shalt  }
0x69: {  	_ =	shalt  }
0x6a: {  	_ =	shalt  }
0x6b: {  	_ =	shalt  }
0x6c: {  	_ =	shalt  }
0x6d: {  	_ =	shalt  }
0x6e: {  	_ =	shalt  }
0x6f: {  	_ =	shalt  }
0x70: {  	_ =	shalt  }
0x71: {  	_ =	shalt  }
0x72: {  	_ =	shalt  }
0x73: {  	_ =	shalt  }
0x74: {  	_ =	shalt  }
0x75: {  	_ =	shalt  }
0x76: {  	_ =	shalt  }
0x77: {  	_ =	shalt  }
0x78: {  	_ =	shalt  }
0x79: {  	_ =	shalt  }
0x7a: {  	_ =	shalt  }
0x7b: {  	_ =	shalt  }
0x7c: {  	_ =	shalt  }
0x7d: {  	_ =	shalt  }
0x7e: {  	_ =	shalt  }
0x7f: {  	_ =	shalt  }
0x80: {  	_ =	shalt  }
0x81: {  	_ =	shalt  }
0x82: {  	_ =	shalt  }
0x83: {  	_ =	shalt  }
0x84: {  	_ =	shalt  }
0x85: {  	_ =	shalt  }
0x86: {  	_ =	shalt  }
0x87: {  	_ =	shalt  }
.Lfunc_end0:
.L_simem_size_0:
called_computation.3_lowered:
.L_overlay_start_0:
0x88: {  	s2 =	sld [smem:$0x3FD9]  }
0x89: {  	s3 =	sld [smem:$0x3FFE];
	_ =	sdelay $0x1  }
0x8a: {  	s1 =	srdreg.scid  }
0x8b: {  	s0 =	sand.u32 $0x1, s1  }
0x8c: {  	s16 =	sshll.u32 s0, $0xA;
	s2 =	sadd.s32 s3, s2  }
0x8d: {  	s2 =	sadd.s32 s2, s16  }
0x8e: {  	[smem:$0x3FB9] =	sst s2  }
0x8f: {  	_ = 	snop  }
0x90: {  	(tm) =	ssettm $0x1  }
0x91: {  	s17 =	sld [smem:$0x3FFB];
	_ =	sdelay $0x3  }
0x92: {  	_ =	strace s17  }
0x93: {  	s2 =	sld [smem:$0x3FFC];
	_ =	sdelay $0x3  }
0x94: {  	_ =	strace s2  }
0x95: {  	s2 =	sld [smem:$0x3FFD];
	_ =	sdelay $0x3  }
0x96: {  	_ =	strace s2  }
0x97: {  	_ =	strace $0x8FFFFFFF  }
0x98: {  	s18 =	sld [smem:$0x3FDB];
	_ =	sdelay $0x1  }
0x99: {  	s19 =	simm.s32 $_scs_section_size  }
0x9a: {  	s4 =	simm.s32 $_size__tile_overlayer_lowered;
	s5 =	simm.s32 $_tile_overlayer_lowered  }
0x9b: {  	s22 =	simm.s32 $0x1BFF;
	s21 =	sshll.u32 s5, $0x1;
	s2 =	sadd.s32 s19, s18  }
0x9c: {  	s6 =	simm.s32 $0x0;
	s20 =	sshll.u32 s4, $0x1;
	s4 =	sadd.s32 s21, s2  }
0x9d: {  	[timem:s6], [sflag:s22] =	dma.local [hbm:s4], s20  }
0x9e: {  	_ =	swait.ge [sflag:s22], s20  }
0x9f: {  	s3 =	ssub.s32 $0x0, s20;
	[sflag:s22] =	ssyncset.done $0x0  }
0xa0: {  	[sflag:s22] =	ssyncadd.s32 s3;
	_ =	sdelay $0x1  }
0xa1: {  	s23 =	simm.s32 $0x1B8B  }
0xa2: {  	_ =	swait.ge [sflag:s23], $0x1  }
0xa3: {  	[sflag:s23] =	ssyncset.done $0x0  }
0xa4: {  	s25 =	simm.s32 $0x1B8E;
	s24 =	sld [smem:$0x3FFE];
	[sflag:s23] =	ssyncadd.s32 $0xFFFFFFFF  }
0xa5: {  	s26 =	simm.s32 $execute0_lowered;
	[smem:$0x3FD2] =	sst s25  }
0xa6: {  	s4 =	sshll.u32 s26, $0x1;
	_ =	strace $0x8000004F;
	[dreg:$0x1] =	wrdreg $0xFFFFFFFF  }
0xa7: {  	s28 =	simm.s32 $_size_execute0_lowered;
	s2 =	sadd.s32 s2, s4;
	[dreg:$0x0] =	wrdreg $0x0  }
0xa8: {  	s4 =	sshll.u32 s28, $0x1;
	[dreg:$0x2] =	wrdreg s2  }
0xa9: {  	[dreg:$0x3] =	wrdreg s4  }
0xaa: {  	[dreg:$0x4] =	wrdreg $0xC0  }
0xab: {  	_ =	task [dreg:s6], $0x5FFFF  }
0xac: {  	[dreg:$0x1] =	wrdreg $0xFFFFFFFF  }
0xad: {  	[dreg:$0x0] =	wrdreg $0x60  }
0xae: {  	[dreg:$0x2] =	wrdreg s24  }
0xaf: {  	[dreg:$0x3] =	wrdreg $0xB7800  }
0xb0: {  	[dreg:$0x4] =	wrdreg $0x9  }
0xb1: {  	_ =	task.clear_ibuf [dreg:s6], $0x5FFFF;
	_ =	strace $0x9000004F  }
0xb2: {  	s29 =	simm.s32 $0x9;
	_ =	strace $0x80000051  }
0xb3: {  	_ =	swait.ge [sflag:s29], $0x1  }
0xb4: {  	[sflag:s29] =	ssyncadd.s32 $0xFFFFFFFF  }
0xb5: {  	_ =	strace $0x90000051  }
0xb6: {  	_ =	sfence  }
0xb7: {  	s30 =	sld [smem:$0x0];
	_ =	sdelay $0x2  }
0xb8: {  	s31 =	sshll.u32 s1, $0xD;
	s1 =	sshrl.u32 s1, $0x2  }
0xb9: {  	s3 =	sand.u32 $0x4000, s31;
	s1 =	sadd.s32 s1, s30  }
0xba: {  	s0 =	sor.u32 s3, s0;
	s1 =	sshll.u32 s1, $0x11  }
0xbb: {  	s0 =	sor.u32 s1, s0  }
0xbc: {  	s0 =	sadd.s32 $0x8F2B, s0  }
0xbd: {  	[sflag:s0] =	ssyncadd.remote.s32 $0x1  }
0xbe: {  	_ =	sfence.sel $0xFFFF  }
0xbf: {  	[dreg:$0x0] =	wrdreg $0xFFFFFFFF;
	(pc) =	sbr.abs _section_cstart, $3  }
0xc0: {  	[dreg:$0x1] =	wrdreg $0xFFFFFFFF  }
0xc1: {  	_ =	task.clear_ibuf [dreg:s6], $0x2FFFF;
	_ =	strace $0x9FFFFFFF  }
0xc2: {  	(tm) =	ssettm $0x7FFFFFFF  }
0xc3: {  	_ =	shalt  }
tec
execute0_lowered:
.L_overlay_start_1:
0x0: {  	(tag) =	ssettag $0x1  }
0x1: {  	s7 =	rddreg [dreg:$0x0];
	s1 =	srdreg.scid  }
0x2: {  	s0 =	stileid.u32;
	s2 =	rddreg [dreg:$0x1]  }
0x3: {  	s16 =	simm.s32 $0x400;
	s17 =	simm.s32 $0x5;
	s18 =	simm.s32 $0x2780  }
0x4: {  	s19 =	simm.s32 $0x50;
	s20 =	simm.s32 $0x6780;
	s21 =	simm.s32 $0x1  }
0x5: {  	s22 =	simm.s32 $0x8F80;
	s23 =	simm.s32 $0x3;
	s24 =	simm.s32 $0x2  }
0x6: {  	s25 =	simm.s32 $0x4;
	s26 =	simm.s32 $0x6580;
	s28 =	simm.s32 $0x0  }
0x7: {  	s6 =	sand.u32 $0x1, s1;
	s3 =	sshll.u32 s0, $0x1;
	s4 =	sshrl.u32 s0, $0x2  }
0x8: {  	s11 =	smul.u32 $0x4F000, s0;
	s15 =	sadd.s32 $0x128400, s2;
	p0 =	seq.s32 s0, $0xF  }
0x9: {  	s8 =	sor.u32 s6, s3;
	s3 =	simm.s32 $0x0;
	s4 =	smul.u32 $0x13C00, s4  }
0xa: {  	s10 =	smul.u32 $0x27100, s6;
	s6 =	ssub.s32 $0x2, s6;
	s5 =	sshll.u32 s8, $0x7  }
0xb: {  	[smem:$0x7FF] =	sst s3;
	s8 =	sshll.u32 s8, $0xB;
	s13 =	sshrl.u32 s6, $0x1  }
0xc: {  	s11 =	sshrl.u32 s11, $0x2;
	s5 =	sand.u32 $0x380, s5;
	_ =	strace $0x80000050  }
0xd: {  	s12 =	sadd.s32 s8, s7;
	s10 =	sadd.s32 s10, s7;
	s13 =	ssub.s32 s6, s13  }
0xe: {  	s14 =	sadd.s32 s11, s2;
	s9 =	sor.u32 s4, s5;
	s4 =	smul.u32 $0x2780, s0  }
0xf: {  	s5 =	sadd.s32 $0x20600, s7;
	s10 =	sadd.s32 $0x6EA00, s10;
	s11 =	smax.u32 s13, $0x1  }
0x10: {  	s13 =	sshll.u32 @!p0 s0, $0x6;
	s14 =	sshrl.u32 @!p0 s14, $0x3;
	s9 =	sshrl.u32 s9, $0x3  }
0x11: {  	s13 =	sor.u32 @!p0 $0x1C05, s13;
	s9 =	sadd.s32 s9, s7;
	s31 =	sadd.s32 s4, s7  }
0x12: {  	s7 =	sadd.s32 $0x6C880, s7;
	s6 =	sadd.s32 $0x47800, s31;
	s8 =	sadd.s32 $0x16800, s9  }
0x13: {  	s9 =	sadd.s32 $0x6800, s12;
	s12 =	sshrl.u32 @p0 s15, $0x3;
	s15 =	simm.s32 $0x80  }
.LBB2_1:
0x14: {  	s29 =	simm.s32 @p0 $0x1FC5  }
0x15: {  	[spmem:s12], [sflag:s29] =	dma.local @p0 [hbm:s7], $0x2080  }
0x16: {  	s29 =	simm.s32 @p0 $0x5  }
0x17: {  	_ =	swait.ge @p0 [sflag:s29], $0x2080  }
0x18: {  	[sflag:s29] =	ssyncset.done @p0 $0x0  }
0x19: {  	[sflag:s29] =	ssyncadd.s32 @p0 $0xFFFFDF80;
	s29 =	simm.s32 @!p0 $0x5  }
0x1a: {  	[spmem:s14], [sflag:s13] =	dma.local @!p0 [hbm:s6], $0x2780  }
0x1b: {  	_ =	swait.ge @!p0 [sflag:s29], $0x2780  }
0x1c: {  	[sflag:s29] =	ssyncset.done @!p0 $0x0  }
0x1d: {  	[sflag:s29] =	ssyncadd.s32 @!p0 $0xFFFFD880  }
0x1e: {  	[tilespmem:s3], [sflag:$0x5] =	stream.strided.gather [hbm4b:s8+s15], $0x2780, s16, s15, $0x38;
	[tilespmem:$0x1F400] =	vst v63  }
0x1f: {  	_ =	swait.ge [sflag:s17], $0x2780  }
0x20: {  	[sflag:s17] =	ssyncset.done $0x0  }
0x21: {  	[sflag:s17] =	ssyncadd.s32 $0xFFFFD880  }
0x22: {  	[tilespmem:s18], [sflag:$0x5] =	stream.linear.gather [hbm4b:s9+s3], $0x3E80, $0x38;
	[tilespmem:$0x1F400] =	vst v63  }
0x23: {  	_ =	swait.ge [sflag:s17], $0x3E80  }
0x24: {  	[sflag:s17] =	ssyncset.done $0x0  }
0x25: {  	[sflag:s17] =	ssyncadd.s32 $0xFFFFC180  }
0x26: {  	[bflag:$0x0] =	sbarrier.arrive $0xFFFF  }
0x27: {  	[tilespmem:s20], [sflag:$0x1] =	stream.indirect.gather [hbm4b:s5+s19], $0x80, s3, s19, $0xb8;
	[tilespmem:$0x1F400] =	vst v63  }
0x28: {  	_ =	swait.ge [sflag:s21], $0x2800  }
0x29: {  	[sflag:s21] =	ssyncset.done $0x0  }
0x2a: {  	s29 =	simm.s32 $0x2780;
	[sflag:s21] =	ssyncadd.s32 $0xFFFFD800  }
0x2b: {  	[spmem:s2] =	stream.indirect.scatter.add.f32 [tilespmem:s20], [sflag:$0x3], $0x80, s29, s19, $0xb8;
	[tilespmem:$0x1F400] =	vst v63  }
0x2c: {  	s29 =	simm.s32 $0x50  }
0x2d: {  	[tilespmem:s22], [sflag:$0x2] =	stream.indirect.gather [hbm4b:s5+s19], $0x80, s29, s19, $0xb8;
	[tilespmem:$0x1F400] =	vst v63  }
0x2e: {  	_ =	swait.ge [sflag:s23], $0x2800  }
0x2f: {  	[sflag:s23] =	ssyncset.done $0x0  }
0x30: {  	[sflag:s23] =	ssyncadd.s32 $0xFFFFD800  }
0x31: {  	_ =	swait.ge [sflag:s24], $0x2800  }
0x32: {  	[sflag:s24] =	ssyncset.done $0x0  }
0x33: {  	s29 =	simm.s32 $0x2800;
	[sflag:s24] =	ssyncadd.s32 $0xFFFFD800  }
0x34: {  	[spmem:s2] =	stream.indirect.scatter.add.f32 [tilespmem:s22], [sflag:$0x4], $0x80, s29, s19, $0xb8;
	[tilespmem:$0x1F400] =	vst v63  }
0x35: {  	s29 =	simm.s32 $0xA0  }
0x36: {  	[tilespmem:s20], [sflag:$0x1] =	stream.indirect.gather [hbm4b:s5+s19], $0x80, s29, s19, $0xb8;
	[tilespmem:$0x1F400] =	vst v63  }
0x37: {  	_ =	swait.ge [sflag:s25], $0x2800  }
0x38: {  	s30 =	simm.s32 $0x400;
	[sflag:s25] =	ssyncset.done $0x0  }
.LBB2_2:
0x39: {  	p1 =	sne.s32 s30, $0xF400;
	[sflag:s25] =	ssyncadd.s32 $0xFFFFD800;
	s29 =	sadd.s32 $0xA0, s29  }
0x3a: {  	s31 =	smov.u32 s30;
	s30 =	sadd.s32 $0x400, s30  }
0x3b: {  	_ =	swait.ge [sflag:s21], $0x2800  }
0x3c: {  	s31 =	sshra.s32 s31, $0x2;
	[sflag:s21] =	ssyncset.done $0x0  }
0x3d: {  	s1 =	sadd.s32 $0x2780, s31;
	[sflag:s21] =	ssyncadd.s32 $0xFFFFD800  }
0x3e: {  	[spmem:s2] =	stream.indirect.scatter.add.f32 [tilespmem:s20], [sflag:$0x3], $0x80, s1, s19, $0xb8;
	[tilespmem:$0x1F400] =	vst v63  }
0x3f: {  	s1 =	sadd.s32 $0xFFFFFFB0, s29  }
0x40: {  	[tilespmem:s22], [sflag:$0x2] =	stream.indirect.gather [hbm4b:s5+s19], $0x80, s1, s19, $0xb8;
	[tilespmem:$0x1F400] =	vst v63  }
0x41: {  	_ =	swait.ge [sflag:s23], $0x2800  }
0x42: {  	[sflag:s23] =	ssyncset.done $0x0  }
0x43: {  	[sflag:s23] =	ssyncadd.s32 $0xFFFFD800  }
0x44: {  	_ =	swait.ge [sflag:s24], $0x2800  }
0x45: {  	[sflag:s24] =	ssyncset.done $0x0  }
0x46: {  	s1 =	sadd.s32 $0x2800, s31;
	[sflag:s24] =	ssyncadd.s32 $0xFFFFD800  }
0x47: {  	[spmem:s2] =	stream.indirect.scatter.add.f32 [tilespmem:s22], [sflag:$0x4], $0x80, s1, s19, $0xb8;
	[tilespmem:$0x1F400] =	vst v63  }
.Ltmp0:
0x48: {  	_ = 	snop;
	(pc) =	sbr.rel @p1 .LBB2_2-.Ltmp0, $4  }
0x49: {  	_ = 	snop  }
0x4a: {  	[tilespmem:s20], [sflag:$0x1] =	stream.indirect.gather [hbm4b:s5+s19], $0x80, s29, s19, $0xb8;
	[tilespmem:$0x1F400] =	vst v63  }
0x4b: {  	_ =	swait.ge [sflag:s25], $0x2800  }
0x4c: {  	[sflag:s25] =	ssyncset.done $0x0  }
0x4d: {  	[sflag:s25] =	ssyncadd.s32 $0xFFFFD800  }
0x4e: {  	_ =	swait.ge [sflag:s21], $0x2800  }
0x4f: {  	[sflag:s21] =	ssyncset.done $0x0  }
0x50: {  	[sflag:s21] =	ssyncadd.s32 $0xFFFFD800  }
0x51: {  	[spmem:s2] =	stream.indirect.scatter.add.f32 [tilespmem:s20], [sflag:$0x3], $0x80, s26, s19, $0xb8;
	[tilespmem:$0x1F400] =	vst v63  }
0x52: {  	_ =	swait.ge [sflag:s23], $0x2800  }
0x53: {  	[sflag:s23] =	ssyncset.done $0x0  }
0x54: {  	[sflag:s23] =	ssyncadd.s32 $0xFFFFD800  }
0x55: {  	s1 =	sadd.s32 @p0 $0x25080, s10;
	s29 =	simm.s32 @p0 $0x1FC5;
	[bflag:$0x0] =	sbarrier.arrive $0xFFFF  }
0x56: {  	[hbm:s1], [sflag:s29] =	dma.local @p0 [spmem:s12], $0x2080  }
0x57: {  	s1 =	simm.s32 @p0 $0x5  }
0x58: {  	_ =	swait.ge @p0 [sflag:s1], $0x2080  }
0x59: {  	s28 =	sadd.s32 $0x1, s28;
	[sflag:s1] =	ssyncset.done @p0 $0x0  }
0x5a: {  	p1 =	sne.s32 s28, s11;
	[sflag:s1] =	ssyncadd.s32 @p0 $0xFFFFDF80;
	s1 =	sadd.s32 @!p0 s4, s10  }
0x5b: {  	[hbm:s1], [sflag:s13] =	dma.local @!p0 [spmem:s14], $0x2780  }
.Ltmp1:
0x5c: {  	_ = 	snop;
	(pc) =	sbr.rel @p1 .LBB2_1-.Ltmp1, $4  }
0x5d: {  	s1 =	simm.s32 @!p0 $0x5  }
0x5e: {  	_ =	swait.ge @!p0 [sflag:s1], $0x2780  }
0x5f: {  	[sflag:s1] =	ssyncset.done @!p0 $0x0  }
0x60: {  	[sflag:s1] =	ssyncadd.s32 @!p0 $0xFFFFD880  }
0x61: {  	_ =	sfence.sel $0x180000  }
0x62: {  	[bflag:$0x0] =	sbarrier.arrive $0xFFFF  }
0x63: {  	_ =	strace $0x90000050  }
0x64: {  	[bflag:$0x2] =	sbarrier.arrive $0xFFFF  }
0x65: {  	p0 =	sne.s32 s0, $0x0;
	s0 =	rddreg [dreg:$0x2]  }
0x66: {  	s0 =	sadd.s32 @!p0 $0x100000, s0  }
0x67: {  	[sflag:s0] =	ssyncadd.tile.s32 @!p0 $0x1;
	_ =	shalt  }
.Lfunc_end2:
_tile_overlayer_lowered:
.L_overlay_start_2:
0x68: {  	(tag) =	ssettag $0x2  }
0x69: {  	s0 =	rddreg [dreg:$0x0];
	s2 =	stileid.u32  }
0x6a: {  	s1 =	rddreg [dreg:$0x1];
	p0 =	sne.s32 s2, $0x0  }
0x6b: {  	s3 =	rddreg [dreg:$0x2];
	[bflag:$0x3] =	sbarrier.arrive $0xFFFF;
	s2 =	simm.s32 @!p0 $0x1C05  }
0x6c: {  	[timem:s3], [sflag:s2] =	dma.local @!p0 [hbm:s0], s1  }
0x6d: {  	s0 =	simm.s32 @!p0 $0x5  }
0x6e: {  	_ =	swait.ge @!p0 [sflag:s0], s1  }
0x6f: {  	s1 =	ssub.s32 @!p0 $0x0, s1;
	[sflag:s0] =	ssyncset.done @!p0 $0x0  }
0x70: {  	[sflag:s0] =	ssyncadd.s32 @!p0 s1  }
0x71: {  	[bflag:$0x3] =	sbarrier.arrive $0xFFFF  }
0x72: {  	_ =	shalt  }

// kernel: kernel.33.cloned.1.call-start
scs
__scs_entry_jumppad:
0x0: {  	(pc) =	sbr.rel $0x88, $3  }
0x1: {  	(tag) =	ssettag $0x0;
	lr =	simm.s32 $0x1  }
0x2: {  	[smem:$0x3F92] =	sst lr;
	_ =	strace $0xD0000000  }
0x3: {  	_ = 	snop  }
0x4: {  	_ = 	snop  }
0x5: {  	_ = 	snop  }
0x6: {  	_ = 	snop  }
0x7: {  	_ = 	snop  }
__scs_overlays_trampoline_lowered:
0x8: {  	[smem:$0x3FA1] =	sst s0  }
0x9: {  	[smem:$0x3FA2] =	sst s1  }
0xa: {  	[smem:$0x3FA3] =	sst s2  }
0xb: {  	[smem:$0x3FA4] =	sst s3  }
0xc: {  	[smem:$0x3FA5] =	sst s4  }
0xd: {  	[smem:$0x3FA6] =	sst s5  }
0xe: {  	[smem:$0x3FA7] =	sst s6  }
0xf: {  	[smem:$0x3FA8] =	sst s7  }
0x10: {  	[smem:$0x3FA9] =	sst s8  }
0x11: {  	[smem:$0x3FAA] =	sst s9;
	s0 =	simm.s32 @!p0 $0x0  }
0x12: {  	s1 =	sld [smem:$0x3F90];
	s0 =	simm.s32 @p0 $0x1  }
0x13: {  	[smem:$0x3FAB] =	sst s0;
	s0 =	simm.s32 @!p1 $0x0  }
0x14: {  	s2 =	sld [smem:$0x3F8F];
	s0 =	simm.s32 @p1 $0x1  }
0x15: {  	[smem:$0x3FAC] =	sst s0;
	s0 =	simm.s32 @!p2 $0x0  }
0x16: {  	s3 =	sld [smem:$0x3FDB];
	s0 =	simm.s32 @p2 $0x1  }
0x17: {  	s4 =	simm.s32 $0x1BF5;
	[smem:$0x3FAE] =	sst s0  }
0x18: {  	s0 =	sld [smem:$0x3F91];
	_ =	swait.ge [sflag:s4], $0x0  }
0x19: {  	s7 =	sld [smem:$0x3F92]  }
0x1a: {  	s8 =	sadd.s32 $0xFFFFE003, lr  }
0x1b: {  	s9 =	sadd.s32 $0xFFFFFEF7, lr;
	s5 =	simm.s32 $0xFFFFFFFF;
	p2 =	slt.u32 s8, $0xFFFFF086  }
0x1c: {  	p1 =	slt.u32 s9, $0xF7A;
	s5 =	simm.s32 @!p2 $0x0  }
0x1d: {  	s5 =	simm.s32 @p1 $0x1;
	p0 =	seq.s32 s7, s2  }
0x1e: {  	s7 =	smul.u32 @!p0 $0xF7A, s2;
	p2 =	seq.s32 @!p0 s5, $0x0  }
0x1f: {  	s9 =	smul.u32 $0xF7A, s1;
	s8 =	simm.s32 @!p0 $0x1BF5;
	p2 =	por !p2, p0  }
0x20: {  	[sflag:s8] =	ssyncset.s32 @!p0 $0xFFFFF086;
	s6 =	sadd.s32 @!p0 s3, s7;
	s7 =	simm.s32 @!p0 $0x108  }
0x21: {  	s3 =	sadd.s32 s3, s9;
	s6 =	sadd.s32 @!p0 $0x88, s6;
	s7 =	simm.s32 @p2 $0x1082  }
0x22: {  	[simem:s7], [sflag:s8] =	dma.local @!p0 [hbm:s6], $0xF7A  }
0x23: {  	s9 =	sor.u32 $0xD0000000, s2;
	s6 =	simm.s32 $0x108;
	_ =	swait.ge @!p0 [sflag:s8], $0x0  }
0x24: {  	s3 =	sadd.s32 $0x88, s3;
	s6 =	simm.s32 @!p1 $0x1082;
	[sflag:s4] =	ssyncset.s32 $0xFFFFF086  }
0x25: {  	[simem:s6], [sflag:s4] =	dma.local [hbm:s3], $0xF7A  }
0x26: {  	[smem:$0x3F92] =	sst s1;
	(tag) =	ssettag s2;
	_ =	strace s9  }
0x27: {  	s1 =	sld [smem:$0x3FA2]  }
0x28: {  	s2 =	sld [smem:$0x3FA3]  }
0x29: {  	s4 =	sld [smem:$0x3FA5]  }
0x2a: {  	p0 =	seq.s32 s5, $0x0;
	s5 =	sld [smem:$0x3FA6]  }
0x2b: {  	s6 =	sld [smem:$0x3FA7]  }
0x2c: {  	s7 =	sld [smem:$0x3FA8]  }
0x2d: {  	s3 =	simm.s32 $0x108;
	s8 =	sld [smem:$0x3FA9]  }
0x2e: {  	s3 =	simm.s32 @!p0 $0x1082;
	s9 =	sld [smem:$0x3FAA]  }
0x2f: {  	lr =	sadd.s32 s0, s3;
	s0 =	sld [smem:$0x3FA1]  }
0x30: {  	s3 =	sld [smem:$0x3FA4]  }
0x31: {  	[smem:$0x3FAD] =	sst s10  }
0x32: {  	s10 =	sld [smem:$0x3FAB];
	_ =	sdelay $0x3  }
0x33: {  	p0 =	seq.s32 s10, $0x1;
	s10 =	sld [smem:$0x3FAD];
	_ =	sdelay $0x3  }
0x34: {  	[smem:$0x3FAD] =	sst s10  }
0x35: {  	s10 =	sld [smem:$0x3FAC];
	_ =	sdelay $0x3  }
0x36: {  	p1 =	seq.s32 s10, $0x1;
	s10 =	sld [smem:$0x3FAD];
	_ =	sdelay $0x3  }
0x37: {  	[smem:$0x3FAD] =	sst s10  }
0x38: {  	s10 =	sld [smem:$0x3FAE]  }
0x39: {  	_ = 	snop;
	(pc) =	sbr.ind lr, $3  }
0x3a: {  	_ = 	snop  }
0x3b: {  	_ = 	snop  }
0x3c: {  	p2 =	seq.s32 s10, $0x1;
	s10 =	sld [smem:$0x3FAD]  }
0x3d: {  	_ =	shalt  }
0x3e: {  	_ =	shalt  }
0x3f: {  	_ =	shalt  }
0x40: {  	_ =	shalt  }
0x41: {  	_ =	shalt  }
0x42: {  	_ =	shalt  }
0x43: {  	_ =	shalt  }
0x44: {  	_ =	shalt  }
0x45: {  	_ =	shalt  }
0x46: {  	_ =	shalt  }
0x47: {  	_ =	shalt  }
0x48: {  	_ =	shalt  }
0x49: {  	_ =	shalt  }
0x4a: {  	_ =	shalt  }
0x4b: {  	_ =	shalt  }
0x4c: {  	_ =	shalt  }
0x4d: {  	_ =	shalt  }
0x4e: {  	_ =	shalt  }
0x4f: {  	_ =	shalt  }
0x50: {  	_ =	shalt  }
0x51: {  	_ =	shalt  }
0x52: {  	_ =	shalt  }
0x53: {  	_ =	shalt  }
0x54: {  	_ =	shalt  }
0x55: {  	_ =	shalt  }
0x56: {  	_ =	shalt  }
0x57: {  	_ =	shalt  }
0x58: {  	_ =	shalt  }
0x59: {  	_ =	shalt  }
0x5a: {  	_ =	shalt  }
0x5b: {  	_ =	shalt  }
0x5c: {  	_ =	shalt  }
0x5d: {  	_ =	shalt  }
0x5e: {  	_ =	shalt  }
0x5f: {  	_ =	shalt  }
0x60: {  	_ =	shalt  }
0x61: {  	_ =	shalt  }
0x62: {  	_ =	shalt  }
0x63: {  	_ =	shalt  }
0x64: {  	_ =	shalt  }
0x65: {  	_ =	shalt  }
0x66: {  	_ =	shalt  }
0x67: {  	_ =	shalt  }
0x68: {  	_ =	shalt  }
0x69: {  	_ =	shalt  }
0x6a: {  	_ =	shalt  }
0x6b: {  	_ =	shalt  }
0x6c: {  	_ =	shalt  }
0x6d: {  	_ =	shalt  }
0x6e: {  	_ =	shalt  }
0x6f: {  	_ =	shalt  }
0x70: {  	_ =	shalt  }
0x71: {  	_ =	shalt  }
0x72: {  	_ =	shalt  }
0x73: {  	_ =	shalt  }
0x74: {  	_ =	shalt  }
0x75: {  	_ =	shalt  }
0x76: {  	_ =	shalt  }
0x77: {  	_ =	shalt  }
0x78: {  	_ =	shalt  }
0x79: {  	_ =	shalt  }
0x7a: {  	_ =	shalt  }
0x7b: {  	_ =	shalt  }
0x7c: {  	_ =	shalt  }
0x7d: {  	_ =	shalt  }
0x7e: {  	_ =	shalt  }
0x7f: {  	_ =	shalt  }
0x80: {  	_ =	shalt  }
0x81: {  	_ =	shalt  }
0x82: {  	_ =	shalt  }
0x83: {  	_ =	shalt  }
0x84: {  	_ =	shalt  }
0x85: {  	_ =	shalt  }
0x86: {  	_ =	shalt  }
0x87: {  	_ =	shalt  }
.Lfunc_end0:
.L_simem_size_0:
called_computation.4_lowered:
.L_overlay_start_0:
0x88: {  	s2 =	sld [smem:$0x3FD9]  }
0x89: {  	s3 =	sld [smem:$0x3FFE];
	_ =	sdelay $0x1  }
0x8a: {  	s1 =	srdreg.scid  }
0x8b: {  	s0 =	sand.u32 $0x1, s1  }
0x8c: {  	s16 =	sshll.u32 s0, $0xA;
	s2 =	sadd.s32 s3, s2  }
0x8d: {  	s2 =	sadd.s32 s2, s16  }
0x8e: {  	[smem:$0x3FB9] =	sst s2  }
0x8f: {  	_ = 	snop  }
0x90: {  	(tm) =	ssettm $0x1  }
0x91: {  	s17 =	sld [smem:$0x3FFB];
	_ =	sdelay $0x3  }
0x92: {  	_ =	strace s17  }
0x93: {  	s2 =	sld [smem:$0x3FFC];
	_ =	sdelay $0x3  }
0x94: {  	_ =	strace s2  }
0x95: {  	s2 =	sld [smem:$0x3FFD];
	_ =	sdelay $0x3  }
0x96: {  	_ =	strace s2  }
0x97: {  	_ =	strace $0x8FFFFFFF  }
0x98: {  	s18 =	sld [smem:$0x3FDB];
	_ =	sdelay $0x1  }
0x99: {  	s19 =	simm.s32 $_scs_section_size  }
0x9a: {  	s4 =	simm.s32 $_size__tile_overlayer_lowered;
	s5 =	simm.s32 $_tile_overlayer_lowered  }
0x9b: {  	s22 =	simm.s32 $0x1BFF;
	s21 =	sshll.u32 s5, $0x1;
	s2 =	sadd.s32 s19, s18  }
0x9c: {  	s6 =	simm.s32 $0x0;
	s20 =	sshll.u32 s4, $0x1;
	s4 =	sadd.s32 s21, s2  }
0x9d: {  	[timem:s6], [sflag:s22] =	dma.local [hbm:s4], s20  }
0x9e: {  	_ =	swait.ge [sflag:s22], s20  }
0x9f: {  	s3 =	ssub.s32 $0x0, s20;
	[sflag:s22] =	ssyncset.done $0x0  }
0xa0: {  	[sflag:s22] =	ssyncadd.s32 s3;
	_ =	sdelay $0x1  }
0xa1: {  	s23 =	simm.s32 $0x1B8B  }
0xa2: {  	_ =	swait.ge [sflag:s23], $0x1  }
0xa3: {  	[sflag:s23] =	ssyncset.done $0x0  }
0xa4: {  	s25 =	simm.s32 $0x1B8E;
	s24 =	sld [smem:$0x3FFE];
	[sflag:s23] =	ssyncadd.s32 $0xFFFFFFFF  }
0xa5: {  	s26 =	simm.s32 $execute0_lowered;
	[smem:$0x3FD2] =	sst s25  }
0xa6: {  	s4 =	sshll.u32 s26, $0x1;
	_ =	strace $0x80000052;
	[dreg:$0x1] =	wrdreg $0xFFFFFFFF  }
0xa7: {  	s28 =	simm.s32 $_size_execute0_lowered;
	s2 =	sadd.s32 s2, s4;
	[dreg:$0x0] =	wrdreg $0x0  }
0xa8: {  	s4 =	sshll.u32 s28, $0x1;
	[dreg:$0x2] =	wrdreg s2  }
0xa9: {  	[dreg:$0x3] =	wrdreg s4  }
0xaa: {  	[dreg:$0x4] =	wrdreg $0xC0  }
0xab: {  	_ =	task [dreg:s6], $0x5FFFF  }
0xac: {  	[dreg:$0x1] =	wrdreg $0xFFFFFFFF  }
0xad: {  	[dreg:$0x0] =	wrdreg $0x60  }
0xae: {  	[dreg:$0x2] =	wrdreg s24  }
0xaf: {  	[dreg:$0x3] =	wrdreg $0xB7800  }
0xb0: {  	[dreg:$0x4] =	wrdreg $0x9  }
0xb1: {  	_ =	task.clear_ibuf [dreg:s6], $0x5FFFF;
	_ =	strace $0x90000052  }
0xb2: {  	s29 =	simm.s32 $0x9;
	_ =	strace $0x80000054  }
0xb3: {  	_ =	swait.ge [sflag:s29], $0x1  }
0xb4: {  	[sflag:s29] =	ssyncadd.s32 $0xFFFFFFFF  }
0xb5: {  	_ =	strace $0x90000054  }
0xb6: {  	_ =	sfence  }
0xb7: {  	s30 =	sld [smem:$0x0];
	_ =	sdelay $0x2  }
0xb8: {  	s31 =	sshll.u32 s1, $0xD;
	s1 =	sshrl.u32 s1, $0x2  }
0xb9: {  	s3 =	sand.u32 $0x4000, s31;
	s1 =	sadd.s32 s1, s30  }
0xba: {  	s0 =	sor.u32 s3, s0;
	s1 =	sshll.u32 s1, $0x11  }
0xbb: {  	s0 =	sor.u32 s1, s0  }
0xbc: {  	s0 =	sadd.s32 $0x8F2B, s0  }
0xbd: {  	[sflag:s0] =	ssyncadd.remote.s32 $0x1  }
0xbe: {  	_ =	sfence.sel $0xFFFF  }
0xbf: {  	[dreg:$0x0] =	wrdreg $0xFFFFFFFF;
	(pc) =	sbr.abs _section_cstart, $3  }
0xc0: {  	[dreg:$0x1] =	wrdreg $0xFFFFFFFF  }
0xc1: {  	_ =	task.clear_ibuf [dreg:s6], $0x2FFFF;
	_ =	strace $0x9FFFFFFF  }
0xc2: {  	(tm) =	ssettm $0x7FFFFFFF  }
0xc3: {  	_ =	shalt  }
tec
execute0_lowered:
.L_overlay_start_1:
0x0: {  	(tag) =	ssettag $0x1  }
0x1: {  	s7 =	rddreg [dreg:$0x0];
	s1 =	srdreg.scid  }
0x2: {  	s0 =	stileid.u32;
	s2 =	rddreg [dreg:$0x1]  }
0x3: {  	s16 =	simm.s32 $0x400;
	s17 =	simm.s32 $0x5;
	s18 =	simm.s32 $0x2780  }
0x4: {  	s19 =	simm.s32 $0x50;
	s20 =	simm.s32 $0x6780;
	s21 =	simm.s32 $0x1  }
0x5: {  	s22 =	simm.s32 $0x8F80;
	s23 =	simm.s32 $0x3;
	s24 =	simm.s32 $0x2  }
0x6: {  	s25 =	simm.s32 $0x4;
	s26 =	simm.s32 $0x6580;
	s28 =	simm.s32 $0x0  }
0x7: {  	s6 =	sand.u32 $0x1, s1;
	s3 =	sshll.u32 s0, $0x1;
	s4 =	sshrl.u32 s0, $0x2  }
0x8: {  	s11 =	smul.u32 $0x4F000, s0;
	s15 =	sadd.s32 $0x128400, s2;
	p0 =	seq.s32 s0, $0xF  }
0x9: {  	s8 =	sor.u32 s6, s3;
	s3 =	simm.s32 $0x0;
	s4 =	smul.u32 $0x13C00, s4  }
0xa: {  	s10 =	smul.u32 $0x27100, s6;
	s6 =	ssub.s32 $0x2, s6;
	s5 =	sshll.u32 s8, $0x7  }
0xb: {  	[smem:$0x7FF] =	sst s3;
	s8 =	sshll.u32 s8, $0xB;
	s13 =	sshrl.u32 s6, $0x1  }
0xc: {  	s11 =	sshrl.u32 s11, $0x2;
	s5 =	sand.u32 $0x380, s5;
	_ =	strace $0x80000053  }
0xd: {  	s12 =	sadd.s32 s8, s7;
	s10 =	sadd.s32 s10, s7;
	s13 =	ssub.s32 s6, s13  }
0xe: {  	s14 =	sadd.s32 s11, s2;
	s9 =	sor.u32 s4, s5;
	s4 =	smul.u32 $0x2780, s0  }
0xf: {  	s5 =	sadd.s32 $0x20600, s7;
	s10 =	sadd.s32 $0x6EA00, s10;
	s11 =	smax.u32 s13, $0x1  }
0x10: {  	s13 =	sshll.u32 @!p0 s0, $0x6;
	s14 =	sshrl.u32 @!p0 s14, $0x3;
	s9 =	sshrl.u32 s9, $0x3  }
0x11: {  	s13 =	sor.u32 @!p0 $0x1C05, s13;
	s9 =	sadd.s32 s9, s7;
	s31 =	sadd.s32 s4, s7  }
0x12: {  	s7 =	sadd.s32 $0x6C880, s7;
	s6 =	sadd.s32 $0x47800, s31;
	s8 =	sadd.s32 $0x16800, s9  }
0x13: {  	s9 =	sadd.s32 $0x6800, s12;
	s12 =	sshrl.u32 @p0 s15, $0x3;
	s15 =	simm.s32 $0x80  }
.LBB2_1:
0x14: {  	s29 =	simm.s32 @p0 $0x1FC5  }
0x15: {  	[spmem:s12], [sflag:s29] =	dma.local @p0 [hbm:s7], $0x2080  }
0x16: {  	s29 =	simm.s32 @p0 $0x5  }
0x17: {  	_ =	swait.ge @p0 [sflag:s29], $0x2080  }
0x18: {  	[sflag:s29] =	ssyncset.done @p0 $0x0  }
0x19: {  	[sflag:s29] =	ssyncadd.s32 @p0 $0xFFFFDF80;
	s29 =	simm.s32 @!p0 $0x5  }
0x1a: {  	[spmem:s14], [sflag:s13] =	dma.local @!p0 [hbm:s6], $0x2780  }
0x1b: {  	_ =	swait.ge @!p0 [sflag:s29], $0x2780  }
0x1c: {  	[sflag:s29] =	ssyncset.done @!p0 $0x0  }
0x1d: {  	[sflag:s29] =	ssyncadd.s32 @!p0 $0xFFFFD880  }
0x1e: {  	[tilespmem:s3], [sflag:$0x5] =	stream.strided.gather [hbm4b:s8+s15], $0x2780, s16, s15, $0x38;
	[tilespmem:$0x1F400] =	vst v63  }
0x1f: {  	_ =	swait.ge [sflag:s17], $0x2780  }
0x20: {  	[sflag:s17] =	ssyncset.done $0x0  }
0x21: {  	[sflag:s17] =	ssyncadd.s32 $0xFFFFD880  }
0x22: {  	[tilespmem:s18], [sflag:$0x5] =	stream.linear.gather [hbm4b:s9+s3], $0x3E80, $0x38;
	[tilespmem:$0x1F400] =	vst v63  }
0x23: {  	_ =	swait.ge [sflag:s17], $0x3E80  }
0x24: {  	[sflag:s17] =	ssyncset.done $0x0  }
0x25: {  	[sflag:s17] =	ssyncadd.s32 $0xFFFFC180  }
0x26: {  	[bflag:$0x0] =	sbarrier.arrive $0xFFFF  }
0x27: {  	[tilespmem:s20], [sflag:$0x1] =	stream.indirect.gather [hbm4b:s5+s19], $0x80, s3, s19, $0xb8;
	[tilespmem:$0x1F400] =	vst v63  }
0x28: {  	_ =	swait.ge [sflag:s21], $0x2800  }
0x29: {  	[sflag:s21] =	ssyncset.done $0x0  }
0x2a: {  	s29 =	simm.s32 $0x2780;
	[sflag:s21] =	ssyncadd.s32 $0xFFFFD800  }
0x2b: {  	[spmem:s2] =	stream.indirect.scatter.add.f32 [tilespmem:s20], [sflag:$0x3], $0x80, s29, s19, $0xb8;
	[tilespmem:$0x1F400] =	vst v63  }
0x2c: {  	s29 =	simm.s32 $0x50  }
0x2d: {  	[tilespmem:s22], [sflag:$0x2] =	stream.indirect.gather [hbm4b:s5+s19], $0x80, s29, s19, $0xb8;
	[tilespmem:$0x1F400] =	vst v63  }
0x2e: {  	_ =	swait.ge [sflag:s23], $0x2800  }
0x2f: {  	[sflag:s23] =	ssyncset.done $0x0  }
0x30: {  	[sflag:s23] =	ssyncadd.s32 $0xFFFFD800  }
0x31: {  	_ =	swait.ge [sflag:s24], $0x2800  }
0x32: {  	[sflag:s24] =	ssyncset.done $0x0  }
0x33: {  	s29 =	simm.s32 $0x2800;
	[sflag:s24] =	ssyncadd.s32 $0xFFFFD800  }
0x34: {  	[spmem:s2] =	stream.indirect.scatter.add.f32 [tilespmem:s22], [sflag:$0x4], $0x80, s29, s19, $0xb8;
	[tilespmem:$0x1F400] =	vst v63  }
0x35: {  	s29 =	simm.s32 $0xA0  }
0x36: {  	[tilespmem:s20], [sflag:$0x1] =	stream.indirect.gather [hbm4b:s5+s19], $0x80, s29, s19, $0xb8;
	[tilespmem:$0x1F400] =	vst v63  }
0x37: {  	_ =	swait.ge [sflag:s25], $0x2800  }
0x38: {  	s30 =	simm.s32 $0x400;
	[sflag:s25] =	ssyncset.done $0x0  }
.LBB2_2:
0x39: {  	p1 =	sne.s32 s30, $0xF400;
	[sflag:s25] =	ssyncadd.s32 $0xFFFFD800;
	s29 =	sadd.s32 $0xA0, s29  }
0x3a: {  	s31 =	smov.u32 s30;
	s30 =	sadd.s32 $0x400, s30  }
0x3b: {  	_ =	swait.ge [sflag:s21], $0x2800  }
0x3c: {  	s31 =	sshra.s32 s31, $0x2;
	[sflag:s21] =	ssyncset.done $0x0  }
0x3d: {  	s1 =	sadd.s32 $0x2780, s31;
	[sflag:s21] =	ssyncadd.s32 $0xFFFFD800  }
0x3e: {  	[spmem:s2] =	stream.indirect.scatter.add.f32 [tilespmem:s20], [sflag:$0x3], $0x80, s1, s19, $0xb8;
	[tilespmem:$0x1F400] =	vst v63  }
0x3f: {  	s1 =	sadd.s32 $0xFFFFFFB0, s29  }
0x40: {  	[tilespmem:s22], [sflag:$0x2] =	stream.indirect.gather [hbm4b:s5+s19], $0x80, s1, s19, $0xb8;
	[tilespmem:$0x1F400] =	vst v63  }
0x41: {  	_ =	swait.ge [sflag:s23], $0x2800  }
0x42: {  	[sflag:s23] =	ssyncset.done $0x0  }
0x43: {  	[sflag:s23] =	ssyncadd.s32 $0xFFFFD800  }
0x44: {  	_ =	swait.ge [sflag:s24], $0x2800  }
0x45: {  	[sflag:s24] =	ssyncset.done $0x0  }
0x46: {  	s1 =	sadd.s32 $0x2800, s31;
	[sflag:s24] =	ssyncadd.s32 $0xFFFFD800  }
0x47: {  	[spmem:s2] =	stream.indirect.scatter.add.f32 [tilespmem:s22], [sflag:$0x4], $0x80, s1, s19, $0xb8;
	[tilespmem:$0x1F400] =	vst v63  }
.Ltmp0:
0x48: {  	_ = 	snop;
	(pc) =	sbr.rel @p1 .LBB2_2-.Ltmp0, $4  }
0x49: {  	_ = 	snop  }
0x4a: {  	[tilespmem:s20], [sflag:$0x1] =	stream.indirect.gather [hbm4b:s5+s19], $0x80, s29, s19, $0xb8;
	[tilespmem:$0x1F400] =	vst v63  }
0x4b: {  	_ =	swait.ge [sflag:s25], $0x2800  }
0x4c: {  	[sflag:s25] =	ssyncset.done $0x0  }
0x4d: {  	[sflag:s25] =	ssyncadd.s32 $0xFFFFD800  }
0x4e: {  	_ =	swait.ge [sflag:s21], $0x2800  }
0x4f: {  	[sflag:s21] =	ssyncset.done $0x0  }
0x50: {  	[sflag:s21] =	ssyncadd.s32 $0xFFFFD800  }
0x51: {  	[spmem:s2] =	stream.indirect.scatter.add.f32 [tilespmem:s20], [sflag:$0x3], $0x80, s26, s19, $0xb8;
	[tilespmem:$0x1F400] =	vst v63  }
0x52: {  	_ =	swait.ge [sflag:s23], $0x2800  }
0x53: {  	[sflag:s23] =	ssyncset.done $0x0  }
0x54: {  	[sflag:s23] =	ssyncadd.s32 $0xFFFFD800  }
0x55: {  	s1 =	sadd.s32 @p0 $0x25080, s10;
	s29 =	simm.s32 @p0 $0x1FC5;
	[bflag:$0x0] =	sbarrier.arrive $0xFFFF  }
0x56: {  	[hbm:s1], [sflag:s29] =	dma.local @p0 [spmem:s12], $0x2080  }
0x57: {  	s1 =	simm.s32 @p0 $0x5  }
0x58: {  	_ =	swait.ge @p0 [sflag:s1], $0x2080  }
0x59: {  	s28 =	sadd.s32 $0x1, s28;
	[sflag:s1] =	ssyncset.done @p0 $0x0  }
0x5a: {  	p1 =	sne.s32 s28, s11;
	[sflag:s1] =	ssyncadd.s32 @p0 $0xFFFFDF80;
	s1 =	sadd.s32 @!p0 s4, s10  }
0x5b: {  	[hbm:s1], [sflag:s13] =	dma.local @!p0 [spmem:s14], $0x2780  }
.Ltmp1:
0x5c: {  	_ = 	snop;
	(pc) =	sbr.rel @p1 .LBB2_1-.Ltmp1, $4  }
0x5d: {  	s1 =	simm.s32 @!p0 $0x5  }
0x5e: {  	_ =	swait.ge @!p0 [sflag:s1], $0x2780  }
0x5f: {  	[sflag:s1] =	ssyncset.done @!p0 $0x0  }
0x60: {  	[sflag:s1] =	ssyncadd.s32 @!p0 $0xFFFFD880  }
0x61: {  	_ =	sfence.sel $0x180000  }
0x62: {  	[bflag:$0x0] =	sbarrier.arrive $0xFFFF  }
0x63: {  	_ =	strace $0x90000053  }
0x64: {  	[bflag:$0x2] =	sbarrier.arrive $0xFFFF  }
0x65: {  	p0 =	sne.s32 s0, $0x0;
	s0 =	rddreg [dreg:$0x2]  }
0x66: {  	s0 =	sadd.s32 @!p0 $0x100000, s0  }
0x67: {  	[sflag:s0] =	ssyncadd.tile.s32 @!p0 $0x1;
	_ =	shalt  }
.Lfunc_end2:
_tile_overlayer_lowered:
.L_overlay_start_2:
0x68: {  	(tag) =	ssettag $0x2  }
0x69: {  	s0 =	rddreg [dreg:$0x0];
	s2 =	stileid.u32  }
0x6a: {  	s1 =	rddreg [dreg:$0x1];
	p0 =	sne.s32 s2, $0x0  }
0x6b: {  	s3 =	rddreg [dreg:$0x2];
	[bflag:$0x3] =	sbarrier.arrive $0xFFFF;
	s2 =	simm.s32 @!p0 $0x1C05  }
0x6c: {  	[timem:s3], [sflag:s2] =	dma.local @!p0 [hbm:s0], s1  }
0x6d: {  	s0 =	simm.s32 @!p0 $0x5  }
0x6e: {  	_ =	swait.ge @!p0 [sflag:s0], s1  }
0x6f: {  	s1 =	ssub.s32 @!p0 $0x0, s1;
	[sflag:s0] =	ssyncset.done @!p0 $0x0  }
0x70: {  	[sflag:s0] =	ssyncadd.s32 @!p0 s1  }
0x71: {  	[bflag:$0x3] =	sbarrier.arrive $0xFFFF  }
0x72: {  	_ =	shalt  }

// kernel: kernel.36.cloned.1.call-start
scs
__scs_entry_jumppad:
0x0: {  	(pc) =	sbr.rel $0x88, $3  }
0x1: {  	(tag) =	ssettag $0x0;
	lr =	simm.s32 $0x1  }
0x2: {  	[smem:$0x3F92] =	sst lr;
	_ =	strace $0xD0000000  }
0x3: {  	_ = 	snop  }
0x4: {  	_ = 	snop  }
0x5: {  	_ = 	snop  }
0x6: {  	_ = 	snop  }
0x7: {  	_ = 	snop  }
__scs_overlays_trampoline_lowered:
0x8: {  	[smem:$0x3FA1] =	sst s0  }
0x9: {  	[smem:$0x3FA2] =	sst s1  }
0xa: {  	[smem:$0x3FA3] =	sst s2  }
0xb: {  	[smem:$0x3FA4] =	sst s3  }
0xc: {  	[smem:$0x3FA5] =	sst s4  }
0xd: {  	[smem:$0x3FA6] =	sst s5  }
0xe: {  	[smem:$0x3FA7] =	sst s6  }
0xf: {  	[smem:$0x3FA8] =	sst s7  }
0x10: {  	[smem:$0x3FA9] =	sst s8  }
0x11: {  	[smem:$0x3FAA] =	sst s9;
	s0 =	simm.s32 @!p0 $0x0  }
0x12: {  	s1 =	sld [smem:$0x3F90];
	s0 =	simm.s32 @p0 $0x1  }
0x13: {  	[smem:$0x3FAB] =	sst s0;
	s0 =	simm.s32 @!p1 $0x0  }
0x14: {  	s2 =	sld [smem:$0x3F8F];
	s0 =	simm.s32 @p1 $0x1  }
0x15: {  	[smem:$0x3FAC] =	sst s0;
	s0 =	simm.s32 @!p2 $0x0  }
0x16: {  	s3 =	sld [smem:$0x3FDB];
	s0 =	simm.s32 @p2 $0x1  }
0x17: {  	s4 =	simm.s32 $0x1BF5;
	[smem:$0x3FAE] =	sst s0  }
0x18: {  	s0 =	sld [smem:$0x3F91];
	_ =	swait.ge [sflag:s4], $0x0  }
0x19: {  	s7 =	sld [smem:$0x3F92]  }
0x1a: {  	s8 =	sadd.s32 $0xFFFFE003, lr  }
0x1b: {  	s9 =	sadd.s32 $0xFFFFFEF7, lr;
	s5 =	simm.s32 $0xFFFFFFFF;
	p2 =	slt.u32 s8, $0xFFFFF086  }
0x1c: {  	p1 =	slt.u32 s9, $0xF7A;
	s5 =	simm.s32 @!p2 $0x0  }
0x1d: {  	s5 =	simm.s32 @p1 $0x1;
	p0 =	seq.s32 s7, s2  }
0x1e: {  	s7 =	smul.u32 @!p0 $0xF7A, s2;
	p2 =	seq.s32 @!p0 s5, $0x0  }
0x1f: {  	s9 =	smul.u32 $0xF7A, s1;
	s8 =	simm.s32 @!p0 $0x1BF5;
	p2 =	por !p2, p0  }
0x20: {  	[sflag:s8] =	ssyncset.s32 @!p0 $0xFFFFF086;
	s6 =	sadd.s32 @!p0 s3, s7;
	s7 =	simm.s32 @!p0 $0x108  }
0x21: {  	s3 =	sadd.s32 s3, s9;
	s6 =	sadd.s32 @!p0 $0x88, s6;
	s7 =	simm.s32 @p2 $0x1082  }
0x22: {  	[simem:s7], [sflag:s8] =	dma.local @!p0 [hbm:s6], $0xF7A  }
0x23: {  	s9 =	sor.u32 $0xD0000000, s2;
	s6 =	simm.s32 $0x108;
	_ =	swait.ge @!p0 [sflag:s8], $0x0  }
0x24: {  	s3 =	sadd.s32 $0x88, s3;
	s6 =	simm.s32 @!p1 $0x1082;
	[sflag:s4] =	ssyncset.s32 $0xFFFFF086  }
0x25: {  	[simem:s6], [sflag:s4] =	dma.local [hbm:s3], $0xF7A  }
0x26: {  	[smem:$0x3F92] =	sst s1;
	(tag) =	ssettag s2;
	_ =	strace s9  }
0x27: {  	s1 =	sld [smem:$0x3FA2]  }
0x28: {  	s2 =	sld [smem:$0x3FA3]  }
0x29: {  	s4 =	sld [smem:$0x3FA5]  }
0x2a: {  	p0 =	seq.s32 s5, $0x0;
	s5 =	sld [smem:$0x3FA6]  }
0x2b: {  	s6 =	sld [smem:$0x3FA7]  }
0x2c: {  	s7 =	sld [smem:$0x3FA8]  }
0x2d: {  	s3 =	simm.s32 $0x108;
	s8 =	sld [smem:$0x3FA9]  }
0x2e: {  	s3 =	simm.s32 @!p0 $0x1082;
	s9 =	sld [smem:$0x3FAA]  }
0x2f: {  	lr =	sadd.s32 s0, s3;
	s0 =	sld [smem:$0x3FA1]  }
0x30: {  	s3 =	sld [smem:$0x3FA4]  }
0x31: {  	[smem:$0x3FAD] =	sst s10  }
0x32: {  	s10 =	sld [smem:$0x3FAB];
	_ =	sdelay $0x3  }
0x33: {  	p0 =	seq.s32 s10, $0x1;
	s10 =	sld [smem:$0x3FAD];
	_ =	sdelay $0x3  }
0x34: {  	[smem:$0x3FAD] =	sst s10  }
0x35: {  	s10 =	sld [smem:$0x3FAC];
	_ =	sdelay $0x3  }
0x36: {  	p1 =	seq.s32 s10, $0x1;
	s10 =	sld [smem:$0x3FAD];
	_ =	sdelay $0x3  }
0x37: {  	[smem:$0x3FAD] =	sst s10  }
0x38: {  	s10 =	sld [smem:$0x3FAE]  }
0x39: {  	_ = 	snop;
	(pc) =	sbr.ind lr, $3  }
0x3a: {  	_ = 	snop  }
0x3b: {  	_ = 	snop  }
0x3c: {  	p2 =	seq.s32 s10, $0x1;
	s10 =	sld [smem:$0x3FAD]  }
0x3d: {  	_ =	shalt  }
0x3e: {  	_ =	shalt  }
0x3f: {  	_ =	shalt  }
0x40: {  	_ =	shalt  }
0x41: {  	_ =	shalt  }
0x42: {  	_ =	shalt  }
0x43: {  	_ =	shalt  }
0x44: {  	_ =	shalt  }
0x45: {  	_ =	shalt  }
0x46: {  	_ =	shalt  }
0x47: {  	_ =	shalt  }
0x48: {  	_ =	shalt  }
0x49: {  	_ =	shalt  }
0x4a: {  	_ =	shalt  }
0x4b: {  	_ =	shalt  }
0x4c: {  	_ =	shalt  }
0x4d: {  	_ =	shalt  }
0x4e: {  	_ =	shalt  }
0x4f: {  	_ =	shalt  }
0x50: {  	_ =	shalt  }
0x51: {  	_ =	shalt  }
0x52: {  	_ =	shalt  }
0x53: {  	_ =	shalt  }
0x54: {  	_ =	shalt  }
0x55: {  	_ =	shalt  }
0x56: {  	_ =	shalt  }
0x57: {  	_ =	shalt  }
0x58: {  	_ =	shalt  }
0x59: {  	_ =	shalt  }
0x5a: {  	_ =	shalt  }
0x5b: {  	_ =	shalt  }
0x5c: {  	_ =	shalt  }
0x5d: {  	_ =	shalt  }
0x5e: {  	_ =	shalt  }
0x5f: {  	_ =	shalt  }
0x60: {  	_ =	shalt  }
0x61: {  	_ =	shalt  }
0x62: {  	_ =	shalt  }
0x63: {  	_ =	shalt  }
0x64: {  	_ =	shalt  }
0x65: {  	_ =	shalt  }
0x66: {  	_ =	shalt  }
0x67: {  	_ =	shalt  }
0x68: {  	_ =	shalt  }
0x69: {  	_ =	shalt  }
0x6a: {  	_ =	shalt  }
0x6b: {  	_ =	shalt  }
0x6c: {  	_ =	shalt  }
0x6d: {  	_ =	shalt  }
0x6e: {  	_ =	shalt  }
0x6f: {  	_ =	shalt  }
0x70: {  	_ =	shalt  }
0x71: {  	_ =	shalt  }
0x72: {  	_ =	shalt  }
0x73: {  	_ =	shalt  }
0x74: {  	_ =	shalt  }
0x75: {  	_ =	shalt  }
0x76: {  	_ =	shalt  }
0x77: {  	_ =	shalt  }
0x78: {  	_ =	shalt  }
0x79: {  	_ =	shalt  }
0x7a: {  	_ =	shalt  }
0x7b: {  	_ =	shalt  }
0x7c: {  	_ =	shalt  }
0x7d: {  	_ =	shalt  }
0x7e: {  	_ =	shalt  }
0x7f: {  	_ =	shalt  }
0x80: {  	_ =	shalt  }
0x81: {  	_ =	shalt  }
0x82: {  	_ =	shalt  }
0x83: {  	_ =	shalt  }
0x84: {  	_ =	shalt  }
0x85: {  	_ =	shalt  }
0x86: {  	_ =	shalt  }
0x87: {  	_ =	shalt  }
.Lfunc_end0:
.L_simem_size_0:
called_computation.5_lowered:
.L_overlay_start_0:
0x88: {  	s2 =	sld [smem:$0x3FD9]  }
0x89: {  	s3 =	sld [smem:$0x3FFE];
	_ =	sdelay $0x1  }
0x8a: {  	s1 =	srdreg.scid  }
0x8b: {  	s0 =	sand.u32 $0x1, s1  }
0x8c: {  	s16 =	sshll.u32 s0, $0xA;
	s2 =	sadd.s32 s3, s2  }
0x8d: {  	s2 =	sadd.s32 s2, s16  }
0x8e: {  	[smem:$0x3FB9] =	sst s2  }
0x8f: {  	_ = 	snop  }
0x90: {  	(tm) =	ssettm $0x1  }
0x91: {  	s17 =	sld [smem:$0x3FFB];
	_ =	sdelay $0x3  }
0x92: {  	_ =	strace s17  }
0x93: {  	s2 =	sld [smem:$0x3FFC];
	_ =	sdelay $0x3  }
0x94: {  	_ =	strace s2  }
0x95: {  	s2 =	sld [smem:$0x3FFD];
	_ =	sdelay $0x3  }
0x96: {  	_ =	strace s2  }
0x97: {  	_ =	strace $0x8FFFFFFF  }
0x98: {  	s18 =	sld [smem:$0x3FDB];
	_ =	sdelay $0x1  }
0x99: {  	s19 =	simm.s32 $_scs_section_size  }
0x9a: {  	s4 =	simm.s32 $_size__tile_overlayer_lowered;
	s5 =	simm.s32 $_tile_overlayer_lowered  }
0x9b: {  	s22 =	simm.s32 $0x1BFF;
	s21 =	sshll.u32 s5, $0x1;
	s2 =	sadd.s32 s19, s18  }
0x9c: {  	s6 =	simm.s32 $0x0;
	s20 =	sshll.u32 s4, $0x1;
	s4 =	sadd.s32 s21, s2  }
0x9d: {  	[timem:s6], [sflag:s22] =	dma.local [hbm:s4], s20  }
0x9e: {  	_ =	swait.ge [sflag:s22], s20  }
0x9f: {  	s3 =	ssub.s32 $0x0, s20;
	[sflag:s22] =	ssyncset.done $0x0  }
0xa0: {  	[sflag:s22] =	ssyncadd.s32 s3;
	_ =	sdelay $0x1  }
0xa1: {  	s23 =	simm.s32 $0x1B8B  }
0xa2: {  	_ =	swait.ge [sflag:s23], $0x1  }
0xa3: {  	[sflag:s23] =	ssyncset.done $0x0  }
0xa4: {  	s25 =	simm.s32 $0x1B8E;
	s24 =	sld [smem:$0x3FFE];
	[sflag:s23] =	ssyncadd.s32 $0xFFFFFFFF  }
0xa5: {  	s26 =	simm.s32 $execute0_lowered;
	[smem:$0x3FD2] =	sst s25  }
0xa6: {  	s4 =	sshll.u32 s26, $0x1;
	_ =	strace $0x80000055;
	[dreg:$0x1] =	wrdreg $0xFFFFFFFF  }
0xa7: {  	s28 =	simm.s32 $_size_execute0_lowered;
	s2 =	sadd.s32 s2, s4;
	[dreg:$0x0] =	wrdreg $0x0  }
0xa8: {  	s4 =	sshll.u32 s28, $0x1;
	[dreg:$0x2] =	wrdreg s2  }
0xa9: {  	[dreg:$0x3] =	wrdreg s4  }
0xaa: {  	[dreg:$0x4] =	wrdreg $0xC0  }
0xab: {  	_ =	task [dreg:s6], $0x5FFFF  }
0xac: {  	[dreg:$0x1] =	wrdreg $0xFFFFFFFF  }
0xad: {  	[dreg:$0x0] =	wrdreg $0x60  }
0xae: {  	[dreg:$0x2] =	wrdreg s24  }
0xaf: {  	[dreg:$0x3] =	wrdreg $0xB7800  }
0xb0: {  	[dreg:$0x4] =	wrdreg $0x9  }
0xb1: {  	_ =	task.clear_ibuf [dreg:s6], $0x5FFFF;
	_ =	strace $0x90000055  }
0xb2: {  	s29 =	simm.s32 $0x9;
	_ =	strace $0x80000057  }
0xb3: {  	_ =	swait.ge [sflag:s29], $0x1  }
0xb4: {  	[sflag:s29] =	ssyncadd.s32 $0xFFFFFFFF  }
0xb5: {  	_ =	strace $0x90000057  }
0xb6: {  	_ =	sfence  }
0xb7: {  	s30 =	sld [smem:$0x0];
	_ =	sdelay $0x2  }
0xb8: {  	s31 =	sshll.u32 s1, $0xD;
	s1 =	sshrl.u32 s1, $0x2  }
0xb9: {  	s3 =	sand.u32 $0x4000, s31;
	s1 =	sadd.s32 s1, s30  }
0xba: {  	s0 =	sor.u32 s3, s0;
	s1 =	sshll.u32 s1, $0x11  }
0xbb: {  	s0 =	sor.u32 s1, s0  }
0xbc: {  	s0 =	sadd.s32 $0x8F2B, s0  }
0xbd: {  	[sflag:s0] =	ssyncadd.remote.s32 $0x1  }
0xbe: {  	_ =	sfence.sel $0xFFFF  }
0xbf: {  	[dreg:$0x0] =	wrdreg $0xFFFFFFFF;
	(pc) =	sbr.abs _section_cstart, $3  }
0xc0: {  	[dreg:$0x1] =	wrdreg $0xFFFFFFFF  }
0xc1: {  	_ =	task.clear_ibuf [dreg:s6], $0x2FFFF;
	_ =	strace $0x9FFFFFFF  }
0xc2: {  	(tm) =	ssettm $0x7FFFFFFF  }
0xc3: {  	_ =	shalt  }
tec
execute0_lowered:
.L_overlay_start_1:
0x0: {  	(tag) =	ssettag $0x1  }
0x1: {  	s7 =	rddreg [dreg:$0x0];
	s1 =	srdreg.scid  }
0x2: {  	s0 =	stileid.u32;
	s2 =	rddreg [dreg:$0x1]  }
0x3: {  	s16 =	simm.s32 $0x400;
	s17 =	simm.s32 $0x5;
	s18 =	simm.s32 $0x2780  }
0x4: {  	s19 =	simm.s32 $0x50;
	s20 =	simm.s32 $0x6780;
	s21 =	simm.s32 $0x1  }
0x5: {  	s22 =	simm.s32 $0x8F80;
	s23 =	simm.s32 $0x3;
	s24 =	simm.s32 $0x2  }
0x6: {  	s25 =	simm.s32 $0x4;
	s26 =	simm.s32 $0x6580;
	s28 =	simm.s32 $0x0  }
0x7: {  	s6 =	sand.u32 $0x1, s1;
	s3 =	sshll.u32 s0, $0x1;
	s4 =	sshrl.u32 s0, $0x2  }
0x8: {  	s11 =	smul.u32 $0x4F000, s0;
	s15 =	sadd.s32 $0x128400, s2;
	p0 =	seq.s32 s0, $0xF  }
0x9: {  	s8 =	sor.u32 s6, s3;
	s3 =	simm.s32 $0x0;
	s4 =	smul.u32 $0x13C00, s4  }
0xa: {  	s10 =	smul.u32 $0x27100, s6;
	s6 =	ssub.s32 $0x2, s6;
	s5 =	sshll.u32 s8, $0x7  }
0xb: {  	[smem:$0x7FF] =	sst s3;
	s8 =	sshll.u32 s8, $0xB;
	s13 =	sshrl.u32 s6, $0x1  }
0xc: {  	s11 =	sshrl.u32 s11, $0x2;
	s5 =	sand.u32 $0x380, s5;
	_ =	strace $0x80000056  }
0xd: {  	s12 =	sadd.s32 s8, s7;
	s10 =	sadd.s32 s10, s7;
	s13 =	ssub.s32 s6, s13  }
0xe: {  	s14 =	sadd.s32 s11, s2;
	s9 =	sor.u32 s4, s5;
	s4 =	smul.u32 $0x2780, s0  }
0xf: {  	s5 =	sadd.s32 $0x20600, s7;
	s10 =	sadd.s32 $0x6EA00, s10;
	s11 =	smax.u32 s13, $0x1  }
0x10: {  	s13 =	sshll.u32 @!p0 s0, $0x6;
	s14 =	sshrl.u32 @!p0 s14, $0x3;
	s9 =	sshrl.u32 s9, $0x3  }
0x11: {  	s13 =	sor.u32 @!p0 $0x1C05, s13;
	s9 =	sadd.s32 s9, s7;
	s31 =	sadd.s32 s4, s7  }
0x12: {  	s7 =	sadd.s32 $0x6C880, s7;
	s6 =	sadd.s32 $0x47800, s31;
	s8 =	sadd.s32 $0x16800, s9  }
0x13: {  	s9 =	sadd.s32 $0x6800, s12;
	s12 =	sshrl.u32 @p0 s15, $0x3;
	s15 =	simm.s32 $0x80  }
.LBB2_1:
0x14: {  	s29 =	simm.s32 @p0 $0x1FC5  }
0x15: {  	[spmem:s12], [sflag:s29] =	dma.local @p0 [hbm:s7], $0x2080  }
0x16: {  	s29 =	simm.s32 @p0 $0x5  }
0x17: {  	_ =	swait.ge @p0 [sflag:s29], $0x2080  }
0x18: {  	[sflag:s29] =	ssyncset.done @p0 $0x0  }
0x19: {  	[sflag:s29] =	ssyncadd.s32 @p0 $0xFFFFDF80;
	s29 =	simm.s32 @!p0 $0x5  }
0x1a: {  	[spmem:s14], [sflag:s13] =	dma.local @!p0 [hbm:s6], $0x2780  }
0x1b: {  	_ =	swait.ge @!p0 [sflag:s29], $0x2780  }
0x1c: {  	[sflag:s29] =	ssyncset.done @!p0 $0x0  }
0x1d: {  	[sflag:s29] =	ssyncadd.s32 @!p0 $0xFFFFD880  }
0x1e: {  	[tilespmem:s3], [sflag:$0x5] =	stream.strided.gather [hbm4b:s8+s15], $0x2780, s16, s15, $0x38;
	[tilespmem:$0x1F400] =	vst v63  }
0x1f: {  	_ =	swait.ge [sflag:s17], $0x2780  }
0x20: {  	[sflag:s17] =	ssyncset.done $0x0  }
0x21: {  	[sflag:s17] =	ssyncadd.s32 $0xFFFFD880  }
0x22: {  	[tilespmem:s18], [sflag:$0x5] =	stream.linear.gather [hbm4b:s9+s3], $0x3E80, $0x38;
	[tilespmem:$0x1F400] =	vst v63  }
0x23: {  	_ =	swait.ge [sflag:s17], $0x3E80  }
0x24: {  	[sflag:s17] =	ssyncset.done $0x0  }
0x25: {  	[sflag:s17] =	ssyncadd.s32 $0xFFFFC180  }
0x26: {  	[bflag:$0x0] =	sbarrier.arrive $0xFFFF  }
0x27: {  	[tilespmem:s20], [sflag:$0x1] =	stream.indirect.gather [hbm4b:s5+s19], $0x80, s3, s19, $0xb8;
	[tilespmem:$0x1F400] =	vst v63  }
0x28: {  	_ =	swait.ge [sflag:s21], $0x2800  }
0x29: {  	[sflag:s21] =	ssyncset.done $0x0  }
0x2a: {  	s29 =	simm.s32 $0x2780;
	[sflag:s21] =	ssyncadd.s32 $0xFFFFD800  }
0x2b: {  	[spmem:s2] =	stream.indirect.scatter.add.f32 [tilespmem:s20], [sflag:$0x3], $0x80, s29, s19, $0xb8;
	[tilespmem:$0x1F400] =	vst v63  }
0x2c: {  	s29 =	simm.s32 $0x50  }
0x2d: {  	[tilespmem:s22], [sflag:$0x2] =	stream.indirect.gather [hbm4b:s5+s19], $0x80, s29, s19, $0xb8;
	[tilespmem:$0x1F400] =	vst v63  }
0x2e: {  	_ =	swait.ge [sflag:s23], $0x2800  }
0x2f: {  	[sflag:s23] =	ssyncset.done $0x0  }
0x30: {  	[sflag:s23] =	ssyncadd.s32 $0xFFFFD800  }
0x31: {  	_ =	swait.ge [sflag:s24], $0x2800  }
0x32: {  	[sflag:s24] =	ssyncset.done $0x0  }
0x33: {  	s29 =	simm.s32 $0x2800;
	[sflag:s24] =	ssyncadd.s32 $0xFFFFD800  }
0x34: {  	[spmem:s2] =	stream.indirect.scatter.add.f32 [tilespmem:s22], [sflag:$0x4], $0x80, s29, s19, $0xb8;
	[tilespmem:$0x1F400] =	vst v63  }
0x35: {  	s29 =	simm.s32 $0xA0  }
0x36: {  	[tilespmem:s20], [sflag:$0x1] =	stream.indirect.gather [hbm4b:s5+s19], $0x80, s29, s19, $0xb8;
	[tilespmem:$0x1F400] =	vst v63  }
0x37: {  	_ =	swait.ge [sflag:s25], $0x2800  }
0x38: {  	s30 =	simm.s32 $0x400;
	[sflag:s25] =	ssyncset.done $0x0  }
.LBB2_2:
0x39: {  	p1 =	sne.s32 s30, $0xF400;
	[sflag:s25] =	ssyncadd.s32 $0xFFFFD800;
	s29 =	sadd.s32 $0xA0, s29  }
0x3a: {  	s31 =	smov.u32 s30;
	s30 =	sadd.s32 $0x400, s30  }
0x3b: {  	_ =	swait.ge [sflag:s21], $0x2800  }
0x3c: {  	s31 =	sshra.s32 s31, $0x2;
	[sflag:s21] =	ssyncset.done $0x0  }
0x3d: {  	s1 =	sadd.s32 $0x2780, s31;
	[sflag:s21] =	ssyncadd.s32 $0xFFFFD800  }
0x3e: {  	[spmem:s2] =	stream.indirect.scatter.add.f32 [tilespmem:s20], [sflag:$0x3], $0x80, s1, s19, $0xb8;
	[tilespmem:$0x1F400] =	vst v63  }
0x3f: {  	s1 =	sadd.s32 $0xFFFFFFB0, s29  }
0x40: {  	[tilespmem:s22], [sflag:$0x2] =	stream.indirect.gather [hbm4b:s5+s19], $0x80, s1, s19, $0xb8;
	[tilespmem:$0x1F400] =	vst v63  }
0x41: {  	_ =	swait.ge [sflag:s23], $0x2800  }
0x42: {  	[sflag:s23] =	ssyncset.done $0x0  }
0x43: {  	[sflag:s23] =	ssyncadd.s32 $0xFFFFD800  }
0x44: {  	_ =	swait.ge [sflag:s24], $0x2800  }
0x45: {  	[sflag:s24] =	ssyncset.done $0x0  }
0x46: {  	s1 =	sadd.s32 $0x2800, s31;
	[sflag:s24] =	ssyncadd.s32 $0xFFFFD800  }
0x47: {  	[spmem:s2] =	stream.indirect.scatter.add.f32 [tilespmem:s22], [sflag:$0x4], $0x80, s1, s19, $0xb8;
	[tilespmem:$0x1F400] =	vst v63  }
.Ltmp0:
0x48: {  	_ = 	snop;
	(pc) =	sbr.rel @p1 .LBB2_2-.Ltmp0, $4  }
0x49: {  	_ = 	snop  }
0x4a: {  	[tilespmem:s20], [sflag:$0x1] =	stream.indirect.gather [hbm4b:s5+s19], $0x80, s29, s19, $0xb8;
	[tilespmem:$0x1F400] =	vst v63  }
0x4b: {  	_ =	swait.ge [sflag:s25], $0x2800  }
0x4c: {  	[sflag:s25] =	ssyncset.done $0x0  }
0x4d: {  	[sflag:s25] =	ssyncadd.s32 $0xFFFFD800  }
0x4e: {  	_ =	swait.ge [sflag:s21], $0x2800  }
0x4f: {  	[sflag:s21] =	ssyncset.done $0x0  }
0x50: {  	[sflag:s21] =	ssyncadd.s32 $0xFFFFD800  }
0x51: {  	[spmem:s2] =	stream.indirect.scatter.add.f32 [tilespmem:s20], [sflag:$0x3], $0x80, s26, s19, $0xb8;
	[tilespmem:$0x1F400] =	vst v63  }
0x52: {  	_ =	swait.ge [sflag:s23], $0x2800  }
0x53: {  	[sflag:s23] =	ssyncset.done $0x0  }
0x54: {  	[sflag:s23] =	ssyncadd.s32 $0xFFFFD800  }
0x55: {  	s1 =	sadd.s32 @p0 $0x25080, s10;
	s29 =	simm.s32 @p0 $0x1FC5;
	[bflag:$0x0] =	sbarrier.arrive $0xFFFF  }
0x56: {  	[hbm:s1], [sflag:s29] =	dma.local @p0 [spmem:s12], $0x2080  }
0x57: {  	s1 =	simm.s32 @p0 $0x5  }
0x58: {  	_ =	swait.ge @p0 [sflag:s1], $0x2080  }
0x59: {  	s28 =	sadd.s32 $0x1, s28;
	[sflag:s1] =	ssyncset.done @p0 $0x0  }
0x5a: {  	p1 =	sne.s32 s28, s11;
	[sflag:s1] =	ssyncadd.s32 @p0 $0xFFFFDF80;
	s1 =	sadd.s32 @!p0 s4, s10  }
0x5b: {  	[hbm:s1], [sflag:s13] =	dma.local @!p0 [spmem:s14], $0x2780  }
.Ltmp1:
0x5c: {  	_ = 	snop;
	(pc) =	sbr.rel @p1 .LBB2_1-.Ltmp1, $4  }
0x5d: {  	s1 =	simm.s32 @!p0 $0x5  }
0x5e: {  	_ =	swait.ge @!p0 [sflag:s1], $0x2780  }
0x5f: {  	[sflag:s1] =	ssyncset.done @!p0 $0x0  }
0x60: {  	[sflag:s1] =	ssyncadd.s32 @!p0 $0xFFFFD880  }
0x61: {  	_ =	sfence.sel $0x180000  }
0x62: {  	[bflag:$0x0] =	sbarrier.arrive $0xFFFF  }
0x63: {  	_ =	strace $0x90000056  }
0x64: {  	[bflag:$0x2] =	sbarrier.arrive $0xFFFF  }
0x65: {  	p0 =	sne.s32 s0, $0x0;
	s0 =	rddreg [dreg:$0x2]  }
0x66: {  	s0 =	sadd.s32 @!p0 $0x100000, s0  }
0x67: {  	[sflag:s0] =	ssyncadd.tile.s32 @!p0 $0x1;
	_ =	shalt  }
.Lfunc_end2:
_tile_overlayer_lowered:
.L_overlay_start_2:
0x68: {  	(tag) =	ssettag $0x2  }
0x69: {  	s0 =	rddreg [dreg:$0x0];
	s2 =	stileid.u32  }
0x6a: {  	s1 =	rddreg [dreg:$0x1];
	p0 =	sne.s32 s2, $0x0  }
0x6b: {  	s3 =	rddreg [dreg:$0x2];
	[bflag:$0x3] =	sbarrier.arrive $0xFFFF;
	s2 =	simm.s32 @!p0 $0x1C05  }
0x6c: {  	[timem:s3], [sflag:s2] =	dma.local @!p0 [hbm:s0], s1  }
0x6d: {  	s0 =	simm.s32 @!p0 $0x5  }
0x6e: {  	_ =	swait.ge @!p0 [sflag:s0], s1  }
0x6f: {  	s1 =	ssub.s32 @!p0 $0x0, s1;
	[sflag:s0] =	ssyncset.done @!p0 $0x0  }
0x70: {  	[sflag:s0] =	ssyncadd.s32 @!p0 s1  }
0x71: {  	[bflag:$0x3] =	sbarrier.arrive $0xFFFF  }
0x72: {  	_ =	shalt  }

// kernel: kernel.39.cloned.1.call-start
scs
__scs_entry_jumppad:
0x0: {  	(pc) =	sbr.rel $0x88, $3  }
0x1: {  	(tag) =	ssettag $0x0;
	lr =	simm.s32 $0x1  }
0x2: {  	[smem:$0x3F92] =	sst lr;
	_ =	strace $0xD0000000  }
0x3: {  	_ = 	snop  }
0x4: {  	_ = 	snop  }
0x5: {  	_ = 	snop  }
0x6: {  	_ = 	snop  }
0x7: {  	_ = 	snop  }
__scs_overlays_trampoline_lowered:
0x8: {  	[smem:$0x3FA1] =	sst s0  }
0x9: {  	[smem:$0x3FA2] =	sst s1  }
0xa: {  	[smem:$0x3FA3] =	sst s2  }
0xb: {  	[smem:$0x3FA4] =	sst s3  }
0xc: {  	[smem:$0x3FA5] =	sst s4  }
0xd: {  	[smem:$0x3FA6] =	sst s5  }
0xe: {  	[smem:$0x3FA7] =	sst s6  }
0xf: {  	[smem:$0x3FA8] =	sst s7  }
0x10: {  	[smem:$0x3FA9] =	sst s8  }
0x11: {  	[smem:$0x3FAA] =	sst s9;
	s0 =	simm.s32 @!p0 $0x0  }
0x12: {  	s1 =	sld [smem:$0x3F90];
	s0 =	simm.s32 @p0 $0x1  }
0x13: {  	[smem:$0x3FAB] =	sst s0;
	s0 =	simm.s32 @!p1 $0x0  }
0x14: {  	s2 =	sld [smem:$0x3F8F];
	s0 =	simm.s32 @p1 $0x1  }
0x15: {  	[smem:$0x3FAC] =	sst s0;
	s0 =	simm.s32 @!p2 $0x0  }
0x16: {  	s3 =	sld [smem:$0x3FDB];
	s0 =	simm.s32 @p2 $0x1  }
0x17: {  	s4 =	simm.s32 $0x1BF5;
	[smem:$0x3FAE] =	sst s0  }
0x18: {  	s0 =	sld [smem:$0x3F91];
	_ =	swait.ge [sflag:s4], $0x0  }
0x19: {  	s7 =	sld [smem:$0x3F92]  }
0x1a: {  	s8 =	sadd.s32 $0xFFFFE003, lr  }
0x1b: {  	s9 =	sadd.s32 $0xFFFFFEF7, lr;
	s5 =	simm.s32 $0xFFFFFFFF;
	p2 =	slt.u32 s8, $0xFFFFF086  }
0x1c: {  	p1 =	slt.u32 s9, $0xF7A;
	s5 =	simm.s32 @!p2 $0x0  }
0x1d: {  	s5 =	simm.s32 @p1 $0x1;
	p0 =	seq.s32 s7, s2  }
0x1e: {  	s7 =	smul.u32 @!p0 $0xF7A, s2;
	p2 =	seq.s32 @!p0 s5, $0x0  }
0x1f: {  	s9 =	smul.u32 $0xF7A, s1;
	s8 =	simm.s32 @!p0 $0x1BF5;
	p2 =	por !p2, p0  }
0x20: {  	[sflag:s8] =	ssyncset.s32 @!p0 $0xFFFFF086;
	s6 =	sadd.s32 @!p0 s3, s7;
	s7 =	simm.s32 @!p0 $0x108  }
0x21: {  	s3 =	sadd.s32 s3, s9;
	s6 =	sadd.s32 @!p0 $0x88, s6;
	s7 =	simm.s32 @p2 $0x1082  }
0x22: {  	[simem:s7], [sflag:s8] =	dma.local @!p0 [hbm:s6], $0xF7A  }
0x23: {  	s9 =	sor.u32 $0xD0000000, s2;
	s6 =	simm.s32 $0x108;
	_ =	swait.ge @!p0 [sflag:s8], $0x0  }
0x24: {  	s3 =	sadd.s32 $0x88, s3;
	s6 =	simm.s32 @!p1 $0x1082;
	[sflag:s4] =	ssyncset.s32 $0xFFFFF086  }
0x25: {  	[simem:s6], [sflag:s4] =	dma.local [hbm:s3], $0xF7A  }
0x26: {  	[smem:$0x3F92] =	sst s1;
	(tag) =	ssettag s2;
	_ =	strace s9  }
0x27: {  	s1 =	sld [smem:$0x3FA2]  }
0x28: {  	s2 =	sld [smem:$0x3FA3]  }
0x29: {  	s4 =	sld [smem:$0x3FA5]  }
0x2a: {  	p0 =	seq.s32 s5, $0x0;
	s5 =	sld [smem:$0x3FA6]  }
0x2b: {  	s6 =	sld [smem:$0x3FA7]  }
0x2c: {  	s7 =	sld [smem:$0x3FA8]  }
0x2d: {  	s3 =	simm.s32 $0x108;
	s8 =	sld [smem:$0x3FA9]  }
0x2e: {  	s3 =	simm.s32 @!p0 $0x1082;
	s9 =	sld [smem:$0x3FAA]  }
0x2f: {  	lr =	sadd.s32 s0, s3;
	s0 =	sld [smem:$0x3FA1]  }
0x30: {  	s3 =	sld [smem:$0x3FA4]  }
0x31: {  	[smem:$0x3FAD] =	sst s10  }
0x32: {  	s10 =	sld [smem:$0x3FAB];
	_ =	sdelay $0x3  }
0x33: {  	p0 =	seq.s32 s10, $0x1;
	s10 =	sld [smem:$0x3FAD];
	_ =	sdelay $0x3  }
0x34: {  	[smem:$0x3FAD] =	sst s10  }
0x35: {  	s10 =	sld [smem:$0x3FAC];
	_ =	sdelay $0x3  }
0x36: {  	p1 =	seq.s32 s10, $0x1;
	s10 =	sld [smem:$0x3FAD];
	_ =	sdelay $0x3  }
0x37: {  	[smem:$0x3FAD] =	sst s10  }
0x38: {  	s10 =	sld [smem:$0x3FAE]  }
0x39: {  	_ = 	snop;
	(pc) =	sbr.ind lr, $3  }
0x3a: {  	_ = 	snop  }
0x3b: {  	_ = 	snop  }
0x3c: {  	p2 =	seq.s32 s10, $0x1;
	s10 =	sld [smem:$0x3FAD]  }
0x3d: {  	_ =	shalt  }
0x3e: {  	_ =	shalt  }
0x3f: {  	_ =	shalt  }
0x40: {  	_ =	shalt  }
0x41: {  	_ =	shalt  }
0x42: {  	_ =	shalt  }
0x43: {  	_ =	shalt  }
0x44: {  	_ =	shalt  }
0x45: {  	_ =	shalt  }
0x46: {  	_ =	shalt  }
0x47: {  	_ =	shalt  }
0x48: {  	_ =	shalt  }
0x49: {  	_ =	shalt  }
0x4a: {  	_ =	shalt  }
0x4b: {  	_ =	shalt  }
0x4c: {  	_ =	shalt  }
0x4d: {  	_ =	shalt  }
0x4e: {  	_ =	shalt  }
0x4f: {  	_ =	shalt  }
0x50: {  	_ =	shalt  }
0x51: {  	_ =	shalt  }
0x52: {  	_ =	shalt  }
0x53: {  	_ =	shalt  }
0x54: {  	_ =	shalt  }
0x55: {  	_ =	shalt  }
0x56: {  	_ =	shalt  }
0x57: {  	_ =	shalt  }
0x58: {  	_ =	shalt  }
0x59: {  	_ =	shalt  }
0x5a: {  	_ =	shalt  }
0x5b: {  	_ =	shalt  }
0x5c: {  	_ =	shalt  }
0x5d: {  	_ =	shalt  }
0x5e: {  	_ =	shalt  }
0x5f: {  	_ =	shalt  }
0x60: {  	_ =	shalt  }
0x61: {  	_ =	shalt  }
0x62: {  	_ =	shalt  }
0x63: {  	_ =	shalt  }
0x64: {  	_ =	shalt  }
0x65: {  	_ =	shalt  }
0x66: {  	_ =	shalt  }
0x67: {  	_ =	shalt  }
0x68: {  	_ =	shalt  }
0x69: {  	_ =	shalt  }
0x6a: {  	_ =	shalt  }
0x6b: {  	_ =	shalt  }
0x6c: {  	_ =	shalt  }
0x6d: {  	_ =	shalt  }
0x6e: {  	_ =	shalt  }
0x6f: {  	_ =	shalt  }
0x70: {  	_ =	shalt  }
0x71: {  	_ =	shalt  }
0x72: {  	_ =	shalt  }
0x73: {  	_ =	shalt  }
0x74: {  	_ =	shalt  }
0x75: {  	_ =	shalt  }
0x76: {  	_ =	shalt  }
0x77: {  	_ =	shalt  }
0x78: {  	_ =	shalt  }
0x79: {  	_ =	shalt  }
0x7a: {  	_ =	shalt  }
0x7b: {  	_ =	shalt  }
0x7c: {  	_ =	shalt  }
0x7d: {  	_ =	shalt  }
0x7e: {  	_ =	shalt  }
0x7f: {  	_ =	shalt  }
0x80: {  	_ =	shalt  }
0x81: {  	_ =	shalt  }
0x82: {  	_ =	shalt  }
0x83: {  	_ =	shalt  }
0x84: {  	_ =	shalt  }
0x85: {  	_ =	shalt  }
0x86: {  	_ =	shalt  }
0x87: {  	_ =	shalt  }
.Lfunc_end0:
.L_simem_size_0:
called_computation.6_lowered:
.L_overlay_start_0:
0x88: {  	s2 =	sld [smem:$0x3FD9]  }
0x89: {  	s3 =	sld [smem:$0x3FFE];
	_ =	sdelay $0x1  }
0x8a: {  	s1 =	srdreg.scid  }
0x8b: {  	s0 =	sand.u32 $0x1, s1  }
0x8c: {  	s16 =	sshll.u32 s0, $0xA;
	s2 =	sadd.s32 s3, s2  }
0x8d: {  	s2 =	sadd.s32 s2, s16  }
0x8e: {  	[smem:$0x3FB9] =	sst s2  }
0x8f: {  	_ = 	snop  }
0x90: {  	(tm) =	ssettm $0x1  }
0x91: {  	s17 =	sld [smem:$0x3FFB];
	_ =	sdelay $0x3  }
0x92: {  	_ =	strace s17  }
0x93: {  	s2 =	sld [smem:$0x3FFC];
	_ =	sdelay $0x3  }
0x94: {  	_ =	strace s2  }
0x95: {  	s2 =	sld [smem:$0x3FFD];
	_ =	sdelay $0x3  }
0x96: {  	_ =	strace s2  }
0x97: {  	_ =	strace $0x8FFFFFFF  }
0x98: {  	s18 =	sld [smem:$0x3FDB];
	_ =	sdelay $0x1  }
0x99: {  	s19 =	simm.s32 $_scs_section_size  }
0x9a: {  	s4 =	simm.s32 $_size__tile_overlayer_lowered;
	s5 =	simm.s32 $_tile_overlayer_lowered  }
0x9b: {  	s22 =	simm.s32 $0x1BFF;
	s21 =	sshll.u32 s5, $0x1;
	s2 =	sadd.s32 s19, s18  }
0x9c: {  	s6 =	simm.s32 $0x0;
	s20 =	sshll.u32 s4, $0x1;
	s4 =	sadd.s32 s21, s2  }
0x9d: {  	[timem:s6], [sflag:s22] =	dma.local [hbm:s4], s20  }
0x9e: {  	_ =	swait.ge [sflag:s22], s20  }
0x9f: {  	s3 =	ssub.s32 $0x0, s20;
	[sflag:s22] =	ssyncset.done $0x0  }
0xa0: {  	[sflag:s22] =	ssyncadd.s32 s3;
	_ =	sdelay $0x1  }
0xa1: {  	s23 =	simm.s32 $0x1B8B  }
0xa2: {  	_ =	swait.ge [sflag:s23], $0x1  }
0xa3: {  	[sflag:s23] =	ssyncset.done $0x0  }
0xa4: {  	s25 =	simm.s32 $0x1B8E;
	s24 =	sld [smem:$0x3FFE];
	[sflag:s23] =	ssyncadd.s32 $0xFFFFFFFF  }
0xa5: {  	s26 =	simm.s32 $execute0_lowered;
	[smem:$0x3FD2] =	sst s25  }
0xa6: {  	s4 =	sshll.u32 s26, $0x1;
	_ =	strace $0x80000058;
	[dreg:$0x1] =	wrdreg $0xFFFFFFFF  }
0xa7: {  	s28 =	simm.s32 $_size_execute0_lowered;
	s2 =	sadd.s32 s2, s4;
	[dreg:$0x0] =	wrdreg $0x0  }
0xa8: {  	s4 =	sshll.u32 s28, $0x1;
	[dreg:$0x2] =	wrdreg s2  }
0xa9: {  	[dreg:$0x3] =	wrdreg s4  }
0xaa: {  	[dreg:$0x4] =	wrdreg $0xC0  }
0xab: {  	_ =	task [dreg:s6], $0x5FFFF  }
0xac: {  	[dreg:$0x1] =	wrdreg $0xFFFFFFFF  }
0xad: {  	[dreg:$0x0] =	wrdreg $0x60  }
0xae: {  	[dreg:$0x2] =	wrdreg s24  }
0xaf: {  	[dreg:$0x3] =	wrdreg $0xB7800  }
0xb0: {  	[dreg:$0x4] =	wrdreg $0x9  }
0xb1: {  	_ =	task.clear_ibuf [dreg:s6], $0x5FFFF;
	_ =	strace $0x90000058  }
0xb2: {  	s29 =	simm.s32 $0x9;
	_ =	strace $0x8000005A  }
0xb3: {  	_ =	swait.ge [sflag:s29], $0x1  }
0xb4: {  	[sflag:s29] =	ssyncadd.s32 $0xFFFFFFFF  }
0xb5: {  	_ =	strace $0x9000005A  }
0xb6: {  	_ =	sfence  }
0xb7: {  	s30 =	sld [smem:$0x0];
	_ =	sdelay $0x2  }
0xb8: {  	s31 =	sshll.u32 s1, $0xD;
	s1 =	sshrl.u32 s1, $0x2  }
0xb9: {  	s3 =	sand.u32 $0x4000, s31;
	s1 =	sadd.s32 s1, s30  }
0xba: {  	s0 =	sor.u32 s3, s0;
	s1 =	sshll.u32 s1, $0x11  }
0xbb: {  	s0 =	sor.u32 s1, s0  }
0xbc: {  	s0 =	sadd.s32 $0x8F2B, s0  }
0xbd: {  	[sflag:s0] =	ssyncadd.remote.s32 $0x1  }
0xbe: {  	_ =	sfence.sel $0xFFFF  }
0xbf: {  	[dreg:$0x0] =	wrdreg $0xFFFFFFFF;
	(pc) =	sbr.abs _section_cstart, $3  }
0xc0: {  	[dreg:$0x1] =	wrdreg $0xFFFFFFFF  }
0xc1: {  	_ =	task.clear_ibuf [dreg:s6], $0x2FFFF;
	_ =	strace $0x9FFFFFFF  }
0xc2: {  	(tm) =	ssettm $0x7FFFFFFF  }
0xc3: {  	_ =	shalt  }
tec
execute0_lowered:
.L_overlay_start_1:
0x0: {  	(tag) =	ssettag $0x1  }
0x1: {  	s7 =	rddreg [dreg:$0x0];
	s1 =	srdreg.scid  }
0x2: {  	s0 =	stileid.u32;
	s2 =	rddreg [dreg:$0x1]  }
0x3: {  	s16 =	simm.s32 $0x400;
	s17 =	simm.s32 $0x5;
	s18 =	simm.s32 $0x2780  }
0x4: {  	s19 =	simm.s32 $0x50;
	s20 =	simm.s32 $0x6780;
	s21 =	simm.s32 $0x1  }
0x5: {  	s22 =	simm.s32 $0x8F80;
	s23 =	simm.s32 $0x3;
	s24 =	simm.s32 $0x2  }
0x6: {  	s25 =	simm.s32 $0x4;
	s26 =	simm.s32 $0x6580;
	s28 =	simm.s32 $0x0  }
0x7: {  	s6 =	sand.u32 $0x1, s1;
	s3 =	sshll.u32 s0, $0x1;
	s4 =	sshrl.u32 s0, $0x2  }
0x8: {  	s11 =	smul.u32 $0x4F000, s0;
	s15 =	sadd.s32 $0x128400, s2;
	p0 =	seq.s32 s0, $0xF  }
0x9: {  	s8 =	sor.u32 s6, s3;
	s3 =	simm.s32 $0x0;
	s4 =	smul.u32 $0x13C00, s4  }
0xa: {  	s10 =	smul.u32 $0x27100, s6;
	s6 =	ssub.s32 $0x2, s6;
	s5 =	sshll.u32 s8, $0x7  }
0xb: {  	[smem:$0x7FF] =	sst s3;
	s8 =	sshll.u32 s8, $0xB;
	s13 =	sshrl.u32 s6, $0x1  }
0xc: {  	s11 =	sshrl.u32 s11, $0x2;
	s5 =	sand.u32 $0x380, s5;
	_ =	strace $0x80000059  }
0xd: {  	s12 =	sadd.s32 s8, s7;
	s10 =	sadd.s32 s10, s7;
	s13 =	ssub.s32 s6, s13  }
0xe: {  	s14 =	sadd.s32 s11, s2;
	s9 =	sor.u32 s4, s5;
	s4 =	smul.u32 $0x2780, s0  }
0xf: {  	s5 =	sadd.s32 $0x20600, s7;
	s10 =	sadd.s32 $0x6EA00, s10;
	s11 =	smax.u32 s13, $0x1  }
0x10: {  	s13 =	sshll.u32 @!p0 s0, $0x6;
	s14 =	sshrl.u32 @!p0 s14, $0x3;
	s9 =	sshrl.u32 s9, $0x3  }
0x11: {  	s13 =	sor.u32 @!p0 $0x1C05, s13;
	s9 =	sadd.s32 s9, s7;
	s31 =	sadd.s32 s4, s7  }
0x12: {  	s7 =	sadd.s32 $0x6C880, s7;
	s6 =	sadd.s32 $0x47800, s31;
	s8 =	sadd.s32 $0x16800, s9  }
0x13: {  	s9 =	sadd.s32 $0x6800, s12;
	s12 =	sshrl.u32 @p0 s15, $0x3;
	s15 =	simm.s32 $0x80  }
.LBB2_1:
0x14: {  	s29 =	simm.s32 @p0 $0x1FC5  }
0x15: {  	[spmem:s12], [sflag:s29] =	dma.local @p0 [hbm:s7], $0x2080  }
0x16: {  	s29 =	simm.s32 @p0 $0x5  }
0x17: {  	_ =	swait.ge @p0 [sflag:s29], $0x2080  }
0x18: {  	[sflag:s29] =	ssyncset.done @p0 $0x0  }
0x19: {  	[sflag:s29] =	ssyncadd.s32 @p0 $0xFFFFDF80;
	s29 =	simm.s32 @!p0 $0x5  }
0x1a: {  	[spmem:s14], [sflag:s13] =	dma.local @!p0 [hbm:s6], $0x2780  }
0x1b: {  	_ =	swait.ge @!p0 [sflag:s29], $0x2780  }
0x1c: {  	[sflag:s29] =	ssyncset.done @!p0 $0x0  }
0x1d: {  	[sflag:s29] =	ssyncadd.s32 @!p0 $0xFFFFD880  }
0x1e: {  	[tilespmem:s3], [sflag:$0x5] =	stream.strided.gather [hbm4b:s8+s15], $0x2780, s16, s15, $0x38;
	[tilespmem:$0x1F400] =	vst v63  }
0x1f: {  	_ =	swait.ge [sflag:s17], $0x2780  }
0x20: {  	[sflag:s17] =	ssyncset.done $0x0  }
0x21: {  	[sflag:s17] =	ssyncadd.s32 $0xFFFFD880  }
0x22: {  	[tilespmem:s18], [sflag:$0x5] =	stream.linear.gather [hbm4b:s9+s3], $0x3E80, $0x38;
	[tilespmem:$0x1F400] =	vst v63  }
0x23: {  	_ =	swait.ge [sflag:s17], $0x3E80  }
0x24: {  	[sflag:s17] =	ssyncset.done $0x0  }
0x25: {  	[sflag:s17] =	ssyncadd.s32 $0xFFFFC180  }
0x26: {  	[bflag:$0x0] =	sbarrier.arrive $0xFFFF  }
0x27: {  	[tilespmem:s20], [sflag:$0x1] =	stream.indirect.gather [hbm4b:s5+s19], $0x80, s3, s19, $0xb8;
	[tilespmem:$0x1F400] =	vst v63  }
0x28: {  	_ =	swait.ge [sflag:s21], $0x2800  }
0x29: {  	[sflag:s21] =	ssyncset.done $0x0  }
0x2a: {  	s29 =	simm.s32 $0x2780;
	[sflag:s21] =	ssyncadd.s32 $0xFFFFD800  }
0x2b: {  	[spmem:s2] =	stream.indirect.scatter.add.f32 [tilespmem:s20], [sflag:$0x3], $0x80, s29, s19, $0xb8;
	[tilespmem:$0x1F400] =	vst v63  }
0x2c: {  	s29 =	simm.s32 $0x50  }
0x2d: {  	[tilespmem:s22], [sflag:$0x2] =	stream.indirect.gather [hbm4b:s5+s19], $0x80, s29, s19, $0xb8;
	[tilespmem:$0x1F400] =	vst v63  }
0x2e: {  	_ =	swait.ge [sflag:s23], $0x2800  }
0x2f: {  	[sflag:s23] =	ssyncset.done $0x0  }
0x30: {  	[sflag:s23] =	ssyncadd.s32 $0xFFFFD800  }
0x31: {  	_ =	swait.ge [sflag:s24], $0x2800  }
0x32: {  	[sflag:s24] =	ssyncset.done $0x0  }
0x33: {  	s29 =	simm.s32 $0x2800;
	[sflag:s24] =	ssyncadd.s32 $0xFFFFD800  }
0x34: {  	[spmem:s2] =	stream.indirect.scatter.add.f32 [tilespmem:s22], [sflag:$0x4], $0x80, s29, s19, $0xb8;
	[tilespmem:$0x1F400] =	vst v63  }
0x35: {  	s29 =	simm.s32 $0xA0  }
0x36: {  	[tilespmem:s20], [sflag:$0x1] =	stream.indirect.gather [hbm4b:s5+s19], $0x80, s29, s19, $0xb8;
	[tilespmem:$0x1F400] =	vst v63  }
0x37: {  	_ =	swait.ge [sflag:s25], $0x2800  }
0x38: {  	s30 =	simm.s32 $0x400;
	[sflag:s25] =	ssyncset.done $0x0  }
.LBB2_2:
0x39: {  	p1 =	sne.s32 s30, $0xF400;
	[sflag:s25] =	ssyncadd.s32 $0xFFFFD800;
	s29 =	sadd.s32 $0xA0, s29  }
0x3a: {  	s31 =	smov.u32 s30;
	s30 =	sadd.s32 $0x400, s30  }
0x3b: {  	_ =	swait.ge [sflag:s21], $0x2800  }
0x3c: {  	s31 =	sshra.s32 s31, $0x2;
	[sflag:s21] =	ssyncset.done $0x0  }
0x3d: {  	s1 =	sadd.s32 $0x2780, s31;
	[sflag:s21] =	ssyncadd.s32 $0xFFFFD800  }
0x3e: {  	[spmem:s2] =	stream.indirect.scatter.add.f32 [tilespmem:s20], [sflag:$0x3], $0x80, s1, s19, $0xb8;
	[tilespmem:$0x1F400] =	vst v63  }
0x3f: {  	s1 =	sadd.s32 $0xFFFFFFB0, s29  }
0x40: {  	[tilespmem:s22], [sflag:$0x2] =	stream.indirect.gather [hbm4b:s5+s19], $0x80, s1, s19, $0xb8;
	[tilespmem:$0x1F400] =	vst v63  }
0x41: {  	_ =	swait.ge [sflag:s23], $0x2800  }
0x42: {  	[sflag:s23] =	ssyncset.done $0x0  }
0x43: {  	[sflag:s23] =	ssyncadd.s32 $0xFFFFD800  }
0x44: {  	_ =	swait.ge [sflag:s24], $0x2800  }
0x45: {  	[sflag:s24] =	ssyncset.done $0x0  }
0x46: {  	s1 =	sadd.s32 $0x2800, s31;
	[sflag:s24] =	ssyncadd.s32 $0xFFFFD800  }
0x47: {  	[spmem:s2] =	stream.indirect.scatter.add.f32 [tilespmem:s22], [sflag:$0x4], $0x80, s1, s19, $0xb8;
	[tilespmem:$0x1F400] =	vst v63  }
.Ltmp0:
0x48: {  	_ = 	snop;
	(pc) =	sbr.rel @p1 .LBB2_2-.Ltmp0, $4  }
0x49: {  	_ = 	snop  }
0x4a: {  	[tilespmem:s20], [sflag:$0x1] =	stream.indirect.gather [hbm4b:s5+s19], $0x80, s29, s19, $0xb8;
	[tilespmem:$0x1F400] =	vst v63  }
0x4b: {  	_ =	swait.ge [sflag:s25], $0x2800  }
0x4c: {  	[sflag:s25] =	ssyncset.done $0x0  }
0x4d: {  	[sflag:s25] =	ssyncadd.s32 $0xFFFFD800  }
0x4e: {  	_ =	swait.ge [sflag:s21], $0x2800  }
0x4f: {  	[sflag:s21] =	ssyncset.done $0x0  }
0x50: {  	[sflag:s21] =	ssyncadd.s32 $0xFFFFD800  }
0x51: {  	[spmem:s2] =	stream.indirect.scatter.add.f32 [tilespmem:s20], [sflag:$0x3], $0x80, s26, s19, $0xb8;
	[tilespmem:$0x1F400] =	vst v63  }
0x52: {  	_ =	swait.ge [sflag:s23], $0x2800  }
0x53: {  	[sflag:s23] =	ssyncset.done $0x0  }
0x54: {  	[sflag:s23] =	ssyncadd.s32 $0xFFFFD800  }
0x55: {  	s1 =	sadd.s32 @p0 $0x25080, s10;
	s29 =	simm.s32 @p0 $0x1FC5;
	[bflag:$0x0] =	sbarrier.arrive $0xFFFF  }
0x56: {  	[hbm:s1], [sflag:s29] =	dma.local @p0 [spmem:s12], $0x2080  }
0x57: {  	s1 =	simm.s32 @p0 $0x5  }
0x58: {  	_ =	swait.ge @p0 [sflag:s1], $0x2080  }
0x59: {  	s28 =	sadd.s32 $0x1, s28;
	[sflag:s1] =	ssyncset.done @p0 $0x0  }
0x5a: {  	p1 =	sne.s32 s28, s11;
	[sflag:s1] =	ssyncadd.s32 @p0 $0xFFFFDF80;
	s1 =	sadd.s32 @!p0 s4, s10  }
0x5b: {  	[hbm:s1], [sflag:s13] =	dma.local @!p0 [spmem:s14], $0x2780  }
.Ltmp1:
0x5c: {  	_ = 	snop;
	(pc) =	sbr.rel @p1 .LBB2_1-.Ltmp1, $4  }
0x5d: {  	s1 =	simm.s32 @!p0 $0x5  }
0x5e: {  	_ =	swait.ge @!p0 [sflag:s1], $0x2780  }
0x5f: {  	[sflag:s1] =	ssyncset.done @!p0 $0x0  }
0x60: {  	[sflag:s1] =	ssyncadd.s32 @!p0 $0xFFFFD880  }
0x61: {  	_ =	sfence.sel $0x180000  }
0x62: {  	[bflag:$0x0] =	sbarrier.arrive $0xFFFF  }
0x63: {  	_ =	strace $0x90000059  }
0x64: {  	[bflag:$0x2] =	sbarrier.arrive $0xFFFF  }
0x65: {  	p0 =	sne.s32 s0, $0x0;
	s0 =	rddreg [dreg:$0x2]  }
0x66: {  	s0 =	sadd.s32 @!p0 $0x100000, s0  }
0x67: {  	[sflag:s0] =	ssyncadd.tile.s32 @!p0 $0x1;
	_ =	shalt  }
.Lfunc_end2:
_tile_overlayer_lowered:
.L_overlay_start_2:
0x68: {  	(tag) =	ssettag $0x2  }
0x69: {  	s0 =	rddreg [dreg:$0x0];
	s2 =	stileid.u32  }
0x6a: {  	s1 =	rddreg [dreg:$0x1];
	p0 =	sne.s32 s2, $0x0  }
0x6b: {  	s3 =	rddreg [dreg:$0x2];
	[bflag:$0x3] =	sbarrier.arrive $0xFFFF;
	s2 =	simm.s32 @!p0 $0x1C05  }
0x6c: {  	[timem:s3], [sflag:s2] =	dma.local @!p0 [hbm:s0], s1  }
0x6d: {  	s0 =	simm.s32 @!p0 $0x5  }
0x6e: {  	_ =	swait.ge @!p0 [sflag:s0], s1  }
0x6f: {  	s1 =	ssub.s32 @!p0 $0x0, s1;
	[sflag:s0] =	ssyncset.done @!p0 $0x0  }
0x70: {  	[sflag:s0] =	ssyncadd.s32 @!p0 s1  }
0x71: {  	[bflag:$0x3] =	sbarrier.arrive $0xFFFF  }
0x72: {  	_ =	shalt  }

// kernel: kernel.42.cloned.1.call-start
scs
__scs_entry_jumppad:
0x0: {  	(pc) =	sbr.rel $0x88, $3  }
0x1: {  	(tag) =	ssettag $0x0;
	lr =	simm.s32 $0x1  }
0x2: {  	[smem:$0x3F92] =	sst lr;
	_ =	strace $0xD0000000  }
0x3: {  	_ = 	snop  }
0x4: {  	_ = 	snop  }
0x5: {  	_ = 	snop  }
0x6: {  	_ = 	snop  }
0x7: {  	_ = 	snop  }
__scs_overlays_trampoline_lowered:
0x8: {  	[smem:$0x3FA1] =	sst s0  }
0x9: {  	[smem:$0x3FA2] =	sst s1  }
0xa: {  	[smem:$0x3FA3] =	sst s2  }
0xb: {  	[smem:$0x3FA4] =	sst s3  }
0xc: {  	[smem:$0x3FA5] =	sst s4  }
0xd: {  	[smem:$0x3FA6] =	sst s5  }
0xe: {  	[smem:$0x3FA7] =	sst s6  }
0xf: {  	[smem:$0x3FA8] =	sst s7  }
0x10: {  	[smem:$0x3FA9] =	sst s8  }
0x11: {  	[smem:$0x3FAA] =	sst s9;
	s0 =	simm.s32 @!p0 $0x0  }
0x12: {  	s1 =	sld [smem:$0x3F90];
	s0 =	simm.s32 @p0 $0x1  }
0x13: {  	[smem:$0x3FAB] =	sst s0;
	s0 =	simm.s32 @!p1 $0x0  }
0x14: {  	s2 =	sld [smem:$0x3F8F];
	s0 =	simm.s32 @p1 $0x1  }
0x15: {  	[smem:$0x3FAC] =	sst s0;
	s0 =	simm.s32 @!p2 $0x0  }
0x16: {  	s3 =	sld [smem:$0x3FDB];
	s0 =	simm.s32 @p2 $0x1  }
0x17: {  	s4 =	simm.s32 $0x1BF5;
	[smem:$0x3FAE] =	sst s0  }
0x18: {  	s0 =	sld [smem:$0x3F91];
	_ =	swait.ge [sflag:s4], $0x0  }
0x19: {  	s7 =	sld [smem:$0x3F92]  }
0x1a: {  	s8 =	sadd.s32 $0xFFFFE003, lr  }
0x1b: {  	s9 =	sadd.s32 $0xFFFFFEF7, lr;
	s5 =	simm.s32 $0xFFFFFFFF;
	p2 =	slt.u32 s8, $0xFFFFF086  }
0x1c: {  	p1 =	slt.u32 s9, $0xF7A;
	s5 =	simm.s32 @!p2 $0x0  }
0x1d: {  	s5 =	simm.s32 @p1 $0x1;
	p0 =	seq.s32 s7, s2  }
0x1e: {  	s7 =	smul.u32 @!p0 $0xF7A, s2;
	p2 =	seq.s32 @!p0 s5, $0x0  }
0x1f: {  	s9 =	smul.u32 $0xF7A, s1;
	s8 =	simm.s32 @!p0 $0x1BF5;
	p2 =	por !p2, p0  }
0x20: {  	[sflag:s8] =	ssyncset.s32 @!p0 $0xFFFFF086;
	s6 =	sadd.s32 @!p0 s3, s7;
	s7 =	simm.s32 @!p0 $0x108  }
0x21: {  	s3 =	sadd.s32 s3, s9;
	s6 =	sadd.s32 @!p0 $0x88, s6;
	s7 =	simm.s32 @p2 $0x1082  }
0x22: {  	[simem:s7], [sflag:s8] =	dma.local @!p0 [hbm:s6], $0xF7A  }
0x23: {  	s9 =	sor.u32 $0xD0000000, s2;
	s6 =	simm.s32 $0x108;
	_ =	swait.ge @!p0 [sflag:s8], $0x0  }
0x24: {  	s3 =	sadd.s32 $0x88, s3;
	s6 =	simm.s32 @!p1 $0x1082;
	[sflag:s4] =	ssyncset.s32 $0xFFFFF086  }
0x25: {  	[simem:s6], [sflag:s4] =	dma.local [hbm:s3], $0xF7A  }
0x26: {  	[smem:$0x3F92] =	sst s1;
	(tag) =	ssettag s2;
	_ =	strace s9  }
0x27: {  	s1 =	sld [smem:$0x3FA2]  }
0x28: {  	s2 =	sld [smem:$0x3FA3]  }
0x29: {  	s4 =	sld [smem:$0x3FA5]  }
0x2a: {  	p0 =	seq.s32 s5, $0x0;
	s5 =	sld [smem:$0x3FA6]  }
0x2b: {  	s6 =	sld [smem:$0x3FA7]  }
0x2c: {  	s7 =	sld [smem:$0x3FA8]  }
0x2d: {  	s3 =	simm.s32 $0x108;
	s8 =	sld [smem:$0x3FA9]  }
0x2e: {  	s3 =	simm.s32 @!p0 $0x1082;
	s9 =	sld [smem:$0x3FAA]  }
0x2f: {  	lr =	sadd.s32 s0, s3;
	s0 =	sld [smem:$0x3FA1]  }
0x30: {  	s3 =	sld [smem:$0x3FA4]  }
0x31: {  	[smem:$0x3FAD] =	sst s10  }
0x32: {  	s10 =	sld [smem:$0x3FAB];
	_ =	sdelay $0x3  }
0x33: {  	p0 =	seq.s32 s10, $0x1;
	s10 =	sld [smem:$0x3FAD];
	_ =	sdelay $0x3  }
0x34: {  	[smem:$0x3FAD] =	sst s10  }
0x35: {  	s10 =	sld [smem:$0x3FAC];
	_ =	sdelay $0x3  }
0x36: {  	p1 =	seq.s32 s10, $0x1;
	s10 =	sld [smem:$0x3FAD];
	_ =	sdelay $0x3  }
0x37: {  	[smem:$0x3FAD] =	sst s10  }
0x38: {  	s10 =	sld [smem:$0x3FAE]  }
0x39: {  	_ = 	snop;
	(pc) =	sbr.ind lr, $3  }
0x3a: {  	_ = 	snop  }
0x3b: {  	_ = 	snop  }
0x3c: {  	p2 =	seq.s32 s10, $0x1;
	s10 =	sld [smem:$0x3FAD]  }
0x3d: {  	_ =	shalt  }
0x3e: {  	_ =	shalt  }
0x3f: {  	_ =	shalt  }
0x40: {  	_ =	shalt  }
0x41: {  	_ =	shalt  }
0x42: {  	_ =	shalt  }
0x43: {  	_ =	shalt  }
0x44: {  	_ =	shalt  }
0x45: {  	_ =	shalt  }
0x46: {  	_ =	shalt  }
0x47: {  	_ =	shalt  }
0x48: {  	_ =	shalt  }
0x49: {  	_ =	shalt  }
0x4a: {  	_ =	shalt  }
0x4b: {  	_ =	shalt  }
0x4c: {  	_ =	shalt  }
0x4d: {  	_ =	shalt  }
0x4e: {  	_ =	shalt  }
0x4f: {  	_ =	shalt  }
0x50: {  	_ =	shalt  }
0x51: {  	_ =	shalt  }
0x52: {  	_ =	shalt  }
0x53: {  	_ =	shalt  }
0x54: {  	_ =	shalt  }
0x55: {  	_ =	shalt  }
0x56: {  	_ =	shalt  }
0x57: {  	_ =	shalt  }
0x58: {  	_ =	shalt  }
0x59: {  	_ =	shalt  }
0x5a: {  	_ =	shalt  }
0x5b: {  	_ =	shalt  }
0x5c: {  	_ =	shalt  }
0x5d: {  	_ =	shalt  }
0x5e: {  	_ =	shalt  }
0x5f: {  	_ =	shalt  }
0x60: {  	_ =	shalt  }
0x61: {  	_ =	shalt  }
0x62: {  	_ =	shalt  }
0x63: {  	_ =	shalt  }
0x64: {  	_ =	shalt  }
0x65: {  	_ =	shalt  }
0x66: {  	_ =	shalt  }
0x67: {  	_ =	shalt  }
0x68: {  	_ =	shalt  }
0x69: {  	_ =	shalt  }
0x6a: {  	_ =	shalt  }
0x6b: {  	_ =	shalt  }
0x6c: {  	_ =	shalt  }
0x6d: {  	_ =	shalt  }
0x6e: {  	_ =	shalt  }
0x6f: {  	_ =	shalt  }
0x70: {  	_ =	shalt  }
0x71: {  	_ =	shalt  }
0x72: {  	_ =	shalt  }
0x73: {  	_ =	shalt  }
0x74: {  	_ =	shalt  }
0x75: {  	_ =	shalt  }
0x76: {  	_ =	shalt  }
0x77: {  	_ =	shalt  }
0x78: {  	_ =	shalt  }
0x79: {  	_ =	shalt  }
0x7a: {  	_ =	shalt  }
0x7b: {  	_ =	shalt  }
0x7c: {  	_ =	shalt  }
0x7d: {  	_ =	shalt  }
0x7e: {  	_ =	shalt  }
0x7f: {  	_ =	shalt  }
0x80: {  	_ =	shalt  }
0x81: {  	_ =	shalt  }
0x82: {  	_ =	shalt  }
0x83: {  	_ =	shalt  }
0x84: {  	_ =	shalt  }
0x85: {  	_ =	shalt  }
0x86: {  	_ =	shalt  }
0x87: {  	_ =	shalt  }
.Lfunc_end0:
.L_simem_size_0:
called_computation.7_lowered:
.L_overlay_start_0:
0x88: {  	s2 =	sld [smem:$0x3FD9]  }
0x89: {  	s3 =	sld [smem:$0x3FFE];
	_ =	sdelay $0x1  }
0x8a: {  	s1 =	srdreg.scid  }
0x8b: {  	s0 =	sand.u32 $0x1, s1  }
0x8c: {  	s16 =	sshll.u32 s0, $0xA;
	s2 =	sadd.s32 s3, s2  }
0x8d: {  	s2 =	sadd.s32 s2, s16  }
0x8e: {  	[smem:$0x3FB9] =	sst s2  }
0x8f: {  	_ = 	snop  }
0x90: {  	(tm) =	ssettm $0x1  }
0x91: {  	s17 =	sld [smem:$0x3FFB];
	_ =	sdelay $0x3  }
0x92: {  	_ =	strace s17  }
0x93: {  	s2 =	sld [smem:$0x3FFC];
	_ =	sdelay $0x3  }
0x94: {  	_ =	strace s2  }
0x95: {  	s2 =	sld [smem:$0x3FFD];
	_ =	sdelay $0x3  }
0x96: {  	_ =	strace s2  }
0x97: {  	_ =	strace $0x8FFFFFFF  }
0x98: {  	s18 =	sld [smem:$0x3FDB];
	_ =	sdelay $0x1  }
0x99: {  	s19 =	simm.s32 $_scs_section_size  }
0x9a: {  	s4 =	simm.s32 $_size__tile_overlayer_lowered;
	s5 =	simm.s32 $_tile_overlayer_lowered  }
0x9b: {  	s22 =	simm.s32 $0x1BFF;
	s21 =	sshll.u32 s5, $0x1;
	s2 =	sadd.s32 s19, s18  }
0x9c: {  	s6 =	simm.s32 $0x0;
	s20 =	sshll.u32 s4, $0x1;
	s4 =	sadd.s32 s21, s2  }
0x9d: {  	[timem:s6], [sflag:s22] =	dma.local [hbm:s4], s20  }
0x9e: {  	_ =	swait.ge [sflag:s22], s20  }
0x9f: {  	s3 =	ssub.s32 $0x0, s20;
	[sflag:s22] =	ssyncset.done $0x0  }
0xa0: {  	[sflag:s22] =	ssyncadd.s32 s3;
	_ =	sdelay $0x1  }
0xa1: {  	s23 =	simm.s32 $0x1B8B  }
0xa2: {  	_ =	swait.ge [sflag:s23], $0x1  }
0xa3: {  	[sflag:s23] =	ssyncset.done $0x0  }
0xa4: {  	s25 =	simm.s32 $0x1B8E;
	s24 =	sld [smem:$0x3FFE];
	[sflag:s23] =	ssyncadd.s32 $0xFFFFFFFF  }
0xa5: {  	s26 =	simm.s32 $execute0_lowered;
	[smem:$0x3FD2] =	sst s25  }
0xa6: {  	s4 =	sshll.u32 s26, $0x1;
	_ =	strace $0x8000005B;
	[dreg:$0x1] =	wrdreg $0xFFFFFFFF  }
0xa7: {  	s28 =	simm.s32 $_size_execute0_lowered;
	s2 =	sadd.s32 s2, s4;
	[dreg:$0x0] =	wrdreg $0x0  }
0xa8: {  	s4 =	sshll.u32 s28, $0x1;
	[dreg:$0x2] =	wrdreg s2  }
0xa9: {  	[dreg:$0x3] =	wrdreg s4  }
0xaa: {  	[dreg:$0x4] =	wrdreg $0xC0  }
0xab: {  	_ =	task [dreg:s6], $0x5FFFF  }
0xac: {  	[dreg:$0x1] =	wrdreg $0xFFFFFFFF  }
0xad: {  	[dreg:$0x0] =	wrdreg $0x60  }
0xae: {  	[dreg:$0x2] =	wrdreg s24  }
0xaf: {  	[dreg:$0x3] =	wrdreg $0xB7800  }
0xb0: {  	[dreg:$0x4] =	wrdreg $0x9  }
0xb1: {  	_ =	task.clear_ibuf [dreg:s6], $0x5FFFF;
	_ =	strace $0x9000005B  }
0xb2: {  	s29 =	simm.s32 $0x9;
	_ =	strace $0x8000005D  }
0xb3: {  	_ =	swait.ge [sflag:s29], $0x1  }
0xb4: {  	[sflag:s29] =	ssyncadd.s32 $0xFFFFFFFF  }
0xb5: {  	_ =	strace $0x9000005D  }
0xb6: {  	_ =	sfence  }
0xb7: {  	s30 =	sld [smem:$0x0];
	_ =	sdelay $0x2  }
0xb8: {  	s31 =	sshll.u32 s1, $0xD;
	s1 =	sshrl.u32 s1, $0x2  }
0xb9: {  	s3 =	sand.u32 $0x4000, s31;
	s1 =	sadd.s32 s1, s30  }
0xba: {  	s0 =	sor.u32 s3, s0;
	s1 =	sshll.u32 s1, $0x11  }
0xbb: {  	s0 =	sor.u32 s1, s0  }
0xbc: {  	s0 =	sadd.s32 $0x8F2B, s0  }
0xbd: {  	[sflag:s0] =	ssyncadd.remote.s32 $0x1  }
0xbe: {  	_ =	sfence.sel $0xFFFF  }
0xbf: {  	[dreg:$0x0] =	wrdreg $0xFFFFFFFF;
	(pc) =	sbr.abs _section_cstart, $3  }
0xc0: {  	[dreg:$0x1] =	wrdreg $0xFFFFFFFF  }
0xc1: {  	_ =	task.clear_ibuf [dreg:s6], $0x2FFFF;
	_ =	strace $0x9FFFFFFF  }
0xc2: {  	(tm) =	ssettm $0x7FFFFFFF  }
0xc3: {  	_ =	shalt  }
tec
execute0_lowered:
.L_overlay_start_1:
0x0: {  	(tag) =	ssettag $0x1  }
0x1: {  	s7 =	rddreg [dreg:$0x0];
	s1 =	srdreg.scid  }
0x2: {  	s0 =	stileid.u32;
	s2 =	rddreg [dreg:$0x1]  }
0x3: {  	s16 =	simm.s32 $0x400;
	s17 =	simm.s32 $0x5;
	s18 =	simm.s32 $0x2780  }
0x4: {  	s19 =	simm.s32 $0x50;
	s20 =	simm.s32 $0x6780;
	s21 =	simm.s32 $0x1  }
0x5: {  	s22 =	simm.s32 $0x8F80;
	s23 =	simm.s32 $0x3;
	s24 =	simm.s32 $0x2  }
0x6: {  	s25 =	simm.s32 $0x4;
	s26 =	simm.s32 $0x6580;
	s28 =	simm.s32 $0x0  }
0x7: {  	s6 =	sand.u32 $0x1, s1;
	s3 =	sshll.u32 s0, $0x1;
	s4 =	sshrl.u32 s0, $0x2  }
0x8: {  	s11 =	smul.u32 $0x4F000, s0;
	s15 =	sadd.s32 $0x128400, s2;
	p0 =	seq.s32 s0, $0xF  }
0x9: {  	s8 =	sor.u32 s6, s3;
	s3 =	simm.s32 $0x0;
	s4 =	smul.u32 $0x13C00, s4  }
0xa: {  	s10 =	smul.u32 $0x27100, s6;
	s6 =	ssub.s32 $0x2, s6;
	s5 =	sshll.u32 s8, $0x7  }
0xb: {  	[smem:$0x7FF] =	sst s3;
	s8 =	sshll.u32 s8, $0xB;
	s13 =	sshrl.u32 s6, $0x1  }
0xc: {  	s11 =	sshrl.u32 s11, $0x2;
	s5 =	sand.u32 $0x380, s5;
	_ =	strace $0x8000005C  }
0xd: {  	s12 =	sadd.s32 s8, s7;
	s10 =	sadd.s32 s10, s7;
	s13 =	ssub.s32 s6, s13  }
0xe: {  	s14 =	sadd.s32 s11, s2;
	s9 =	sor.u32 s4, s5;
	s4 =	smul.u32 $0x2780, s0  }
0xf: {  	s5 =	sadd.s32 $0x20600, s7;
	s10 =	sadd.s32 $0x6EA00, s10;
	s11 =	smax.u32 s13, $0x1  }
0x10: {  	s13 =	sshll.u32 @!p0 s0, $0x6;
	s14 =	sshrl.u32 @!p0 s14, $0x3;
	s9 =	sshrl.u32 s9, $0x3  }
0x11: {  	s13 =	sor.u32 @!p0 $0x1C05, s13;
	s9 =	sadd.s32 s9, s7;
	s31 =	sadd.s32 s4, s7  }
0x12: {  	s7 =	sadd.s32 $0x6C880, s7;
	s6 =	sadd.s32 $0x47800, s31;
	s8 =	sadd.s32 $0x16800, s9  }
0x13: {  	s9 =	sadd.s32 $0x6800, s12;
	s12 =	sshrl.u32 @p0 s15, $0x3;
	s15 =	simm.s32 $0x80  }
.LBB2_1:
0x14: {  	s29 =	simm.s32 @p0 $0x1FC5  }
0x15: {  	[spmem:s12], [sflag:s29] =	dma.local @p0 [hbm:s7], $0x2080  }
0x16: {  	s29 =	simm.s32 @p0 $0x5  }
0x17: {  	_ =	swait.ge @p0 [sflag:s29], $0x2080  }
0x18: {  	[sflag:s29] =	ssyncset.done @p0 $0x0  }
0x19: {  	[sflag:s29] =	ssyncadd.s32 @p0 $0xFFFFDF80;
	s29 =	simm.s32 @!p0 $0x5  }
0x1a: {  	[spmem:s14], [sflag:s13] =	dma.local @!p0 [hbm:s6], $0x2780  }
0x1b: {  	_ =	swait.ge @!p0 [sflag:s29], $0x2780  }
0x1c: {  	[sflag:s29] =	ssyncset.done @!p0 $0x0  }
0x1d: {  	[sflag:s29] =	ssyncadd.s32 @!p0 $0xFFFFD880  }
0x1e: {  	[tilespmem:s3], [sflag:$0x5] =	stream.strided.gather [hbm4b:s8+s15], $0x2780, s16, s15, $0x38;
	[tilespmem:$0x1F400] =	vst v63  }
0x1f: {  	_ =	swait.ge [sflag:s17], $0x2780  }
0x20: {  	[sflag:s17] =	ssyncset.done $0x0  }
0x21: {  	[sflag:s17] =	ssyncadd.s32 $0xFFFFD880  }
0x22: {  	[tilespmem:s18], [sflag:$0x5] =	stream.linear.gather [hbm4b:s9+s3], $0x3E80, $0x38;
	[tilespmem:$0x1F400] =	vst v63  }
0x23: {  	_ =	swait.ge [sflag:s17], $0x3E80  }
0x24: {  	[sflag:s17] =	ssyncset.done $0x0  }
0x25: {  	[sflag:s17] =	ssyncadd.s32 $0xFFFFC180  }
0x26: {  	[bflag:$0x0] =	sbarrier.arrive $0xFFFF  }
0x27: {  	[tilespmem:s20], [sflag:$0x1] =	stream.indirect.gather [hbm4b:s5+s19], $0x80, s3, s19, $0xb8;
	[tilespmem:$0x1F400] =	vst v63  }
0x28: {  	_ =	swait.ge [sflag:s21], $0x2800  }
0x29: {  	[sflag:s21] =	ssyncset.done $0x0  }
0x2a: {  	s29 =	simm.s32 $0x2780;
	[sflag:s21] =	ssyncadd.s32 $0xFFFFD800  }
0x2b: {  	[spmem:s2] =	stream.indirect.scatter.add.f32 [tilespmem:s20], [sflag:$0x3], $0x80, s29, s19, $0xb8;
	[tilespmem:$0x1F400] =	vst v63  }
0x2c: {  	s29 =	simm.s32 $0x50  }
0x2d: {  	[tilespmem:s22], [sflag:$0x2] =	stream.indirect.gather [hbm4b:s5+s19], $0x80, s29, s19, $0xb8;
	[tilespmem:$0x1F400] =	vst v63  }
0x2e: {  	_ =	swait.ge [sflag:s23], $0x2800  }
0x2f: {  	[sflag:s23] =	ssyncset.done $0x0  }
0x30: {  	[sflag:s23] =	ssyncadd.s32 $0xFFFFD800  }
0x31: {  	_ =	swait.ge [sflag:s24], $0x2800  }
0x32: {  	[sflag:s24] =	ssyncset.done $0x0  }
0x33: {  	s29 =	simm.s32 $0x2800;
	[sflag:s24] =	ssyncadd.s32 $0xFFFFD800  }
0x34: {  	[spmem:s2] =	stream.indirect.scatter.add.f32 [tilespmem:s22], [sflag:$0x4], $0x80, s29, s19, $0xb8;
	[tilespmem:$0x1F400] =	vst v63  }
0x35: {  	s29 =	simm.s32 $0xA0  }
0x36: {  	[tilespmem:s20], [sflag:$0x1] =	stream.indirect.gather [hbm4b:s5+s19], $0x80, s29, s19, $0xb8;
	[tilespmem:$0x1F400] =	vst v63  }
0x37: {  	_ =	swait.ge [sflag:s25], $0x2800  }
0x38: {  	s30 =	simm.s32 $0x400;
	[sflag:s25] =	ssyncset.done $0x0  }
.LBB2_2:
0x39: {  	p1 =	sne.s32 s30, $0xF400;
	[sflag:s25] =	ssyncadd.s32 $0xFFFFD800;
	s29 =	sadd.s32 $0xA0, s29  }
0x3a: {  	s31 =	smov.u32 s30;
	s30 =	sadd.s32 $0x400, s30  }
0x3b: {  	_ =	swait.ge [sflag:s21], $0x2800  }
0x3c: {  	s31 =	sshra.s32 s31, $0x2;
	[sflag:s21] =	ssyncset.done $0x0  }
0x3d: {  	s1 =	sadd.s32 $0x2780, s31;
	[sflag:s21] =	ssyncadd.s32 $0xFFFFD800  }
0x3e: {  	[spmem:s2] =	stream.indirect.scatter.add.f32 [tilespmem:s20], [sflag:$0x3], $0x80, s1, s19, $0xb8;
	[tilespmem:$0x1F400] =	vst v63  }
0x3f: {  	s1 =	sadd.s32 $0xFFFFFFB0, s29  }
0x40: {  	[tilespmem:s22], [sflag:$0x2] =	stream.indirect.gather [hbm4b:s5+s19], $0x80, s1, s19, $0xb8;
	[tilespmem:$0x1F400] =	vst v63  }
0x41: {  	_ =	swait.ge [sflag:s23], $0x2800  }
0x42: {  	[sflag:s23] =	ssyncset.done $0x0  }
0x43: {  	[sflag:s23] =	ssyncadd.s32 $0xFFFFD800  }
0x44: {  	_ =	swait.ge [sflag:s24], $0x2800  }
0x45: {  	[sflag:s24] =	ssyncset.done $0x0  }
0x46: {  	s1 =	sadd.s32 $0x2800, s31;
	[sflag:s24] =	ssyncadd.s32 $0xFFFFD800  }
0x47: {  	[spmem:s2] =	stream.indirect.scatter.add.f32 [tilespmem:s22], [sflag:$0x4], $0x80, s1, s19, $0xb8;
	[tilespmem:$0x1F400] =	vst v63  }
.Ltmp0:
0x48: {  	_ = 	snop;
	(pc) =	sbr.rel @p1 .LBB2_2-.Ltmp0, $4  }
0x49: {  	_ = 	snop  }
0x4a: {  	[tilespmem:s20], [sflag:$0x1] =	stream.indirect.gather [hbm4b:s5+s19], $0x80, s29, s19, $0xb8;
	[tilespmem:$0x1F400] =	vst v63  }
0x4b: {  	_ =	swait.ge [sflag:s25], $0x2800  }
0x4c: {  	[sflag:s25] =	ssyncset.done $0x0  }
0x4d: {  	[sflag:s25] =	ssyncadd.s32 $0xFFFFD800  }
0x4e: {  	_ =	swait.ge [sflag:s21], $0x2800  }
0x4f: {  	[sflag:s21] =	ssyncset.done $0x0  }
0x50: {  	[sflag:s21] =	ssyncadd.s32 $0xFFFFD800  }
0x51: {  	[spmem:s2] =	stream.indirect.scatter.add.f32 [tilespmem:s20], [sflag:$0x3], $0x80, s26, s19, $0xb8;
	[tilespmem:$0x1F400] =	vst v63  }
0x52: {  	_ =	swait.ge [sflag:s23], $0x2800  }
0x53: {  	[sflag:s23] =	ssyncset.done $0x0  }
0x54: {  	[sflag:s23] =	ssyncadd.s32 $0xFFFFD800  }
0x55: {  	s1 =	sadd.s32 @p0 $0x25080, s10;
	s29 =	simm.s32 @p0 $0x1FC5;
	[bflag:$0x0] =	sbarrier.arrive $0xFFFF  }
0x56: {  	[hbm:s1], [sflag:s29] =	dma.local @p0 [spmem:s12], $0x2080  }
0x57: {  	s1 =	simm.s32 @p0 $0x5  }
0x58: {  	_ =	swait.ge @p0 [sflag:s1], $0x2080  }
0x59: {  	s28 =	sadd.s32 $0x1, s28;
	[sflag:s1] =	ssyncset.done @p0 $0x0  }
0x5a: {  	p1 =	sne.s32 s28, s11;
	[sflag:s1] =	ssyncadd.s32 @p0 $0xFFFFDF80;
	s1 =	sadd.s32 @!p0 s4, s10  }
0x5b: {  	[hbm:s1], [sflag:s13] =	dma.local @!p0 [spmem:s14], $0x2780  }
.Ltmp1:
0x5c: {  	_ = 	snop;
	(pc) =	sbr.rel @p1 .LBB2_1-.Ltmp1, $4  }
0x5d: {  	s1 =	simm.s32 @!p0 $0x5  }
0x5e: {  	_ =	swait.ge @!p0 [sflag:s1], $0x2780  }
0x5f: {  	[sflag:s1] =	ssyncset.done @!p0 $0x0  }
0x60: {  	[sflag:s1] =	ssyncadd.s32 @!p0 $0xFFFFD880  }
0x61: {  	_ =	sfence.sel $0x180000  }
0x62: {  	[bflag:$0x0] =	sbarrier.arrive $0xFFFF  }
0x63: {  	_ =	strace $0x9000005C  }
0x64: {  	[bflag:$0x2] =	sbarrier.arrive $0xFFFF  }
0x65: {  	p0 =	sne.s32 s0, $0x0;
	s0 =	rddreg [dreg:$0x2]  }
0x66: {  	s0 =	sadd.s32 @!p0 $0x100000, s0  }
0x67: {  	[sflag:s0] =	ssyncadd.tile.s32 @!p0 $0x1;
	_ =	shalt  }
.Lfunc_end2:
_tile_overlayer_lowered:
.L_overlay_start_2:
0x68: {  	(tag) =	ssettag $0x2  }
0x69: {  	s0 =	rddreg [dreg:$0x0];
	s2 =	stileid.u32  }
0x6a: {  	s1 =	rddreg [dreg:$0x1];
	p0 =	sne.s32 s2, $0x0  }
0x6b: {  	s3 =	rddreg [dreg:$0x2];
	[bflag:$0x3] =	sbarrier.arrive $0xFFFF;
	s2 =	simm.s32 @!p0 $0x1C05  }
0x6c: {  	[timem:s3], [sflag:s2] =	dma.local @!p0 [hbm:s0], s1  }
0x6d: {  	s0 =	simm.s32 @!p0 $0x5  }
0x6e: {  	_ =	swait.ge @!p0 [sflag:s0], s1  }
0x6f: {  	s1 =	ssub.s32 @!p0 $0x0, s1;
	[sflag:s0] =	ssyncset.done @!p0 $0x0  }
0x70: {  	[sflag:s0] =	ssyncadd.s32 @!p0 s1  }
0x71: {  	[bflag:$0x3] =	sbarrier.arrive $0xFFFF  }
0x72: {  	_ =	shalt  }

</sc_bundles>
